<compile_context>
chip_gen: v7x
topology: tpu7x:2x2x1
jax: 0.10.2.dev20260603
libtpu: 0.0.44.dev20260713+nightly
codegen_flags: <defaults>
</compile_context>

<pallas_src>
import functools

import jax
import jax.numpy as jnp
from jax import lax
from jax.experimental import pallas as pl
from jax.experimental.pallas import tpu as pltpu
from jax.experimental.pallas import tpu_sc as plsc

N = 10000
NP = 10240
E = 320000
D_IN = 128
H = 64
K = 8
T = 4
D_OUT = 4

W2H = 2 * H
KP = K // 2

C = 128
TILES = 16
CORES = 2
WORKERS = CORES * TILES
EP16 = E // TILES
BLK = 16
BLK2 = 32
NBLK = -(-EP16 // (BLK2 * C))
NC16 = NBLK * BLK2
EP32 = E // WORKERS
NBLK32 = -(-EP32 // (BLK * C))
NC32 = NBLK32 * BLK
ZR = NP // TILES

_mesh = plsc.VectorSubcoreMesh(core_axis_name="c", subcore_axis_name="s")



@functools.partial(
    pl.kernel,
    out_type=jax.ShapeDtypeStruct((CORES, NP, 16), jnp.float32),
    mesh=_mesh,
    scratch_types=[
        pltpu.VMEM((NBLK32, BLK, C), jnp.int32),
        pltpu.VMEM((C, 16), jnp.float32),
        pltpu.VMEM_SHARED((NP, 16), jnp.float32),
    ],
)
def _sc_degree(dst32, ones_hbm, z16, deg_out, idx_v, ones_v, acc_sh):
    c = lax.axis_index("c")
    s = lax.axis_index("s")
    wid = c * TILES + s
    pltpu.sync_copy(dst32.at[wid], idx_v)
    pltpu.sync_copy(ones_hbm, ones_v)
    pltpu.sync_copy(z16, acc_sh.at[pl.ds(s * ZR, ZR)])
    plsc.subcore_barrier()

    def blk(b, carry):
        def chunk(g, carry2):
            pltpu.sync_copy(ones_v, acc_sh.at[idx_v.at[b, g]], add=True)
            return carry2

        lax.fori_loop(0, BLK, chunk, 0)
        return carry

    lax.fori_loop(0, NBLK32, blk, 0)
    plsc.subcore_barrier()
    pltpu.sync_copy(acc_sh.at[pl.ds(s * ZR, ZR)], deg_out.at[c, pl.ds(s * ZR, ZR)])


@functools.partial(
    pl.kernel,
    out_type=jax.ShapeDtypeStruct((CORES, NP, W2H), jnp.float32),
    mesh=_mesh,
    scratch_types=[
        pltpu.VMEM((BLK, C), jnp.int32),
        pltpu.VMEM((BLK, C), jnp.int32),
        pltpu.VMEM((C, W2H), jnp.float32),
        pltpu.VMEM((C, W2H), jnp.float32),
        pltpu.VMEM_SHARED((NP, W2H), jnp.float32),
        pltpu.SemaphoreType.DMA,
        pltpu.SemaphoreType.DMA,
    ],
)
def _sc_prop0(cur_hbm, src32, dst32, z128, out,
              idx_s, idx_d, rows_a, rows_b, acc_sh, sem_a, sem_b):
    c = lax.axis_index("c")
    s = lax.axis_index("s")
    wid = c * TILES + s
    pltpu.sync_copy(z128, acc_sh.at[pl.ds(s * ZR, ZR)])
    plsc.subcore_barrier()

    def blk(b, carry):
        pltpu.sync_copy(src32.at[wid, b], idx_s)
        pltpu.sync_copy(dst32.at[wid, b], idx_d)
        pltpu.async_copy(cur_hbm.at[idx_s.at[0]], rows_a, sem_a)
        pltpu.async_copy(cur_hbm.at[idx_s.at[1]], rows_b, sem_b)

        def pair(p, carry2):
            g = 2 * p
            pltpu.make_async_copy(cur_hbm.at[idx_s.at[g - 2]], rows_a,
                                  sem_a).wait()
            pltpu.sync_copy(rows_a, acc_sh.at[idx_d.at[g - 2]], add=True)
            pltpu.async_copy(cur_hbm.at[idx_s.at[g]], rows_a, sem_a)
            pltpu.make_async_copy(cur_hbm.at[idx_s.at[g - 1]], rows_b,
                                  sem_b).wait()
            pltpu.sync_copy(rows_b, acc_sh.at[idx_d.at[g - 1]], add=True)
            pltpu.async_copy(cur_hbm.at[idx_s.at[g + 1]], rows_b, sem_b)
            return carry2

        lax.fori_loop(1, BLK // 2, pair, 0)
        pltpu.make_async_copy(cur_hbm.at[idx_s.at[BLK - 2]], rows_a,
                              sem_a).wait()
        pltpu.sync_copy(rows_a, acc_sh.at[idx_d.at[BLK - 2]], add=True)
        pltpu.make_async_copy(cur_hbm.at[idx_s.at[BLK - 1]], rows_b,
                              sem_b).wait()
        pltpu.sync_copy(rows_b, acc_sh.at[idx_d.at[BLK - 1]], add=True)
        return carry

    lax.fori_loop(0, NBLK32, blk, 0)
    plsc.subcore_barrier()
    pltpu.sync_copy(acc_sh.at[pl.ds(s * ZR, ZR)], out.at[c, pl.ds(s * ZR, ZR)])


@functools.partial(
    pl.kernel,
    out_type=jax.ShapeDtypeStruct((KP, NP, W2H), jnp.float32),
    mesh=_mesh,
    scratch_types=[
        pltpu.VMEM((BLK2, C), jnp.int32),
        pltpu.VMEM((BLK2, C), jnp.int32),
        pltpu.VMEM((C, W2H), jnp.float32),
        pltpu.VMEM((C, W2H), jnp.float32),
        pltpu.VMEM_SHARED((NP, W2H), jnp.float32),
        pltpu.SemaphoreType.DMA,
        pltpu.SemaphoreType.DMA,
    ],
)
def _sc_prop(cur_hbm, src16, dst16, z128, out,
             idx_s, idx_d, rows_a, rows_b, acc_sh, sem_a, sem_b):
    c = lax.axis_index("c")
    s = lax.axis_index("s")
    for jj in range(KP // CORES):
        j = c * (KP // CORES) + jj
        pltpu.sync_copy(z128, acc_sh.at[pl.ds(s * ZR, ZR)])
        plsc.subcore_barrier()

        def blk(b, carry):
            pltpu.sync_copy(src16.at[s, b], idx_s)
            pltpu.sync_copy(dst16.at[s, b], idx_d)
            cur2 = cur_hbm.at[j]
            pltpu.async_copy(cur2.at[idx_s.at[0]], rows_a, sem_a)
            pltpu.async_copy(cur2.at[idx_s.at[1]], rows_b, sem_b)

            def pair(p, carry2):
                g = 2 * p
                pltpu.make_async_copy(cur2.at[idx_s.at[g - 2]], rows_a,
                                      sem_a).wait()
                pltpu.sync_copy(rows_a, acc_sh.at[idx_d.at[g - 2]], add=True)
                pltpu.async_copy(cur2.at[idx_s.at[g]], rows_a, sem_a)
                pltpu.make_async_copy(cur2.at[idx_s.at[g - 1]], rows_b,
                                      sem_b).wait()
                pltpu.sync_copy(rows_b, acc_sh.at[idx_d.at[g - 1]], add=True)
                pltpu.async_copy(cur2.at[idx_s.at[g + 1]], rows_b, sem_b)
                return carry2

            lax.fori_loop(1, BLK2 // 2, pair, 0)
            pltpu.make_async_copy(cur2.at[idx_s.at[BLK2 - 2]], rows_a,
                                  sem_a).wait()
            pltpu.sync_copy(rows_a, acc_sh.at[idx_d.at[BLK2 - 2]], add=True)
            pltpu.make_async_copy(cur2.at[idx_s.at[BLK2 - 1]], rows_b,
                                  sem_b).wait()
            pltpu.sync_copy(rows_b, acc_sh.at[idx_d.at[BLK2 - 1]], add=True)
            return carry

        lax.fori_loop(0, NBLK, blk, 0)
        plsc.subcore_barrier()
        pltpu.sync_copy(acc_sh.at[pl.ds(s * ZR, ZR)], out.at[j, pl.ds(s * ZR, ZR)])



def _leaky(v):
    return jnp.where(v >= 0, v, 0.2 * v)


BN = 2048


def _pre_body(x_ref, w1, b1, w2, b2, deg_ref, x0_out, curs_out, dinv_out):
    xb = x_ref[...]
    xb = jnp.where(jnp.isnan(xb), 0.0, xb)
    h1 = _leaky(jnp.dot(xb, w1[...], preferred_element_type=jnp.float32) + b1[...])
    h2 = _leaky(jnp.dot(h1, w2[...], preferred_element_type=jnp.float32) + b2[...])
    deg = deg_ref[0, :, 0:1] + deg_ref[1, :, 0:1]
    dinv = jnp.where(deg > 0, lax.rsqrt(jnp.where(deg > 0, deg, 1.0)), 0.0)
    x0_out[...] = h2
    dinv_out[...] = jnp.broadcast_to(dinv, (BN, H))
    cs = h2 * dinv
    curs_out[...] = jnp.concatenate([cs, cs], axis=1)


def _tc_pre(xp, W1, b1, W2, b2, deg2):
    nb = NP // BN
    return pl.pallas_call(
        _pre_body,
        grid=(nb,),
        in_specs=[
            pl.BlockSpec((BN, D_IN), lambda i: (i, 0)),
            pl.BlockSpec((D_IN, H), lambda i: (0, 0)),
            pl.BlockSpec((1, H), lambda i: (0, 0)),
            pl.BlockSpec((H, H), lambda i: (0, 0)),
            pl.BlockSpec((1, H), lambda i: (0, 0)),
            pl.BlockSpec((CORES, BN, 16), lambda i: (0, i, 0)),
        ],
        out_specs=[
            pl.BlockSpec((BN, H), lambda i: (i, 0)),
            pl.BlockSpec((BN, W2H), lambda i: (i, 0)),
            pl.BlockSpec((BN, H), lambda i: (i, 0)),
        ],
        out_shape=[
            jax.ShapeDtypeStruct((NP, H), jnp.float32),
            jax.ShapeDtypeStruct((NP, W2H), jnp.float32),
            jax.ShapeDtypeStruct((NP, H), jnp.float32),
        ],
    )(xp, W1, b1, W2, b2, deg2)


def _stage_body(acc_ref, x0_ref, dinv_ref, w_ref, r_ref, b_ref, out_ref, *, first):
    dinv = dinv_ref[...]
    x0 = x0_ref[...]
    if first:
        pin0 = dinv * (acc_ref[0, :, 0:H] + acc_ref[1, :, 0:H])
        pin1 = pin0
    else:
        pin0 = dinv * acc_ref[0, :, 0:H]
        pin1 = dinv * acc_ref[0, :, H:W2H]
    y0 = (jnp.dot(pin0, w_ref[0], preferred_element_type=jnp.float32)
          + jnp.dot(x0, r_ref[0], preferred_element_type=jnp.float32)
          + b_ref[0, 0])
    y1 = (jnp.dot(pin1, w_ref[1], preferred_element_type=jnp.float32)
          + jnp.dot(x0, r_ref[1], preferred_element_type=jnp.float32)
          + b_ref[1, 0])
    out_ref[...] = jnp.concatenate([dinv * _leaky(y0), dinv * _leaky(y1)],
                                   axis=1)[None]


def _tc_stage(acc, x0, dinvb, Wt, Rt, bt, *, first):
    nb = NP // BN
    acc_spec = (pl.BlockSpec((CORES, BN, W2H), lambda j, i: (0, i, 0)) if first
                else pl.BlockSpec((1, BN, W2H), lambda j, i: (j, i, 0)))
    return pl.pallas_call(
        functools.partial(_stage_body, first=first),
        grid=(KP, nb),
        in_specs=[
            acc_spec,
            pl.BlockSpec((BN, H), lambda j, i: (i, 0)),
            pl.BlockSpec((BN, H), lambda j, i: (i, 0)),
            pl.BlockSpec((2, H, H), lambda j, i: (j, 0, 0)),
            pl.BlockSpec((2, H, H), lambda j, i: (j, 0, 0)),
            pl.BlockSpec((2, 1, H), lambda j, i: (j, 0, 0)),
        ],
        out_specs=pl.BlockSpec((1, BN, W2H), lambda j, i: (j, i, 0)),
        out_shape=jax.ShapeDtypeStruct((KP, NP, W2H), jnp.float32),
    )(acc, x0, dinvb, Wt, Rt, bt)


def _final_body(acc_ref, x0_ref, dinv_ref, w_ref, r_ref, b_ref,
                w3, b3, w4, b4, wr, br_ref, y_out):
    dinv = dinv_ref[...]
    x0 = x0_ref[...]
    m = jnp.zeros((BN, H), jnp.float32)
    for k in range(K):
        j, half = divmod(k, 2)
        pin = dinv * acc_ref[j, :, half * H:(half + 1) * H]
        y = (jnp.dot(pin, w_ref[k], preferred_element_type=jnp.float32)
             + jnp.dot(x0, r_ref[k], preferred_element_type=jnp.float32)
             + b_ref[k, 0])
        m = m + _leaky(y)
    m = m * (1.0 / K)
    h = _leaky(jnp.dot(m, w3[...], preferred_element_type=jnp.float32) + b3[...])
    h = _leaky(jnp.dot(h, w4[...], preferred_element_type=jnp.float32) + b4[...])
    y_out[...] = jnp.dot(h, wr[...], preferred_element_type=jnp.float32) + br_ref[...]


def _tc_final(acc, x0, dinvb, Wt, Rt, bt, W3, b3, W4, b4, Wr, br):
    nb = NP // BN
    return pl.pallas_call(
        _final_body,
        grid=(nb,),
        in_specs=[
            pl.BlockSpec((KP, BN, W2H), lambda i: (0, i, 0)),
            pl.BlockSpec((BN, H), lambda i: (i, 0)),
            pl.BlockSpec((BN, H), lambda i: (i, 0)),
            pl.BlockSpec((K, H, H), lambda i: (0, 0, 0)),
            pl.BlockSpec((K, H, H), lambda i: (0, 0, 0)),
            pl.BlockSpec((K, 1, H), lambda i: (0, 0, 0)),
            pl.BlockSpec((H, H), lambda i: (0, 0)),
            pl.BlockSpec((1, H), lambda i: (0, 0)),
            pl.BlockSpec((H, H), lambda i: (0, 0)),
            pl.BlockSpec((1, H), lambda i: (0, 0)),
            pl.BlockSpec((H, D_OUT), lambda i: (0, 0)),
            pl.BlockSpec((1, D_OUT), lambda i: (0, 0)),
        ],
        out_specs=pl.BlockSpec((BN, D_OUT), lambda i: (i, 0)),
        out_shape=jax.ShapeDtypeStruct((NP, D_OUT), jnp.float32),
    )(acc, x0, dinvb, Wt, Rt, bt, W3, b3, W4, b4, Wr, br)



def kernel(x, edge_index, W1, b1, W2, b2, init_w, arma_w, root_w, arma_b,
           W3, b3, W4, b4, Wr, br):
    src = edge_index[0]
    dst = edge_index[1]

    pad16 = NC16 * C - EP16
    src16 = jnp.pad(src.reshape(TILES, EP16), ((0, 0), (0, pad16))
                    ).reshape(TILES, NBLK, BLK2, C)
    dst16 = jnp.pad(dst.reshape(TILES, EP16), ((0, 0), (0, pad16)),
                    constant_values=N).reshape(TILES, NBLK, BLK2, C)
    pad32 = NC32 * C - EP32
    src32 = jnp.pad(src.reshape(WORKERS, EP32), ((0, 0), (0, pad32))
                    ).reshape(WORKERS, NBLK32, BLK, C)
    dst32 = jnp.pad(dst.reshape(WORKERS, EP32), ((0, 0), (0, pad32)),
                    constant_values=N).reshape(WORKERS, NBLK32, BLK, C)

    xp = jnp.pad(x, ((0, NP - N), (0, 0)))
    z128 = jnp.zeros((ZR, W2H), jnp.float32)
    z16 = jnp.zeros((ZR, 16), jnp.float32)
    ones16 = jnp.ones((C, 16), jnp.float32)
    b1r = b1.reshape(1, H)
    b2r = b2.reshape(1, H)
    b3r = b3.reshape(1, H)
    b4r = b4.reshape(1, H)
    brr = br.reshape(1, D_OUT)

    deg2 = _sc_degree(dst32, ones16, z16)
    x0, curs, dinvb = _tc_pre(xp, W1, b1r, W2, b2r, deg2)
    acc0 = _sc_prop0(curs, src32, dst32, z128)
    cur = _tc_stage(acc0, x0, dinvb, init_w, root_w[0], arma_b[0], first=True)
    for t in range(1, T - 1):
        acc = _sc_prop(cur, src16, dst16, z128)
        cur = _tc_stage(acc, x0, dinvb, arma_w[t - 1], root_w[t], arma_b[t],
                        first=False)
    acc = _sc_prop(cur, src16, dst16, z128)
    y = _tc_final(acc, x0, dinvb, arma_w[T - 2], root_w[T - 1], arma_b[T - 1],
                  W3, b3r, W4, b4r, Wr, brr)
    return y[:N]

# --- scband reference (transcript-rebuilt; emitter-appended) ---
"""Pipeline reference for scband-arma-gnn-24627342475670 (READ-ONLY COPY).

The authoritative reference and input builder live on the scoring server;
editing this copy changes nothing except your own understanding.
"""

import jax, jax.numpy as jnp
import numpy as np

N = 10000
E = 320000
D_IN = 128
H = 64
K = 8
T = 4
D_OUT = 4


def leaky(x, slope=0.2):
    return jnp.where(x >= 0, x, slope * x)


def _lin(k, fi, fo):
    kw, kb = jax.random.split(k)
    s = 1.0 / np.sqrt(fi)
    W = jax.random.uniform(kw, (fi, fo), minval=-s, maxval=s, dtype=jnp.float32)
    b = jax.random.uniform(kb, (fo,), minval=-s, maxval=s, dtype=jnp.float32)
    return W, b


def setup_inputs(seed: int = 0):
    key = jax.random.key(seed)
    ks = jax.random.split(key, 12)
    x = jax.random.normal(ks[0], (N, D_IN), dtype=jnp.float32)
    edge_index = jax.random.randint(ks[1], (2, E), 0, N, dtype=jnp.int32)
    W1, b1 = _lin(ks[2], D_IN, H)
    W2, b2 = _lin(ks[3], H, H)
    init_w = jax.random.normal(ks[4], (K, H, H), dtype=jnp.float32) * 0.05
    arma_w = jax.random.normal(ks[5], (T - 1, K, H, H), dtype=jnp.float32) * 0.05
    root_w = jax.random.normal(ks[6], (T, K, H, H), dtype=jnp.float32) * 0.05
    arma_b = jnp.zeros((T, K, 1, H), dtype=jnp.float32)
    W3, b3 = _lin(ks[7], H, H)
    W4, b4 = _lin(ks[8], H, H)
    Wr, br = _lin(ks[9], H, D_OUT)
    return {"x": x, "edge_index": edge_index, "W1": W1, "b1": b1, "W2": W2, "b2": b2,
            "init_w": init_w, "arma_w": arma_w, "root_w": root_w, "arma_b": arma_b,
            "W3": W3, "b3": b3, "W4": W4, "b4": b4, "Wr": Wr, "br": br}


def reference(x, edge_index, W1, b1, W2, b2, init_w, arma_w, root_w, arma_b, W3, b3, W4, b4, Wr, br):
    x = jnp.nan_to_num(x, nan=0.0)
    h = leaky(x @ W1 + b1)
    h = leaky(h @ W2 + b2)
    # gcn_norm (add_self_loops=False): deg from dst, norm = deg^-1/2[src]*deg^-1/2[dst]
    src = edge_index[0]
    dst = edge_index[1]
    deg = jnp.zeros((N,), dtype=jnp.float32).at[dst].add(1.0)
    dinv = jnp.where(deg > 0, jax.lax.rsqrt(jnp.where(deg > 0, deg, 1.0)), 0.0)
    norm = dinv[src] * dinv[dst]
    x0 = h[None, :, :]  # [1, N, H]
    out = x0
    for t in range(T):
        if t == 0:
            out = jnp.matmul(out, init_w)  # [1,N,H] @ [K,H,H] -> [K,N,H]
        else:
            out = jnp.matmul(out, arma_w[t - 1])
        # propagate: scatter-add of normalized source features to dst
        msg = out[:, src, :] * norm[None, :, None]
        out = jnp.zeros((K, N, H), dtype=out.dtype).at[:, dst, :].add(msg)
        out = out + jnp.matmul(x0, root_w[t])
        out = out + arma_b[t]
        out = leaky(out)
    out = out.mean(axis=0)
    h = leaky(out @ W3 + b3)
    h = leaky(h @ W4 + b4)
    return h @ Wr + br


if False:  # reference __main__ guard neutralized (emitter)
    inp = setup_inputs()
    y = reference(**inp)
    print(y.shape, y.dtype)

if __name__ == "__main__":
    import jax
    _d = setup_inputs()
    print(jax.jit(kernel)(*tuple(_d.values())))

</pallas_src>

<mosaic_0001>
#map = affine_map<(d0, d1) -> (0, 0, 0, 0)>
#map1 = affine_map<(d0, d1) -> (0, 0)>
#map2 = affine_map<(d0, d1) -> (0, 0, 0)>
module attributes {stable_mosaic.version = 14 : i64} {
  func.func @_sc_degree(%arg0: i32, %arg1: i32, %arg2: memref<32x5x16x128xi32, #tpu.memory_space<hbm>>, %arg3: memref<128x16xf32, #tpu.memory_space<hbm>>, %arg4: memref<640x16xf32, #tpu.memory_space<hbm>>, %arg5: memref<2x10240x16xf32, #tpu.memory_space<hbm>>, %arg6: memref<5x16x128xi32, #tpu.memory_space<vmem>>, %arg7: memref<128x16xf32, #tpu.memory_space<vmem>>, %arg8: memref<10240x16xf32, #tpu.memory_space<vmem_shared>>) attributes {dimension_semantics = [#tpu.dimension_semantics<core_parallel>, #tpu.dimension_semantics<subcore_parallel>], iteration_bounds = array<i64: 2, 16>, scalar_prefetch = 0 : i64, scratch_operands = 3 : i64, tpu.core_type = #tpu.core_type<sc_vector_subcore>, window_params = [{transform_indices = #map}, {transform_indices = #map1}, {transform_indices = #map1}, {transform_indices = #map2}]} {
    %mul3A = arith.constant 16 : i32
    %mul3A_0 = arith.muli %arg0, %mul3A : i32
    %add3A = arith.addi %mul3A_0, %arg1 : i32
    "tpu.region"() ({
      %run_scoped3A = tpu.sem_alloc : memref<!tpu.dma_semaphore, #tpu.memory_space<semaphore_mem>>
      %dma_start3A = arith.constant 0 : i32
      %dma_start3A_13 = arith.constant 0 : i32
      %dma_start3A_14 = arith.constant 0 : i32
      %dma_start3A_15 = tpu.memref_slice %arg2[%add3A, %dma_start3A, %dma_start3A_13, %dma_start3A_14] : memref<32x5x16x128xi32, #tpu.memory_space<hbm>> -> memref<1x5x16x128xi32, #tpu.memory_space<hbm>>
      %dma_start3A_16 = tpu.memref_squeeze %dma_start3A_15 : memref<1x5x16x128xi32, #tpu.memory_space<hbm>> -> memref<5x16x128xi32, #tpu.memory_space<hbm>>
      %dma_start3A_17 = arith.constant 0 : i32
      %dma_start3A_18 = arith.constant 0 : i32
      %dma_start3A_19 = arith.constant 0 : i32
      %dma_start3A_20 = tpu.memref_slice %arg2[%add3A, %dma_start3A_17, %dma_start3A_18, %dma_start3A_19] : memref<32x5x16x128xi32, #tpu.memory_space<hbm>> -> memref<1x5x16x128xi32, #tpu.memory_space<hbm>>
      %dma_start3A_21 = tpu.memref_squeeze %dma_start3A_20 : memref<1x5x16x128xi32, #tpu.memory_space<hbm>> -> memref<5x16x128xi32, #tpu.memory_space<hbm>>
      tpu.enqueue_dma source(%dma_start3A_21 : memref<5x16x128xi32, #tpu.memory_space<hbm>>) target(%arg6 : memref<5x16x128xi32, #tpu.memory_space<vmem>>) target_semaphore(%run_scoped3A : memref<!tpu.dma_semaphore, #tpu.memory_space<semaphore_mem>>)
      %dma_wait3A = arith.constant 0 : i32
      %dma_wait3A_22 = arith.constant 0 : i32
      %dma_wait3A_23 = arith.constant 0 : i32
      %dma_wait3A_24 = tpu.memref_slice %arg2[%add3A, %dma_wait3A, %dma_wait3A_22, %dma_wait3A_23] : memref<32x5x16x128xi32, #tpu.memory_space<hbm>> -> memref<1x5x16x128xi32, #tpu.memory_space<hbm>>
      %dma_wait3A_25 = tpu.memref_squeeze %dma_wait3A_24 : memref<1x5x16x128xi32, #tpu.memory_space<hbm>> -> memref<5x16x128xi32, #tpu.memory_space<hbm>>
      %dma_wait3A_26 = arith.constant 0 : i32
      %dma_wait3A_27 = arith.constant 0 : i32
      %dma_wait3A_28 = arith.constant 0 : i32
      %dma_wait3A_29 = tpu.memref_slice %arg2[%add3A, %dma_wait3A_26, %dma_wait3A_27, %dma_wait3A_28] : memref<32x5x16x128xi32, #tpu.memory_space<hbm>> -> memref<1x5x16x128xi32, #tpu.memory_space<hbm>>
      %dma_wait3A_30 = tpu.memref_squeeze %dma_wait3A_29 : memref<1x5x16x128xi32, #tpu.memory_space<hbm>> -> memref<5x16x128xi32, #tpu.memory_space<hbm>>
      tpu.wait_dma2 semaphore(%run_scoped3A : memref<!tpu.dma_semaphore, #tpu.memory_space<semaphore_mem>>) src(%dma_wait3A_30 : memref<5x16x128xi32, #tpu.memory_space<hbm>>) dst(%arg6 : memref<5x16x128xi32, #tpu.memory_space<vmem>>)
      tpu.yield
    }) : () -> ()
    "tpu.region"() ({
      %run_scoped3A = tpu.sem_alloc : memref<!tpu.dma_semaphore, #tpu.memory_space<semaphore_mem>>
      tpu.enqueue_dma source(%arg3 : memref<128x16xf32, #tpu.memory_space<hbm>>) target(%arg7 : memref<128x16xf32, #tpu.memory_space<vmem>>) target_semaphore(%run_scoped3A : memref<!tpu.dma_semaphore, #tpu.memory_space<semaphore_mem>>)
      tpu.wait_dma2 semaphore(%run_scoped3A : memref<!tpu.dma_semaphore, #tpu.memory_space<semaphore_mem>>) src(%arg3 : memref<128x16xf32, #tpu.memory_space<hbm>>) dst(%arg7 : memref<128x16xf32, #tpu.memory_space<vmem>>)
      tpu.yield
    }) : () -> ()
    %mul3A_1 = arith.constant 640 : i32
    %mul3A_2 = arith.muli %arg1, %mul3A_1 : i32
    "tpu.region"() ({
      %run_scoped3A = tpu.sem_alloc : memref<!tpu.dma_semaphore, #tpu.memory_space<semaphore_mem>>
      %dma_start3A = arith.constant 0 : i32
      %dma_start3A_13 = tpu.memref_slice %arg8[%mul3A_2, %dma_start3A] : memref<10240x16xf32, #tpu.memory_space<vmem_shared>> -> memref<640x16xf32, #tpu.memory_space<vmem_shared>>
      tpu.enqueue_dma source(%arg4 : memref<640x16xf32, #tpu.memory_space<hbm>>) target(%dma_start3A_13 : memref<640x16xf32, #tpu.memory_space<vmem_shared>>) target_semaphore(%run_scoped3A : memref<!tpu.dma_semaphore, #tpu.memory_space<semaphore_mem>>)
      %dma_wait3A = arith.constant 0 : i32
      %dma_wait3A_14 = tpu.memref_slice %arg8[%mul3A_2, %dma_wait3A] : memref<10240x16xf32, #tpu.memory_space<vmem_shared>> -> memref<640x16xf32, #tpu.memory_space<vmem_shared>>
      tpu.wait_dma2 semaphore(%run_scoped3A : memref<!tpu.dma_semaphore, #tpu.memory_space<semaphore_mem>>) src(%arg4 : memref<640x16xf32, #tpu.memory_space<hbm>>) dst(%dma_wait3A_14 : memref<640x16xf32, #tpu.memory_space<vmem_shared>>)
      tpu.yield
    }) : () -> ()
    %barrier3A = arith.constant 0 : index
    tpu.barrier barrier_id(%barrier3A)
    %scan3A = arith.constant 0 : i32
    %scan3A_3 = arith.constant 0 : i32
    %scan3A_4 = arith.constant 5 : i32
    %scan3A_5 = arith.addi %scan3A_3, %scan3A_4 : i32
    %scan3A_6 = arith.constant 1 : i32
    scf.for %scan3A_13 = %scan3A_3 to %scan3A_5 step %scan3A_6  : i32 {
      %scan3A_14 = arith.constant 0 : i32
      %scan3A_15 = arith.constant 0 : i32
      %scan3A_16 = arith.constant 16 : i32
      %scan3A_17 = arith.addi %scan3A_15, %scan3A_16 : i32
      %scan3A_18 = arith.constant 1 : i32
      scf.for %scan3A_20 = %scan3A_15 to %scan3A_17 step %scan3A_18  : i32 {
        "tpu.region"() ({
          %run_scoped3A = tpu.sem_alloc : memref<!tpu.dma_semaphore, #tpu.memory_space<semaphore_mem>>
          %dma_start3A = arith.constant 0 : i32
          %dma_start3A_21 = tpu.memref_slice %arg6[%scan3A_13, %scan3A_20, %dma_start3A] : memref<5x16x128xi32, #tpu.memory_space<vmem>> -> memref<1x1x128xi32, #tpu.memory_space<vmem>>
          %dma_start3A_22 = tpu.memref_squeeze %dma_start3A_21 : memref<1x1x128xi32, #tpu.memory_space<vmem>> -> memref<128xi32, #tpu.memory_space<vmem>>
          %dma_start3A_23 = arith.constant 0 : i32
          %dma_start3A_24 = arith.constant 0 : i32
          %dma_start3A_25 = tpu.memref_slice %arg8[%dma_start3A_23, %dma_start3A_24] : memref<10240x16xf32, #tpu.memory_space<vmem_shared>> -> memref<10240x16xf32, #tpu.memory_space<vmem_shared>>
          tpu.enqueue_indirect_dma source(%arg7 : memref<128x16xf32, #tpu.memory_space<vmem>>) target(%dma_start3A_25 : memref<10240x16xf32, #tpu.memory_space<vmem_shared>>) offsets(%dma_start3A_22 : memref<128xi32, #tpu.memory_space<vmem>>) semaphore(%run_scoped3A : memref<!tpu.dma_semaphore, #tpu.memory_space<semaphore_mem>>) {add = true}
          %dma_wait3A = arith.constant 0 : i32
          %dma_wait3A_26 = tpu.memref_slice %arg6[%scan3A_13, %scan3A_20, %dma_wait3A] : memref<5x16x128xi32, #tpu.memory_space<vmem>> -> memref<1x1x128xi32, #tpu.memory_space<vmem>>
          %dma_wait3A_27 = tpu.memref_squeeze %dma_wait3A_26 : memref<1x1x128xi32, #tpu.memory_space<vmem>> -> memref<128xi32, #tpu.memory_space<vmem>>
          %dma_wait3A_28 = arith.constant 0 : i32
          %dma_wait3A_29 = arith.constant 0 : i32
          %dma_wait3A_30 = tpu.memref_slice %arg8[%dma_wait3A_28, %dma_wait3A_29] : memref<10240x16xf32, #tpu.memory_space<vmem_shared>> -> memref<10240x16xf32, #tpu.memory_space<vmem_shared>>
          tpu.wait_indirect_dma semaphore(%run_scoped3A : memref<!tpu.dma_semaphore, #tpu.memory_space<semaphore_mem>>) src(%arg7 : memref<128x16xf32, #tpu.memory_space<vmem>>) dst(%dma_wait3A_30 : memref<10240x16xf32, #tpu.memory_space<vmem_shared>>)
          tpu.yield
        }) : () -> ()
      }
      %scan3A_19 = arith.constant 16 : i32
    }
    %scan3A_7 = arith.constant 5 : i32
    %barrier3A_8 = arith.constant 0 : index
    tpu.barrier barrier_id(%barrier3A_8)
    %mul3A_9 = arith.constant 640 : i32
    %mul3A_10 = arith.muli %arg1, %mul3A_9 : i32
    %mul3A_11 = arith.constant 640 : i32
    %mul3A_12 = arith.muli %arg1, %mul3A_11 : i32
    "tpu.region"() ({
      %run_scoped3A = tpu.sem_alloc : memref<!tpu.dma_semaphore, #tpu.memory_space<semaphore_mem>>
      %dma_start3A = arith.constant 0 : i32
      %dma_start3A_13 = tpu.memref_slice %arg5[%arg0, %mul3A_12, %dma_start3A] : memref<2x10240x16xf32, #tpu.memory_space<hbm>> -> memref<1x640x16xf32, #tpu.memory_space<hbm>>
      %dma_start3A_14 = tpu.memref_squeeze %dma_start3A_13 : memref<1x640x16xf32, #tpu.memory_space<hbm>> -> memref<640x16xf32, #tpu.memory_space<hbm>>
      %dma_start3A_15 = arith.constant 0 : i32
      %dma_start3A_16 = tpu.memref_slice %arg8[%mul3A_10, %dma_start3A_15] : memref<10240x16xf32, #tpu.memory_space<vmem_shared>> -> memref<640x16xf32, #tpu.memory_space<vmem_shared>>
      tpu.enqueue_dma source(%dma_start3A_16 : memref<640x16xf32, #tpu.memory_space<vmem_shared>>) target(%dma_start3A_14 : memref<640x16xf32, #tpu.memory_space<hbm>>) target_semaphore(%run_scoped3A : memref<!tpu.dma_semaphore, #tpu.memory_space<semaphore_mem>>)
      %dma_wait3A = arith.constant 0 : i32
      %dma_wait3A_17 = tpu.memref_slice %arg5[%arg0, %mul3A_12, %dma_wait3A] : memref<2x10240x16xf32, #tpu.memory_space<hbm>> -> memref<1x640x16xf32, #tpu.memory_space<hbm>>
      %dma_wait3A_18 = tpu.memref_squeeze %dma_wait3A_17 : memref<1x640x16xf32, #tpu.memory_space<hbm>> -> memref<640x16xf32, #tpu.memory_space<hbm>>
      %dma_wait3A_19 = arith.constant 0 : i32
      %dma_wait3A_20 = tpu.memref_slice %arg8[%mul3A_10, %dma_wait3A_19] : memref<10240x16xf32, #tpu.memory_space<vmem_shared>> -> memref<640x16xf32, #tpu.memory_space<vmem_shared>>
      tpu.wait_dma2 semaphore(%run_scoped3A : memref<!tpu.dma_semaphore, #tpu.memory_space<semaphore_mem>>) src(%dma_wait3A_20 : memref<640x16xf32, #tpu.memory_space<vmem_shared>>) dst(%dma_wait3A_18 : memref<640x16xf32, #tpu.memory_space<hbm>>)
      tpu.yield
    }) : () -> ()
    return
  }
}

#map = affine_map<(d0, d1) -> (0, 0, 0)>
#map1 = affine_map<(d0, d1) -> (0, 0, 0, 0)>
#map2 = affine_map<(d0, d1) -> (0, 0)>
module attributes {stable_mosaic.version = 14 : i64} {
  func.func @_sc_prop(%arg0: i32, %arg1: i32, %arg2: memref<4x10240x128xf32, #tpu.memory_space<hbm>>, %arg3: memref<16x5x32x128xi32, #tpu.memory_space<hbm>>, %arg4: memref<16x5x32x128xi32, #tpu.memory_space<hbm>>, %arg5: memref<640x128xf32, #tpu.memory_space<hbm>>, %arg6: memref<4x10240x128xf32, #tpu.memory_space<hbm>>, %arg7: memref<32x128xi32, #tpu.memory_space<vmem>>, %arg8: memref<32x128xi32, #tpu.memory_space<vmem>>, %arg9: memref<128x128xf32, #tpu.memory_space<vmem>>, %arg10: memref<128x128xf32, #tpu.memory_space<vmem>>, %arg11: memref<10240x128xf32, #tpu.memory_space<vmem_shared>>, %arg12: memref<!tpu.dma_semaphore, #tpu.memory_space<semaphore_mem>>, %arg13: memref<!tpu.dma_semaphore, #tpu.memory_space<semaphore_mem>>) attributes {dimension_semantics = [#tpu.dimension_semantics<core_parallel>, #tpu.dimension_semantics<subcore_parallel>], iteration_bounds = array<i64: 2, 16>, scalar_prefetch = 0 : i64, scratch_operands = 7 : i64, tpu.core_type = #tpu.core_type<sc_vector_subcore>, window_params = [{transform_indices = #map}, {transform_indices = #map1}, {transform_indices = #map1}, {transform_indices = #map2}, {transform_indices = #map}]} {
    %mul3A = arith.constant 2 : i32
    %mul3A_0 = arith.muli %arg0, %mul3A : i32
    %add3A = arith.constant 0 : i32
    %add3A_1 = arith.addi %mul3A_0, %add3A : i32
    %mul3A_2 = arith.constant 640 : i32
    %mul3A_3 = arith.muli %arg1, %mul3A_2 : i32
    "tpu.region"() ({
      %run_scoped3A = tpu.sem_alloc : memref<!tpu.dma_semaphore, #tpu.memory_space<semaphore_mem>>
      %dma_start3A = arith.constant 0 : i32
      %dma_start3A_32 = tpu.memref_slice %arg11[%mul3A_3, %dma_start3A] : memref<10240x128xf32, #tpu.memory_space<vmem_shared>> -> memref<640x128xf32, #tpu.memory_space<vmem_shared>>
      tpu.enqueue_dma source(%arg5 : memref<640x128xf32, #tpu.memory_space<hbm>>) target(%dma_start3A_32 : memref<640x128xf32, #tpu.memory_space<vmem_shared>>) target_semaphore(%run_scoped3A : memref<!tpu.dma_semaphore, #tpu.memory_space<semaphore_mem>>)
      %dma_wait3A = arith.constant 0 : i32
      %dma_wait3A_33 = tpu.memref_slice %arg11[%mul3A_3, %dma_wait3A] : memref<10240x128xf32, #tpu.memory_space<vmem_shared>> -> memref<640x128xf32, #tpu.memory_space<vmem_shared>>
      tpu.wait_dma2 semaphore(%run_scoped3A : memref<!tpu.dma_semaphore, #tpu.memory_space<semaphore_mem>>) src(%arg5 : memref<640x128xf32, #tpu.memory_space<hbm>>) dst(%dma_wait3A_33 : memref<640x128xf32, #tpu.memory_space<vmem_shared>>)
      tpu.yield
    }) : () -> ()
    %barrier3A = arith.constant 0 : index
    tpu.barrier barrier_id(%barrier3A)
    %scan3A = arith.constant 0 : i32
    %scan3A_4 = arith.constant 0 : i32
    %scan3A_5 = arith.constant 5 : i32
    %scan3A_6 = arith.addi %scan3A_4, %scan3A_5 : i32
    %scan3A_7 = arith.constant 1 : i32
    scf.for %scan3A_32 = %scan3A_4 to %scan3A_6 step %scan3A_7  : i32 {
      "tpu.region"() ({
        %run_scoped3A_82 = tpu.sem_alloc : memref<!tpu.dma_semaphore, #tpu.memory_space<semaphore_mem>>
        %dma_start3A_83 = arith.constant 0 : i32
        %dma_start3A_84 = arith.constant 0 : i32
        %dma_start3A_85 = tpu.memref_slice %arg3[%arg1, %scan3A_32, %dma_start3A_83, %dma_start3A_84] : memref<16x5x32x128xi32, #tpu.memory_space<hbm>> -> memref<1x1x32x128xi32, #tpu.memory_space<hbm>>
        %dma_start3A_86 = tpu.memref_squeeze %dma_start3A_85 : memref<1x1x32x128xi32, #tpu.memory_space<hbm>> -> memref<32x128xi32, #tpu.memory_space<hbm>>
        %dma_start3A_87 = arith.constant 0 : i32
        %dma_start3A_88 = arith.constant 0 : i32
        %dma_start3A_89 = tpu.memref_slice %arg3[%arg1, %scan3A_32, %dma_start3A_87, %dma_start3A_88] : memref<16x5x32x128xi32, #tpu.memory_space<hbm>> -> memref<1x1x32x128xi32, #tpu.memory_space<hbm>>
        %dma_start3A_90 = tpu.memref_squeeze %dma_start3A_89 : memref<1x1x32x128xi32, #tpu.memory_space<hbm>> -> memref<32x128xi32, #tpu.memory_space<hbm>>
        tpu.enqueue_dma source(%dma_start3A_90 : memref<32x128xi32, #tpu.memory_space<hbm>>) target(%arg7 : memref<32x128xi32, #tpu.memory_space<vmem>>) target_semaphore(%run_scoped3A_82 : memref<!tpu.dma_semaphore, #tpu.memory_space<semaphore_mem>>)
        %dma_wait3A_91 = arith.constant 0 : i32
        %dma_wait3A_92 = arith.constant 0 : i32
        %dma_wait3A_93 = tpu.memref_slice %arg3[%arg1, %scan3A_32, %dma_wait3A_91, %dma_wait3A_92] : memref<16x5x32x128xi32, #tpu.memory_space<hbm>> -> memref<1x1x32x128xi32, #tpu.memory_space<hbm>>
        %dma_wait3A_94 = tpu.memref_squeeze %dma_wait3A_93 : memref<1x1x32x128xi32, #tpu.memory_space<hbm>> -> memref<32x128xi32, #tpu.memory_space<hbm>>
        %dma_wait3A_95 = arith.constant 0 : i32
        %dma_wait3A_96 = arith.constant 0 : i32
        %dma_wait3A_97 = tpu.memref_slice %arg3[%arg1, %scan3A_32, %dma_wait3A_95, %dma_wait3A_96] : memref<16x5x32x128xi32, #tpu.memory_space<hbm>> -> memref<1x1x32x128xi32, #tpu.memory_space<hbm>>
        %dma_wait3A_98 = tpu.memref_squeeze %dma_wait3A_97 : memref<1x1x32x128xi32, #tpu.memory_space<hbm>> -> memref<32x128xi32, #tpu.memory_space<hbm>>
        tpu.wait_dma2 semaphore(%run_scoped3A_82 : memref<!tpu.dma_semaphore, #tpu.memory_space<semaphore_mem>>) src(%dma_wait3A_98 : memref<32x128xi32, #tpu.memory_space<hbm>>) dst(%arg7 : memref<32x128xi32, #tpu.memory_space<vmem>>)
        tpu.yield
      }) : () -> ()
      "tpu.region"() ({
        %run_scoped3A_82 = tpu.sem_alloc : memref<!tpu.dma_semaphore, #tpu.memory_space<semaphore_mem>>
        %dma_start3A_83 = arith.constant 0 : i32
        %dma_start3A_84 = arith.constant 0 : i32
        %dma_start3A_85 = tpu.memref_slice %arg4[%arg1, %scan3A_32, %dma_start3A_83, %dma_start3A_84] : memref<16x5x32x128xi32, #tpu.memory_space<hbm>> -> memref<1x1x32x128xi32, #tpu.memory_space<hbm>>
        %dma_start3A_86 = tpu.memref_squeeze %dma_start3A_85 : memref<1x1x32x128xi32, #tpu.memory_space<hbm>> -> memref<32x128xi32, #tpu.memory_space<hbm>>
        %dma_start3A_87 = arith.constant 0 : i32
        %dma_start3A_88 = arith.constant 0 : i32
        %dma_start3A_89 = tpu.memref_slice %arg4[%arg1, %scan3A_32, %dma_start3A_87, %dma_start3A_88] : memref<16x5x32x128xi32, #tpu.memory_space<hbm>> -> memref<1x1x32x128xi32, #tpu.memory_space<hbm>>
        %dma_start3A_90 = tpu.memref_squeeze %dma_start3A_89 : memref<1x1x32x128xi32, #tpu.memory_space<hbm>> -> memref<32x128xi32, #tpu.memory_space<hbm>>
        tpu.enqueue_dma source(%dma_start3A_90 : memref<32x128xi32, #tpu.memory_space<hbm>>) target(%arg8 : memref<32x128xi32, #tpu.memory_space<vmem>>) target_semaphore(%run_scoped3A_82 : memref<!tpu.dma_semaphore, #tpu.memory_space<semaphore_mem>>)
        %dma_wait3A_91 = arith.constant 0 : i32
        %dma_wait3A_92 = arith.constant 0 : i32
        %dma_wait3A_93 = tpu.memref_slice %arg4[%arg1, %scan3A_32, %dma_wait3A_91, %dma_wait3A_92] : memref<16x5x32x128xi32, #tpu.memory_space<hbm>> -> memref<1x1x32x128xi32, #tpu.memory_space<hbm>>
        %dma_wait3A_94 = tpu.memref_squeeze %dma_wait3A_93 : memref<1x1x32x128xi32, #tpu.memory_space<hbm>> -> memref<32x128xi32, #tpu.memory_space<hbm>>
        %dma_wait3A_95 = arith.constant 0 : i32
        %dma_wait3A_96 = arith.constant 0 : i32
        %dma_wait3A_97 = tpu.memref_slice %arg4[%arg1, %scan3A_32, %dma_wait3A_95, %dma_wait3A_96] : memref<16x5x32x128xi32, #tpu.memory_space<hbm>> -> memref<1x1x32x128xi32, #tpu.memory_space<hbm>>
        %dma_wait3A_98 = tpu.memref_squeeze %dma_wait3A_97 : memref<1x1x32x128xi32, #tpu.memory_space<hbm>> -> memref<32x128xi32, #tpu.memory_space<hbm>>
        tpu.wait_dma2 semaphore(%run_scoped3A_82 : memref<!tpu.dma_semaphore, #tpu.memory_space<semaphore_mem>>) src(%dma_wait3A_98 : memref<32x128xi32, #tpu.memory_space<hbm>>) dst(%arg8 : memref<32x128xi32, #tpu.memory_space<vmem>>)
        tpu.yield
      }) : () -> ()
      %dma_start3A = arith.constant 0 : i32
      %dma_start3A_33 = arith.constant 0 : i32
      %dma_start3A_34 = tpu.memref_slice %arg7[%dma_start3A, %dma_start3A_33] : memref<32x128xi32, #tpu.memory_space<vmem>> -> memref<1x128xi32, #tpu.memory_space<vmem>>
      %dma_start3A_35 = tpu.memref_squeeze %dma_start3A_34 : memref<1x128xi32, #tpu.memory_space<vmem>> -> memref<128xi32, #tpu.memory_space<vmem>>
      %dma_start3A_36 = arith.constant 0 : i32
      %dma_start3A_37 = arith.constant 0 : i32
      %dma_start3A_38 = tpu.memref_slice %arg2[%add3A_1, %dma_start3A_36, %dma_start3A_37] : memref<4x10240x128xf32, #tpu.memory_space<hbm>> -> memref<1x10240x128xf32, #tpu.memory_space<hbm>>
      %dma_start3A_39 = tpu.memref_squeeze %dma_start3A_38 : memref<1x10240x128xf32, #tpu.memory_space<hbm>> -> memref<10240x128xf32, #tpu.memory_space<hbm>>
      %dma_start3A_40 = arith.constant 0 : i32
      %dma_start3A_41 = arith.constant 0 : i32
      %dma_start3A_42 = tpu.memref_slice %dma_start3A_39[%dma_start3A_40, %dma_start3A_41] : memref<10240x128xf32, #tpu.memory_space<hbm>> -> memref<10240x128xf32, #tpu.memory_space<hbm>>
      tpu.enqueue_indirect_dma source(%dma_start3A_42 : memref<10240x128xf32, #tpu.memory_space<hbm>>) target(%arg9 : memref<128x128xf32, #tpu.memory_space<vmem>>) offsets(%dma_start3A_35 : memref<128xi32, #tpu.memory_space<vmem>>) semaphore(%arg12 : memref<!tpu.dma_semaphore, #tpu.memory_space<semaphore_mem>>)
      %dma_start3A_43 = arith.constant 1 : i32
      %dma_start3A_44 = arith.constant 0 : i32
      %dma_start3A_45 = tpu.memref_slice %arg7[%dma_start3A_43, %dma_start3A_44] : memref<32x128xi32, #tpu.memory_space<vmem>> -> memref<1x128xi32, #tpu.memory_space<vmem>>
      %dma_start3A_46 = tpu.memref_squeeze %dma_start3A_45 : memref<1x128xi32, #tpu.memory_space<vmem>> -> memref<128xi32, #tpu.memory_space<vmem>>
      %dma_start3A_47 = arith.constant 0 : i32
      %dma_start3A_48 = arith.constant 0 : i32
      %dma_start3A_49 = tpu.memref_slice %arg2[%add3A_1, %dma_start3A_47, %dma_start3A_48] : memref<4x10240x128xf32, #tpu.memory_space<hbm>> -> memref<1x10240x128xf32, #tpu.memory_space<hbm>>
      %dma_start3A_50 = tpu.memref_squeeze %dma_start3A_49 : memref<1x10240x128xf32, #tpu.memory_space<hbm>> -> memref<10240x128xf32, #tpu.memory_space<hbm>>
      %dma_start3A_51 = arith.constant 0 : i32
      %dma_start3A_52 = arith.constant 0 : i32
      %dma_start3A_53 = tpu.memref_slice %dma_start3A_50[%dma_start3A_51, %dma_start3A_52] : memref<10240x128xf32, #tpu.memory_space<hbm>> -> memref<10240x128xf32, #tpu.memory_space<hbm>>
      tpu.enqueue_indirect_dma source(%dma_start3A_53 : memref<10240x128xf32, #tpu.memory_space<hbm>>) target(%arg10 : memref<128x128xf32, #tpu.memory_space<vmem>>) offsets(%dma_start3A_46 : memref<128xi32, #tpu.memory_space<vmem>>) semaphore(%arg13 : memref<!tpu.dma_semaphore, #tpu.memory_space<semaphore_mem>>)
      %scan3A_54 = arith.constant 0 : i32
      %scan3A_55 = arith.constant 1 : i32
      %scan3A_56 = arith.constant 15 : i32
      %scan3A_57 = arith.addi %scan3A_55, %scan3A_56 : i32
      %scan3A_58 = arith.constant 1 : i32
      scf.for %scan3A_82 = %scan3A_55 to %scan3A_57 step %scan3A_58  : i32 {
        %mul3A_83 = arith.constant 2 : i32
        %mul3A_84 = arith.muli %mul3A_83, %scan3A_82 : i32
        %sub3A = arith.constant 2 : i32
        %sub3A_85 = arith.subi %mul3A_84, %sub3A : i32
        %dma_wait3A_86 = arith.constant 0 : i32
        %dma_wait3A_87 = tpu.memref_slice %arg7[%sub3A_85, %dma_wait3A_86] : memref<32x128xi32, #tpu.memory_space<vmem>> -> memref<1x128xi32, #tpu.memory_space<vmem>>
        %dma_wait3A_88 = tpu.memref_squeeze %dma_wait3A_87 : memref<1x128xi32, #tpu.memory_space<vmem>> -> memref<128xi32, #tpu.memory_space<vmem>>
        %dma_wait3A_89 = arith.constant 0 : i32
        %dma_wait3A_90 = arith.constant 0 : i32
        %dma_wait3A_91 = tpu.memref_slice %arg2[%add3A_1, %dma_wait3A_89, %dma_wait3A_90] : memref<4x10240x128xf32, #tpu.memory_space<hbm>> -> memref<1x10240x128xf32, #tpu.memory_space<hbm>>
        %dma_wait3A_92 = tpu.memref_squeeze %dma_wait3A_91 : memref<1x10240x128xf32, #tpu.memory_space<hbm>> -> memref<10240x128xf32, #tpu.memory_space<hbm>>
        %dma_wait3A_93 = arith.constant 0 : i32
        %dma_wait3A_94 = arith.constant 0 : i32
        %dma_wait3A_95 = tpu.memref_slice %dma_wait3A_92[%dma_wait3A_93, %dma_wait3A_94] : memref<10240x128xf32, #tpu.memory_space<hbm>> -> memref<10240x128xf32, #tpu.memory_space<hbm>>
        tpu.wait_indirect_dma semaphore(%arg12 : memref<!tpu.dma_semaphore, #tpu.memory_space<semaphore_mem>>) src(%dma_wait3A_95 : memref<10240x128xf32, #tpu.memory_space<hbm>>) dst(%arg9 : memref<128x128xf32, #tpu.memory_space<vmem>>)
        %sub3A_96 = arith.constant 2 : i32
        %sub3A_97 = arith.subi %mul3A_84, %sub3A_96 : i32
        "tpu.region"() ({
          %run_scoped3A_134 = tpu.sem_alloc : memref<!tpu.dma_semaphore, #tpu.memory_space<semaphore_mem>>
          %dma_start3A_135 = arith.constant 0 : i32
          %dma_start3A_136 = tpu.memref_slice %arg8[%sub3A_97, %dma_start3A_135] : memref<32x128xi32, #tpu.memory_space<vmem>> -> memref<1x128xi32, #tpu.memory_space<vmem>>
          %dma_start3A_137 = tpu.memref_squeeze %dma_start3A_136 : memref<1x128xi32, #tpu.memory_space<vmem>> -> memref<128xi32, #tpu.memory_space<vmem>>
          %dma_start3A_138 = arith.constant 0 : i32
          %dma_start3A_139 = arith.constant 0 : i32
          %dma_start3A_140 = tpu.memref_slice %arg11[%dma_start3A_138, %dma_start3A_139] : memref<10240x128xf32, #tpu.memory_space<vmem_shared>> -> memref<10240x128xf32, #tpu.memory_space<vmem_shared>>
          tpu.enqueue_indirect_dma source(%arg9 : memref<128x128xf32, #tpu.memory_space<vmem>>) target(%dma_start3A_140 : memref<10240x128xf32, #tpu.memory_space<vmem_shared>>) offsets(%dma_start3A_137 : memref<128xi32, #tpu.memory_space<vmem>>) semaphore(%run_scoped3A_134 : memref<!tpu.dma_semaphore, #tpu.memory_space<semaphore_mem>>) {add = true}
          %dma_wait3A_141 = arith.constant 0 : i32
          %dma_wait3A_142 = tpu.memref_slice %arg8[%sub3A_97, %dma_wait3A_141] : memref<32x128xi32, #tpu.memory_space<vmem>> -> memref<1x128xi32, #tpu.memory_space<vmem>>
          %dma_wait3A_143 = tpu.memref_squeeze %dma_wait3A_142 : memref<1x128xi32, #tpu.memory_space<vmem>> -> memref<128xi32, #tpu.memory_space<vmem>>
          %dma_wait3A_144 = arith.constant 0 : i32
          %dma_wait3A_145 = arith.constant 0 : i32
          %dma_wait3A_146 = tpu.memref_slice %arg11[%dma_wait3A_144, %dma_wait3A_145] : memref<10240x128xf32, #tpu.memory_space<vmem_shared>> -> memref<10240x128xf32, #tpu.memory_space<vmem_shared>>
          tpu.wait_indirect_dma semaphore(%run_scoped3A_134 : memref<!tpu.dma_semaphore, #tpu.memory_space<semaphore_mem>>) src(%arg9 : memref<128x128xf32, #tpu.memory_space<vmem>>) dst(%dma_wait3A_146 : memref<10240x128xf32, #tpu.memory_space<vmem_shared>>)
          tpu.yield
        }) : () -> ()
        %dma_start3A_98 = arith.constant 0 : i32
        %dma_start3A_99 = tpu.memref_slice %arg7[%mul3A_84, %dma_start3A_98] : memref<32x128xi32, #tpu.memory_space<vmem>> -> memref<1x128xi32, #tpu.memory_space<vmem>>
        %dma_start3A_100 = tpu.memref_squeeze %dma_start3A_99 : memref<1x128xi32, #tpu.memory_space<vmem>> -> memref<128xi32, #tpu.memory_space<vmem>>
        %dma_start3A_101 = arith.constant 0 : i32
        %dma_start3A_102 = arith.constant 0 : i32
        %dma_start3A_103 = tpu.memref_slice %arg2[%add3A_1, %dma_start3A_101, %dma_start3A_102] : memref<4x10240x128xf32, #tpu.memory_space<hbm>> -> memref<1x10240x128xf32, #tpu.memory_space<hbm>>
        %dma_start3A_104 = tpu.memref_squeeze %dma_start3A_103 : memref<1x10240x128xf32, #tpu.memory_space<hbm>> -> memref<10240x128xf32, #tpu.memory_space<hbm>>
        %dma_start3A_105 = arith.constant 0 : i32
        %dma_start3A_106 = arith.constant 0 : i32
        %dma_start3A_107 = tpu.memref_slice %dma_start3A_104[%dma_start3A_105, %dma_start3A_106] : memref<10240x128xf32, #tpu.memory_space<hbm>> -> memref<10240x128xf32, #tpu.memory_space<hbm>>
        tpu.enqueue_indirect_dma source(%dma_start3A_107 : memref<10240x128xf32, #tpu.memory_space<hbm>>) target(%arg9 : memref<128x128xf32, #tpu.memory_space<vmem>>) offsets(%dma_start3A_100 : memref<128xi32, #tpu.memory_space<vmem>>) semaphore(%arg12 : memref<!tpu.dma_semaphore, #tpu.memory_space<semaphore_mem>>)
        %sub3A_108 = arith.constant 1 : i32
        %sub3A_109 = arith.subi %mul3A_84, %sub3A_108 : i32
        %dma_wait3A_110 = arith.constant 0 : i32
        %dma_wait3A_111 = tpu.memref_slice %arg7[%sub3A_109, %dma_wait3A_110] : memref<32x128xi32, #tpu.memory_space<vmem>> -> memref<1x128xi32, #tpu.memory_space<vmem>>
        %dma_wait3A_112 = tpu.memref_squeeze %dma_wait3A_111 : memref<1x128xi32, #tpu.memory_space<vmem>> -> memref<128xi32, #tpu.memory_space<vmem>>
        %dma_wait3A_113 = arith.constant 0 : i32
        %dma_wait3A_114 = arith.constant 0 : i32
        %dma_wait3A_115 = tpu.memref_slice %arg2[%add3A_1, %dma_wait3A_113, %dma_wait3A_114] : memref<4x10240x128xf32, #tpu.memory_space<hbm>> -> memref<1x10240x128xf32, #tpu.memory_space<hbm>>
        %dma_wait3A_116 = tpu.memref_squeeze %dma_wait3A_115 : memref<1x10240x128xf32, #tpu.memory_space<hbm>> -> memref<10240x128xf32, #tpu.memory_space<hbm>>
        %dma_wait3A_117 = arith.constant 0 : i32
        %dma_wait3A_118 = arith.constant 0 : i32
        %dma_wait3A_119 = tpu.memref_slice %dma_wait3A_116[%dma_wait3A_117, %dma_wait3A_118] : memref<10240x128xf32, #tpu.memory_space<hbm>> -> memref<10240x128xf32, #tpu.memory_space<hbm>>
        tpu.wait_indirect_dma semaphore(%arg13 : memref<!tpu.dma_semaphore, #tpu.memory_space<semaphore_mem>>) src(%dma_wait3A_119 : memref<10240x128xf32, #tpu.memory_space<hbm>>) dst(%arg10 : memref<128x128xf32, #tpu.memory_space<vmem>>)
        %sub3A_120 = arith.constant 1 : i32
        %sub3A_121 = arith.subi %mul3A_84, %sub3A_120 : i32
        "tpu.region"() ({
          %run_scoped3A_134 = tpu.sem_alloc : memref<!tpu.dma_semaphore, #tpu.memory_space<semaphore_mem>>
          %dma_start3A_135 = arith.constant 0 : i32
          %dma_start3A_136 = tpu.memref_slice %arg8[%sub3A_121, %dma_start3A_135] : memref<32x128xi32, #tpu.memory_space<vmem>> -> memref<1x128xi32, #tpu.memory_space<vmem>>
          %dma_start3A_137 = tpu.memref_squeeze %dma_start3A_136 : memref<1x128xi32, #tpu.memory_space<vmem>> -> memref<128xi32, #tpu.memory_space<vmem>>
          %dma_start3A_138 = arith.constant 0 : i32
          %dma_start3A_139 = arith.constant 0 : i32
          %dma_start3A_140 = tpu.memref_slice %arg11[%dma_start3A_138, %dma_start3A_139] : memref<10240x128xf32, #tpu.memory_space<vmem_shared>> -> memref<10240x128xf32, #tpu.memory_space<vmem_shared>>
          tpu.enqueue_indirect_dma source(%arg10 : memref<128x128xf32, #tpu.memory_space<vmem>>) target(%dma_start3A_140 : memref<10240x128xf32, #tpu.memory_space<vmem_shared>>) offsets(%dma_start3A_137 : memref<128xi32, #tpu.memory_space<vmem>>) semaphore(%run_scoped3A_134 : memref<!tpu.dma_semaphore, #tpu.memory_space<semaphore_mem>>) {add = true}
          %dma_wait3A_141 = arith.constant 0 : i32
          %dma_wait3A_142 = tpu.memref_slice %arg8[%sub3A_121, %dma_wait3A_141] : memref<32x128xi32, #tpu.memory_space<vmem>> -> memref<1x128xi32, #tpu.memory_space<vmem>>
          %dma_wait3A_143 = tpu.memref_squeeze %dma_wait3A_142 : memref<1x128xi32, #tpu.memory_space<vmem>> -> memref<128xi32, #tpu.memory_space<vmem>>
          %dma_wait3A_144 = arith.constant 0 : i32
          %dma_wait3A_145 = arith.constant 0 : i32
          %dma_wait3A_146 = tpu.memref_slice %arg11[%dma_wait3A_144, %dma_wait3A_145] : memref<10240x128xf32, #tpu.memory_space<vmem_shared>> -> memref<10240x128xf32, #tpu.memory_space<vmem_shared>>
          tpu.wait_indirect_dma semaphore(%run_scoped3A_134 : memref<!tpu.dma_semaphore, #tpu.memory_space<semaphore_mem>>) src(%arg10 : memref<128x128xf32, #tpu.memory_space<vmem>>) dst(%dma_wait3A_146 : memref<10240x128xf32, #tpu.memory_space<vmem_shared>>)
          tpu.yield
        }) : () -> ()
        %add3A_122 = arith.constant 1 : i32
        %add3A_123 = arith.addi %mul3A_84, %add3A_122 : i32
        %dma_start3A_124 = arith.constant 0 : i32
        %dma_start3A_125 = tpu.memref_slice %arg7[%add3A_123, %dma_start3A_124] : memref<32x128xi32, #tpu.memory_space<vmem>> -> memref<1x128xi32, #tpu.memory_space<vmem>>
        %dma_start3A_126 = tpu.memref_squeeze %dma_start3A_125 : memref<1x128xi32, #tpu.memory_space<vmem>> -> memref<128xi32, #tpu.memory_space<vmem>>
        %dma_start3A_127 = arith.constant 0 : i32
        %dma_start3A_128 = arith.constant 0 : i32
        %dma_start3A_129 = tpu.memref_slice %arg2[%add3A_1, %dma_start3A_127, %dma_start3A_128] : memref<4x10240x128xf32, #tpu.memory_space<hbm>> -> memref<1x10240x128xf32, #tpu.memory_space<hbm>>
        %dma_start3A_130 = tpu.memref_squeeze %dma_start3A_129 : memref<1x10240x128xf32, #tpu.memory_space<hbm>> -> memref<10240x128xf32, #tpu.memory_space<hbm>>
        %dma_start3A_131 = arith.constant 0 : i32
        %dma_start3A_132 = arith.constant 0 : i32
        %dma_start3A_133 = tpu.memref_slice %dma_start3A_130[%dma_start3A_131, %dma_start3A_132] : memref<10240x128xf32, #tpu.memory_space<hbm>> -> memref<10240x128xf32, #tpu.memory_space<hbm>>
        tpu.enqueue_indirect_dma source(%dma_start3A_133 : memref<10240x128xf32, #tpu.memory_space<hbm>>) target(%arg10 : memref<128x128xf32, #tpu.memory_space<vmem>>) offsets(%dma_start3A_126 : memref<128xi32, #tpu.memory_space<vmem>>) semaphore(%arg13 : memref<!tpu.dma_semaphore, #tpu.memory_space<semaphore_mem>>)
      }
      %scan3A_59 = arith.constant 15 : i32
      %dma_wait3A = arith.constant 30 : i32
      %dma_wait3A_60 = arith.constant 0 : i32
      %dma_wait3A_61 = tpu.memref_slice %arg7[%dma_wait3A, %dma_wait3A_60] : memref<32x128xi32, #tpu.memory_space<vmem>> -> memref<1x128xi32, #tpu.memory_space<vmem>>
      %dma_wait3A_62 = tpu.memref_squeeze %dma_wait3A_61 : memref<1x128xi32, #tpu.memory_space<vmem>> -> memref<128xi32, #tpu.memory_space<vmem>>
      %dma_wait3A_63 = arith.constant 0 : i32
      %dma_wait3A_64 = arith.constant 0 : i32
      %dma_wait3A_65 = tpu.memref_slice %arg2[%add3A_1, %dma_wait3A_63, %dma_wait3A_64] : memref<4x10240x128xf32, #tpu.memory_space<hbm>> -> memref<1x10240x128xf32, #tpu.memory_space<hbm>>
      %dma_wait3A_66 = tpu.memref_squeeze %dma_wait3A_65 : memref<1x10240x128xf32, #tpu.memory_space<hbm>> -> memref<10240x128xf32, #tpu.memory_space<hbm>>
      %dma_wait3A_67 = arith.constant 0 : i32
      %dma_wait3A_68 = arith.constant 0 : i32
      %dma_wait3A_69 = tpu.memref_slice %dma_wait3A_66[%dma_wait3A_67, %dma_wait3A_68] : memref<10240x128xf32, #tpu.memory_space<hbm>> -> memref<10240x128xf32, #tpu.memory_space<hbm>>
      tpu.wait_indirect_dma semaphore(%arg12 : memref<!tpu.dma_semaphore, #tpu.memory_space<semaphore_mem>>) src(%dma_wait3A_69 : memref<10240x128xf32, #tpu.memory_space<hbm>>) dst(%arg9 : memref<128x128xf32, #tpu.memory_space<vmem>>)
      %run_scoped3A = arith.constant 30 : i32
      "tpu.region"() ({
        %run_scoped3A_82 = tpu.sem_alloc : memref<!tpu.dma_semaphore, #tpu.memory_space<semaphore_mem>>
        %dma_start3A_83 = arith.constant 0 : i32
        %dma_start3A_84 = tpu.memref_slice %arg8[%run_scoped3A, %dma_start3A_83] : memref<32x128xi32, #tpu.memory_space<vmem>> -> memref<1x128xi32, #tpu.memory_space<vmem>>
        %dma_start3A_85 = tpu.memref_squeeze %dma_start3A_84 : memref<1x128xi32, #tpu.memory_space<vmem>> -> memref<128xi32, #tpu.memory_space<vmem>>
        %dma_start3A_86 = arith.constant 0 : i32
        %dma_start3A_87 = arith.constant 0 : i32
        %dma_start3A_88 = tpu.memref_slice %arg11[%dma_start3A_86, %dma_start3A_87] : memref<10240x128xf32, #tpu.memory_space<vmem_shared>> -> memref<10240x128xf32, #tpu.memory_space<vmem_shared>>
        tpu.enqueue_indirect_dma source(%arg9 : memref<128x128xf32, #tpu.memory_space<vmem>>) target(%dma_start3A_88 : memref<10240x128xf32, #tpu.memory_space<vmem_shared>>) offsets(%dma_start3A_85 : memref<128xi32, #tpu.memory_space<vmem>>) semaphore(%run_scoped3A_82 : memref<!tpu.dma_semaphore, #tpu.memory_space<semaphore_mem>>) {add = true}
        %dma_wait3A_89 = arith.constant 0 : i32
        %dma_wait3A_90 = tpu.memref_slice %arg8[%run_scoped3A, %dma_wait3A_89] : memref<32x128xi32, #tpu.memory_space<vmem>> -> memref<1x128xi32, #tpu.memory_space<vmem>>
        %dma_wait3A_91 = tpu.memref_squeeze %dma_wait3A_90 : memref<1x128xi32, #tpu.memory_space<vmem>> -> memref<128xi32, #tpu.memory_space<vmem>>
        %dma_wait3A_92 = arith.constant 0 : i32
        %dma_wait3A_93 = arith.constant 0 : i32
        %dma_wait3A_94 = tpu.memref_slice %arg11[%dma_wait3A_92, %dma_wait3A_93] : memref<10240x128xf32, #tpu.memory_space<vmem_shared>> -> memref<10240x128xf32, #tpu.memory_space<vmem_shared>>
        tpu.wait_indirect_dma semaphore(%run_scoped3A_82 : memref<!tpu.dma_semaphore, #tpu.memory_space<semaphore_mem>>) src(%arg9 : memref<128x128xf32, #tpu.memory_space<vmem>>) dst(%dma_wait3A_94 : memref<10240x128xf32, #tpu.memory_space<vmem_shared>>)
        tpu.yield
      }) : () -> ()
      %dma_wait3A_70 = arith.constant 31 : i32
      %dma_wait3A_71 = arith.constant 0 : i32
      %dma_wait3A_72 = tpu.memref_slice %arg7[%dma_wait3A_70, %dma_wait3A_71] : memref<32x128xi32, #tpu.memory_space<vmem>> -> memref<1x128xi32, #tpu.memory_space<vmem>>
      %dma_wait3A_73 = tpu.memref_squeeze %dma_wait3A_72 : memref<1x128xi32, #tpu.memory_space<vmem>> -> memref<128xi32, #tpu.memory_space<vmem>>
      %dma_wait3A_74 = arith.constant 0 : i32
      %dma_wait3A_75 = arith.constant 0 : i32
      %dma_wait3A_76 = tpu.memref_slice %arg2[%add3A_1, %dma_wait3A_74, %dma_wait3A_75] : memref<4x10240x128xf32, #tpu.memory_space<hbm>> -> memref<1x10240x128xf32, #tpu.memory_space<hbm>>
      %dma_wait3A_77 = tpu.memref_squeeze %dma_wait3A_76 : memref<1x10240x128xf32, #tpu.memory_space<hbm>> -> memref<10240x128xf32, #tpu.memory_space<hbm>>
      %dma_wait3A_78 = arith.constant 0 : i32
      %dma_wait3A_79 = arith.constant 0 : i32
      %dma_wait3A_80 = tpu.memref_slice %dma_wait3A_77[%dma_wait3A_78, %dma_wait3A_79] : memref<10240x128xf32, #tpu.memory_space<hbm>> -> memref<10240x128xf32, #tpu.memory_space<hbm>>
      tpu.wait_indirect_dma semaphore(%arg13 : memref<!tpu.dma_semaphore, #tpu.memory_space<semaphore_mem>>) src(%dma_wait3A_80 : memref<10240x128xf32, #tpu.memory_space<hbm>>) dst(%arg10 : memref<128x128xf32, #tpu.memory_space<vmem>>)
      %run_scoped3A_81 = arith.constant 31 : i32
      "tpu.region"() ({
        %run_scoped3A_82 = tpu.sem_alloc : memref<!tpu.dma_semaphore, #tpu.memory_space<semaphore_mem>>
        %dma_start3A_83 = arith.constant 0 : i32
        %dma_start3A_84 = tpu.memref_slice %arg8[%run_scoped3A_81, %dma_start3A_83] : memref<32x128xi32, #tpu.memory_space<vmem>> -> memref<1x128xi32, #tpu.memory_space<vmem>>
        %dma_start3A_85 = tpu.memref_squeeze %dma_start3A_84 : memref<1x128xi32, #tpu.memory_space<vmem>> -> memref<128xi32, #tpu.memory_space<vmem>>
        %dma_start3A_86 = arith.constant 0 : i32
        %dma_start3A_87 = arith.constant 0 : i32
        %dma_start3A_88 = tpu.memref_slice %arg11[%dma_start3A_86, %dma_start3A_87] : memref<10240x128xf32, #tpu.memory_space<vmem_shared>> -> memref<10240x128xf32, #tpu.memory_space<vmem_shared>>
        tpu.enqueue_indirect_dma source(%arg10 : memref<128x128xf32, #tpu.memory_space<vmem>>) target(%dma_start3A_88 : memref<10240x128xf32, #tpu.memory_space<vmem_shared>>) offsets(%dma_start3A_85 : memref<128xi32, #tpu.memory_space<vmem>>) semaphore(%run_scoped3A_82 : memref<!tpu.dma_semaphore, #tpu.memory_space<semaphore_mem>>) {add = true}
        %dma_wait3A_89 = arith.constant 0 : i32
        %dma_wait3A_90 = tpu.memref_slice %arg8[%run_scoped3A_81, %dma_wait3A_89] : memref<32x128xi32, #tpu.memory_space<vmem>> -> memref<1x128xi32, #tpu.memory_space<vmem>>
        %dma_wait3A_91 = tpu.memref_squeeze %dma_wait3A_90 : memref<1x128xi32, #tpu.memory_space<vmem>> -> memref<128xi32, #tpu.memory_space<vmem>>
        %dma_wait3A_92 = arith.constant 0 : i32
        %dma_wait3A_93 = arith.constant 0 : i32
        %dma_wait3A_94 = tpu.memref_slice %arg11[%dma_wait3A_92, %dma_wait3A_93] : memref<10240x128xf32, #tpu.memory_space<vmem_shared>> -> memref<10240x128xf32, #tpu.memory_space<vmem_shared>>
        tpu.wait_indirect_dma semaphore(%run_scoped3A_82 : memref<!tpu.dma_semaphore, #tpu.memory_space<semaphore_mem>>) src(%arg10 : memref<128x128xf32, #tpu.memory_space<vmem>>) dst(%dma_wait3A_94 : memref<10240x128xf32, #tpu.memory_space<vmem_shared>>)
        tpu.yield
      }) : () -> ()
    }
    %scan3A_8 = arith.constant 5 : i32
    %barrier3A_9 = arith.constant 0 : index
    tpu.barrier barrier_id(%barrier3A_9)
    %mul3A_10 = arith.constant 640 : i32
    %mul3A_11 = arith.muli %arg1, %mul3A_10 : i32
    %mul3A_12 = arith.constant 640 : i32
    %mul3A_13 = arith.muli %arg1, %mul3A_12 : i32
    "tpu.region"() ({
      %run_scoped3A = tpu.sem_alloc : memref<!tpu.dma_semaphore, #tpu.memory_space<semaphore_mem>>
      %dma_start3A = arith.constant 0 : i32
      %dma_start3A_32 = tpu.memref_slice %arg6[%add3A_1, %mul3A_13, %dma_start3A] : memref<4x10240x128xf32, #tpu.memory_space<hbm>> -> memref<1x640x128xf32, #tpu.memory_space<hbm>>
      %dma_start3A_33 = tpu.memref_squeeze %dma_start3A_32 : memref<1x640x128xf32, #tpu.memory_space<hbm>> -> memref<640x128xf32, #tpu.memory_space<hbm>>
      %dma_start3A_34 = arith.constant 0 : i32
      %dma_start3A_35 = tpu.memref_slice %arg11[%mul3A_11, %dma_start3A_34] : memref<10240x128xf32, #tpu.memory_space<vmem_shared>> -> memref<640x128xf32, #tpu.memory_space<vmem_shared>>
      tpu.enqueue_dma source(%dma_start3A_35 : memref<640x128xf32, #tpu.memory_space<vmem_shared>>) target(%dma_start3A_33 : memref<640x128xf32, #tpu.memory_space<hbm>>) target_semaphore(%run_scoped3A : memref<!tpu.dma_semaphore, #tpu.memory_space<semaphore_mem>>)
      %dma_wait3A = arith.constant 0 : i32
      %dma_wait3A_36 = tpu.memref_slice %arg6[%add3A_1, %mul3A_13, %dma_wait3A] : memref<4x10240x128xf32, #tpu.memory_space<hbm>> -> memref<1x640x128xf32, #tpu.memory_space<hbm>>
      %dma_wait3A_37 = tpu.memref_squeeze %dma_wait3A_36 : memref<1x640x128xf32, #tpu.memory_space<hbm>> -> memref<640x128xf32, #tpu.memory_space<hbm>>
      %dma_wait3A_38 = arith.constant 0 : i32
      %dma_wait3A_39 = tpu.memref_slice %arg11[%mul3A_11, %dma_wait3A_38] : memref<10240x128xf32, #tpu.memory_space<vmem_shared>> -> memref<640x128xf32, #tpu.memory_space<vmem_shared>>
      tpu.wait_dma2 semaphore(%run_scoped3A : memref<!tpu.dma_semaphore, #tpu.memory_space<semaphore_mem>>) src(%dma_wait3A_39 : memref<640x128xf32, #tpu.memory_space<vmem_shared>>) dst(%dma_wait3A_37 : memref<640x128xf32, #tpu.memory_space<hbm>>)
      tpu.yield
    }) : () -> ()
    %mul3A_14 = arith.constant 2 : i32
    %mul3A_15 = arith.muli %arg0, %mul3A_14 : i32
    %add3A_16 = arith.constant 1 : i32
    %add3A_17 = arith.addi %mul3A_15, %add3A_16 : i32
    %mul3A_18 = arith.constant 640 : i32
    %mul3A_19 = arith.muli %arg1, %mul3A_18 : i32
    "tpu.region"() ({
      %run_scoped3A = tpu.sem_alloc : memref<!tpu.dma_semaphore, #tpu.memory_space<semaphore_mem>>
      %dma_start3A = arith.constant 0 : i32
      %dma_start3A_32 = tpu.memref_slice %arg11[%mul3A_19, %dma_start3A] : memref<10240x128xf32, #tpu.memory_space<vmem_shared>> -> memref<640x128xf32, #tpu.memory_space<vmem_shared>>
      tpu.enqueue_dma source(%arg5 : memref<640x128xf32, #tpu.memory_space<hbm>>) target(%dma_start3A_32 : memref<640x128xf32, #tpu.memory_space<vmem_shared>>) target_semaphore(%run_scoped3A : memref<!tpu.dma_semaphore, #tpu.memory_space<semaphore_mem>>)
      %dma_wait3A = arith.constant 0 : i32
      %dma_wait3A_33 = tpu.memref_slice %arg11[%mul3A_19, %dma_wait3A] : memref<10240x128xf32, #tpu.memory_space<vmem_shared>> -> memref<640x128xf32, #tpu.memory_space<vmem_shared>>
      tpu.wait_dma2 semaphore(%run_scoped3A : memref<!tpu.dma_semaphore, #tpu.memory_space<semaphore_mem>>) src(%arg5 : memref<640x128xf32, #tpu.memory_space<hbm>>) dst(%dma_wait3A_33 : memref<640x128xf32, #tpu.memory_space<vmem_shared>>)
      tpu.yield
    }) : () -> ()
    %barrier3A_20 = arith.constant 0 : index
    tpu.barrier barrier_id(%barrier3A_20)
    %scan3A_21 = arith.constant 0 : i32
    %scan3A_22 = arith.constant 0 : i32
    %scan3A_23 = arith.constant 5 : i32
    %scan3A_24 = arith.addi %scan3A_22, %scan3A_23 : i32
    %scan3A_25 = arith.constant 1 : i32
    scf.for %scan3A_32 = %scan3A_22 to %scan3A_24 step %scan3A_25  : i32 {
      "tpu.region"() ({
        %run_scoped3A_82 = tpu.sem_alloc : memref<!tpu.dma_semaphore, #tpu.memory_space<semaphore_mem>>
        %dma_start3A_83 = arith.constant 0 : i32
        %dma_start3A_84 = arith.constant 0 : i32
        %dma_start3A_85 = tpu.memref_slice %arg3[%arg1, %scan3A_32, %dma_start3A_83, %dma_start3A_84] : memref<16x5x32x128xi32, #tpu.memory_space<hbm>> -> memref<1x1x32x128xi32, #tpu.memory_space<hbm>>
        %dma_start3A_86 = tpu.memref_squeeze %dma_start3A_85 : memref<1x1x32x128xi32, #tpu.memory_space<hbm>> -> memref<32x128xi32, #tpu.memory_space<hbm>>
        %dma_start3A_87 = arith.constant 0 : i32
        %dma_start3A_88 = arith.constant 0 : i32
        %dma_start3A_89 = tpu.memref_slice %arg3[%arg1, %scan3A_32, %dma_start3A_87, %dma_start3A_88] : memref<16x5x32x128xi32, #tpu.memory_space<hbm>> -> memref<1x1x32x128xi32, #tpu.memory_space<hbm>>
        %dma_start3A_90 = tpu.memref_squeeze %dma_start3A_89 : memref<1x1x32x128xi32, #tpu.memory_space<hbm>> -> memref<32x128xi32, #tpu.memory_space<hbm>>
        tpu.enqueue_dma source(%dma_start3A_90 : memref<32x128xi32, #tpu.memory_space<hbm>>) target(%arg7 : memref<32x128xi32, #tpu.memory_space<vmem>>) target_semaphore(%run_scoped3A_82 : memref<!tpu.dma_semaphore, #tpu.memory_space<semaphore_mem>>)
        %dma_wait3A_91 = arith.constant 0 : i32
        %dma_wait3A_92 = arith.constant 0 : i32
        %dma_wait3A_93 = tpu.memref_slice %arg3[%arg1, %scan3A_32, %dma_wait3A_91, %dma_wait3A_92] : memref<16x5x32x128xi32, #tpu.memory_space<hbm>> -> memref<1x1x32x128xi32, #tpu.memory_space<hbm>>
        %dma_wait3A_94 = tpu.memref_squeeze %dma_wait3A_93 : memref<1x1x32x128xi32, #tpu.memory_space<hbm>> -> memref<32x128xi32, #tpu.memory_space<hbm>>
        %dma_wait3A_95 = arith.constant 0 : i32
        %dma_wait3A_96 = arith.constant 0 : i32
        %dma_wait3A_97 = tpu.memref_slice %arg3[%arg1, %scan3A_32, %dma_wait3A_95, %dma_wait3A_96] : memref<16x5x32x128xi32, #tpu.memory_space<hbm>> -> memref<1x1x32x128xi32, #tpu.memory_space<hbm>>
        %dma_wait3A_98 = tpu.memref_squeeze %dma_wait3A_97 : memref<1x1x32x128xi32, #tpu.memory_space<hbm>> -> memref<32x128xi32, #tpu.memory_space<hbm>>
        tpu.wait_dma2 semaphore(%run_scoped3A_82 : memref<!tpu.dma_semaphore, #tpu.memory_space<semaphore_mem>>) src(%dma_wait3A_98 : memref<32x128xi32, #tpu.memory_space<hbm>>) dst(%arg7 : memref<32x128xi32, #tpu.memory_space<vmem>>)
        tpu.yield
      }) : () -> ()
      "tpu.region"() ({
        %run_scoped3A_82 = tpu.sem_alloc : memref<!tpu.dma_semaphore, #tpu.memory_space<semaphore_mem>>
        %dma_start3A_83 = arith.constant 0 : i32
        %dma_start3A_84 = arith.constant 0 : i32
        %dma_start3A_85 = tpu.memref_slice %arg4[%arg1, %scan3A_32, %dma_start3A_83, %dma_start3A_84] : memref<16x5x32x128xi32, #tpu.memory_space<hbm>> -> memref<1x1x32x128xi32, #tpu.memory_space<hbm>>
        %dma_start3A_86 = tpu.memref_squeeze %dma_start3A_85 : memref<1x1x32x128xi32, #tpu.memory_space<hbm>> -> memref<32x128xi32, #tpu.memory_space<hbm>>
        %dma_start3A_87 = arith.constant 0 : i32
        %dma_start3A_88 = arith.constant 0 : i32
        %dma_start3A_89 = tpu.memref_slice %arg4[%arg1, %scan3A_32, %dma_start3A_87, %dma_start3A_88] : memref<16x5x32x128xi32, #tpu.memory_space<hbm>> -> memref<1x1x32x128xi32, #tpu.memory_space<hbm>>
        %dma_start3A_90 = tpu.memref_squeeze %dma_start3A_89 : memref<1x1x32x128xi32, #tpu.memory_space<hbm>> -> memref<32x128xi32, #tpu.memory_space<hbm>>
        tpu.enqueue_dma source(%dma_start3A_90 : memref<32x128xi32, #tpu.memory_space<hbm>>) target(%arg8 : memref<32x128xi32, #tpu.memory_space<vmem>>) target_semaphore(%run_scoped3A_82 : memref<!tpu.dma_semaphore, #tpu.memory_space<semaphore_mem>>)
        %dma_wait3A_91 = arith.constant 0 : i32
        %dma_wait3A_92 = arith.constant 0 : i32
        %dma_wait3A_93 = tpu.memref_slice %arg4[%arg1, %scan3A_32, %dma_wait3A_91, %dma_wait3A_92] : memref<16x5x32x128xi32, #tpu.memory_space<hbm>> -> memref<1x1x32x128xi32, #tpu.memory_space<hbm>>
        %dma_wait3A_94 = tpu.memref_squeeze %dma_wait3A_93 : memref<1x1x32x128xi32, #tpu.memory_space<hbm>> -> memref<32x128xi32, #tpu.memory_space<hbm>>
        %dma_wait3A_95 = arith.constant 0 : i32
        %dma_wait3A_96 = arith.constant 0 : i32
        %dma_wait3A_97 = tpu.memref_slice %arg4[%arg1, %scan3A_32, %dma_wait3A_95, %dma_wait3A_96] : memref<16x5x32x128xi32, #tpu.memory_space<hbm>> -> memref<1x1x32x128xi32, #tpu.memory_space<hbm>>
        %dma_wait3A_98 = tpu.memref_squeeze %dma_wait3A_97 : memref<1x1x32x128xi32, #tpu.memory_space<hbm>> -> memref<32x128xi32, #tpu.memory_space<hbm>>
        tpu.wait_dma2 semaphore(%run_scoped3A_82 : memref<!tpu.dma_semaphore, #tpu.memory_space<semaphore_mem>>) src(%dma_wait3A_98 : memref<32x128xi32, #tpu.memory_space<hbm>>) dst(%arg8 : memref<32x128xi32, #tpu.memory_space<vmem>>)
        tpu.yield
      }) : () -> ()
      %dma_start3A = arith.constant 0 : i32
      %dma_start3A_33 = arith.constant 0 : i32
      %dma_start3A_34 = tpu.memref_slice %arg7[%dma_start3A, %dma_start3A_33] : memref<32x128xi32, #tpu.memory_space<vmem>> -> memref<1x128xi32, #tpu.memory_space<vmem>>
      %dma_start3A_35 = tpu.memref_squeeze %dma_start3A_34 : memref<1x128xi32, #tpu.memory_space<vmem>> -> memref<128xi32, #tpu.memory_space<vmem>>
      %dma_start3A_36 = arith.constant 0 : i32
      %dma_start3A_37 = arith.constant 0 : i32
      %dma_start3A_38 = tpu.memref_slice %arg2[%add3A_17, %dma_start3A_36, %dma_start3A_37] : memref<4x10240x128xf32, #tpu.memory_space<hbm>> -> memref<1x10240x128xf32, #tpu.memory_space<hbm>>
      %dma_start3A_39 = tpu.memref_squeeze %dma_start3A_38 : memref<1x10240x128xf32, #tpu.memory_space<hbm>> -> memref<10240x128xf32, #tpu.memory_space<hbm>>
      %dma_start3A_40 = arith.constant 0 : i32
      %dma_start3A_41 = arith.constant 0 : i32
      %dma_start3A_42 = tpu.memref_slice %dma_start3A_39[%dma_start3A_40, %dma_start3A_41] : memref<10240x128xf32, #tpu.memory_space<hbm>> -> memref<10240x128xf32, #tpu.memory_space<hbm>>
      tpu.enqueue_indirect_dma source(%dma_start3A_42 : memref<10240x128xf32, #tpu.memory_space<hbm>>) target(%arg9 : memref<128x128xf32, #tpu.memory_space<vmem>>) offsets(%dma_start3A_35 : memref<128xi32, #tpu.memory_space<vmem>>) semaphore(%arg12 : memref<!tpu.dma_semaphore, #tpu.memory_space<semaphore_mem>>)
      %dma_start3A_43 = arith.constant 1 : i32
      %dma_start3A_44 = arith.constant 0 : i32
      %dma_start3A_45 = tpu.memref_slice %arg7[%dma_start3A_43, %dma_start3A_44] : memref<32x128xi32, #tpu.memory_space<vmem>> -> memref<1x128xi32, #tpu.memory_space<vmem>>
      %dma_start3A_46 = tpu.memref_squeeze %dma_start3A_45 : memref<1x128xi32, #tpu.memory_space<vmem>> -> memref<128xi32, #tpu.memory_space<vmem>>
      %dma_start3A_47 = arith.constant 0 : i32
      %dma_start3A_48 = arith.constant 0 : i32
      %dma_start3A_49 = tpu.memref_slice %arg2[%add3A_17, %dma_start3A_47, %dma_start3A_48] : memref<4x10240x128xf32, #tpu.memory_space<hbm>> -> memref<1x10240x128xf32, #tpu.memory_space<hbm>>
      %dma_start3A_50 = tpu.memref_squeeze %dma_start3A_49 : memref<1x10240x128xf32, #tpu.memory_space<hbm>> -> memref<10240x128xf32, #tpu.memory_space<hbm>>
      %dma_start3A_51 = arith.constant 0 : i32
      %dma_start3A_52 = arith.constant 0 : i32
      %dma_start3A_53 = tpu.memref_slice %dma_start3A_50[%dma_start3A_51, %dma_start3A_52] : memref<10240x128xf32, #tpu.memory_space<hbm>> -> memref<10240x128xf32, #tpu.memory_space<hbm>>
      tpu.enqueue_indirect_dma source(%dma_start3A_53 : memref<10240x128xf32, #tpu.memory_space<hbm>>) target(%arg10 : memref<128x128xf32, #tpu.memory_space<vmem>>) offsets(%dma_start3A_46 : memref<128xi32, #tpu.memory_space<vmem>>) semaphore(%arg13 : memref<!tpu.dma_semaphore, #tpu.memory_space<semaphore_mem>>)
      %scan3A_54 = arith.constant 0 : i32
      %scan3A_55 = arith.constant 1 : i32
      %scan3A_56 = arith.constant 15 : i32
      %scan3A_57 = arith.addi %scan3A_55, %scan3A_56 : i32
      %scan3A_58 = arith.constant 1 : i32
      scf.for %scan3A_82 = %scan3A_55 to %scan3A_57 step %scan3A_58  : i32 {
        %mul3A_83 = arith.constant 2 : i32
        %mul3A_84 = arith.muli %mul3A_83, %scan3A_82 : i32
        %sub3A = arith.constant 2 : i32
        %sub3A_85 = arith.subi %mul3A_84, %sub3A : i32
        %dma_wait3A_86 = arith.constant 0 : i32
        %dma_wait3A_87 = tpu.memref_slice %arg7[%sub3A_85, %dma_wait3A_86] : memref<32x128xi32, #tpu.memory_space<vmem>> -> memref<1x128xi32, #tpu.memory_space<vmem>>
        %dma_wait3A_88 = tpu.memref_squeeze %dma_wait3A_87 : memref<1x128xi32, #tpu.memory_space<vmem>> -> memref<128xi32, #tpu.memory_space<vmem>>
        %dma_wait3A_89 = arith.constant 0 : i32
        %dma_wait3A_90 = arith.constant 0 : i32
        %dma_wait3A_91 = tpu.memref_slice %arg2[%add3A_17, %dma_wait3A_89, %dma_wait3A_90] : memref<4x10240x128xf32, #tpu.memory_space<hbm>> -> memref<1x10240x128xf32, #tpu.memory_space<hbm>>
        %dma_wait3A_92 = tpu.memref_squeeze %dma_wait3A_91 : memref<1x10240x128xf32, #tpu.memory_space<hbm>> -> memref<10240x128xf32, #tpu.memory_space<hbm>>
        %dma_wait3A_93 = arith.constant 0 : i32
        %dma_wait3A_94 = arith.constant 0 : i32
        %dma_wait3A_95 = tpu.memref_slice %dma_wait3A_92[%dma_wait3A_93, %dma_wait3A_94] : memref<10240x128xf32, #tpu.memory_space<hbm>> -> memref<10240x128xf32, #tpu.memory_space<hbm>>
        tpu.wait_indirect_dma semaphore(%arg12 : memref<!tpu.dma_semaphore, #tpu.memory_space<semaphore_mem>>) src(%dma_wait3A_95 : memref<10240x128xf32, #tpu.memory_space<hbm>>) dst(%arg9 : memref<128x128xf32, #tpu.memory_space<vmem>>)
        %sub3A_96 = arith.constant 2 : i32
        %sub3A_97 = arith.subi %mul3A_84, %sub3A_96 : i32
        "tpu.region"() ({
          %run_scoped3A_134 = tpu.sem_alloc : memref<!tpu.dma_semaphore, #tpu.memory_space<semaphore_mem>>
          %dma_start3A_135 = arith.constant 0 : i32
          %dma_start3A_136 = tpu.memref_slice %arg8[%sub3A_97, %dma_start3A_135] : memref<32x128xi32, #tpu.memory_space<vmem>> -> memref<1x128xi32, #tpu.memory_space<vmem>>
          %dma_start3A_137 = tpu.memref_squeeze %dma_start3A_136 : memref<1x128xi32, #tpu.memory_space<vmem>> -> memref<128xi32, #tpu.memory_space<vmem>>
          %dma_start3A_138 = arith.constant 0 : i32
          %dma_start3A_139 = arith.constant 0 : i32
          %dma_start3A_140 = tpu.memref_slice %arg11[%dma_start3A_138, %dma_start3A_139] : memref<10240x128xf32, #tpu.memory_space<vmem_shared>> -> memref<10240x128xf32, #tpu.memory_space<vmem_shared>>
          tpu.enqueue_indirect_dma source(%arg9 : memref<128x128xf32, #tpu.memory_space<vmem>>) target(%dma_start3A_140 : memref<10240x128xf32, #tpu.memory_space<vmem_shared>>) offsets(%dma_start3A_137 : memref<128xi32, #tpu.memory_space<vmem>>) semaphore(%run_scoped3A_134 : memref<!tpu.dma_semaphore, #tpu.memory_space<semaphore_mem>>) {add = true}
          %dma_wait3A_141 = arith.constant 0 : i32
          %dma_wait3A_142 = tpu.memref_slice %arg8[%sub3A_97, %dma_wait3A_141] : memref<32x128xi32, #tpu.memory_space<vmem>> -> memref<1x128xi32, #tpu.memory_space<vmem>>
          %dma_wait3A_143 = tpu.memref_squeeze %dma_wait3A_142 : memref<1x128xi32, #tpu.memory_space<vmem>> -> memref<128xi32, #tpu.memory_space<vmem>>
          %dma_wait3A_144 = arith.constant 0 : i32
          %dma_wait3A_145 = arith.constant 0 : i32
          %dma_wait3A_146 = tpu.memref_slice %arg11[%dma_wait3A_144, %dma_wait3A_145] : memref<10240x128xf32, #tpu.memory_space<vmem_shared>> -> memref<10240x128xf32, #tpu.memory_space<vmem_shared>>
          tpu.wait_indirect_dma semaphore(%run_scoped3A_134 : memref<!tpu.dma_semaphore, #tpu.memory_space<semaphore_mem>>) src(%arg9 : memref<128x128xf32, #tpu.memory_space<vmem>>) dst(%dma_wait3A_146 : memref<10240x128xf32, #tpu.memory_space<vmem_shared>>)
          tpu.yield
        }) : () -> ()
        %dma_start3A_98 = arith.constant 0 : i32
        %dma_start3A_99 = tpu.memref_slice %arg7[%mul3A_84, %dma_start3A_98] : memref<32x128xi32, #tpu.memory_space<vmem>> -> memref<1x128xi32, #tpu.memory_space<vmem>>
        %dma_start3A_100 = tpu.memref_squeeze %dma_start3A_99 : memref<1x128xi32, #tpu.memory_space<vmem>> -> memref<128xi32, #tpu.memory_space<vmem>>
        %dma_start3A_101 = arith.constant 0 : i32
        %dma_start3A_102 = arith.constant 0 : i32
        %dma_start3A_103 = tpu.memref_slice %arg2[%add3A_17, %dma_start3A_101, %dma_start3A_102] : memref<4x10240x128xf32, #tpu.memory_space<hbm>> -> memref<1x10240x128xf32, #tpu.memory_space<hbm>>
        %dma_start3A_104 = tpu.memref_squeeze %dma_start3A_103 : memref<1x10240x128xf32, #tpu.memory_space<hbm>> -> memref<10240x128xf32, #tpu.memory_space<hbm>>
        %dma_start3A_105 = arith.constant 0 : i32
        %dma_start3A_106 = arith.constant 0 : i32
        %dma_start3A_107 = tpu.memref_slice %dma_start3A_104[%dma_start3A_105, %dma_start3A_106] : memref<10240x128xf32, #tpu.memory_space<hbm>> -> memref<10240x128xf32, #tpu.memory_space<hbm>>
        tpu.enqueue_indirect_dma source(%dma_start3A_107 : memref<10240x128xf32, #tpu.memory_space<hbm>>) target(%arg9 : memref<128x128xf32, #tpu.memory_space<vmem>>) offsets(%dma_start3A_100 : memref<128xi32, #tpu.memory_space<vmem>>) semaphore(%arg12 : memref<!tpu.dma_semaphore, #tpu.memory_space<semaphore_mem>>)
        %sub3A_108 = arith.constant 1 : i32
        %sub3A_109 = arith.subi %mul3A_84, %sub3A_108 : i32
        %dma_wait3A_110 = arith.constant 0 : i32
        %dma_wait3A_111 = tpu.memref_slice %arg7[%sub3A_109, %dma_wait3A_110] : memref<32x128xi32, #tpu.memory_space<vmem>> -> memref<1x128xi32, #tpu.memory_space<vmem>>
        %dma_wait3A_112 = tpu.memref_squeeze %dma_wait3A_111 : memref<1x128xi32, #tpu.memory_space<vmem>> -> memref<128xi32, #tpu.memory_space<vmem>>
        %dma_wait3A_113 = arith.constant 0 : i32
        %dma_wait3A_114 = arith.constant 0 : i32
        %dma_wait3A_115 = tpu.memref_slice %arg2[%add3A_17, %dma_wait3A_113, %dma_wait3A_114] : memref<4x10240x128xf32, #tpu.memory_space<hbm>> -> memref<1x10240x128xf32, #tpu.memory_space<hbm>>
        %dma_wait3A_116 = tpu.memref_squeeze %dma_wait3A_115 : memref<1x10240x128xf32, #tpu.memory_space<hbm>> -> memref<10240x128xf32, #tpu.memory_space<hbm>>
        %dma_wait3A_117 = arith.constant 0 : i32
        %dma_wait3A_118 = arith.constant 0 : i32
        %dma_wait3A_119 = tpu.memref_slice %dma_wait3A_116[%dma_wait3A_117, %dma_wait3A_118] : memref<10240x128xf32, #tpu.memory_space<hbm>> -> memref<10240x128xf32, #tpu.memory_space<hbm>>
        tpu.wait_indirect_dma semaphore(%arg13 : memref<!tpu.dma_semaphore, #tpu.memory_space<semaphore_mem>>) src(%dma_wait3A_119 : memref<10240x128xf32, #tpu.memory_space<hbm>>) dst(%arg10 : memref<128x128xf32, #tpu.memory_space<vmem>>)
        %sub3A_120 = arith.constant 1 : i32
        %sub3A_121 = arith.subi %mul3A_84, %sub3A_120 : i32
        "tpu.region"() ({
          %run_scoped3A_134 = tpu.sem_alloc : memref<!tpu.dma_semaphore, #tpu.memory_space<semaphore_mem>>
          %dma_start3A_135 = arith.constant 0 : i32
          %dma_start3A_136 = tpu.memref_slice %arg8[%sub3A_121, %dma_start3A_135] : memref<32x128xi32, #tpu.memory_space<vmem>> -> memref<1x128xi32, #tpu.memory_space<vmem>>
          %dma_start3A_137 = tpu.memref_squeeze %dma_start3A_136 : memref<1x128xi32, #tpu.memory_space<vmem>> -> memref<128xi32, #tpu.memory_space<vmem>>
          %dma_start3A_138 = arith.constant 0 : i32
          %dma_start3A_139 = arith.constant 0 : i32
          %dma_start3A_140 = tpu.memref_slice %arg11[%dma_start3A_138, %dma_start3A_139] : memref<10240x128xf32, #tpu.memory_space<vmem_shared>> -> memref<10240x128xf32, #tpu.memory_space<vmem_shared>>
          tpu.enqueue_indirect_dma source(%arg10 : memref<128x128xf32, #tpu.memory_space<vmem>>) target(%dma_start3A_140 : memref<10240x128xf32, #tpu.memory_space<vmem_shared>>) offsets(%dma_start3A_137 : memref<128xi32, #tpu.memory_space<vmem>>) semaphore(%run_scoped3A_134 : memref<!tpu.dma_semaphore, #tpu.memory_space<semaphore_mem>>) {add = true}
          %dma_wait3A_141 = arith.constant 0 : i32
          %dma_wait3A_142 = tpu.memref_slice %arg8[%sub3A_121, %dma_wait3A_141] : memref<32x128xi32, #tpu.memory_space<vmem>> -> memref<1x128xi32, #tpu.memory_space<vmem>>
          %dma_wait3A_143 = tpu.memref_squeeze %dma_wait3A_142 : memref<1x128xi32, #tpu.memory_space<vmem>> -> memref<128xi32, #tpu.memory_space<vmem>>
          %dma_wait3A_144 = arith.constant 0 : i32
          %dma_wait3A_145 = arith.constant 0 : i32
          %dma_wait3A_146 = tpu.memref_slice %arg11[%dma_wait3A_144, %dma_wait3A_145] : memref<10240x128xf32, #tpu.memory_space<vmem_shared>> -> memref<10240x128xf32, #tpu.memory_space<vmem_shared>>
          tpu.wait_indirect_dma semaphore(%run_scoped3A_134 : memref<!tpu.dma_semaphore, #tpu.memory_space<semaphore_mem>>) src(%arg10 : memref<128x128xf32, #tpu.memory_space<vmem>>) dst(%dma_wait3A_146 : memref<10240x128xf32, #tpu.memory_space<vmem_shared>>)
          tpu.yield
        }) : () -> ()
        %add3A_122 = arith.constant 1 : i32
        %add3A_123 = arith.addi %mul3A_84, %add3A_122 : i32
        %dma_start3A_124 = arith.constant 0 : i32
        %dma_start3A_125 = tpu.memref_slice %arg7[%add3A_123, %dma_start3A_124] : memref<32x128xi32, #tpu.memory_space<vmem>> -> memref<1x128xi32, #tpu.memory_space<vmem>>
        %dma_start3A_126 = tpu.memref_squeeze %dma_start3A_125 : memref<1x128xi32, #tpu.memory_space<vmem>> -> memref<128xi32, #tpu.memory_space<vmem>>
        %dma_start3A_127 = arith.constant 0 : i32
        %dma_start3A_128 = arith.constant 0 : i32
        %dma_start3A_129 = tpu.memref_slice %arg2[%add3A_17, %dma_start3A_127, %dma_start3A_128] : memref<4x10240x128xf32, #tpu.memory_space<hbm>> -> memref<1x10240x128xf32, #tpu.memory_space<hbm>>
        %dma_start3A_130 = tpu.memref_squeeze %dma_start3A_129 : memref<1x10240x128xf32, #tpu.memory_space<hbm>> -> memref<10240x128xf32, #tpu.memory_space<hbm>>
        %dma_start3A_131 = arith.constant 0 : i32
        %dma_start3A_132 = arith.constant 0 : i32
        %dma_start3A_133 = tpu.memref_slice %dma_start3A_130[%dma_start3A_131, %dma_start3A_132] : memref<10240x128xf32, #tpu.memory_space<hbm>> -> memref<10240x128xf32, #tpu.memory_space<hbm>>
        tpu.enqueue_indirect_dma source(%dma_start3A_133 : memref<10240x128xf32, #tpu.memory_space<hbm>>) target(%arg10 : memref<128x128xf32, #tpu.memory_space<vmem>>) offsets(%dma_start3A_126 : memref<128xi32, #tpu.memory_space<vmem>>) semaphore(%arg13 : memref<!tpu.dma_semaphore, #tpu.memory_space<semaphore_mem>>)
      }
      %scan3A_59 = arith.constant 15 : i32
      %dma_wait3A = arith.constant 30 : i32
      %dma_wait3A_60 = arith.constant 0 : i32
      %dma_wait3A_61 = tpu.memref_slice %arg7[%dma_wait3A, %dma_wait3A_60] : memref<32x128xi32, #tpu.memory_space<vmem>> -> memref<1x128xi32, #tpu.memory_space<vmem>>
      %dma_wait3A_62 = tpu.memref_squeeze %dma_wait3A_61 : memref<1x128xi32, #tpu.memory_space<vmem>> -> memref<128xi32, #tpu.memory_space<vmem>>
      %dma_wait3A_63 = arith.constant 0 : i32
      %dma_wait3A_64 = arith.constant 0 : i32
      %dma_wait3A_65 = tpu.memref_slice %arg2[%add3A_17, %dma_wait3A_63, %dma_wait3A_64] : memref<4x10240x128xf32, #tpu.memory_space<hbm>> -> memref<1x10240x128xf32, #tpu.memory_space<hbm>>
      %dma_wait3A_66 = tpu.memref_squeeze %dma_wait3A_65 : memref<1x10240x128xf32, #tpu.memory_space<hbm>> -> memref<10240x128xf32, #tpu.memory_space<hbm>>
      %dma_wait3A_67 = arith.constant 0 : i32
      %dma_wait3A_68 = arith.constant 0 : i32
      %dma_wait3A_69 = tpu.memref_slice %dma_wait3A_66[%dma_wait3A_67, %dma_wait3A_68] : memref<10240x128xf32, #tpu.memory_space<hbm>> -> memref<10240x128xf32, #tpu.memory_space<hbm>>
      tpu.wait_indirect_dma semaphore(%arg12 : memref<!tpu.dma_semaphore, #tpu.memory_space<semaphore_mem>>) src(%dma_wait3A_69 : memref<10240x128xf32, #tpu.memory_space<hbm>>) dst(%arg9 : memref<128x128xf32, #tpu.memory_space<vmem>>)
      %run_scoped3A = arith.constant 30 : i32
      "tpu.region"() ({
        %run_scoped3A_82 = tpu.sem_alloc : memref<!tpu.dma_semaphore, #tpu.memory_space<semaphore_mem>>
        %dma_start3A_83 = arith.constant 0 : i32
        %dma_start3A_84 = tpu.memref_slice %arg8[%run_scoped3A, %dma_start3A_83] : memref<32x128xi32, #tpu.memory_space<vmem>> -> memref<1x128xi32, #tpu.memory_space<vmem>>
        %dma_start3A_85 = tpu.memref_squeeze %dma_start3A_84 : memref<1x128xi32, #tpu.memory_space<vmem>> -> memref<128xi32, #tpu.memory_space<vmem>>
        %dma_start3A_86 = arith.constant 0 : i32
        %dma_start3A_87 = arith.constant 0 : i32
        %dma_start3A_88 = tpu.memref_slice %arg11[%dma_start3A_86, %dma_start3A_87] : memref<10240x128xf32, #tpu.memory_space<vmem_shared>> -> memref<10240x128xf32, #tpu.memory_space<vmem_shared>>
        tpu.enqueue_indirect_dma source(%arg9 : memref<128x128xf32, #tpu.memory_space<vmem>>) target(%dma_start3A_88 : memref<10240x128xf32, #tpu.memory_space<vmem_shared>>) offsets(%dma_start3A_85 : memref<128xi32, #tpu.memory_space<vmem>>) semaphore(%run_scoped3A_82 : memref<!tpu.dma_semaphore, #tpu.memory_space<semaphore_mem>>) {add = true}
        %dma_wait3A_89 = arith.constant 0 : i32
        %dma_wait3A_90 = tpu.memref_slice %arg8[%run_scoped3A, %dma_wait3A_89] : memref<32x128xi32, #tpu.memory_space<vmem>> -> memref<1x128xi32, #tpu.memory_space<vmem>>
        %dma_wait3A_91 = tpu.memref_squeeze %dma_wait3A_90 : memref<1x128xi32, #tpu.memory_space<vmem>> -> memref<128xi32, #tpu.memory_space<vmem>>
        %dma_wait3A_92 = arith.constant 0 : i32
        %dma_wait3A_93 = arith.constant 0 : i32
        %dma_wait3A_94 = tpu.memref_slice %arg11[%dma_wait3A_92, %dma_wait3A_93] : memref<10240x128xf32, #tpu.memory_space<vmem_shared>> -> memref<10240x128xf32, #tpu.memory_space<vmem_shared>>
        tpu.wait_indirect_dma semaphore(%run_scoped3A_82 : memref<!tpu.dma_semaphore, #tpu.memory_space<semaphore_mem>>) src(%arg9 : memref<128x128xf32, #tpu.memory_space<vmem>>) dst(%dma_wait3A_94 : memref<10240x128xf32, #tpu.memory_space<vmem_shared>>)
        tpu.yield
      }) : () -> ()
      %dma_wait3A_70 = arith.constant 31 : i32
      %dma_wait3A_71 = arith.constant 0 : i32
      %dma_wait3A_72 = tpu.memref_slice %arg7[%dma_wait3A_70, %dma_wait3A_71] : memref<32x128xi32, #tpu.memory_space<vmem>> -> memref<1x128xi32, #tpu.memory_space<vmem>>
      %dma_wait3A_73 = tpu.memref_squeeze %dma_wait3A_72 : memref<1x128xi32, #tpu.memory_space<vmem>> -> memref<128xi32, #tpu.memory_space<vmem>>
      %dma_wait3A_74 = arith.constant 0 : i32
      %dma_wait3A_75 = arith.constant 0 : i32
      %dma_wait3A_76 = tpu.memref_slice %arg2[%add3A_17, %dma_wait3A_74, %dma_wait3A_75] : memref<4x10240x128xf32, #tpu.memory_space<hbm>> -> memref<1x10240x128xf32, #tpu.memory_space<hbm>>
      %dma_wait3A_77 = tpu.memref_squeeze %dma_wait3A_76 : memref<1x10240x128xf32, #tpu.memory_space<hbm>> -> memref<10240x128xf32, #tpu.memory_space<hbm>>
      %dma_wait3A_78 = arith.constant 0 : i32
      %dma_wait3A_79 = arith.constant 0 : i32
      %dma_wait3A_80 = tpu.memref_slice %dma_wait3A_77[%dma_wait3A_78, %dma_wait3A_79] : memref<10240x128xf32, #tpu.memory_space<hbm>> -> memref<10240x128xf32, #tpu.memory_space<hbm>>
      tpu.wait_indirect_dma semaphore(%arg13 : memref<!tpu.dma_semaphore, #tpu.memory_space<semaphore_mem>>) src(%dma_wait3A_80 : memref<10240x128xf32, #tpu.memory_space<hbm>>) dst(%arg10 : memref<128x128xf32, #tpu.memory_space<vmem>>)
      %run_scoped3A_81 = arith.constant 31 : i32
      "tpu.region"() ({
        %run_scoped3A_82 = tpu.sem_alloc : memref<!tpu.dma_semaphore, #tpu.memory_space<semaphore_mem>>
        %dma_start3A_83 = arith.constant 0 : i32
        %dma_start3A_84 = tpu.memref_slice %arg8[%run_scoped3A_81, %dma_start3A_83] : memref<32x128xi32, #tpu.memory_space<vmem>> -> memref<1x128xi32, #tpu.memory_space<vmem>>
        %dma_start3A_85 = tpu.memref_squeeze %dma_start3A_84 : memref<1x128xi32, #tpu.memory_space<vmem>> -> memref<128xi32, #tpu.memory_space<vmem>>
        %dma_start3A_86 = arith.constant 0 : i32
        %dma_start3A_87 = arith.constant 0 : i32
        %dma_start3A_88 = tpu.memref_slice %arg11[%dma_start3A_86, %dma_start3A_87] : memref<10240x128xf32, #tpu.memory_space<vmem_shared>> -> memref<10240x128xf32, #tpu.memory_space<vmem_shared>>
        tpu.enqueue_indirect_dma source(%arg10 : memref<128x128xf32, #tpu.memory_space<vmem>>) target(%dma_start3A_88 : memref<10240x128xf32, #tpu.memory_space<vmem_shared>>) offsets(%dma_start3A_85 : memref<128xi32, #tpu.memory_space<vmem>>) semaphore(%run_scoped3A_82 : memref<!tpu.dma_semaphore, #tpu.memory_space<semaphore_mem>>) {add = true}
        %dma_wait3A_89 = arith.constant 0 : i32
        %dma_wait3A_90 = tpu.memref_slice %arg8[%run_scoped3A_81, %dma_wait3A_89] : memref<32x128xi32, #tpu.memory_space<vmem>> -> memref<1x128xi32, #tpu.memory_space<vmem>>
        %dma_wait3A_91 = tpu.memref_squeeze %dma_wait3A_90 : memref<1x128xi32, #tpu.memory_space<vmem>> -> memref<128xi32, #tpu.memory_space<vmem>>
        %dma_wait3A_92 = arith.constant 0 : i32
        %dma_wait3A_93 = arith.constant 0 : i32
        %dma_wait3A_94 = tpu.memref_slice %arg11[%dma_wait3A_92, %dma_wait3A_93] : memref<10240x128xf32, #tpu.memory_space<vmem_shared>> -> memref<10240x128xf32, #tpu.memory_space<vmem_shared>>
        tpu.wait_indirect_dma semaphore(%run_scoped3A_82 : memref<!tpu.dma_semaphore, #tpu.memory_space<semaphore_mem>>) src(%arg10 : memref<128x128xf32, #tpu.memory_space<vmem>>) dst(%dma_wait3A_94 : memref<10240x128xf32, #tpu.memory_space<vmem_shared>>)
        tpu.yield
      }) : () -> ()
    }
    %scan3A_26 = arith.constant 5 : i32
    %barrier3A_27 = arith.constant 0 : index
    tpu.barrier barrier_id(%barrier3A_27)
    %mul3A_28 = arith.constant 640 : i32
    %mul3A_29 = arith.muli %arg1, %mul3A_28 : i32
    %mul3A_30 = arith.constant 640 : i32
    %mul3A_31 = arith.muli %arg1, %mul3A_30 : i32
    "tpu.region"() ({
      %run_scoped3A = tpu.sem_alloc : memref<!tpu.dma_semaphore, #tpu.memory_space<semaphore_mem>>
      %dma_start3A = arith.constant 0 : i32
      %dma_start3A_32 = tpu.memref_slice %arg6[%add3A_17, %mul3A_31, %dma_start3A] : memref<4x10240x128xf32, #tpu.memory_space<hbm>> -> memref<1x640x128xf32, #tpu.memory_space<hbm>>
      %dma_start3A_33 = tpu.memref_squeeze %dma_start3A_32 : memref<1x640x128xf32, #tpu.memory_space<hbm>> -> memref<640x128xf32, #tpu.memory_space<hbm>>
      %dma_start3A_34 = arith.constant 0 : i32
      %dma_start3A_35 = tpu.memref_slice %arg11[%mul3A_29, %dma_start3A_34] : memref<10240x128xf32, #tpu.memory_space<vmem_shared>> -> memref<640x128xf32, #tpu.memory_space<vmem_shared>>
      tpu.enqueue_dma source(%dma_start3A_35 : memref<640x128xf32, #tpu.memory_space<vmem_shared>>) target(%dma_start3A_33 : memref<640x128xf32, #tpu.memory_space<hbm>>) target_semaphore(%run_scoped3A : memref<!tpu.dma_semaphore, #tpu.memory_space<semaphore_mem>>)
      %dma_wait3A = arith.constant 0 : i32
      %dma_wait3A_36 = tpu.memref_slice %arg6[%add3A_17, %mul3A_31, %dma_wait3A] : memref<4x10240x128xf32, #tpu.memory_space<hbm>> -> memref<1x640x128xf32, #tpu.memory_space<hbm>>
      %dma_wait3A_37 = tpu.memref_squeeze %dma_wait3A_36 : memref<1x640x128xf32, #tpu.memory_space<hbm>> -> memref<640x128xf32, #tpu.memory_space<hbm>>
      %dma_wait3A_38 = arith.constant 0 : i32
      %dma_wait3A_39 = tpu.memref_slice %arg11[%mul3A_29, %dma_wait3A_38] : memref<10240x128xf32, #tpu.memory_space<vmem_shared>> -> memref<640x128xf32, #tpu.memory_space<vmem_shared>>
      tpu.wait_dma2 semaphore(%run_scoped3A : memref<!tpu.dma_semaphore, #tpu.memory_space<semaphore_mem>>) src(%dma_wait3A_39 : memref<640x128xf32, #tpu.memory_space<vmem_shared>>) dst(%dma_wait3A_37 : memref<640x128xf32, #tpu.memory_space<hbm>>)
      tpu.yield
    }) : () -> ()
    return
  }
}

#map = affine_map<(d0, d1) -> (0, 0)>
#map1 = affine_map<(d0, d1) -> (0, 0, 0, 0)>
#map2 = affine_map<(d0, d1) -> (0, 0, 0)>
module attributes {stable_mosaic.version = 14 : i64} {
  func.func @_sc_prop0(%arg0: i32, %arg1: i32, %arg2: memref<10240x128xf32, #tpu.memory_space<hbm>>, %arg3: memref<32x5x16x128xi32, #tpu.memory_space<hbm>>, %arg4: memref<32x5x16x128xi32, #tpu.memory_space<hbm>>, %arg5: memref<640x128xf32, #tpu.memory_space<hbm>>, %arg6: memref<2x10240x128xf32, #tpu.memory_space<hbm>>, %arg7: memref<16x128xi32, #tpu.memory_space<vmem>>, %arg8: memref<16x128xi32, #tpu.memory_space<vmem>>, %arg9: memref<128x128xf32, #tpu.memory_space<vmem>>, %arg10: memref<128x128xf32, #tpu.memory_space<vmem>>, %arg11: memref<10240x128xf32, #tpu.memory_space<vmem_shared>>, %arg12: memref<!tpu.dma_semaphore, #tpu.memory_space<semaphore_mem>>, %arg13: memref<!tpu.dma_semaphore, #tpu.memory_space<semaphore_mem>>) attributes {dimension_semantics = [#tpu.dimension_semantics<core_parallel>, #tpu.dimension_semantics<subcore_parallel>], iteration_bounds = array<i64: 2, 16>, scalar_prefetch = 0 : i64, scratch_operands = 7 : i64, tpu.core_type = #tpu.core_type<sc_vector_subcore>, window_params = [{transform_indices = #map}, {transform_indices = #map1}, {transform_indices = #map1}, {transform_indices = #map}, {transform_indices = #map2}]} {
    %mul3A = arith.constant 16 : i32
    %mul3A_0 = arith.muli %arg0, %mul3A : i32
    %add3A = arith.addi %mul3A_0, %arg1 : i32
    %mul3A_1 = arith.constant 640 : i32
    %mul3A_2 = arith.muli %arg1, %mul3A_1 : i32
    "tpu.region"() ({
      %run_scoped3A = tpu.sem_alloc : memref<!tpu.dma_semaphore, #tpu.memory_space<semaphore_mem>>
      %dma_start3A = arith.constant 0 : i32
      %dma_start3A_13 = tpu.memref_slice %arg11[%mul3A_2, %dma_start3A] : memref<10240x128xf32, #tpu.memory_space<vmem_shared>> -> memref<640x128xf32, #tpu.memory_space<vmem_shared>>
      tpu.enqueue_dma source(%arg5 : memref<640x128xf32, #tpu.memory_space<hbm>>) target(%dma_start3A_13 : memref<640x128xf32, #tpu.memory_space<vmem_shared>>) target_semaphore(%run_scoped3A : memref<!tpu.dma_semaphore, #tpu.memory_space<semaphore_mem>>)
      %dma_wait3A = arith.constant 0 : i32
      %dma_wait3A_14 = tpu.memref_slice %arg11[%mul3A_2, %dma_wait3A] : memref<10240x128xf32, #tpu.memory_space<vmem_shared>> -> memref<640x128xf32, #tpu.memory_space<vmem_shared>>
      tpu.wait_dma2 semaphore(%run_scoped3A : memref<!tpu.dma_semaphore, #tpu.memory_space<semaphore_mem>>) src(%arg5 : memref<640x128xf32, #tpu.memory_space<hbm>>) dst(%dma_wait3A_14 : memref<640x128xf32, #tpu.memory_space<vmem_shared>>)
      tpu.yield
    }) : () -> ()
    %barrier3A = arith.constant 0 : index
    tpu.barrier barrier_id(%barrier3A)
    %scan3A = arith.constant 0 : i32
    %scan3A_3 = arith.constant 0 : i32
    %scan3A_4 = arith.constant 5 : i32
    %scan3A_5 = arith.addi %scan3A_3, %scan3A_4 : i32
    %scan3A_6 = arith.constant 1 : i32
    scf.for %scan3A_13 = %scan3A_3 to %scan3A_5 step %scan3A_6  : i32 {
      "tpu.region"() ({
        %run_scoped3A_47 = tpu.sem_alloc : memref<!tpu.dma_semaphore, #tpu.memory_space<semaphore_mem>>
        %dma_start3A_48 = arith.constant 0 : i32
        %dma_start3A_49 = arith.constant 0 : i32
        %dma_start3A_50 = tpu.memref_slice %arg3[%add3A, %scan3A_13, %dma_start3A_48, %dma_start3A_49] : memref<32x5x16x128xi32, #tpu.memory_space<hbm>> -> memref<1x1x16x128xi32, #tpu.memory_space<hbm>>
        %dma_start3A_51 = tpu.memref_squeeze %dma_start3A_50 : memref<1x1x16x128xi32, #tpu.memory_space<hbm>> -> memref<16x128xi32, #tpu.memory_space<hbm>>
        %dma_start3A_52 = arith.constant 0 : i32
        %dma_start3A_53 = arith.constant 0 : i32
        %dma_start3A_54 = tpu.memref_slice %arg3[%add3A, %scan3A_13, %dma_start3A_52, %dma_start3A_53] : memref<32x5x16x128xi32, #tpu.memory_space<hbm>> -> memref<1x1x16x128xi32, #tpu.memory_space<hbm>>
        %dma_start3A_55 = tpu.memref_squeeze %dma_start3A_54 : memref<1x1x16x128xi32, #tpu.memory_space<hbm>> -> memref<16x128xi32, #tpu.memory_space<hbm>>
        tpu.enqueue_dma source(%dma_start3A_55 : memref<16x128xi32, #tpu.memory_space<hbm>>) target(%arg7 : memref<16x128xi32, #tpu.memory_space<vmem>>) target_semaphore(%run_scoped3A_47 : memref<!tpu.dma_semaphore, #tpu.memory_space<semaphore_mem>>)
        %dma_wait3A_56 = arith.constant 0 : i32
        %dma_wait3A_57 = arith.constant 0 : i32
        %dma_wait3A_58 = tpu.memref_slice %arg3[%add3A, %scan3A_13, %dma_wait3A_56, %dma_wait3A_57] : memref<32x5x16x128xi32, #tpu.memory_space<hbm>> -> memref<1x1x16x128xi32, #tpu.memory_space<hbm>>
        %dma_wait3A_59 = tpu.memref_squeeze %dma_wait3A_58 : memref<1x1x16x128xi32, #tpu.memory_space<hbm>> -> memref<16x128xi32, #tpu.memory_space<hbm>>
        %dma_wait3A_60 = arith.constant 0 : i32
        %dma_wait3A_61 = arith.constant 0 : i32
        %dma_wait3A_62 = tpu.memref_slice %arg3[%add3A, %scan3A_13, %dma_wait3A_60, %dma_wait3A_61] : memref<32x5x16x128xi32, #tpu.memory_space<hbm>> -> memref<1x1x16x128xi32, #tpu.memory_space<hbm>>
        %dma_wait3A_63 = tpu.memref_squeeze %dma_wait3A_62 : memref<1x1x16x128xi32, #tpu.memory_space<hbm>> -> memref<16x128xi32, #tpu.memory_space<hbm>>
        tpu.wait_dma2 semaphore(%run_scoped3A_47 : memref<!tpu.dma_semaphore, #tpu.memory_space<semaphore_mem>>) src(%dma_wait3A_63 : memref<16x128xi32, #tpu.memory_space<hbm>>) dst(%arg7 : memref<16x128xi32, #tpu.memory_space<vmem>>)
        tpu.yield
      }) : () -> ()
      "tpu.region"() ({
        %run_scoped3A_47 = tpu.sem_alloc : memref<!tpu.dma_semaphore, #tpu.memory_space<semaphore_mem>>
        %dma_start3A_48 = arith.constant 0 : i32
        %dma_start3A_49 = arith.constant 0 : i32
        %dma_start3A_50 = tpu.memref_slice %arg4[%add3A, %scan3A_13, %dma_start3A_48, %dma_start3A_49] : memref<32x5x16x128xi32, #tpu.memory_space<hbm>> -> memref<1x1x16x128xi32, #tpu.memory_space<hbm>>
        %dma_start3A_51 = tpu.memref_squeeze %dma_start3A_50 : memref<1x1x16x128xi32, #tpu.memory_space<hbm>> -> memref<16x128xi32, #tpu.memory_space<hbm>>
        %dma_start3A_52 = arith.constant 0 : i32
        %dma_start3A_53 = arith.constant 0 : i32
        %dma_start3A_54 = tpu.memref_slice %arg4[%add3A, %scan3A_13, %dma_start3A_52, %dma_start3A_53] : memref<32x5x16x128xi32, #tpu.memory_space<hbm>> -> memref<1x1x16x128xi32, #tpu.memory_space<hbm>>
        %dma_start3A_55 = tpu.memref_squeeze %dma_start3A_54 : memref<1x1x16x128xi32, #tpu.memory_space<hbm>> -> memref<16x128xi32, #tpu.memory_space<hbm>>
        tpu.enqueue_dma source(%dma_start3A_55 : memref<16x128xi32, #tpu.memory_space<hbm>>) target(%arg8 : memref<16x128xi32, #tpu.memory_space<vmem>>) target_semaphore(%run_scoped3A_47 : memref<!tpu.dma_semaphore, #tpu.memory_space<semaphore_mem>>)
        %dma_wait3A_56 = arith.constant 0 : i32
        %dma_wait3A_57 = arith.constant 0 : i32
        %dma_wait3A_58 = tpu.memref_slice %arg4[%add3A, %scan3A_13, %dma_wait3A_56, %dma_wait3A_57] : memref<32x5x16x128xi32, #tpu.memory_space<hbm>> -> memref<1x1x16x128xi32, #tpu.memory_space<hbm>>
        %dma_wait3A_59 = tpu.memref_squeeze %dma_wait3A_58 : memref<1x1x16x128xi32, #tpu.memory_space<hbm>> -> memref<16x128xi32, #tpu.memory_space<hbm>>
        %dma_wait3A_60 = arith.constant 0 : i32
        %dma_wait3A_61 = arith.constant 0 : i32
        %dma_wait3A_62 = tpu.memref_slice %arg4[%add3A, %scan3A_13, %dma_wait3A_60, %dma_wait3A_61] : memref<32x5x16x128xi32, #tpu.memory_space<hbm>> -> memref<1x1x16x128xi32, #tpu.memory_space<hbm>>
        %dma_wait3A_63 = tpu.memref_squeeze %dma_wait3A_62 : memref<1x1x16x128xi32, #tpu.memory_space<hbm>> -> memref<16x128xi32, #tpu.memory_space<hbm>>
        tpu.wait_dma2 semaphore(%run_scoped3A_47 : memref<!tpu.dma_semaphore, #tpu.memory_space<semaphore_mem>>) src(%dma_wait3A_63 : memref<16x128xi32, #tpu.memory_space<hbm>>) dst(%arg8 : memref<16x128xi32, #tpu.memory_space<vmem>>)
        tpu.yield
      }) : () -> ()
      %dma_start3A = arith.constant 0 : i32
      %dma_start3A_14 = arith.constant 0 : i32
      %dma_start3A_15 = tpu.memref_slice %arg7[%dma_start3A, %dma_start3A_14] : memref<16x128xi32, #tpu.memory_space<vmem>> -> memref<1x128xi32, #tpu.memory_space<vmem>>
      %dma_start3A_16 = tpu.memref_squeeze %dma_start3A_15 : memref<1x128xi32, #tpu.memory_space<vmem>> -> memref<128xi32, #tpu.memory_space<vmem>>
      %dma_start3A_17 = arith.constant 0 : i32
      %dma_start3A_18 = arith.constant 0 : i32
      %dma_start3A_19 = tpu.memref_slice %arg2[%dma_start3A_17, %dma_start3A_18] : memref<10240x128xf32, #tpu.memory_space<hbm>> -> memref<10240x128xf32, #tpu.memory_space<hbm>>
      tpu.enqueue_indirect_dma source(%dma_start3A_19 : memref<10240x128xf32, #tpu.memory_space<hbm>>) target(%arg9 : memref<128x128xf32, #tpu.memory_space<vmem>>) offsets(%dma_start3A_16 : memref<128xi32, #tpu.memory_space<vmem>>) semaphore(%arg12 : memref<!tpu.dma_semaphore, #tpu.memory_space<semaphore_mem>>)
      %dma_start3A_20 = arith.constant 1 : i32
      %dma_start3A_21 = arith.constant 0 : i32
      %dma_start3A_22 = tpu.memref_slice %arg7[%dma_start3A_20, %dma_start3A_21] : memref<16x128xi32, #tpu.memory_space<vmem>> -> memref<1x128xi32, #tpu.memory_space<vmem>>
      %dma_start3A_23 = tpu.memref_squeeze %dma_start3A_22 : memref<1x128xi32, #tpu.memory_space<vmem>> -> memref<128xi32, #tpu.memory_space<vmem>>
      %dma_start3A_24 = arith.constant 0 : i32
      %dma_start3A_25 = arith.constant 0 : i32
      %dma_start3A_26 = tpu.memref_slice %arg2[%dma_start3A_24, %dma_start3A_25] : memref<10240x128xf32, #tpu.memory_space<hbm>> -> memref<10240x128xf32, #tpu.memory_space<hbm>>
      tpu.enqueue_indirect_dma source(%dma_start3A_26 : memref<10240x128xf32, #tpu.memory_space<hbm>>) target(%arg10 : memref<128x128xf32, #tpu.memory_space<vmem>>) offsets(%dma_start3A_23 : memref<128xi32, #tpu.memory_space<vmem>>) semaphore(%arg13 : memref<!tpu.dma_semaphore, #tpu.memory_space<semaphore_mem>>)
      %scan3A_27 = arith.constant 0 : i32
      %scan3A_28 = arith.constant 1 : i32
      %scan3A_29 = arith.constant 7 : i32
      %scan3A_30 = arith.addi %scan3A_28, %scan3A_29 : i32
      %scan3A_31 = arith.constant 1 : i32
      scf.for %scan3A_47 = %scan3A_28 to %scan3A_30 step %scan3A_31  : i32 {
        %mul3A_48 = arith.constant 2 : i32
        %mul3A_49 = arith.muli %mul3A_48, %scan3A_47 : i32
        %sub3A = arith.constant 2 : i32
        %sub3A_50 = arith.subi %mul3A_49, %sub3A : i32
        %dma_wait3A_51 = arith.constant 0 : i32
        %dma_wait3A_52 = tpu.memref_slice %arg7[%sub3A_50, %dma_wait3A_51] : memref<16x128xi32, #tpu.memory_space<vmem>> -> memref<1x128xi32, #tpu.memory_space<vmem>>
        %dma_wait3A_53 = tpu.memref_squeeze %dma_wait3A_52 : memref<1x128xi32, #tpu.memory_space<vmem>> -> memref<128xi32, #tpu.memory_space<vmem>>
        %dma_wait3A_54 = arith.constant 0 : i32
        %dma_wait3A_55 = arith.constant 0 : i32
        %dma_wait3A_56 = tpu.memref_slice %arg2[%dma_wait3A_54, %dma_wait3A_55] : memref<10240x128xf32, #tpu.memory_space<hbm>> -> memref<10240x128xf32, #tpu.memory_space<hbm>>
        tpu.wait_indirect_dma semaphore(%arg12 : memref<!tpu.dma_semaphore, #tpu.memory_space<semaphore_mem>>) src(%dma_wait3A_56 : memref<10240x128xf32, #tpu.memory_space<hbm>>) dst(%arg9 : memref<128x128xf32, #tpu.memory_space<vmem>>)
        %sub3A_57 = arith.constant 2 : i32
        %sub3A_58 = arith.subi %mul3A_49, %sub3A_57 : i32
        "tpu.region"() ({
          %run_scoped3A_83 = tpu.sem_alloc : memref<!tpu.dma_semaphore, #tpu.memory_space<semaphore_mem>>
          %dma_start3A_84 = arith.constant 0 : i32
          %dma_start3A_85 = tpu.memref_slice %arg8[%sub3A_58, %dma_start3A_84] : memref<16x128xi32, #tpu.memory_space<vmem>> -> memref<1x128xi32, #tpu.memory_space<vmem>>
          %dma_start3A_86 = tpu.memref_squeeze %dma_start3A_85 : memref<1x128xi32, #tpu.memory_space<vmem>> -> memref<128xi32, #tpu.memory_space<vmem>>
          %dma_start3A_87 = arith.constant 0 : i32
          %dma_start3A_88 = arith.constant 0 : i32
          %dma_start3A_89 = tpu.memref_slice %arg11[%dma_start3A_87, %dma_start3A_88] : memref<10240x128xf32, #tpu.memory_space<vmem_shared>> -> memref<10240x128xf32, #tpu.memory_space<vmem_shared>>
          tpu.enqueue_indirect_dma source(%arg9 : memref<128x128xf32, #tpu.memory_space<vmem>>) target(%dma_start3A_89 : memref<10240x128xf32, #tpu.memory_space<vmem_shared>>) offsets(%dma_start3A_86 : memref<128xi32, #tpu.memory_space<vmem>>) semaphore(%run_scoped3A_83 : memref<!tpu.dma_semaphore, #tpu.memory_space<semaphore_mem>>) {add = true}
          %dma_wait3A_90 = arith.constant 0 : i32
          %dma_wait3A_91 = tpu.memref_slice %arg8[%sub3A_58, %dma_wait3A_90] : memref<16x128xi32, #tpu.memory_space<vmem>> -> memref<1x128xi32, #tpu.memory_space<vmem>>
          %dma_wait3A_92 = tpu.memref_squeeze %dma_wait3A_91 : memref<1x128xi32, #tpu.memory_space<vmem>> -> memref<128xi32, #tpu.memory_space<vmem>>
          %dma_wait3A_93 = arith.constant 0 : i32
          %dma_wait3A_94 = arith.constant 0 : i32
          %dma_wait3A_95 = tpu.memref_slice %arg11[%dma_wait3A_93, %dma_wait3A_94] : memref<10240x128xf32, #tpu.memory_space<vmem_shared>> -> memref<10240x128xf32, #tpu.memory_space<vmem_shared>>
          tpu.wait_indirect_dma semaphore(%run_scoped3A_83 : memref<!tpu.dma_semaphore, #tpu.memory_space<semaphore_mem>>) src(%arg9 : memref<128x128xf32, #tpu.memory_space<vmem>>) dst(%dma_wait3A_95 : memref<10240x128xf32, #tpu.memory_space<vmem_shared>>)
          tpu.yield
        }) : () -> ()
        %dma_start3A_59 = arith.constant 0 : i32
        %dma_start3A_60 = tpu.memref_slice %arg7[%mul3A_49, %dma_start3A_59] : memref<16x128xi32, #tpu.memory_space<vmem>> -> memref<1x128xi32, #tpu.memory_space<vmem>>
        %dma_start3A_61 = tpu.memref_squeeze %dma_start3A_60 : memref<1x128xi32, #tpu.memory_space<vmem>> -> memref<128xi32, #tpu.memory_space<vmem>>
        %dma_start3A_62 = arith.constant 0 : i32
        %dma_start3A_63 = arith.constant 0 : i32
        %dma_start3A_64 = tpu.memref_slice %arg2[%dma_start3A_62, %dma_start3A_63] : memref<10240x128xf32, #tpu.memory_space<hbm>> -> memref<10240x128xf32, #tpu.memory_space<hbm>>
        tpu.enqueue_indirect_dma source(%dma_start3A_64 : memref<10240x128xf32, #tpu.memory_space<hbm>>) target(%arg9 : memref<128x128xf32, #tpu.memory_space<vmem>>) offsets(%dma_start3A_61 : memref<128xi32, #tpu.memory_space<vmem>>) semaphore(%arg12 : memref<!tpu.dma_semaphore, #tpu.memory_space<semaphore_mem>>)
        %sub3A_65 = arith.constant 1 : i32
        %sub3A_66 = arith.subi %mul3A_49, %sub3A_65 : i32
        %dma_wait3A_67 = arith.constant 0 : i32
        %dma_wait3A_68 = tpu.memref_slice %arg7[%sub3A_66, %dma_wait3A_67] : memref<16x128xi32, #tpu.memory_space<vmem>> -> memref<1x128xi32, #tpu.memory_space<vmem>>
        %dma_wait3A_69 = tpu.memref_squeeze %dma_wait3A_68 : memref<1x128xi32, #tpu.memory_space<vmem>> -> memref<128xi32, #tpu.memory_space<vmem>>
        %dma_wait3A_70 = arith.constant 0 : i32
        %dma_wait3A_71 = arith.constant 0 : i32
        %dma_wait3A_72 = tpu.memref_slice %arg2[%dma_wait3A_70, %dma_wait3A_71] : memref<10240x128xf32, #tpu.memory_space<hbm>> -> memref<10240x128xf32, #tpu.memory_space<hbm>>
        tpu.wait_indirect_dma semaphore(%arg13 : memref<!tpu.dma_semaphore, #tpu.memory_space<semaphore_mem>>) src(%dma_wait3A_72 : memref<10240x128xf32, #tpu.memory_space<hbm>>) dst(%arg10 : memref<128x128xf32, #tpu.memory_space<vmem>>)
        %sub3A_73 = arith.constant 1 : i32
        %sub3A_74 = arith.subi %mul3A_49, %sub3A_73 : i32
        "tpu.region"() ({
          %run_scoped3A_83 = tpu.sem_alloc : memref<!tpu.dma_semaphore, #tpu.memory_space<semaphore_mem>>
          %dma_start3A_84 = arith.constant 0 : i32
          %dma_start3A_85 = tpu.memref_slice %arg8[%sub3A_74, %dma_start3A_84] : memref<16x128xi32, #tpu.memory_space<vmem>> -> memref<1x128xi32, #tpu.memory_space<vmem>>
          %dma_start3A_86 = tpu.memref_squeeze %dma_start3A_85 : memref<1x128xi32, #tpu.memory_space<vmem>> -> memref<128xi32, #tpu.memory_space<vmem>>
          %dma_start3A_87 = arith.constant 0 : i32
          %dma_start3A_88 = arith.constant 0 : i32
          %dma_start3A_89 = tpu.memref_slice %arg11[%dma_start3A_87, %dma_start3A_88] : memref<10240x128xf32, #tpu.memory_space<vmem_shared>> -> memref<10240x128xf32, #tpu.memory_space<vmem_shared>>
          tpu.enqueue_indirect_dma source(%arg10 : memref<128x128xf32, #tpu.memory_space<vmem>>) target(%dma_start3A_89 : memref<10240x128xf32, #tpu.memory_space<vmem_shared>>) offsets(%dma_start3A_86 : memref<128xi32, #tpu.memory_space<vmem>>) semaphore(%run_scoped3A_83 : memref<!tpu.dma_semaphore, #tpu.memory_space<semaphore_mem>>) {add = true}
          %dma_wait3A_90 = arith.constant 0 : i32
          %dma_wait3A_91 = tpu.memref_slice %arg8[%sub3A_74, %dma_wait3A_90] : memref<16x128xi32, #tpu.memory_space<vmem>> -> memref<1x128xi32, #tpu.memory_space<vmem>>
          %dma_wait3A_92 = tpu.memref_squeeze %dma_wait3A_91 : memref<1x128xi32, #tpu.memory_space<vmem>> -> memref<128xi32, #tpu.memory_space<vmem>>
          %dma_wait3A_93 = arith.constant 0 : i32
          %dma_wait3A_94 = arith.constant 0 : i32
          %dma_wait3A_95 = tpu.memref_slice %arg11[%dma_wait3A_93, %dma_wait3A_94] : memref<10240x128xf32, #tpu.memory_space<vmem_shared>> -> memref<10240x128xf32, #tpu.memory_space<vmem_shared>>
          tpu.wait_indirect_dma semaphore(%run_scoped3A_83 : memref<!tpu.dma_semaphore, #tpu.memory_space<semaphore_mem>>) src(%arg10 : memref<128x128xf32, #tpu.memory_space<vmem>>) dst(%dma_wait3A_95 : memref<10240x128xf32, #tpu.memory_space<vmem_shared>>)
          tpu.yield
        }) : () -> ()
        %add3A_75 = arith.constant 1 : i32
        %add3A_76 = arith.addi %mul3A_49, %add3A_75 : i32
        %dma_start3A_77 = arith.constant 0 : i32
        %dma_start3A_78 = tpu.memref_slice %arg7[%add3A_76, %dma_start3A_77] : memref<16x128xi32, #tpu.memory_space<vmem>> -> memref<1x128xi32, #tpu.memory_space<vmem>>
        %dma_start3A_79 = tpu.memref_squeeze %dma_start3A_78 : memref<1x128xi32, #tpu.memory_space<vmem>> -> memref<128xi32, #tpu.memory_space<vmem>>
        %dma_start3A_80 = arith.constant 0 : i32
        %dma_start3A_81 = arith.constant 0 : i32
        %dma_start3A_82 = tpu.memref_slice %arg2[%dma_start3A_80, %dma_start3A_81] : memref<10240x128xf32, #tpu.memory_space<hbm>> -> memref<10240x128xf32, #tpu.memory_space<hbm>>
        tpu.enqueue_indirect_dma source(%dma_start3A_82 : memref<10240x128xf32, #tpu.memory_space<hbm>>) target(%arg10 : memref<128x128xf32, #tpu.memory_space<vmem>>) offsets(%dma_start3A_79 : memref<128xi32, #tpu.memory_space<vmem>>) semaphore(%arg13 : memref<!tpu.dma_semaphore, #tpu.memory_space<semaphore_mem>>)
      }
      %scan3A_32 = arith.constant 7 : i32
      %dma_wait3A = arith.constant 14 : i32
      %dma_wait3A_33 = arith.constant 0 : i32
      %dma_wait3A_34 = tpu.memref_slice %arg7[%dma_wait3A, %dma_wait3A_33] : memref<16x128xi32, #tpu.memory_space<vmem>> -> memref<1x128xi32, #tpu.memory_space<vmem>>
      %dma_wait3A_35 = tpu.memref_squeeze %dma_wait3A_34 : memref<1x128xi32, #tpu.memory_space<vmem>> -> memref<128xi32, #tpu.memory_space<vmem>>
      %dma_wait3A_36 = arith.constant 0 : i32
      %dma_wait3A_37 = arith.constant 0 : i32
      %dma_wait3A_38 = tpu.memref_slice %arg2[%dma_wait3A_36, %dma_wait3A_37] : memref<10240x128xf32, #tpu.memory_space<hbm>> -> memref<10240x128xf32, #tpu.memory_space<hbm>>
      tpu.wait_indirect_dma semaphore(%arg12 : memref<!tpu.dma_semaphore, #tpu.memory_space<semaphore_mem>>) src(%dma_wait3A_38 : memref<10240x128xf32, #tpu.memory_space<hbm>>) dst(%arg9 : memref<128x128xf32, #tpu.memory_space<vmem>>)
      %run_scoped3A = arith.constant 14 : i32
      "tpu.region"() ({
        %run_scoped3A_47 = tpu.sem_alloc : memref<!tpu.dma_semaphore, #tpu.memory_space<semaphore_mem>>
        %dma_start3A_48 = arith.constant 0 : i32
        %dma_start3A_49 = tpu.memref_slice %arg8[%run_scoped3A, %dma_start3A_48] : memref<16x128xi32, #tpu.memory_space<vmem>> -> memref<1x128xi32, #tpu.memory_space<vmem>>
        %dma_start3A_50 = tpu.memref_squeeze %dma_start3A_49 : memref<1x128xi32, #tpu.memory_space<vmem>> -> memref<128xi32, #tpu.memory_space<vmem>>
        %dma_start3A_51 = arith.constant 0 : i32
        %dma_start3A_52 = arith.constant 0 : i32
        %dma_start3A_53 = tpu.memref_slice %arg11[%dma_start3A_51, %dma_start3A_52] : memref<10240x128xf32, #tpu.memory_space<vmem_shared>> -> memref<10240x128xf32, #tpu.memory_space<vmem_shared>>
        tpu.enqueue_indirect_dma source(%arg9 : memref<128x128xf32, #tpu.memory_space<vmem>>) target(%dma_start3A_53 : memref<10240x128xf32, #tpu.memory_space<vmem_shared>>) offsets(%dma_start3A_50 : memref<128xi32, #tpu.memory_space<vmem>>) semaphore(%run_scoped3A_47 : memref<!tpu.dma_semaphore, #tpu.memory_space<semaphore_mem>>) {add = true}
        %dma_wait3A_54 = arith.constant 0 : i32
        %dma_wait3A_55 = tpu.memref_slice %arg8[%run_scoped3A, %dma_wait3A_54] : memref<16x128xi32, #tpu.memory_space<vmem>> -> memref<1x128xi32, #tpu.memory_space<vmem>>
        %dma_wait3A_56 = tpu.memref_squeeze %dma_wait3A_55 : memref<1x128xi32, #tpu.memory_space<vmem>> -> memref<128xi32, #tpu.memory_space<vmem>>
        %dma_wait3A_57 = arith.constant 0 : i32
        %dma_wait3A_58 = arith.constant 0 : i32
        %dma_wait3A_59 = tpu.memref_slice %arg11[%dma_wait3A_57, %dma_wait3A_58] : memref<10240x128xf32, #tpu.memory_space<vmem_shared>> -> memref<10240x128xf32, #tpu.memory_space<vmem_shared>>
        tpu.wait_indirect_dma semaphore(%run_scoped3A_47 : memref<!tpu.dma_semaphore, #tpu.memory_space<semaphore_mem>>) src(%arg9 : memref<128x128xf32, #tpu.memory_space<vmem>>) dst(%dma_wait3A_59 : memref<10240x128xf32, #tpu.memory_space<vmem_shared>>)
        tpu.yield
      }) : () -> ()
      %dma_wait3A_39 = arith.constant 15 : i32
      %dma_wait3A_40 = arith.constant 0 : i32
      %dma_wait3A_41 = tpu.memref_slice %arg7[%dma_wait3A_39, %dma_wait3A_40] : memref<16x128xi32, #tpu.memory_space<vmem>> -> memref<1x128xi32, #tpu.memory_space<vmem>>
      %dma_wait3A_42 = tpu.memref_squeeze %dma_wait3A_41 : memref<1x128xi32, #tpu.memory_space<vmem>> -> memref<128xi32, #tpu.memory_space<vmem>>
      %dma_wait3A_43 = arith.constant 0 : i32
      %dma_wait3A_44 = arith.constant 0 : i32
      %dma_wait3A_45 = tpu.memref_slice %arg2[%dma_wait3A_43, %dma_wait3A_44] : memref<10240x128xf32, #tpu.memory_space<hbm>> -> memref<10240x128xf32, #tpu.memory_space<hbm>>
      tpu.wait_indirect_dma semaphore(%arg13 : memref<!tpu.dma_semaphore, #tpu.memory_space<semaphore_mem>>) src(%dma_wait3A_45 : memref<10240x128xf32, #tpu.memory_space<hbm>>) dst(%arg10 : memref<128x128xf32, #tpu.memory_space<vmem>>)
      %run_scoped3A_46 = arith.constant 15 : i32
      "tpu.region"() ({
        %run_scoped3A_47 = tpu.sem_alloc : memref<!tpu.dma_semaphore, #tpu.memory_space<semaphore_mem>>
        %dma_start3A_48 = arith.constant 0 : i32
        %dma_start3A_49 = tpu.memref_slice %arg8[%run_scoped3A_46, %dma_start3A_48] : memref<16x128xi32, #tpu.memory_space<vmem>> -> memref<1x128xi32, #tpu.memory_space<vmem>>
        %dma_start3A_50 = tpu.memref_squeeze %dma_start3A_49 : memref<1x128xi32, #tpu.memory_space<vmem>> -> memref<128xi32, #tpu.memory_space<vmem>>
        %dma_start3A_51 = arith.constant 0 : i32
        %dma_start3A_52 = arith.constant 0 : i32
        %dma_start3A_53 = tpu.memref_slice %arg11[%dma_start3A_51, %dma_start3A_52] : memref<10240x128xf32, #tpu.memory_space<vmem_shared>> -> memref<10240x128xf32, #tpu.memory_space<vmem_shared>>
        tpu.enqueue_indirect_dma source(%arg10 : memref<128x128xf32, #tpu.memory_space<vmem>>) target(%dma_start3A_53 : memref<10240x128xf32, #tpu.memory_space<vmem_shared>>) offsets(%dma_start3A_50 : memref<128xi32, #tpu.memory_space<vmem>>) semaphore(%run_scoped3A_47 : memref<!tpu.dma_semaphore, #tpu.memory_space<semaphore_mem>>) {add = true}
        %dma_wait3A_54 = arith.constant 0 : i32
        %dma_wait3A_55 = tpu.memref_slice %arg8[%run_scoped3A_46, %dma_wait3A_54] : memref<16x128xi32, #tpu.memory_space<vmem>> -> memref<1x128xi32, #tpu.memory_space<vmem>>
        %dma_wait3A_56 = tpu.memref_squeeze %dma_wait3A_55 : memref<1x128xi32, #tpu.memory_space<vmem>> -> memref<128xi32, #tpu.memory_space<vmem>>
        %dma_wait3A_57 = arith.constant 0 : i32
        %dma_wait3A_58 = arith.constant 0 : i32
        %dma_wait3A_59 = tpu.memref_slice %arg11[%dma_wait3A_57, %dma_wait3A_58] : memref<10240x128xf32, #tpu.memory_space<vmem_shared>> -> memref<10240x128xf32, #tpu.memory_space<vmem_shared>>
        tpu.wait_indirect_dma semaphore(%run_scoped3A_47 : memref<!tpu.dma_semaphore, #tpu.memory_space<semaphore_mem>>) src(%arg10 : memref<128x128xf32, #tpu.memory_space<vmem>>) dst(%dma_wait3A_59 : memref<10240x128xf32, #tpu.memory_space<vmem_shared>>)
        tpu.yield
      }) : () -> ()
    }
    %scan3A_7 = arith.constant 5 : i32
    %barrier3A_8 = arith.constant 0 : index
    tpu.barrier barrier_id(%barrier3A_8)
    %mul3A_9 = arith.constant 640 : i32
    %mul3A_10 = arith.muli %arg1, %mul3A_9 : i32
    %mul3A_11 = arith.constant 640 : i32
    %mul3A_12 = arith.muli %arg1, %mul3A_11 : i32
    "tpu.region"() ({
      %run_scoped3A = tpu.sem_alloc : memref<!tpu.dma_semaphore, #tpu.memory_space<semaphore_mem>>
      %dma_start3A = arith.constant 0 : i32
      %dma_start3A_13 = tpu.memref_slice %arg6[%arg0, %mul3A_12, %dma_start3A] : memref<2x10240x128xf32, #tpu.memory_space<hbm>> -> memref<1x640x128xf32, #tpu.memory_space<hbm>>
      %dma_start3A_14 = tpu.memref_squeeze %dma_start3A_13 : memref<1x640x128xf32, #tpu.memory_space<hbm>> -> memref<640x128xf32, #tpu.memory_space<hbm>>
      %dma_start3A_15 = arith.constant 0 : i32
      %dma_start3A_16 = tpu.memref_slice %arg11[%mul3A_10, %dma_start3A_15] : memref<10240x128xf32, #tpu.memory_space<vmem_shared>> -> memref<640x128xf32, #tpu.memory_space<vmem_shared>>
      tpu.enqueue_dma source(%dma_start3A_16 : memref<640x128xf32, #tpu.memory_space<vmem_shared>>) target(%dma_start3A_14 : memref<640x128xf32, #tpu.memory_space<hbm>>) target_semaphore(%run_scoped3A : memref<!tpu.dma_semaphore, #tpu.memory_space<semaphore_mem>>)
      %dma_wait3A = arith.constant 0 : i32
      %dma_wait3A_17 = tpu.memref_slice %arg6[%arg0, %mul3A_12, %dma_wait3A] : memref<2x10240x128xf32, #tpu.memory_space<hbm>> -> memref<1x640x128xf32, #tpu.memory_space<hbm>>
      %dma_wait3A_18 = tpu.memref_squeeze %dma_wait3A_17 : memref<1x640x128xf32, #tpu.memory_space<hbm>> -> memref<640x128xf32, #tpu.memory_space<hbm>>
      %dma_wait3A_19 = arith.constant 0 : i32
      %dma_wait3A_20 = tpu.memref_slice %arg11[%mul3A_10, %dma_wait3A_19] : memref<10240x128xf32, #tpu.memory_space<vmem_shared>> -> memref<640x128xf32, #tpu.memory_space<vmem_shared>>
      tpu.wait_dma2 semaphore(%run_scoped3A : memref<!tpu.dma_semaphore, #tpu.memory_space<semaphore_mem>>) src(%dma_wait3A_20 : memref<640x128xf32, #tpu.memory_space<vmem_shared>>) dst(%dma_wait3A_18 : memref<640x128xf32, #tpu.memory_space<hbm>>)
      tpu.yield
    }) : () -> ()
    return
  }
}

#map = affine_map<(d0, d1) -> (0, 0, 0)>
#map1 = affine_map<(d0, d1) -> (0, 0, 0, 0)>
#map2 = affine_map<(d0, d1) -> (0, 0)>
module attributes {stable_mosaic.version = 14 : i64} {
  func.func @_sc_prop(%arg0: i32, %arg1: i32, %arg2: memref<4x10240x128xf32, #tpu.memory_space<hbm>>, %arg3: memref<16x5x32x128xi32, #tpu.memory_space<hbm>>, %arg4: memref<16x5x32x128xi32, #tpu.memory_space<hbm>>, %arg5: memref<640x128xf32, #tpu.memory_space<hbm>>, %arg6: memref<4x10240x128xf32, #tpu.memory_space<hbm>>, %arg7: memref<32x128xi32, #tpu.memory_space<vmem>>, %arg8: memref<32x128xi32, #tpu.memory_space<vmem>>, %arg9: memref<128x128xf32, #tpu.memory_space<vmem>>, %arg10: memref<128x128xf32, #tpu.memory_space<vmem>>, %arg11: memref<10240x128xf32, #tpu.memory_space<vmem_shared>>, %arg12: memref<!tpu.dma_semaphore, #tpu.memory_space<semaphore_mem>>, %arg13: memref<!tpu.dma_semaphore, #tpu.memory_space<semaphore_mem>>) attributes {dimension_semantics = [#tpu.dimension_semantics<core_parallel>, #tpu.dimension_semantics<subcore_parallel>], iteration_bounds = array<i64: 2, 16>, scalar_prefetch = 0 : i64, scratch_operands = 7 : i64, tpu.core_type = #tpu.core_type<sc_vector_subcore>, window_params = [{transform_indices = #map}, {transform_indices = #map1}, {transform_indices = #map1}, {transform_indices = #map2}, {transform_indices = #map}]} {
    %mul3A = arith.constant 2 : i32
    %mul3A_0 = arith.muli %arg0, %mul3A : i32
    %add3A = arith.constant 0 : i32
    %add3A_1 = arith.addi %mul3A_0, %add3A : i32
    %mul3A_2 = arith.constant 640 : i32
    %mul3A_3 = arith.muli %arg1, %mul3A_2 : i32
    "tpu.region"() ({
      %run_scoped3A = tpu.sem_alloc : memref<!tpu.dma_semaphore, #tpu.memory_space<semaphore_mem>>
      %dma_start3A = arith.constant 0 : i32
      %dma_start3A_32 = tpu.memref_slice %arg11[%mul3A_3, %dma_start3A] : memref<10240x128xf32, #tpu.memory_space<vmem_shared>> -> memref<640x128xf32, #tpu.memory_space<vmem_shared>>
      tpu.enqueue_dma source(%arg5 : memref<640x128xf32, #tpu.memory_space<hbm>>) target(%dma_start3A_32 : memref<640x128xf32, #tpu.memory_space<vmem_shared>>) target_semaphore(%run_scoped3A : memref<!tpu.dma_semaphore, #tpu.memory_space<semaphore_mem>>)
      %dma_wait3A = arith.constant 0 : i32
      %dma_wait3A_33 = tpu.memref_slice %arg11[%mul3A_3, %dma_wait3A] : memref<10240x128xf32, #tpu.memory_space<vmem_shared>> -> memref<640x128xf32, #tpu.memory_space<vmem_shared>>
      tpu.wait_dma2 semaphore(%run_scoped3A : memref<!tpu.dma_semaphore, #tpu.memory_space<semaphore_mem>>) src(%arg5 : memref<640x128xf32, #tpu.memory_space<hbm>>) dst(%dma_wait3A_33 : memref<640x128xf32, #tpu.memory_space<vmem_shared>>)
      tpu.yield
    }) : () -> ()
    %barrier3A = arith.constant 0 : index
    tpu.barrier barrier_id(%barrier3A)
    %scan3A = arith.constant 0 : i32
    %scan3A_4 = arith.constant 0 : i32
    %scan3A_5 = arith.constant 5 : i32
    %scan3A_6 = arith.addi %scan3A_4, %scan3A_5 : i32
    %scan3A_7 = arith.constant 1 : i32
    scf.for %scan3A_32 = %scan3A_4 to %scan3A_6 step %scan3A_7  : i32 {
      "tpu.region"() ({
        %run_scoped3A_82 = tpu.sem_alloc : memref<!tpu.dma_semaphore, #tpu.memory_space<semaphore_mem>>
        %dma_start3A_83 = arith.constant 0 : i32
        %dma_start3A_84 = arith.constant 0 : i32
        %dma_start3A_85 = tpu.memref_slice %arg3[%arg1, %scan3A_32, %dma_start3A_83, %dma_start3A_84] : memref<16x5x32x128xi32, #tpu.memory_space<hbm>> -> memref<1x1x32x128xi32, #tpu.memory_space<hbm>>
        %dma_start3A_86 = tpu.memref_squeeze %dma_start3A_85 : memref<1x1x32x128xi32, #tpu.memory_space<hbm>> -> memref<32x128xi32, #tpu.memory_space<hbm>>
        %dma_start3A_87 = arith.constant 0 : i32
        %dma_start3A_88 = arith.constant 0 : i32
        %dma_start3A_89 = tpu.memref_slice %arg3[%arg1, %scan3A_32, %dma_start3A_87, %dma_start3A_88] : memref<16x5x32x128xi32, #tpu.memory_space<hbm>> -> memref<1x1x32x128xi32, #tpu.memory_space<hbm>>
        %dma_start3A_90 = tpu.memref_squeeze %dma_start3A_89 : memref<1x1x32x128xi32, #tpu.memory_space<hbm>> -> memref<32x128xi32, #tpu.memory_space<hbm>>
        tpu.enqueue_dma source(%dma_start3A_90 : memref<32x128xi32, #tpu.memory_space<hbm>>) target(%arg7 : memref<32x128xi32, #tpu.memory_space<vmem>>) target_semaphore(%run_scoped3A_82 : memref<!tpu.dma_semaphore, #tpu.memory_space<semaphore_mem>>)
        %dma_wait3A_91 = arith.constant 0 : i32
        %dma_wait3A_92 = arith.constant 0 : i32
        %dma_wait3A_93 = tpu.memref_slice %arg3[%arg1, %scan3A_32, %dma_wait3A_91, %dma_wait3A_92] : memref<16x5x32x128xi32, #tpu.memory_space<hbm>> -> memref<1x1x32x128xi32, #tpu.memory_space<hbm>>
        %dma_wait3A_94 = tpu.memref_squeeze %dma_wait3A_93 : memref<1x1x32x128xi32, #tpu.memory_space<hbm>> -> memref<32x128xi32, #tpu.memory_space<hbm>>
        %dma_wait3A_95 = arith.constant 0 : i32
        %dma_wait3A_96 = arith.constant 0 : i32
        %dma_wait3A_97 = tpu.memref_slice %arg3[%arg1, %scan3A_32, %dma_wait3A_95, %dma_wait3A_96] : memref<16x5x32x128xi32, #tpu.memory_space<hbm>> -> memref<1x1x32x128xi32, #tpu.memory_space<hbm>>
        %dma_wait3A_98 = tpu.memref_squeeze %dma_wait3A_97 : memref<1x1x32x128xi32, #tpu.memory_space<hbm>> -> memref<32x128xi32, #tpu.memory_space<hbm>>
        tpu.wait_dma2 semaphore(%run_scoped3A_82 : memref<!tpu.dma_semaphore, #tpu.memory_space<semaphore_mem>>) src(%dma_wait3A_98 : memref<32x128xi32, #tpu.memory_space<hbm>>) dst(%arg7 : memref<32x128xi32, #tpu.memory_space<vmem>>)
        tpu.yield
      }) : () -> ()
      "tpu.region"() ({
        %run_scoped3A_82 = tpu.sem_alloc : memref<!tpu.dma_semaphore, #tpu.memory_space<semaphore_mem>>
        %dma_start3A_83 = arith.constant 0 : i32
        %dma_start3A_84 = arith.constant 0 : i32
        %dma_start3A_85 = tpu.memref_slice %arg4[%arg1, %scan3A_32, %dma_start3A_83, %dma_start3A_84] : memref<16x5x32x128xi32, #tpu.memory_space<hbm>> -> memref<1x1x32x128xi32, #tpu.memory_space<hbm>>
        %dma_start3A_86 = tpu.memref_squeeze %dma_start3A_85 : memref<1x1x32x128xi32, #tpu.memory_space<hbm>> -> memref<32x128xi32, #tpu.memory_space<hbm>>
        %dma_start3A_87 = arith.constant 0 : i32
        %dma_start3A_88 = arith.constant 0 : i32
        %dma_start3A_89 = tpu.memref_slice %arg4[%arg1, %scan3A_32, %dma_start3A_87, %dma_start3A_88] : memref<16x5x32x128xi32, #tpu.memory_space<hbm>> -> memref<1x1x32x128xi32, #tpu.memory_space<hbm>>
        %dma_start3A_90 = tpu.memref_squeeze %dma_start3A_89 : memref<1x1x32x128xi32, #tpu.memory_space<hbm>> -> memref<32x128xi32, #tpu.memory_space<hbm>>
        tpu.enqueue_dma source(%dma_start3A_90 : memref<32x128xi32, #tpu.memory_space<hbm>>) target(%arg8 : memref<32x128xi32, #tpu.memory_space<vmem>>) target_semaphore(%run_scoped3A_82 : memref<!tpu.dma_semaphore, #tpu.memory_space<semaphore_mem>>)
        %dma_wait3A_91 = arith.constant 0 : i32
        %dma_wait3A_92 = arith.constant 0 : i32
        %dma_wait3A_93 = tpu.memref_slice %arg4[%arg1, %scan3A_32, %dma_wait3A_91, %dma_wait3A_92] : memref<16x5x32x128xi32, #tpu.memory_space<hbm>> -> memref<1x1x32x128xi32, #tpu.memory_space<hbm>>
        %dma_wait3A_94 = tpu.memref_squeeze %dma_wait3A_93 : memref<1x1x32x128xi32, #tpu.memory_space<hbm>> -> memref<32x128xi32, #tpu.memory_space<hbm>>
        %dma_wait3A_95 = arith.constant 0 : i32
        %dma_wait3A_96 = arith.constant 0 : i32
        %dma_wait3A_97 = tpu.memref_slice %arg4[%arg1, %scan3A_32, %dma_wait3A_95, %dma_wait3A_96] : memref<16x5x32x128xi32, #tpu.memory_space<hbm>> -> memref<1x1x32x128xi32, #tpu.memory_space<hbm>>
        %dma_wait3A_98 = tpu.memref_squeeze %dma_wait3A_97 : memref<1x1x32x128xi32, #tpu.memory_space<hbm>> -> memref<32x128xi32, #tpu.memory_space<hbm>>
        tpu.wait_dma2 semaphore(%run_scoped3A_82 : memref<!tpu.dma_semaphore, #tpu.memory_space<semaphore_mem>>) src(%dma_wait3A_98 : memref<32x128xi32, #tpu.memory_space<hbm>>) dst(%arg8 : memref<32x128xi32, #tpu.memory_space<vmem>>)
        tpu.yield
      }) : () -> ()
      %dma_start3A = arith.constant 0 : i32
      %dma_start3A_33 = arith.constant 0 : i32
      %dma_start3A_34 = tpu.memref_slice %arg7[%dma_start3A, %dma_start3A_33] : memref<32x128xi32, #tpu.memory_space<vmem>> -> memref<1x128xi32, #tpu.memory_space<vmem>>
      %dma_start3A_35 = tpu.memref_squeeze %dma_start3A_34 : memref<1x128xi32, #tpu.memory_space<vmem>> -> memref<128xi32, #tpu.memory_space<vmem>>
      %dma_start3A_36 = arith.constant 0 : i32
      %dma_start3A_37 = arith.constant 0 : i32
      %dma_start3A_38 = tpu.memref_slice %arg2[%add3A_1, %dma_start3A_36, %dma_start3A_37] : memref<4x10240x128xf32, #tpu.memory_space<hbm>> -> memref<1x10240x128xf32, #tpu.memory_space<hbm>>
      %dma_start3A_39 = tpu.memref_squeeze %dma_start3A_38 : memref<1x10240x128xf32, #tpu.memory_space<hbm>> -> memref<10240x128xf32, #tpu.memory_space<hbm>>
      %dma_start3A_40 = arith.constant 0 : i32
      %dma_start3A_41 = arith.constant 0 : i32
      %dma_start3A_42 = tpu.memref_slice %dma_start3A_39[%dma_start3A_40, %dma_start3A_41] : memref<10240x128xf32, #tpu.memory_space<hbm>> -> memref<10240x128xf32, #tpu.memory_space<hbm>>
      tpu.enqueue_indirect_dma source(%dma_start3A_42 : memref<10240x128xf32, #tpu.memory_space<hbm>>) target(%arg9 : memref<128x128xf32, #tpu.memory_space<vmem>>) offsets(%dma_start3A_35 : memref<128xi32, #tpu.memory_space<vmem>>) semaphore(%arg12 : memref<!tpu.dma_semaphore, #tpu.memory_space<semaphore_mem>>)
      %dma_start3A_43 = arith.constant 1 : i32
      %dma_start3A_44 = arith.constant 0 : i32
      %dma_start3A_45 = tpu.memref_slice %arg7[%dma_start3A_43, %dma_start3A_44] : memref<32x128xi32, #tpu.memory_space<vmem>> -> memref<1x128xi32, #tpu.memory_space<vmem>>
      %dma_start3A_46 = tpu.memref_squeeze %dma_start3A_45 : memref<1x128xi32, #tpu.memory_space<vmem>> -> memref<128xi32, #tpu.memory_space<vmem>>
      %dma_start3A_47 = arith.constant 0 : i32
      %dma_start3A_48 = arith.constant 0 : i32
      %dma_start3A_49 = tpu.memref_slice %arg2[%add3A_1, %dma_start3A_47, %dma_start3A_48] : memref<4x10240x128xf32, #tpu.memory_space<hbm>> -> memref<1x10240x128xf32, #tpu.memory_space<hbm>>
      %dma_start3A_50 = tpu.memref_squeeze %dma_start3A_49 : memref<1x10240x128xf32, #tpu.memory_space<hbm>> -> memref<10240x128xf32, #tpu.memory_space<hbm>>
      %dma_start3A_51 = arith.constant 0 : i32
      %dma_start3A_52 = arith.constant 0 : i32
      %dma_start3A_53 = tpu.memref_slice %dma_start3A_50[%dma_start3A_51, %dma_start3A_52] : memref<10240x128xf32, #tpu.memory_space<hbm>> -> memref<10240x128xf32, #tpu.memory_space<hbm>>
      tpu.enqueue_indirect_dma source(%dma_start3A_53 : memref<10240x128xf32, #tpu.memory_space<hbm>>) target(%arg10 : memref<128x128xf32, #tpu.memory_space<vmem>>) offsets(%dma_start3A_46 : memref<128xi32, #tpu.memory_space<vmem>>) semaphore(%arg13 : memref<!tpu.dma_semaphore, #tpu.memory_space<semaphore_mem>>)
      %scan3A_54 = arith.constant 0 : i32
      %scan3A_55 = arith.constant 1 : i32
      %scan3A_56 = arith.constant 15 : i32
      %scan3A_57 = arith.addi %scan3A_55, %scan3A_56 : i32
      %scan3A_58 = arith.constant 1 : i32
      scf.for %scan3A_82 = %scan3A_55 to %scan3A_57 step %scan3A_58  : i32 {
        %mul3A_83 = arith.constant 2 : i32
        %mul3A_84 = arith.muli %mul3A_83, %scan3A_82 : i32
        %sub3A = arith.constant 2 : i32
        %sub3A_85 = arith.subi %mul3A_84, %sub3A : i32
        %dma_wait3A_86 = arith.constant 0 : i32
        %dma_wait3A_87 = tpu.memref_slice %arg7[%sub3A_85, %dma_wait3A_86] : memref<32x128xi32, #tpu.memory_space<vmem>> -> memref<1x128xi32, #tpu.memory_space<vmem>>
        %dma_wait3A_88 = tpu.memref_squeeze %dma_wait3A_87 : memref<1x128xi32, #tpu.memory_space<vmem>> -> memref<128xi32, #tpu.memory_space<vmem>>
        %dma_wait3A_89 = arith.constant 0 : i32
        %dma_wait3A_90 = arith.constant 0 : i32
        %dma_wait3A_91 = tpu.memref_slice %arg2[%add3A_1, %dma_wait3A_89, %dma_wait3A_90] : memref<4x10240x128xf32, #tpu.memory_space<hbm>> -> memref<1x10240x128xf32, #tpu.memory_space<hbm>>
        %dma_wait3A_92 = tpu.memref_squeeze %dma_wait3A_91 : memref<1x10240x128xf32, #tpu.memory_space<hbm>> -> memref<10240x128xf32, #tpu.memory_space<hbm>>
        %dma_wait3A_93 = arith.constant 0 : i32
        %dma_wait3A_94 = arith.constant 0 : i32
        %dma_wait3A_95 = tpu.memref_slice %dma_wait3A_92[%dma_wait3A_93, %dma_wait3A_94] : memref<10240x128xf32, #tpu.memory_space<hbm>> -> memref<10240x128xf32, #tpu.memory_space<hbm>>
        tpu.wait_indirect_dma semaphore(%arg12 : memref<!tpu.dma_semaphore, #tpu.memory_space<semaphore_mem>>) src(%dma_wait3A_95 : memref<10240x128xf32, #tpu.memory_space<hbm>>) dst(%arg9 : memref<128x128xf32, #tpu.memory_space<vmem>>)
        %sub3A_96 = arith.constant 2 : i32
        %sub3A_97 = arith.subi %mul3A_84, %sub3A_96 : i32
        "tpu.region"() ({
          %run_scoped3A_134 = tpu.sem_alloc : memref<!tpu.dma_semaphore, #tpu.memory_space<semaphore_mem>>
          %dma_start3A_135 = arith.constant 0 : i32
          %dma_start3A_136 = tpu.memref_slice %arg8[%sub3A_97, %dma_start3A_135] : memref<32x128xi32, #tpu.memory_space<vmem>> -> memref<1x128xi32, #tpu.memory_space<vmem>>
          %dma_start3A_137 = tpu.memref_squeeze %dma_start3A_136 : memref<1x128xi32, #tpu.memory_space<vmem>> -> memref<128xi32, #tpu.memory_space<vmem>>
          %dma_start3A_138 = arith.constant 0 : i32
          %dma_start3A_139 = arith.constant 0 : i32
          %dma_start3A_140 = tpu.memref_slice %arg11[%dma_start3A_138, %dma_start3A_139] : memref<10240x128xf32, #tpu.memory_space<vmem_shared>> -> memref<10240x128xf32, #tpu.memory_space<vmem_shared>>
          tpu.enqueue_indirect_dma source(%arg9 : memref<128x128xf32, #tpu.memory_space<vmem>>) target(%dma_start3A_140 : memref<10240x128xf32, #tpu.memory_space<vmem_shared>>) offsets(%dma_start3A_137 : memref<128xi32, #tpu.memory_space<vmem>>) semaphore(%run_scoped3A_134 : memref<!tpu.dma_semaphore, #tpu.memory_space<semaphore_mem>>) {add = true}
          %dma_wait3A_141 = arith.constant 0 : i32
          %dma_wait3A_142 = tpu.memref_slice %arg8[%sub3A_97, %dma_wait3A_141] : memref<32x128xi32, #tpu.memory_space<vmem>> -> memref<1x128xi32, #tpu.memory_space<vmem>>
          %dma_wait3A_143 = tpu.memref_squeeze %dma_wait3A_142 : memref<1x128xi32, #tpu.memory_space<vmem>> -> memref<128xi32, #tpu.memory_space<vmem>>
          %dma_wait3A_144 = arith.constant 0 : i32
          %dma_wait3A_145 = arith.constant 0 : i32
          %dma_wait3A_146 = tpu.memref_slice %arg11[%dma_wait3A_144, %dma_wait3A_145] : memref<10240x128xf32, #tpu.memory_space<vmem_shared>> -> memref<10240x128xf32, #tpu.memory_space<vmem_shared>>
          tpu.wait_indirect_dma semaphore(%run_scoped3A_134 : memref<!tpu.dma_semaphore, #tpu.memory_space<semaphore_mem>>) src(%arg9 : memref<128x128xf32, #tpu.memory_space<vmem>>) dst(%dma_wait3A_146 : memref<10240x128xf32, #tpu.memory_space<vmem_shared>>)
          tpu.yield
        }) : () -> ()
        %dma_start3A_98 = arith.constant 0 : i32
        %dma_start3A_99 = tpu.memref_slice %arg7[%mul3A_84, %dma_start3A_98] : memref<32x128xi32, #tpu.memory_space<vmem>> -> memref<1x128xi32, #tpu.memory_space<vmem>>
        %dma_start3A_100 = tpu.memref_squeeze %dma_start3A_99 : memref<1x128xi32, #tpu.memory_space<vmem>> -> memref<128xi32, #tpu.memory_space<vmem>>
        %dma_start3A_101 = arith.constant 0 : i32
        %dma_start3A_102 = arith.constant 0 : i32
        %dma_start3A_103 = tpu.memref_slice %arg2[%add3A_1, %dma_start3A_101, %dma_start3A_102] : memref<4x10240x128xf32, #tpu.memory_space<hbm>> -> memref<1x10240x128xf32, #tpu.memory_space<hbm>>
        %dma_start3A_104 = tpu.memref_squeeze %dma_start3A_103 : memref<1x10240x128xf32, #tpu.memory_space<hbm>> -> memref<10240x128xf32, #tpu.memory_space<hbm>>
        %dma_start3A_105 = arith.constant 0 : i32
        %dma_start3A_106 = arith.constant 0 : i32
        %dma_start3A_107 = tpu.memref_slice %dma_start3A_104[%dma_start3A_105, %dma_start3A_106] : memref<10240x128xf32, #tpu.memory_space<hbm>> -> memref<10240x128xf32, #tpu.memory_space<hbm>>
        tpu.enqueue_indirect_dma source(%dma_start3A_107 : memref<10240x128xf32, #tpu.memory_space<hbm>>) target(%arg9 : memref<128x128xf32, #tpu.memory_space<vmem>>) offsets(%dma_start3A_100 : memref<128xi32, #tpu.memory_space<vmem>>) semaphore(%arg12 : memref<!tpu.dma_semaphore, #tpu.memory_space<semaphore_mem>>)
        %sub3A_108 = arith.constant 1 : i32
        %sub3A_109 = arith.subi %mul3A_84, %sub3A_108 : i32
        %dma_wait3A_110 = arith.constant 0 : i32
        %dma_wait3A_111 = tpu.memref_slice %arg7[%sub3A_109, %dma_wait3A_110] : memref<32x128xi32, #tpu.memory_space<vmem>> -> memref<1x128xi32, #tpu.memory_space<vmem>>
        %dma_wait3A_112 = tpu.memref_squeeze %dma_wait3A_111 : memref<1x128xi32, #tpu.memory_space<vmem>> -> memref<128xi32, #tpu.memory_space<vmem>>
        %dma_wait3A_113 = arith.constant 0 : i32
        %dma_wait3A_114 = arith.constant 0 : i32
        %dma_wait3A_115 = tpu.memref_slice %arg2[%add3A_1, %dma_wait3A_113, %dma_wait3A_114] : memref<4x10240x128xf32, #tpu.memory_space<hbm>> -> memref<1x10240x128xf32, #tpu.memory_space<hbm>>
        %dma_wait3A_116 = tpu.memref_squeeze %dma_wait3A_115 : memref<1x10240x128xf32, #tpu.memory_space<hbm>> -> memref<10240x128xf32, #tpu.memory_space<hbm>>
        %dma_wait3A_117 = arith.constant 0 : i32
        %dma_wait3A_118 = arith.constant 0 : i32
        %dma_wait3A_119 = tpu.memref_slice %dma_wait3A_116[%dma_wait3A_117, %dma_wait3A_118] : memref<10240x128xf32, #tpu.memory_space<hbm>> -> memref<10240x128xf32, #tpu.memory_space<hbm>>
        tpu.wait_indirect_dma semaphore(%arg13 : memref<!tpu.dma_semaphore, #tpu.memory_space<semaphore_mem>>) src(%dma_wait3A_119 : memref<10240x128xf32, #tpu.memory_space<hbm>>) dst(%arg10 : memref<128x128xf32, #tpu.memory_space<vmem>>)
        %sub3A_120 = arith.constant 1 : i32
        %sub3A_121 = arith.subi %mul3A_84, %sub3A_120 : i32
        "tpu.region"() ({
          %run_scoped3A_134 = tpu.sem_alloc : memref<!tpu.dma_semaphore, #tpu.memory_space<semaphore_mem>>
          %dma_start3A_135 = arith.constant 0 : i32
          %dma_start3A_136 = tpu.memref_slice %arg8[%sub3A_121, %dma_start3A_135] : memref<32x128xi32, #tpu.memory_space<vmem>> -> memref<1x128xi32, #tpu.memory_space<vmem>>
          %dma_start3A_137 = tpu.memref_squeeze %dma_start3A_136 : memref<1x128xi32, #tpu.memory_space<vmem>> -> memref<128xi32, #tpu.memory_space<vmem>>
          %dma_start3A_138 = arith.constant 0 : i32
          %dma_start3A_139 = arith.constant 0 : i32
          %dma_start3A_140 = tpu.memref_slice %arg11[%dma_start3A_138, %dma_start3A_139] : memref<10240x128xf32, #tpu.memory_space<vmem_shared>> -> memref<10240x128xf32, #tpu.memory_space<vmem_shared>>
          tpu.enqueue_indirect_dma source(%arg10 : memref<128x128xf32, #tpu.memory_space<vmem>>) target(%dma_start3A_140 : memref<10240x128xf32, #tpu.memory_space<vmem_shared>>) offsets(%dma_start3A_137 : memref<128xi32, #tpu.memory_space<vmem>>) semaphore(%run_scoped3A_134 : memref<!tpu.dma_semaphore, #tpu.memory_space<semaphore_mem>>) {add = true}
          %dma_wait3A_141 = arith.constant 0 : i32
          %dma_wait3A_142 = tpu.memref_slice %arg8[%sub3A_121, %dma_wait3A_141] : memref<32x128xi32, #tpu.memory_space<vmem>> -> memref<1x128xi32, #tpu.memory_space<vmem>>
          %dma_wait3A_143 = tpu.memref_squeeze %dma_wait3A_142 : memref<1x128xi32, #tpu.memory_space<vmem>> -> memref<128xi32, #tpu.memory_space<vmem>>
          %dma_wait3A_144 = arith.constant 0 : i32
          %dma_wait3A_145 = arith.constant 0 : i32
          %dma_wait3A_146 = tpu.memref_slice %arg11[%dma_wait3A_144, %dma_wait3A_145] : memref<10240x128xf32, #tpu.memory_space<vmem_shared>> -> memref<10240x128xf32, #tpu.memory_space<vmem_shared>>
          tpu.wait_indirect_dma semaphore(%run_scoped3A_134 : memref<!tpu.dma_semaphore, #tpu.memory_space<semaphore_mem>>) src(%arg10 : memref<128x128xf32, #tpu.memory_space<vmem>>) dst(%dma_wait3A_146 : memref<10240x128xf32, #tpu.memory_space<vmem_shared>>)
          tpu.yield
        }) : () -> ()
        %add3A_122 = arith.constant 1 : i32
        %add3A_123 = arith.addi %mul3A_84, %add3A_122 : i32
        %dma_start3A_124 = arith.constant 0 : i32
        %dma_start3A_125 = tpu.memref_slice %arg7[%add3A_123, %dma_start3A_124] : memref<32x128xi32, #tpu.memory_space<vmem>> -> memref<1x128xi32, #tpu.memory_space<vmem>>
        %dma_start3A_126 = tpu.memref_squeeze %dma_start3A_125 : memref<1x128xi32, #tpu.memory_space<vmem>> -> memref<128xi32, #tpu.memory_space<vmem>>
        %dma_start3A_127 = arith.constant 0 : i32
        %dma_start3A_128 = arith.constant 0 : i32
        %dma_start3A_129 = tpu.memref_slice %arg2[%add3A_1, %dma_start3A_127, %dma_start3A_128] : memref<4x10240x128xf32, #tpu.memory_space<hbm>> -> memref<1x10240x128xf32, #tpu.memory_space<hbm>>
        %dma_start3A_130 = tpu.memref_squeeze %dma_start3A_129 : memref<1x10240x128xf32, #tpu.memory_space<hbm>> -> memref<10240x128xf32, #tpu.memory_space<hbm>>
        %dma_start3A_131 = arith.constant 0 : i32
        %dma_start3A_132 = arith.constant 0 : i32
        %dma_start3A_133 = tpu.memref_slice %dma_start3A_130[%dma_start3A_131, %dma_start3A_132] : memref<10240x128xf32, #tpu.memory_space<hbm>> -> memref<10240x128xf32, #tpu.memory_space<hbm>>
        tpu.enqueue_indirect_dma source(%dma_start3A_133 : memref<10240x128xf32, #tpu.memory_space<hbm>>) target(%arg10 : memref<128x128xf32, #tpu.memory_space<vmem>>) offsets(%dma_start3A_126 : memref<128xi32, #tpu.memory_space<vmem>>) semaphore(%arg13 : memref<!tpu.dma_semaphore, #tpu.memory_space<semaphore_mem>>)
      }
      %scan3A_59 = arith.constant 15 : i32
      %dma_wait3A = arith.constant 30 : i32
      %dma_wait3A_60 = arith.constant 0 : i32
      %dma_wait3A_61 = tpu.memref_slice %arg7[%dma_wait3A, %dma_wait3A_60] : memref<32x128xi32, #tpu.memory_space<vmem>> -> memref<1x128xi32, #tpu.memory_space<vmem>>
      %dma_wait3A_62 = tpu.memref_squeeze %dma_wait3A_61 : memref<1x128xi32, #tpu.memory_space<vmem>> -> memref<128xi32, #tpu.memory_space<vmem>>
      %dma_wait3A_63 = arith.constant 0 : i32
      %dma_wait3A_64 = arith.constant 0 : i32
      %dma_wait3A_65 = tpu.memref_slice %arg2[%add3A_1, %dma_wait3A_63, %dma_wait3A_64] : memref<4x10240x128xf32, #tpu.memory_space<hbm>> -> memref<1x10240x128xf32, #tpu.memory_space<hbm>>
      %dma_wait3A_66 = tpu.memref_squeeze %dma_wait3A_65 : memref<1x10240x128xf32, #tpu.memory_space<hbm>> -> memref<10240x128xf32, #tpu.memory_space<hbm>>
      %dma_wait3A_67 = arith.constant 0 : i32
      %dma_wait3A_68 = arith.constant 0 : i32
      %dma_wait3A_69 = tpu.memref_slice %dma_wait3A_66[%dma_wait3A_67, %dma_wait3A_68] : memref<10240x128xf32, #tpu.memory_space<hbm>> -> memref<10240x128xf32, #tpu.memory_space<hbm>>
      tpu.wait_indirect_dma semaphore(%arg12 : memref<!tpu.dma_semaphore, #tpu.memory_space<semaphore_mem>>) src(%dma_wait3A_69 : memref<10240x128xf32, #tpu.memory_space<hbm>>) dst(%arg9 : memref<128x128xf32, #tpu.memory_space<vmem>>)
      %run_scoped3A = arith.constant 30 : i32
      "tpu.region"() ({
        %run_scoped3A_82 = tpu.sem_alloc : memref<!tpu.dma_semaphore, #tpu.memory_space<semaphore_mem>>
        %dma_start3A_83 = arith.constant 0 : i32
        %dma_start3A_84 = tpu.memref_slice %arg8[%run_scoped3A, %dma_start3A_83] : memref<32x128xi32, #tpu.memory_space<vmem>> -> memref<1x128xi32, #tpu.memory_space<vmem>>
        %dma_start3A_85 = tpu.memref_squeeze %dma_start3A_84 : memref<1x128xi32, #tpu.memory_space<vmem>> -> memref<128xi32, #tpu.memory_space<vmem>>
        %dma_start3A_86 = arith.constant 0 : i32
        %dma_start3A_87 = arith.constant 0 : i32
        %dma_start3A_88 = tpu.memref_slice %arg11[%dma_start3A_86, %dma_start3A_87] : memref<10240x128xf32, #tpu.memory_space<vmem_shared>> -> memref<10240x128xf32, #tpu.memory_space<vmem_shared>>
        tpu.enqueue_indirect_dma source(%arg9 : memref<128x128xf32, #tpu.memory_space<vmem>>) target(%dma_start3A_88 : memref<10240x128xf32, #tpu.memory_space<vmem_shared>>) offsets(%dma_start3A_85 : memref<128xi32, #tpu.memory_space<vmem>>) semaphore(%run_scoped3A_82 : memref<!tpu.dma_semaphore, #tpu.memory_space<semaphore_mem>>) {add = true}
        %dma_wait3A_89 = arith.constant 0 : i32
        %dma_wait3A_90 = tpu.memref_slice %arg8[%run_scoped3A, %dma_wait3A_89] : memref<32x128xi32, #tpu.memory_space<vmem>> -> memref<1x128xi32, #tpu.memory_space<vmem>>
        %dma_wait3A_91 = tpu.memref_squeeze %dma_wait3A_90 : memref<1x128xi32, #tpu.memory_space<vmem>> -> memref<128xi32, #tpu.memory_space<vmem>>
        %dma_wait3A_92 = arith.constant 0 : i32
        %dma_wait3A_93 = arith.constant 0 : i32
        %dma_wait3A_94 = tpu.memref_slice %arg11[%dma_wait3A_92, %dma_wait3A_93] : memref<10240x128xf32, #tpu.memory_space<vmem_shared>> -> memref<10240x128xf32, #tpu.memory_space<vmem_shared>>
        tpu.wait_indirect_dma semaphore(%run_scoped3A_82 : memref<!tpu.dma_semaphore, #tpu.memory_space<semaphore_mem>>) src(%arg9 : memref<128x128xf32, #tpu.memory_space<vmem>>) dst(%dma_wait3A_94 : memref<10240x128xf32, #tpu.memory_space<vmem_shared>>)
        tpu.yield
      }) : () -> ()
      %dma_wait3A_70 = arith.constant 31 : i32
      %dma_wait3A_71 = arith.constant 0 : i32
      %dma_wait3A_72 = tpu.memref_slice %arg7[%dma_wait3A_70, %dma_wait3A_71] : memref<32x128xi32, #tpu.memory_space<vmem>> -> memref<1x128xi32, #tpu.memory_space<vmem>>
      %dma_wait3A_73 = tpu.memref_squeeze %dma_wait3A_72 : memref<1x128xi32, #tpu.memory_space<vmem>> -> memref<128xi32, #tpu.memory_space<vmem>>
      %dma_wait3A_74 = arith.constant 0 : i32
      %dma_wait3A_75 = arith.constant 0 : i32
      %dma_wait3A_76 = tpu.memref_slice %arg2[%add3A_1, %dma_wait3A_74, %dma_wait3A_75] : memref<4x10240x128xf32, #tpu.memory_space<hbm>> -> memref<1x10240x128xf32, #tpu.memory_space<hbm>>
      %dma_wait3A_77 = tpu.memref_squeeze %dma_wait3A_76 : memref<1x10240x128xf32, #tpu.memory_space<hbm>> -> memref<10240x128xf32, #tpu.memory_space<hbm>>
      %dma_wait3A_78 = arith.constant 0 : i32
      %dma_wait3A_79 = arith.constant 0 : i32
      %dma_wait3A_80 = tpu.memref_slice %dma_wait3A_77[%dma_wait3A_78, %dma_wait3A_79] : memref<10240x128xf32, #tpu.memory_space<hbm>> -> memref<10240x128xf32, #tpu.memory_space<hbm>>
      tpu.wait_indirect_dma semaphore(%arg13 : memref<!tpu.dma_semaphore, #tpu.memory_space<semaphore_mem>>) src(%dma_wait3A_80 : memref<10240x128xf32, #tpu.memory_space<hbm>>) dst(%arg10 : memref<128x128xf32, #tpu.memory_space<vmem>>)
      %run_scoped3A_81 = arith.constant 31 : i32
      "tpu.region"() ({
        %run_scoped3A_82 = tpu.sem_alloc : memref<!tpu.dma_semaphore, #tpu.memory_space<semaphore_mem>>
        %dma_start3A_83 = arith.constant 0 : i32
        %dma_start3A_84 = tpu.memref_slice %arg8[%run_scoped3A_81, %dma_start3A_83] : memref<32x128xi32, #tpu.memory_space<vmem>> -> memref<1x128xi32, #tpu.memory_space<vmem>>
        %dma_start3A_85 = tpu.memref_squeeze %dma_start3A_84 : memref<1x128xi32, #tpu.memory_space<vmem>> -> memref<128xi32, #tpu.memory_space<vmem>>
        %dma_start3A_86 = arith.constant 0 : i32
        %dma_start3A_87 = arith.constant 0 : i32
        %dma_start3A_88 = tpu.memref_slice %arg11[%dma_start3A_86, %dma_start3A_87] : memref<10240x128xf32, #tpu.memory_space<vmem_shared>> -> memref<10240x128xf32, #tpu.memory_space<vmem_shared>>
        tpu.enqueue_indirect_dma source(%arg10 : memref<128x128xf32, #tpu.memory_space<vmem>>) target(%dma_start3A_88 : memref<10240x128xf32, #tpu.memory_space<vmem_shared>>) offsets(%dma_start3A_85 : memref<128xi32, #tpu.memory_space<vmem>>) semaphore(%run_scoped3A_82 : memref<!tpu.dma_semaphore, #tpu.memory_space<semaphore_mem>>) {add = true}
        %dma_wait3A_89 = arith.constant 0 : i32
        %dma_wait3A_90 = tpu.memref_slice %arg8[%run_scoped3A_81, %dma_wait3A_89] : memref<32x128xi32, #tpu.memory_space<vmem>> -> memref<1x128xi32, #tpu.memory_space<vmem>>
        %dma_wait3A_91 = tpu.memref_squeeze %dma_wait3A_90 : memref<1x128xi32, #tpu.memory_space<vmem>> -> memref<128xi32, #tpu.memory_space<vmem>>
        %dma_wait3A_92 = arith.constant 0 : i32
        %dma_wait3A_93 = arith.constant 0 : i32
        %dma_wait3A_94 = tpu.memref_slice %arg11[%dma_wait3A_92, %dma_wait3A_93] : memref<10240x128xf32, #tpu.memory_space<vmem_shared>> -> memref<10240x128xf32, #tpu.memory_space<vmem_shared>>
        tpu.wait_indirect_dma semaphore(%run_scoped3A_82 : memref<!tpu.dma_semaphore, #tpu.memory_space<semaphore_mem>>) src(%arg10 : memref<128x128xf32, #tpu.memory_space<vmem>>) dst(%dma_wait3A_94 : memref<10240x128xf32, #tpu.memory_space<vmem_shared>>)
        tpu.yield
      }) : () -> ()
    }
    %scan3A_8 = arith.constant 5 : i32
    %barrier3A_9 = arith.constant 0 : index
    tpu.barrier barrier_id(%barrier3A_9)
    %mul3A_10 = arith.constant 640 : i32
    %mul3A_11 = arith.muli %arg1, %mul3A_10 : i32
    %mul3A_12 = arith.constant 640 : i32
    %mul3A_13 = arith.muli %arg1, %mul3A_12 : i32
    "tpu.region"() ({
      %run_scoped3A = tpu.sem_alloc : memref<!tpu.dma_semaphore, #tpu.memory_space<semaphore_mem>>
      %dma_start3A = arith.constant 0 : i32
      %dma_start3A_32 = tpu.memref_slice %arg6[%add3A_1, %mul3A_13, %dma_start3A] : memref<4x10240x128xf32, #tpu.memory_space<hbm>> -> memref<1x640x128xf32, #tpu.memory_space<hbm>>
      %dma_start3A_33 = tpu.memref_squeeze %dma_start3A_32 : memref<1x640x128xf32, #tpu.memory_space<hbm>> -> memref<640x128xf32, #tpu.memory_space<hbm>>
      %dma_start3A_34 = arith.constant 0 : i32
      %dma_start3A_35 = tpu.memref_slice %arg11[%mul3A_11, %dma_start3A_34] : memref<10240x128xf32, #tpu.memory_space<vmem_shared>> -> memref<640x128xf32, #tpu.memory_space<vmem_shared>>
      tpu.enqueue_dma source(%dma_start3A_35 : memref<640x128xf32, #tpu.memory_space<vmem_shared>>) target(%dma_start3A_33 : memref<640x128xf32, #tpu.memory_space<hbm>>) target_semaphore(%run_scoped3A : memref<!tpu.dma_semaphore, #tpu.memory_space<semaphore_mem>>)
      %dma_wait3A = arith.constant 0 : i32
      %dma_wait3A_36 = tpu.memref_slice %arg6[%add3A_1, %mul3A_13, %dma_wait3A] : memref<4x10240x128xf32, #tpu.memory_space<hbm>> -> memref<1x640x128xf32, #tpu.memory_space<hbm>>
      %dma_wait3A_37 = tpu.memref_squeeze %dma_wait3A_36 : memref<1x640x128xf32, #tpu.memory_space<hbm>> -> memref<640x128xf32, #tpu.memory_space<hbm>>
      %dma_wait3A_38 = arith.constant 0 : i32
      %dma_wait3A_39 = tpu.memref_slice %arg11[%mul3A_11, %dma_wait3A_38] : memref<10240x128xf32, #tpu.memory_space<vmem_shared>> -> memref<640x128xf32, #tpu.memory_space<vmem_shared>>
      tpu.wait_dma2 semaphore(%run_scoped3A : memref<!tpu.dma_semaphore, #tpu.memory_space<semaphore_mem>>) src(%dma_wait3A_39 : memref<640x128xf32, #tpu.memory_space<vmem_shared>>) dst(%dma_wait3A_37 : memref<640x128xf32, #tpu.memory_space<hbm>>)
      tpu.yield
    }) : () -> ()
    %mul3A_14 = arith.constant 2 : i32
    %mul3A_15 = arith.muli %arg0, %mul3A_14 : i32
    %add3A_16 = arith.constant 1 : i32
    %add3A_17 = arith.addi %mul3A_15, %add3A_16 : i32
    %mul3A_18 = arith.constant 640 : i32
    %mul3A_19 = arith.muli %arg1, %mul3A_18 : i32
    "tpu.region"() ({
      %run_scoped3A = tpu.sem_alloc : memref<!tpu.dma_semaphore, #tpu.memory_space<semaphore_mem>>
      %dma_start3A = arith.constant 0 : i32
      %dma_start3A_32 = tpu.memref_slice %arg11[%mul3A_19, %dma_start3A] : memref<10240x128xf32, #tpu.memory_space<vmem_shared>> -> memref<640x128xf32, #tpu.memory_space<vmem_shared>>
      tpu.enqueue_dma source(%arg5 : memref<640x128xf32, #tpu.memory_space<hbm>>) target(%dma_start3A_32 : memref<640x128xf32, #tpu.memory_space<vmem_shared>>) target_semaphore(%run_scoped3A : memref<!tpu.dma_semaphore, #tpu.memory_space<semaphore_mem>>)
      %dma_wait3A = arith.constant 0 : i32
      %dma_wait3A_33 = tpu.memref_slice %arg11[%mul3A_19, %dma_wait3A] : memref<10240x128xf32, #tpu.memory_space<vmem_shared>> -> memref<640x128xf32, #tpu.memory_space<vmem_shared>>
      tpu.wait_dma2 semaphore(%run_scoped3A : memref<!tpu.dma_semaphore, #tpu.memory_space<semaphore_mem>>) src(%arg5 : memref<640x128xf32, #tpu.memory_space<hbm>>) dst(%dma_wait3A_33 : memref<640x128xf32, #tpu.memory_space<vmem_shared>>)
      tpu.yield
    }) : () -> ()
    %barrier3A_20 = arith.constant 0 : index
    tpu.barrier barrier_id(%barrier3A_20)
    %scan3A_21 = arith.constant 0 : i32
    %scan3A_22 = arith.constant 0 : i32
    %scan3A_23 = arith.constant 5 : i32
    %scan3A_24 = arith.addi %scan3A_22, %scan3A_23 : i32
    %scan3A_25 = arith.constant 1 : i32
    scf.for %scan3A_32 = %scan3A_22 to %scan3A_24 step %scan3A_25  : i32 {
      "tpu.region"() ({
        %run_scoped3A_82 = tpu.sem_alloc : memref<!tpu.dma_semaphore, #tpu.memory_space<semaphore_mem>>
        %dma_start3A_83 = arith.constant 0 : i32
        %dma_start3A_84 = arith.constant 0 : i32
        %dma_start3A_85 = tpu.memref_slice %arg3[%arg1, %scan3A_32, %dma_start3A_83, %dma_start3A_84] : memref<16x5x32x128xi32, #tpu.memory_space<hbm>> -> memref<1x1x32x128xi32, #tpu.memory_space<hbm>>
        %dma_start3A_86 = tpu.memref_squeeze %dma_start3A_85 : memref<1x1x32x128xi32, #tpu.memory_space<hbm>> -> memref<32x128xi32, #tpu.memory_space<hbm>>
        %dma_start3A_87 = arith.constant 0 : i32
        %dma_start3A_88 = arith.constant 0 : i32
        %dma_start3A_89 = tpu.memref_slice %arg3[%arg1, %scan3A_32, %dma_start3A_87, %dma_start3A_88] : memref<16x5x32x128xi32, #tpu.memory_space<hbm>> -> memref<1x1x32x128xi32, #tpu.memory_space<hbm>>
        %dma_start3A_90 = tpu.memref_squeeze %dma_start3A_89 : memref<1x1x32x128xi32, #tpu.memory_space<hbm>> -> memref<32x128xi32, #tpu.memory_space<hbm>>
        tpu.enqueue_dma source(%dma_start3A_90 : memref<32x128xi32, #tpu.memory_space<hbm>>) target(%arg7 : memref<32x128xi32, #tpu.memory_space<vmem>>) target_semaphore(%run_scoped3A_82 : memref<!tpu.dma_semaphore, #tpu.memory_space<semaphore_mem>>)
        %dma_wait3A_91 = arith.constant 0 : i32
        %dma_wait3A_92 = arith.constant 0 : i32
        %dma_wait3A_93 = tpu.memref_slice %arg3[%arg1, %scan3A_32, %dma_wait3A_91, %dma_wait3A_92] : memref<16x5x32x128xi32, #tpu.memory_space<hbm>> -> memref<1x1x32x128xi32, #tpu.memory_space<hbm>>
        %dma_wait3A_94 = tpu.memref_squeeze %dma_wait3A_93 : memref<1x1x32x128xi32, #tpu.memory_space<hbm>> -> memref<32x128xi32, #tpu.memory_space<hbm>>
        %dma_wait3A_95 = arith.constant 0 : i32
        %dma_wait3A_96 = arith.constant 0 : i32
        %dma_wait3A_97 = tpu.memref_slice %arg3[%arg1, %scan3A_32, %dma_wait3A_95, %dma_wait3A_96] : memref<16x5x32x128xi32, #tpu.memory_space<hbm>> -> memref<1x1x32x128xi32, #tpu.memory_space<hbm>>
        %dma_wait3A_98 = tpu.memref_squeeze %dma_wait3A_97 : memref<1x1x32x128xi32, #tpu.memory_space<hbm>> -> memref<32x128xi32, #tpu.memory_space<hbm>>
        tpu.wait_dma2 semaphore(%run_scoped3A_82 : memref<!tpu.dma_semaphore, #tpu.memory_space<semaphore_mem>>) src(%dma_wait3A_98 : memref<32x128xi32, #tpu.memory_space<hbm>>) dst(%arg7 : memref<32x128xi32, #tpu.memory_space<vmem>>)
        tpu.yield
      }) : () -> ()
      "tpu.region"() ({
        %run_scoped3A_82 = tpu.sem_alloc : memref<!tpu.dma_semaphore, #tpu.memory_space<semaphore_mem>>
        %dma_start3A_83 = arith.constant 0 : i32
        %dma_start3A_84 = arith.constant 0 : i32
        %dma_start3A_85 = tpu.memref_slice %arg4[%arg1, %scan3A_32, %dma_start3A_83, %dma_start3A_84] : memref<16x5x32x128xi32, #tpu.memory_space<hbm>> -> memref<1x1x32x128xi32, #tpu.memory_space<hbm>>
        %dma_start3A_86 = tpu.memref_squeeze %dma_start3A_85 : memref<1x1x32x128xi32, #tpu.memory_space<hbm>> -> memref<32x128xi32, #tpu.memory_space<hbm>>
        %dma_start3A_87 = arith.constant 0 : i32
        %dma_start3A_88 = arith.constant 0 : i32
        %dma_start3A_89 = tpu.memref_slice %arg4[%arg1, %scan3A_32, %dma_start3A_87, %dma_start3A_88] : memref<16x5x32x128xi32, #tpu.memory_space<hbm>> -> memref<1x1x32x128xi32, #tpu.memory_space<hbm>>
        %dma_start3A_90 = tpu.memref_squeeze %dma_start3A_89 : memref<1x1x32x128xi32, #tpu.memory_space<hbm>> -> memref<32x128xi32, #tpu.memory_space<hbm>>
        tpu.enqueue_dma source(%dma_start3A_90 : memref<32x128xi32, #tpu.memory_space<hbm>>) target(%arg8 : memref<32x128xi32, #tpu.memory_space<vmem>>) target_semaphore(%run_scoped3A_82 : memref<!tpu.dma_semaphore, #tpu.memory_space<semaphore_mem>>)
        %dma_wait3A_91 = arith.constant 0 : i32
        %dma_wait3A_92 = arith.constant 0 : i32
        %dma_wait3A_93 = tpu.memref_slice %arg4[%arg1, %scan3A_32, %dma_wait3A_91, %dma_wait3A_92] : memref<16x5x32x128xi32, #tpu.memory_space<hbm>> -> memref<1x1x32x128xi32, #tpu.memory_space<hbm>>
        %dma_wait3A_94 = tpu.memref_squeeze %dma_wait3A_93 : memref<1x1x32x128xi32, #tpu.memory_space<hbm>> -> memref<32x128xi32, #tpu.memory_space<hbm>>
        %dma_wait3A_95 = arith.constant 0 : i32
        %dma_wait3A_96 = arith.constant 0 : i32
        %dma_wait3A_97 = tpu.memref_slice %arg4[%arg1, %scan3A_32, %dma_wait3A_95, %dma_wait3A_96] : memref<16x5x32x128xi32, #tpu.memory_space<hbm>> -> memref<1x1x32x128xi32, #tpu.memory_space<hbm>>
        %dma_wait3A_98 = tpu.memref_squeeze %dma_wait3A_97 : memref<1x1x32x128xi32, #tpu.memory_space<hbm>> -> memref<32x128xi32, #tpu.memory_space<hbm>>
        tpu.wait_dma2 semaphore(%run_scoped3A_82 : memref<!tpu.dma_semaphore, #tpu.memory_space<semaphore_mem>>) src(%dma_wait3A_98 : memref<32x128xi32, #tpu.memory_space<hbm>>) dst(%arg8 : memref<32x128xi32, #tpu.memory_space<vmem>>)
        tpu.yield
      }) : () -> ()
      %dma_start3A = arith.constant 0 : i32
      %dma_start3A_33 = arith.constant 0 : i32
      %dma_start3A_34 = tpu.memref_slice %arg7[%dma_start3A, %dma_start3A_33] : memref<32x128xi32, #tpu.memory_space<vmem>> -> memref<1x128xi32, #tpu.memory_space<vmem>>
      %dma_start3A_35 = tpu.memref_squeeze %dma_start3A_34 : memref<1x128xi32, #tpu.memory_space<vmem>> -> memref<128xi32, #tpu.memory_space<vmem>>
      %dma_start3A_36 = arith.constant 0 : i32
      %dma_start3A_37 = arith.constant 0 : i32
      %dma_start3A_38 = tpu.memref_slice %arg2[%add3A_17, %dma_start3A_36, %dma_start3A_37] : memref<4x10240x128xf32, #tpu.memory_space<hbm>> -> memref<1x10240x128xf32, #tpu.memory_space<hbm>>
      %dma_start3A_39 = tpu.memref_squeeze %dma_start3A_38 : memref<1x10240x128xf32, #tpu.memory_space<hbm>> -> memref<10240x128xf32, #tpu.memory_space<hbm>>
      %dma_start3A_40 = arith.constant 0 : i32
      %dma_start3A_41 = arith.constant 0 : i32
      %dma_start3A_42 = tpu.memref_slice %dma_start3A_39[%dma_start3A_40, %dma_start3A_41] : memref<10240x128xf32, #tpu.memory_space<hbm>> -> memref<10240x128xf32, #tpu.memory_space<hbm>>
      tpu.enqueue_indirect_dma source(%dma_start3A_42 : memref<10240x128xf32, #tpu.memory_space<hbm>>) target(%arg9 : memref<128x128xf32, #tpu.memory_space<vmem>>) offsets(%dma_start3A_35 : memref<128xi32, #tpu.memory_space<vmem>>) semaphore(%arg12 : memref<!tpu.dma_semaphore, #tpu.memory_space<semaphore_mem>>)
      %dma_start3A_43 = arith.constant 1 : i32
      %dma_start3A_44 = arith.constant 0 : i32
      %dma_start3A_45 = tpu.memref_slice %arg7[%dma_start3A_43, %dma_start3A_44] : memref<32x128xi32, #tpu.memory_space<vmem>> -> memref<1x128xi32, #tpu.memory_space<vmem>>
      %dma_start3A_46 = tpu.memref_squeeze %dma_start3A_45 : memref<1x128xi32, #tpu.memory_space<vmem>> -> memref<128xi32, #tpu.memory_space<vmem>>
      %dma_start3A_47 = arith.constant 0 : i32
      %dma_start3A_48 = arith.constant 0 : i32
      %dma_start3A_49 = tpu.memref_slice %arg2[%add3A_17, %dma_start3A_47, %dma_start3A_48] : memref<4x10240x128xf32, #tpu.memory_space<hbm>> -> memref<1x10240x128xf32, #tpu.memory_space<hbm>>
      %dma_start3A_50 = tpu.memref_squeeze %dma_start3A_49 : memref<1x10240x128xf32, #tpu.memory_space<hbm>> -> memref<10240x128xf32, #tpu.memory_space<hbm>>
      %dma_start3A_51 = arith.constant 0 : i32
      %dma_start3A_52 = arith.constant 0 : i32
      %dma_start3A_53 = tpu.memref_slice %dma_start3A_50[%dma_start3A_51, %dma_start3A_52] : memref<10240x128xf32, #tpu.memory_space<hbm>> -> memref<10240x128xf32, #tpu.memory_space<hbm>>
      tpu.enqueue_indirect_dma source(%dma_start3A_53 : memref<10240x128xf32, #tpu.memory_space<hbm>>) target(%arg10 : memref<128x128xf32, #tpu.memory_space<vmem>>) offsets(%dma_start3A_46 : memref<128xi32, #tpu.memory_space<vmem>>) semaphore(%arg13 : memref<!tpu.dma_semaphore, #tpu.memory_space<semaphore_mem>>)
      %scan3A_54 = arith.constant 0 : i32
      %scan3A_55 = arith.constant 1 : i32
      %scan3A_56 = arith.constant 15 : i32
      %scan3A_57 = arith.addi %scan3A_55, %scan3A_56 : i32
      %scan3A_58 = arith.constant 1 : i32
      scf.for %scan3A_82 = %scan3A_55 to %scan3A_57 step %scan3A_58  : i32 {
        %mul3A_83 = arith.constant 2 : i32
        %mul3A_84 = arith.muli %mul3A_83, %scan3A_82 : i32
        %sub3A = arith.constant 2 : i32
        %sub3A_85 = arith.subi %mul3A_84, %sub3A : i32
        %dma_wait3A_86 = arith.constant 0 : i32
        %dma_wait3A_87 = tpu.memref_slice %arg7[%sub3A_85, %dma_wait3A_86] : memref<32x128xi32, #tpu.memory_space<vmem>> -> memref<1x128xi32, #tpu.memory_space<vmem>>
        %dma_wait3A_88 = tpu.memref_squeeze %dma_wait3A_87 : memref<1x128xi32, #tpu.memory_space<vmem>> -> memref<128xi32, #tpu.memory_space<vmem>>
        %dma_wait3A_89 = arith.constant 0 : i32
        %dma_wait3A_90 = arith.constant 0 : i32
        %dma_wait3A_91 = tpu.memref_slice %arg2[%add3A_17, %dma_wait3A_89, %dma_wait3A_90] : memref<4x10240x128xf32, #tpu.memory_space<hbm>> -> memref<1x10240x128xf32, #tpu.memory_space<hbm>>
        %dma_wait3A_92 = tpu.memref_squeeze %dma_wait3A_91 : memref<1x10240x128xf32, #tpu.memory_space<hbm>> -> memref<10240x128xf32, #tpu.memory_space<hbm>>
        %dma_wait3A_93 = arith.constant 0 : i32
        %dma_wait3A_94 = arith.constant 0 : i32
        %dma_wait3A_95 = tpu.memref_slice %dma_wait3A_92[%dma_wait3A_93, %dma_wait3A_94] : memref<10240x128xf32, #tpu.memory_space<hbm>> -> memref<10240x128xf32, #tpu.memory_space<hbm>>
        tpu.wait_indirect_dma semaphore(%arg12 : memref<!tpu.dma_semaphore, #tpu.memory_space<semaphore_mem>>) src(%dma_wait3A_95 : memref<10240x128xf32, #tpu.memory_space<hbm>>) dst(%arg9 : memref<128x128xf32, #tpu.memory_space<vmem>>)
        %sub3A_96 = arith.constant 2 : i32
        %sub3A_97 = arith.subi %mul3A_84, %sub3A_96 : i32
        "tpu.region"() ({
          %run_scoped3A_134 = tpu.sem_alloc : memref<!tpu.dma_semaphore, #tpu.memory_space<semaphore_mem>>
          %dma_start3A_135 = arith.constant 0 : i32
          %dma_start3A_136 = tpu.memref_slice %arg8[%sub3A_97, %dma_start3A_135] : memref<32x128xi32, #tpu.memory_space<vmem>> -> memref<1x128xi32, #tpu.memory_space<vmem>>
          %dma_start3A_137 = tpu.memref_squeeze %dma_start3A_136 : memref<1x128xi32, #tpu.memory_space<vmem>> -> memref<128xi32, #tpu.memory_space<vmem>>
          %dma_start3A_138 = arith.constant 0 : i32
          %dma_start3A_139 = arith.constant 0 : i32
          %dma_start3A_140 = tpu.memref_slice %arg11[%dma_start3A_138, %dma_start3A_139] : memref<10240x128xf32, #tpu.memory_space<vmem_shared>> -> memref<10240x128xf32, #tpu.memory_space<vmem_shared>>
          tpu.enqueue_indirect_dma source(%arg9 : memref<128x128xf32, #tpu.memory_space<vmem>>) target(%dma_start3A_140 : memref<10240x128xf32, #tpu.memory_space<vmem_shared>>) offsets(%dma_start3A_137 : memref<128xi32, #tpu.memory_space<vmem>>) semaphore(%run_scoped3A_134 : memref<!tpu.dma_semaphore, #tpu.memory_space<semaphore_mem>>) {add = true}
          %dma_wait3A_141 = arith.constant 0 : i32
          %dma_wait3A_142 = tpu.memref_slice %arg8[%sub3A_97, %dma_wait3A_141] : memref<32x128xi32, #tpu.memory_space<vmem>> -> memref<1x128xi32, #tpu.memory_space<vmem>>
          %dma_wait3A_143 = tpu.memref_squeeze %dma_wait3A_142 : memref<1x128xi32, #tpu.memory_space<vmem>> -> memref<128xi32, #tpu.memory_space<vmem>>
          %dma_wait3A_144 = arith.constant 0 : i32
          %dma_wait3A_145 = arith.constant 0 : i32
          %dma_wait3A_146 = tpu.memref_slice %arg11[%dma_wait3A_144, %dma_wait3A_145] : memref<10240x128xf32, #tpu.memory_space<vmem_shared>> -> memref<10240x128xf32, #tpu.memory_space<vmem_shared>>
          tpu.wait_indirect_dma semaphore(%run_scoped3A_134 : memref<!tpu.dma_semaphore, #tpu.memory_space<semaphore_mem>>) src(%arg9 : memref<128x128xf32, #tpu.memory_space<vmem>>) dst(%dma_wait3A_146 : memref<10240x128xf32, #tpu.memory_space<vmem_shared>>)
          tpu.yield
        }) : () -> ()
        %dma_start3A_98 = arith.constant 0 : i32
        %dma_start3A_99 = tpu.memref_slice %arg7[%mul3A_84, %dma_start3A_98] : memref<32x128xi32, #tpu.memory_space<vmem>> -> memref<1x128xi32, #tpu.memory_space<vmem>>
        %dma_start3A_100 = tpu.memref_squeeze %dma_start3A_99 : memref<1x128xi32, #tpu.memory_space<vmem>> -> memref<128xi32, #tpu.memory_space<vmem>>
        %dma_start3A_101 = arith.constant 0 : i32
        %dma_start3A_102 = arith.constant 0 : i32
        %dma_start3A_103 = tpu.memref_slice %arg2[%add3A_17, %dma_start3A_101, %dma_start3A_102] : memref<4x10240x128xf32, #tpu.memory_space<hbm>> -> memref<1x10240x128xf32, #tpu.memory_space<hbm>>
        %dma_start3A_104 = tpu.memref_squeeze %dma_start3A_103 : memref<1x10240x128xf32, #tpu.memory_space<hbm>> -> memref<10240x128xf32, #tpu.memory_space<hbm>>
        %dma_start3A_105 = arith.constant 0 : i32
        %dma_start3A_106 = arith.constant 0 : i32
        %dma_start3A_107 = tpu.memref_slice %dma_start3A_104[%dma_start3A_105, %dma_start3A_106] : memref<10240x128xf32, #tpu.memory_space<hbm>> -> memref<10240x128xf32, #tpu.memory_space<hbm>>
        tpu.enqueue_indirect_dma source(%dma_start3A_107 : memref<10240x128xf32, #tpu.memory_space<hbm>>) target(%arg9 : memref<128x128xf32, #tpu.memory_space<vmem>>) offsets(%dma_start3A_100 : memref<128xi32, #tpu.memory_space<vmem>>) semaphore(%arg12 : memref<!tpu.dma_semaphore, #tpu.memory_space<semaphore_mem>>)
        %sub3A_108 = arith.constant 1 : i32
        %sub3A_109 = arith.subi %mul3A_84, %sub3A_108 : i32
        %dma_wait3A_110 = arith.constant 0 : i32
        %dma_wait3A_111 = tpu.memref_slice %arg7[%sub3A_109, %dma_wait3A_110] : memref<32x128xi32, #tpu.memory_space<vmem>> -> memref<1x128xi32, #tpu.memory_space<vmem>>
        %dma_wait3A_112 = tpu.memref_squeeze %dma_wait3A_111 : memref<1x128xi32, #tpu.memory_space<vmem>> -> memref<128xi32, #tpu.memory_space<vmem>>
        %dma_wait3A_113 = arith.constant 0 : i32
        %dma_wait3A_114 = arith.constant 0 : i32
        %dma_wait3A_115 = tpu.memref_slice %arg2[%add3A_17, %dma_wait3A_113, %dma_wait3A_114] : memref<4x10240x128xf32, #tpu.memory_space<hbm>> -> memref<1x10240x128xf32, #tpu.memory_space<hbm>>
        %dma_wait3A_116 = tpu.memref_squeeze %dma_wait3A_115 : memref<1x10240x128xf32, #tpu.memory_space<hbm>> -> memref<10240x128xf32, #tpu.memory_space<hbm>>
        %dma_wait3A_117 = arith.constant 0 : i32
        %dma_wait3A_118 = arith.constant 0 : i32
        %dma_wait3A_119 = tpu.memref_slice %dma_wait3A_116[%dma_wait3A_117, %dma_wait3A_118] : memref<10240x128xf32, #tpu.memory_space<hbm>> -> memref<10240x128xf32, #tpu.memory_space<hbm>>
        tpu.wait_indirect_dma semaphore(%arg13 : memref<!tpu.dma_semaphore, #tpu.memory_space<semaphore_mem>>) src(%dma_wait3A_119 : memref<10240x128xf32, #tpu.memory_space<hbm>>) dst(%arg10 : memref<128x128xf32, #tpu.memory_space<vmem>>)
        %sub3A_120 = arith.constant 1 : i32
        %sub3A_121 = arith.subi %mul3A_84, %sub3A_120 : i32
        "tpu.region"() ({
          %run_scoped3A_134 = tpu.sem_alloc : memref<!tpu.dma_semaphore, #tpu.memory_space<semaphore_mem>>
          %dma_start3A_135 = arith.constant 0 : i32
          %dma_start3A_136 = tpu.memref_slice %arg8[%sub3A_121, %dma_start3A_135] : memref<32x128xi32, #tpu.memory_space<vmem>> -> memref<1x128xi32, #tpu.memory_space<vmem>>
          %dma_start3A_137 = tpu.memref_squeeze %dma_start3A_136 : memref<1x128xi32, #tpu.memory_space<vmem>> -> memref<128xi32, #tpu.memory_space<vmem>>
          %dma_start3A_138 = arith.constant 0 : i32
          %dma_start3A_139 = arith.constant 0 : i32
          %dma_start3A_140 = tpu.memref_slice %arg11[%dma_start3A_138, %dma_start3A_139] : memref<10240x128xf32, #tpu.memory_space<vmem_shared>> -> memref<10240x128xf32, #tpu.memory_space<vmem_shared>>
          tpu.enqueue_indirect_dma source(%arg10 : memref<128x128xf32, #tpu.memory_space<vmem>>) target(%dma_start3A_140 : memref<10240x128xf32, #tpu.memory_space<vmem_shared>>) offsets(%dma_start3A_137 : memref<128xi32, #tpu.memory_space<vmem>>) semaphore(%run_scoped3A_134 : memref<!tpu.dma_semaphore, #tpu.memory_space<semaphore_mem>>) {add = true}
          %dma_wait3A_141 = arith.constant 0 : i32
          %dma_wait3A_142 = tpu.memref_slice %arg8[%sub3A_121, %dma_wait3A_141] : memref<32x128xi32, #tpu.memory_space<vmem>> -> memref<1x128xi32, #tpu.memory_space<vmem>>
          %dma_wait3A_143 = tpu.memref_squeeze %dma_wait3A_142 : memref<1x128xi32, #tpu.memory_space<vmem>> -> memref<128xi32, #tpu.memory_space<vmem>>
          %dma_wait3A_144 = arith.constant 0 : i32
          %dma_wait3A_145 = arith.constant 0 : i32
          %dma_wait3A_146 = tpu.memref_slice %arg11[%dma_wait3A_144, %dma_wait3A_145] : memref<10240x128xf32, #tpu.memory_space<vmem_shared>> -> memref<10240x128xf32, #tpu.memory_space<vmem_shared>>
          tpu.wait_indirect_dma semaphore(%run_scoped3A_134 : memref<!tpu.dma_semaphore, #tpu.memory_space<semaphore_mem>>) src(%arg10 : memref<128x128xf32, #tpu.memory_space<vmem>>) dst(%dma_wait3A_146 : memref<10240x128xf32, #tpu.memory_space<vmem_shared>>)
          tpu.yield
        }) : () -> ()
        %add3A_122 = arith.constant 1 : i32
        %add3A_123 = arith.addi %mul3A_84, %add3A_122 : i32
        %dma_start3A_124 = arith.constant 0 : i32
        %dma_start3A_125 = tpu.memref_slice %arg7[%add3A_123, %dma_start3A_124] : memref<32x128xi32, #tpu.memory_space<vmem>> -> memref<1x128xi32, #tpu.memory_space<vmem>>
        %dma_start3A_126 = tpu.memref_squeeze %dma_start3A_125 : memref<1x128xi32, #tpu.memory_space<vmem>> -> memref<128xi32, #tpu.memory_space<vmem>>
        %dma_start3A_127 = arith.constant 0 : i32
        %dma_start3A_128 = arith.constant 0 : i32
        %dma_start3A_129 = tpu.memref_slice %arg2[%add3A_17, %dma_start3A_127, %dma_start3A_128] : memref<4x10240x128xf32, #tpu.memory_space<hbm>> -> memref<1x10240x128xf32, #tpu.memory_space<hbm>>
        %dma_start3A_130 = tpu.memref_squeeze %dma_start3A_129 : memref<1x10240x128xf32, #tpu.memory_space<hbm>> -> memref<10240x128xf32, #tpu.memory_space<hbm>>
        %dma_start3A_131 = arith.constant 0 : i32
        %dma_start3A_132 = arith.constant 0 : i32
        %dma_start3A_133 = tpu.memref_slice %dma_start3A_130[%dma_start3A_131, %dma_start3A_132] : memref<10240x128xf32, #tpu.memory_space<hbm>> -> memref<10240x128xf32, #tpu.memory_space<hbm>>
        tpu.enqueue_indirect_dma source(%dma_start3A_133 : memref<10240x128xf32, #tpu.memory_space<hbm>>) target(%arg10 : memref<128x128xf32, #tpu.memory_space<vmem>>) offsets(%dma_start3A_126 : memref<128xi32, #tpu.memory_space<vmem>>) semaphore(%arg13 : memref<!tpu.dma_semaphore, #tpu.memory_space<semaphore_mem>>)
      }
      %scan3A_59 = arith.constant 15 : i32
      %dma_wait3A = arith.constant 30 : i32
      %dma_wait3A_60 = arith.constant 0 : i32
      %dma_wait3A_61 = tpu.memref_slice %arg7[%dma_wait3A, %dma_wait3A_60] : memref<32x128xi32, #tpu.memory_space<vmem>> -> memref<1x128xi32, #tpu.memory_space<vmem>>
      %dma_wait3A_62 = tpu.memref_squeeze %dma_wait3A_61 : memref<1x128xi32, #tpu.memory_space<vmem>> -> memref<128xi32, #tpu.memory_space<vmem>>
      %dma_wait3A_63 = arith.constant 0 : i32
      %dma_wait3A_64 = arith.constant 0 : i32
      %dma_wait3A_65 = tpu.memref_slice %arg2[%add3A_17, %dma_wait3A_63, %dma_wait3A_64] : memref<4x10240x128xf32, #tpu.memory_space<hbm>> -> memref<1x10240x128xf32, #tpu.memory_space<hbm>>
      %dma_wait3A_66 = tpu.memref_squeeze %dma_wait3A_65 : memref<1x10240x128xf32, #tpu.memory_space<hbm>> -> memref<10240x128xf32, #tpu.memory_space<hbm>>
      %dma_wait3A_67 = arith.constant 0 : i32
      %dma_wait3A_68 = arith.constant 0 : i32
      %dma_wait3A_69 = tpu.memref_slice %dma_wait3A_66[%dma_wait3A_67, %dma_wait3A_68] : memref<10240x128xf32, #tpu.memory_space<hbm>> -> memref<10240x128xf32, #tpu.memory_space<hbm>>
      tpu.wait_indirect_dma semaphore(%arg12 : memref<!tpu.dma_semaphore, #tpu.memory_space<semaphore_mem>>) src(%dma_wait3A_69 : memref<10240x128xf32, #tpu.memory_space<hbm>>) dst(%arg9 : memref<128x128xf32, #tpu.memory_space<vmem>>)
      %run_scoped3A = arith.constant 30 : i32
      "tpu.region"() ({
        %run_scoped3A_82 = tpu.sem_alloc : memref<!tpu.dma_semaphore, #tpu.memory_space<semaphore_mem>>
        %dma_start3A_83 = arith.constant 0 : i32
        %dma_start3A_84 = tpu.memref_slice %arg8[%run_scoped3A, %dma_start3A_83] : memref<32x128xi32, #tpu.memory_space<vmem>> -> memref<1x128xi32, #tpu.memory_space<vmem>>
        %dma_start3A_85 = tpu.memref_squeeze %dma_start3A_84 : memref<1x128xi32, #tpu.memory_space<vmem>> -> memref<128xi32, #tpu.memory_space<vmem>>
        %dma_start3A_86 = arith.constant 0 : i32
        %dma_start3A_87 = arith.constant 0 : i32
        %dma_start3A_88 = tpu.memref_slice %arg11[%dma_start3A_86, %dma_start3A_87] : memref<10240x128xf32, #tpu.memory_space<vmem_shared>> -> memref<10240x128xf32, #tpu.memory_space<vmem_shared>>
        tpu.enqueue_indirect_dma source(%arg9 : memref<128x128xf32, #tpu.memory_space<vmem>>) target(%dma_start3A_88 : memref<10240x128xf32, #tpu.memory_space<vmem_shared>>) offsets(%dma_start3A_85 : memref<128xi32, #tpu.memory_space<vmem>>) semaphore(%run_scoped3A_82 : memref<!tpu.dma_semaphore, #tpu.memory_space<semaphore_mem>>) {add = true}
        %dma_wait3A_89 = arith.constant 0 : i32
        %dma_wait3A_90 = tpu.memref_slice %arg8[%run_scoped3A, %dma_wait3A_89] : memref<32x128xi32, #tpu.memory_space<vmem>> -> memref<1x128xi32, #tpu.memory_space<vmem>>
        %dma_wait3A_91 = tpu.memref_squeeze %dma_wait3A_90 : memref<1x128xi32, #tpu.memory_space<vmem>> -> memref<128xi32, #tpu.memory_space<vmem>>
        %dma_wait3A_92 = arith.constant 0 : i32
        %dma_wait3A_93 = arith.constant 0 : i32
        %dma_wait3A_94 = tpu.memref_slice %arg11[%dma_wait3A_92, %dma_wait3A_93] : memref<10240x128xf32, #tpu.memory_space<vmem_shared>> -> memref<10240x128xf32, #tpu.memory_space<vmem_shared>>
        tpu.wait_indirect_dma semaphore(%run_scoped3A_82 : memref<!tpu.dma_semaphore, #tpu.memory_space<semaphore_mem>>) src(%arg9 : memref<128x128xf32, #tpu.memory_space<vmem>>) dst(%dma_wait3A_94 : memref<10240x128xf32, #tpu.memory_space<vmem_shared>>)
        tpu.yield
      }) : () -> ()
      %dma_wait3A_70 = arith.constant 31 : i32
      %dma_wait3A_71 = arith.constant 0 : i32
      %dma_wait3A_72 = tpu.memref_slice %arg7[%dma_wait3A_70, %dma_wait3A_71] : memref<32x128xi32, #tpu.memory_space<vmem>> -> memref<1x128xi32, #tpu.memory_space<vmem>>
      %dma_wait3A_73 = tpu.memref_squeeze %dma_wait3A_72 : memref<1x128xi32, #tpu.memory_space<vmem>> -> memref<128xi32, #tpu.memory_space<vmem>>
      %dma_wait3A_74 = arith.constant 0 : i32
      %dma_wait3A_75 = arith.constant 0 : i32
      %dma_wait3A_76 = tpu.memref_slice %arg2[%add3A_17, %dma_wait3A_74, %dma_wait3A_75] : memref<4x10240x128xf32, #tpu.memory_space<hbm>> -> memref<1x10240x128xf32, #tpu.memory_space<hbm>>
      %dma_wait3A_77 = tpu.memref_squeeze %dma_wait3A_76 : memref<1x10240x128xf32, #tpu.memory_space<hbm>> -> memref<10240x128xf32, #tpu.memory_space<hbm>>
      %dma_wait3A_78 = arith.constant 0 : i32
      %dma_wait3A_79 = arith.constant 0 : i32
      %dma_wait3A_80 = tpu.memref_slice %dma_wait3A_77[%dma_wait3A_78, %dma_wait3A_79] : memref<10240x128xf32, #tpu.memory_space<hbm>> -> memref<10240x128xf32, #tpu.memory_space<hbm>>
      tpu.wait_indirect_dma semaphore(%arg13 : memref<!tpu.dma_semaphore, #tpu.memory_space<semaphore_mem>>) src(%dma_wait3A_80 : memref<10240x128xf32, #tpu.memory_space<hbm>>) dst(%arg10 : memref<128x128xf32, #tpu.memory_space<vmem>>)
      %run_scoped3A_81 = arith.constant 31 : i32
      "tpu.region"() ({
        %run_scoped3A_82 = tpu.sem_alloc : memref<!tpu.dma_semaphore, #tpu.memory_space<semaphore_mem>>
        %dma_start3A_83 = arith.constant 0 : i32
        %dma_start3A_84 = tpu.memref_slice %arg8[%run_scoped3A_81, %dma_start3A_83] : memref<32x128xi32, #tpu.memory_space<vmem>> -> memref<1x128xi32, #tpu.memory_space<vmem>>
        %dma_start3A_85 = tpu.memref_squeeze %dma_start3A_84 : memref<1x128xi32, #tpu.memory_space<vmem>> -> memref<128xi32, #tpu.memory_space<vmem>>
        %dma_start3A_86 = arith.constant 0 : i32
        %dma_start3A_87 = arith.constant 0 : i32
        %dma_start3A_88 = tpu.memref_slice %arg11[%dma_start3A_86, %dma_start3A_87] : memref<10240x128xf32, #tpu.memory_space<vmem_shared>> -> memref<10240x128xf32, #tpu.memory_space<vmem_shared>>
        tpu.enqueue_indirect_dma source(%arg10 : memref<128x128xf32, #tpu.memory_space<vmem>>) target(%dma_start3A_88 : memref<10240x128xf32, #tpu.memory_space<vmem_shared>>) offsets(%dma_start3A_85 : memref<128xi32, #tpu.memory_space<vmem>>) semaphore(%run_scoped3A_82 : memref<!tpu.dma_semaphore, #tpu.memory_space<semaphore_mem>>) {add = true}
        %dma_wait3A_89 = arith.constant 0 : i32
        %dma_wait3A_90 = tpu.memref_slice %arg8[%run_scoped3A_81, %dma_wait3A_89] : memref<32x128xi32, #tpu.memory_space<vmem>> -> memref<1x128xi32, #tpu.memory_space<vmem>>
        %dma_wait3A_91 = tpu.memref_squeeze %dma_wait3A_90 : memref<1x128xi32, #tpu.memory_space<vmem>> -> memref<128xi32, #tpu.memory_space<vmem>>
        %dma_wait3A_92 = arith.constant 0 : i32
        %dma_wait3A_93 = arith.constant 0 : i32
        %dma_wait3A_94 = tpu.memref_slice %arg11[%dma_wait3A_92, %dma_wait3A_93] : memref<10240x128xf32, #tpu.memory_space<vmem_shared>> -> memref<10240x128xf32, #tpu.memory_space<vmem_shared>>
        tpu.wait_indirect_dma semaphore(%run_scoped3A_82 : memref<!tpu.dma_semaphore, #tpu.memory_space<semaphore_mem>>) src(%arg10 : memref<128x128xf32, #tpu.memory_space<vmem>>) dst(%dma_wait3A_94 : memref<10240x128xf32, #tpu.memory_space<vmem_shared>>)
        tpu.yield
      }) : () -> ()
    }
    %scan3A_26 = arith.constant 5 : i32
    %barrier3A_27 = arith.constant 0 : index
    tpu.barrier barrier_id(%barrier3A_27)
    %mul3A_28 = arith.constant 640 : i32
    %mul3A_29 = arith.muli %arg1, %mul3A_28 : i32
    %mul3A_30 = arith.constant 640 : i32
    %mul3A_31 = arith.muli %arg1, %mul3A_30 : i32
    "tpu.region"() ({
      %run_scoped3A = tpu.sem_alloc : memref<!tpu.dma_semaphore, #tpu.memory_space<semaphore_mem>>
      %dma_start3A = arith.constant 0 : i32
      %dma_start3A_32 = tpu.memref_slice %arg6[%add3A_17, %mul3A_31, %dma_start3A] : memref<4x10240x128xf32, #tpu.memory_space<hbm>> -> memref<1x640x128xf32, #tpu.memory_space<hbm>>
      %dma_start3A_33 = tpu.memref_squeeze %dma_start3A_32 : memref<1x640x128xf32, #tpu.memory_space<hbm>> -> memref<640x128xf32, #tpu.memory_space<hbm>>
      %dma_start3A_34 = arith.constant 0 : i32
      %dma_start3A_35 = tpu.memref_slice %arg11[%mul3A_29, %dma_start3A_34] : memref<10240x128xf32, #tpu.memory_space<vmem_shared>> -> memref<640x128xf32, #tpu.memory_space<vmem_shared>>
      tpu.enqueue_dma source(%dma_start3A_35 : memref<640x128xf32, #tpu.memory_space<vmem_shared>>) target(%dma_start3A_33 : memref<640x128xf32, #tpu.memory_space<hbm>>) target_semaphore(%run_scoped3A : memref<!tpu.dma_semaphore, #tpu.memory_space<semaphore_mem>>)
      %dma_wait3A = arith.constant 0 : i32
      %dma_wait3A_36 = tpu.memref_slice %arg6[%add3A_17, %mul3A_31, %dma_wait3A] : memref<4x10240x128xf32, #tpu.memory_space<hbm>> -> memref<1x640x128xf32, #tpu.memory_space<hbm>>
      %dma_wait3A_37 = tpu.memref_squeeze %dma_wait3A_36 : memref<1x640x128xf32, #tpu.memory_space<hbm>> -> memref<640x128xf32, #tpu.memory_space<hbm>>
      %dma_wait3A_38 = arith.constant 0 : i32
      %dma_wait3A_39 = tpu.memref_slice %arg11[%mul3A_29, %dma_wait3A_38] : memref<10240x128xf32, #tpu.memory_space<vmem_shared>> -> memref<640x128xf32, #tpu.memory_space<vmem_shared>>
      tpu.wait_dma2 semaphore(%run_scoped3A : memref<!tpu.dma_semaphore, #tpu.memory_space<semaphore_mem>>) src(%dma_wait3A_39 : memref<640x128xf32, #tpu.memory_space<vmem_shared>>) dst(%dma_wait3A_37 : memref<640x128xf32, #tpu.memory_space<hbm>>)
      tpu.yield
    }) : () -> ()
    return
  }
}

#map = affine_map<(d0, d1) -> (0, 0, 0)>
#map1 = affine_map<(d0, d1) -> (0, 0, 0, 0)>
#map2 = affine_map<(d0, d1) -> (0, 0)>
module attributes {stable_mosaic.version = 14 : i64} {
  func.func @_sc_prop(%arg0: i32, %arg1: i32, %arg2: memref<4x10240x128xf32, #tpu.memory_space<hbm>>, %arg3: memref<16x5x32x128xi32, #tpu.memory_space<hbm>>, %arg4: memref<16x5x32x128xi32, #tpu.memory_space<hbm>>, %arg5: memref<640x128xf32, #tpu.memory_space<hbm>>, %arg6: memref<4x10240x128xf32, #tpu.memory_space<hbm>>, %arg7: memref<32x128xi32, #tpu.memory_space<vmem>>, %arg8: memref<32x128xi32, #tpu.memory_space<vmem>>, %arg9: memref<128x128xf32, #tpu.memory_space<vmem>>, %arg10: memref<128x128xf32, #tpu.memory_space<vmem>>, %arg11: memref<10240x128xf32, #tpu.memory_space<vmem_shared>>, %arg12: memref<!tpu.dma_semaphore, #tpu.memory_space<semaphore_mem>>, %arg13: memref<!tpu.dma_semaphore, #tpu.memory_space<semaphore_mem>>) attributes {dimension_semantics = [#tpu.dimension_semantics<core_parallel>, #tpu.dimension_semantics<subcore_parallel>], iteration_bounds = array<i64: 2, 16>, scalar_prefetch = 0 : i64, scratch_operands = 7 : i64, tpu.core_type = #tpu.core_type<sc_vector_subcore>, window_params = [{transform_indices = #map}, {transform_indices = #map1}, {transform_indices = #map1}, {transform_indices = #map2}, {transform_indices = #map}]} {
    %mul3A = arith.constant 2 : i32
    %mul3A_0 = arith.muli %arg0, %mul3A : i32
    %add3A = arith.constant 0 : i32
    %add3A_1 = arith.addi %mul3A_0, %add3A : i32
    %mul3A_2 = arith.constant 640 : i32
    %mul3A_3 = arith.muli %arg1, %mul3A_2 : i32
    "tpu.region"() ({
      %run_scoped3A = tpu.sem_alloc : memref<!tpu.dma_semaphore, #tpu.memory_space<semaphore_mem>>
      %dma_start3A = arith.constant 0 : i32
      %dma_start3A_32 = tpu.memref_slice %arg11[%mul3A_3, %dma_start3A] : memref<10240x128xf32, #tpu.memory_space<vmem_shared>> -> memref<640x128xf32, #tpu.memory_space<vmem_shared>>
      tpu.enqueue_dma source(%arg5 : memref<640x128xf32, #tpu.memory_space<hbm>>) target(%dma_start3A_32 : memref<640x128xf32, #tpu.memory_space<vmem_shared>>) target_semaphore(%run_scoped3A : memref<!tpu.dma_semaphore, #tpu.memory_space<semaphore_mem>>)
      %dma_wait3A = arith.constant 0 : i32
      %dma_wait3A_33 = tpu.memref_slice %arg11[%mul3A_3, %dma_wait3A] : memref<10240x128xf32, #tpu.memory_space<vmem_shared>> -> memref<640x128xf32, #tpu.memory_space<vmem_shared>>
      tpu.wait_dma2 semaphore(%run_scoped3A : memref<!tpu.dma_semaphore, #tpu.memory_space<semaphore_mem>>) src(%arg5 : memref<640x128xf32, #tpu.memory_space<hbm>>) dst(%dma_wait3A_33 : memref<640x128xf32, #tpu.memory_space<vmem_shared>>)
      tpu.yield
    }) : () -> ()
    %barrier3A = arith.constant 0 : index
    tpu.barrier barrier_id(%barrier3A)
    %scan3A = arith.constant 0 : i32
    %scan3A_4 = arith.constant 0 : i32
    %scan3A_5 = arith.constant 5 : i32
    %scan3A_6 = arith.addi %scan3A_4, %scan3A_5 : i32
    %scan3A_7 = arith.constant 1 : i32
    scf.for %scan3A_32 = %scan3A_4 to %scan3A_6 step %scan3A_7  : i32 {
      "tpu.region"() ({
        %run_scoped3A_82 = tpu.sem_alloc : memref<!tpu.dma_semaphore, #tpu.memory_space<semaphore_mem>>
        %dma_start3A_83 = arith.constant 0 : i32
        %dma_start3A_84 = arith.constant 0 : i32
        %dma_start3A_85 = tpu.memref_slice %arg3[%arg1, %scan3A_32, %dma_start3A_83, %dma_start3A_84] : memref<16x5x32x128xi32, #tpu.memory_space<hbm>> -> memref<1x1x32x128xi32, #tpu.memory_space<hbm>>
        %dma_start3A_86 = tpu.memref_squeeze %dma_start3A_85 : memref<1x1x32x128xi32, #tpu.memory_space<hbm>> -> memref<32x128xi32, #tpu.memory_space<hbm>>
        %dma_start3A_87 = arith.constant 0 : i32
        %dma_start3A_88 = arith.constant 0 : i32
        %dma_start3A_89 = tpu.memref_slice %arg3[%arg1, %scan3A_32, %dma_start3A_87, %dma_start3A_88] : memref<16x5x32x128xi32, #tpu.memory_space<hbm>> -> memref<1x1x32x128xi32, #tpu.memory_space<hbm>>
        %dma_start3A_90 = tpu.memref_squeeze %dma_start3A_89 : memref<1x1x32x128xi32, #tpu.memory_space<hbm>> -> memref<32x128xi32, #tpu.memory_space<hbm>>
        tpu.enqueue_dma source(%dma_start3A_90 : memref<32x128xi32, #tpu.memory_space<hbm>>) target(%arg7 : memref<32x128xi32, #tpu.memory_space<vmem>>) target_semaphore(%run_scoped3A_82 : memref<!tpu.dma_semaphore, #tpu.memory_space<semaphore_mem>>)
        %dma_wait3A_91 = arith.constant 0 : i32
        %dma_wait3A_92 = arith.constant 0 : i32
        %dma_wait3A_93 = tpu.memref_slice %arg3[%arg1, %scan3A_32, %dma_wait3A_91, %dma_wait3A_92] : memref<16x5x32x128xi32, #tpu.memory_space<hbm>> -> memref<1x1x32x128xi32, #tpu.memory_space<hbm>>
        %dma_wait3A_94 = tpu.memref_squeeze %dma_wait3A_93 : memref<1x1x32x128xi32, #tpu.memory_space<hbm>> -> memref<32x128xi32, #tpu.memory_space<hbm>>
        %dma_wait3A_95 = arith.constant 0 : i32
        %dma_wait3A_96 = arith.constant 0 : i32
        %dma_wait3A_97 = tpu.memref_slice %arg3[%arg1, %scan3A_32, %dma_wait3A_95, %dma_wait3A_96] : memref<16x5x32x128xi32, #tpu.memory_space<hbm>> -> memref<1x1x32x128xi32, #tpu.memory_space<hbm>>
        %dma_wait3A_98 = tpu.memref_squeeze %dma_wait3A_97 : memref<1x1x32x128xi32, #tpu.memory_space<hbm>> -> memref<32x128xi32, #tpu.memory_space<hbm>>
        tpu.wait_dma2 semaphore(%run_scoped3A_82 : memref<!tpu.dma_semaphore, #tpu.memory_space<semaphore_mem>>) src(%dma_wait3A_98 : memref<32x128xi32, #tpu.memory_space<hbm>>) dst(%arg7 : memref<32x128xi32, #tpu.memory_space<vmem>>)
        tpu.yield
      }) : () -> ()
      "tpu.region"() ({
        %run_scoped3A_82 = tpu.sem_alloc : memref<!tpu.dma_semaphore, #tpu.memory_space<semaphore_mem>>
        %dma_start3A_83 = arith.constant 0 : i32
        %dma_start3A_84 = arith.constant 0 : i32
        %dma_start3A_85 = tpu.memref_slice %arg4[%arg1, %scan3A_32, %dma_start3A_83, %dma_start3A_84] : memref<16x5x32x128xi32, #tpu.memory_space<hbm>> -> memref<1x1x32x128xi32, #tpu.memory_space<hbm>>
        %dma_start3A_86 = tpu.memref_squeeze %dma_start3A_85 : memref<1x1x32x128xi32, #tpu.memory_space<hbm>> -> memref<32x128xi32, #tpu.memory_space<hbm>>
        %dma_start3A_87 = arith.constant 0 : i32
        %dma_start3A_88 = arith.constant 0 : i32
        %dma_start3A_89 = tpu.memref_slice %arg4[%arg1, %scan3A_32, %dma_start3A_87, %dma_start3A_88] : memref<16x5x32x128xi32, #tpu.memory_space<hbm>> -> memref<1x1x32x128xi32, #tpu.memory_space<hbm>>
        %dma_start3A_90 = tpu.memref_squeeze %dma_start3A_89 : memref<1x1x32x128xi32, #tpu.memory_space<hbm>> -> memref<32x128xi32, #tpu.memory_space<hbm>>
        tpu.enqueue_dma source(%dma_start3A_90 : memref<32x128xi32, #tpu.memory_space<hbm>>) target(%arg8 : memref<32x128xi32, #tpu.memory_space<vmem>>) target_semaphore(%run_scoped3A_82 : memref<!tpu.dma_semaphore, #tpu.memory_space<semaphore_mem>>)
        %dma_wait3A_91 = arith.constant 0 : i32
        %dma_wait3A_92 = arith.constant 0 : i32
        %dma_wait3A_93 = tpu.memref_slice %arg4[%arg1, %scan3A_32, %dma_wait3A_91, %dma_wait3A_92] : memref<16x5x32x128xi32, #tpu.memory_space<hbm>> -> memref<1x1x32x128xi32, #tpu.memory_space<hbm>>
        %dma_wait3A_94 = tpu.memref_squeeze %dma_wait3A_93 : memref<1x1x32x128xi32, #tpu.memory_space<hbm>> -> memref<32x128xi32, #tpu.memory_space<hbm>>
        %dma_wait3A_95 = arith.constant 0 : i32
        %dma_wait3A_96 = arith.constant 0 : i32
        %dma_wait3A_97 = tpu.memref_slice %arg4[%arg1, %scan3A_32, %dma_wait3A_95, %dma_wait3A_96] : memref<16x5x32x128xi32, #tpu.memory_space<hbm>> -> memref<1x1x32x128xi32, #tpu.memory_space<hbm>>
        %dma_wait3A_98 = tpu.memref_squeeze %dma_wait3A_97 : memref<1x1x32x128xi32, #tpu.memory_space<hbm>> -> memref<32x128xi32, #tpu.memory_space<hbm>>
        tpu.wait_dma2 semaphore(%run_scoped3A_82 : memref<!tpu.dma_semaphore, #tpu.memory_space<semaphore_mem>>) src(%dma_wait3A_98 : memref<32x128xi32, #tpu.memory_space<hbm>>) dst(%arg8 : memref<32x128xi32, #tpu.memory_space<vmem>>)
        tpu.yield
      }) : () -> ()
      %dma_start3A = arith.constant 0 : i32
      %dma_start3A_33 = arith.constant 0 : i32
      %dma_start3A_34 = tpu.memref_slice %arg7[%dma_start3A, %dma_start3A_33] : memref<32x128xi32, #tpu.memory_space<vmem>> -> memref<1x128xi32, #tpu.memory_space<vmem>>
      %dma_start3A_35 = tpu.memref_squeeze %dma_start3A_34 : memref<1x128xi32, #tpu.memory_space<vmem>> -> memref<128xi32, #tpu.memory_space<vmem>>
      %dma_start3A_36 = arith.constant 0 : i32
      %dma_start3A_37 = arith.constant 0 : i32
      %dma_start3A_38 = tpu.memref_slice %arg2[%add3A_1, %dma_start3A_36, %dma_start3A_37] : memref<4x10240x128xf32, #tpu.memory_space<hbm>> -> memref<1x10240x128xf32, #tpu.memory_space<hbm>>
      %dma_start3A_39 = tpu.memref_squeeze %dma_start3A_38 : memref<1x10240x128xf32, #tpu.memory_space<hbm>> -> memref<10240x128xf32, #tpu.memory_space<hbm>>
      %dma_start3A_40 = arith.constant 0 : i32
      %dma_start3A_41 = arith.constant 0 : i32
      %dma_start3A_42 = tpu.memref_slice %dma_start3A_39[%dma_start3A_40, %dma_start3A_41] : memref<10240x128xf32, #tpu.memory_space<hbm>> -> memref<10240x128xf32, #tpu.memory_space<hbm>>
      tpu.enqueue_indirect_dma source(%dma_start3A_42 : memref<10240x128xf32, #tpu.memory_space<hbm>>) target(%arg9 : memref<128x128xf32, #tpu.memory_space<vmem>>) offsets(%dma_start3A_35 : memref<128xi32, #tpu.memory_space<vmem>>) semaphore(%arg12 : memref<!tpu.dma_semaphore, #tpu.memory_space<semaphore_mem>>)
      %dma_start3A_43 = arith.constant 1 : i32
      %dma_start3A_44 = arith.constant 0 : i32
      %dma_start3A_45 = tpu.memref_slice %arg7[%dma_start3A_43, %dma_start3A_44] : memref<32x128xi32, #tpu.memory_space<vmem>> -> memref<1x128xi32, #tpu.memory_space<vmem>>
      %dma_start3A_46 = tpu.memref_squeeze %dma_start3A_45 : memref<1x128xi32, #tpu.memory_space<vmem>> -> memref<128xi32, #tpu.memory_space<vmem>>
      %dma_start3A_47 = arith.constant 0 : i32
      %dma_start3A_48 = arith.constant 0 : i32
      %dma_start3A_49 = tpu.memref_slice %arg2[%add3A_1, %dma_start3A_47, %dma_start3A_48] : memref<4x10240x128xf32, #tpu.memory_space<hbm>> -> memref<1x10240x128xf32, #tpu.memory_space<hbm>>
      %dma_start3A_50 = tpu.memref_squeeze %dma_start3A_49 : memref<1x10240x128xf32, #tpu.memory_space<hbm>> -> memref<10240x128xf32, #tpu.memory_space<hbm>>
      %dma_start3A_51 = arith.constant 0 : i32
      %dma_start3A_52 = arith.constant 0 : i32
      %dma_start3A_53 = tpu.memref_slice %dma_start3A_50[%dma_start3A_51, %dma_start3A_52] : memref<10240x128xf32, #tpu.memory_space<hbm>> -> memref<10240x128xf32, #tpu.memory_space<hbm>>
      tpu.enqueue_indirect_dma source(%dma_start3A_53 : memref<10240x128xf32, #tpu.memory_space<hbm>>) target(%arg10 : memref<128x128xf32, #tpu.memory_space<vmem>>) offsets(%dma_start3A_46 : memref<128xi32, #tpu.memory_space<vmem>>) semaphore(%arg13 : memref<!tpu.dma_semaphore, #tpu.memory_space<semaphore_mem>>)
      %scan3A_54 = arith.constant 0 : i32
      %scan3A_55 = arith.constant 1 : i32
      %scan3A_56 = arith.constant 15 : i32
      %scan3A_57 = arith.addi %scan3A_55, %scan3A_56 : i32
      %scan3A_58 = arith.constant 1 : i32
      scf.for %scan3A_82 = %scan3A_55 to %scan3A_57 step %scan3A_58  : i32 {
        %mul3A_83 = arith.constant 2 : i32
        %mul3A_84 = arith.muli %mul3A_83, %scan3A_82 : i32
        %sub3A = arith.constant 2 : i32
        %sub3A_85 = arith.subi %mul3A_84, %sub3A : i32
        %dma_wait3A_86 = arith.constant 0 : i32
        %dma_wait3A_87 = tpu.memref_slice %arg7[%sub3A_85, %dma_wait3A_86] : memref<32x128xi32, #tpu.memory_space<vmem>> -> memref<1x128xi32, #tpu.memory_space<vmem>>
        %dma_wait3A_88 = tpu.memref_squeeze %dma_wait3A_87 : memref<1x128xi32, #tpu.memory_space<vmem>> -> memref<128xi32, #tpu.memory_space<vmem>>
        %dma_wait3A_89 = arith.constant 0 : i32
        %dma_wait3A_90 = arith.constant 0 : i32
        %dma_wait3A_91 = tpu.memref_slice %arg2[%add3A_1, %dma_wait3A_89, %dma_wait3A_90] : memref<4x10240x128xf32, #tpu.memory_space<hbm>> -> memref<1x10240x128xf32, #tpu.memory_space<hbm>>
        %dma_wait3A_92 = tpu.memref_squeeze %dma_wait3A_91 : memref<1x10240x128xf32, #tpu.memory_space<hbm>> -> memref<10240x128xf32, #tpu.memory_space<hbm>>
        %dma_wait3A_93 = arith.constant 0 : i32
        %dma_wait3A_94 = arith.constant 0 : i32
        %dma_wait3A_95 = tpu.memref_slice %dma_wait3A_92[%dma_wait3A_93, %dma_wait3A_94] : memref<10240x128xf32, #tpu.memory_space<hbm>> -> memref<10240x128xf32, #tpu.memory_space<hbm>>
        tpu.wait_indirect_dma semaphore(%arg12 : memref<!tpu.dma_semaphore, #tpu.memory_space<semaphore_mem>>) src(%dma_wait3A_95 : memref<10240x128xf32, #tpu.memory_space<hbm>>) dst(%arg9 : memref<128x128xf32, #tpu.memory_space<vmem>>)
        %sub3A_96 = arith.constant 2 : i32
        %sub3A_97 = arith.subi %mul3A_84, %sub3A_96 : i32
        "tpu.region"() ({
          %run_scoped3A_134 = tpu.sem_alloc : memref<!tpu.dma_semaphore, #tpu.memory_space<semaphore_mem>>
          %dma_start3A_135 = arith.constant 0 : i32
          %dma_start3A_136 = tpu.memref_slice %arg8[%sub3A_97, %dma_start3A_135] : memref<32x128xi32, #tpu.memory_space<vmem>> -> memref<1x128xi32, #tpu.memory_space<vmem>>
          %dma_start3A_137 = tpu.memref_squeeze %dma_start3A_136 : memref<1x128xi32, #tpu.memory_space<vmem>> -> memref<128xi32, #tpu.memory_space<vmem>>
          %dma_start3A_138 = arith.constant 0 : i32
          %dma_start3A_139 = arith.constant 0 : i32
          %dma_start3A_140 = tpu.memref_slice %arg11[%dma_start3A_138, %dma_start3A_139] : memref<10240x128xf32, #tpu.memory_space<vmem_shared>> -> memref<10240x128xf32, #tpu.memory_space<vmem_shared>>
          tpu.enqueue_indirect_dma source(%arg9 : memref<128x128xf32, #tpu.memory_space<vmem>>) target(%dma_start3A_140 : memref<10240x128xf32, #tpu.memory_space<vmem_shared>>) offsets(%dma_start3A_137 : memref<128xi32, #tpu.memory_space<vmem>>) semaphore(%run_scoped3A_134 : memref<!tpu.dma_semaphore, #tpu.memory_space<semaphore_mem>>) {add = true}
          %dma_wait3A_141 = arith.constant 0 : i32
          %dma_wait3A_142 = tpu.memref_slice %arg8[%sub3A_97, %dma_wait3A_141] : memref<32x128xi32, #tpu.memory_space<vmem>> -> memref<1x128xi32, #tpu.memory_space<vmem>>
          %dma_wait3A_143 = tpu.memref_squeeze %dma_wait3A_142 : memref<1x128xi32, #tpu.memory_space<vmem>> -> memref<128xi32, #tpu.memory_space<vmem>>
          %dma_wait3A_144 = arith.constant 0 : i32
          %dma_wait3A_145 = arith.constant 0 : i32
          %dma_wait3A_146 = tpu.memref_slice %arg11[%dma_wait3A_144, %dma_wait3A_145] : memref<10240x128xf32, #tpu.memory_space<vmem_shared>> -> memref<10240x128xf32, #tpu.memory_space<vmem_shared>>
          tpu.wait_indirect_dma semaphore(%run_scoped3A_134 : memref<!tpu.dma_semaphore, #tpu.memory_space<semaphore_mem>>) src(%arg9 : memref<128x128xf32, #tpu.memory_space<vmem>>) dst(%dma_wait3A_146 : memref<10240x128xf32, #tpu.memory_space<vmem_shared>>)
          tpu.yield
        }) : () -> ()
        %dma_start3A_98 = arith.constant 0 : i32
        %dma_start3A_99 = tpu.memref_slice %arg7[%mul3A_84, %dma_start3A_98] : memref<32x128xi32, #tpu.memory_space<vmem>> -> memref<1x128xi32, #tpu.memory_space<vmem>>
        %dma_start3A_100 = tpu.memref_squeeze %dma_start3A_99 : memref<1x128xi32, #tpu.memory_space<vmem>> -> memref<128xi32, #tpu.memory_space<vmem>>
        %dma_start3A_101 = arith.constant 0 : i32
        %dma_start3A_102 = arith.constant 0 : i32
        %dma_start3A_103 = tpu.memref_slice %arg2[%add3A_1, %dma_start3A_101, %dma_start3A_102] : memref<4x10240x128xf32, #tpu.memory_space<hbm>> -> memref<1x10240x128xf32, #tpu.memory_space<hbm>>
        %dma_start3A_104 = tpu.memref_squeeze %dma_start3A_103 : memref<1x10240x128xf32, #tpu.memory_space<hbm>> -> memref<10240x128xf32, #tpu.memory_space<hbm>>
        %dma_start3A_105 = arith.constant 0 : i32
        %dma_start3A_106 = arith.constant 0 : i32
        %dma_start3A_107 = tpu.memref_slice %dma_start3A_104[%dma_start3A_105, %dma_start3A_106] : memref<10240x128xf32, #tpu.memory_space<hbm>> -> memref<10240x128xf32, #tpu.memory_space<hbm>>
        tpu.enqueue_indirect_dma source(%dma_start3A_107 : memref<10240x128xf32, #tpu.memory_space<hbm>>) target(%arg9 : memref<128x128xf32, #tpu.memory_space<vmem>>) offsets(%dma_start3A_100 : memref<128xi32, #tpu.memory_space<vmem>>) semaphore(%arg12 : memref<!tpu.dma_semaphore, #tpu.memory_space<semaphore_mem>>)
        %sub3A_108 = arith.constant 1 : i32
        %sub3A_109 = arith.subi %mul3A_84, %sub3A_108 : i32
        %dma_wait3A_110 = arith.constant 0 : i32
        %dma_wait3A_111 = tpu.memref_slice %arg7[%sub3A_109, %dma_wait3A_110] : memref<32x128xi32, #tpu.memory_space<vmem>> -> memref<1x128xi32, #tpu.memory_space<vmem>>
        %dma_wait3A_112 = tpu.memref_squeeze %dma_wait3A_111 : memref<1x128xi32, #tpu.memory_space<vmem>> -> memref<128xi32, #tpu.memory_space<vmem>>
        %dma_wait3A_113 = arith.constant 0 : i32
        %dma_wait3A_114 = arith.constant 0 : i32
        %dma_wait3A_115 = tpu.memref_slice %arg2[%add3A_1, %dma_wait3A_113, %dma_wait3A_114] : memref<4x10240x128xf32, #tpu.memory_space<hbm>> -> memref<1x10240x128xf32, #tpu.memory_space<hbm>>
        %dma_wait3A_116 = tpu.memref_squeeze %dma_wait3A_115 : memref<1x10240x128xf32, #tpu.memory_space<hbm>> -> memref<10240x128xf32, #tpu.memory_space<hbm>>
        %dma_wait3A_117 = arith.constant 0 : i32
        %dma_wait3A_118 = arith.constant 0 : i32
        %dma_wait3A_119 = tpu.memref_slice %dma_wait3A_116[%dma_wait3A_117, %dma_wait3A_118] : memref<10240x128xf32, #tpu.memory_space<hbm>> -> memref<10240x128xf32, #tpu.memory_space<hbm>>
        tpu.wait_indirect_dma semaphore(%arg13 : memref<!tpu.dma_semaphore, #tpu.memory_space<semaphore_mem>>) src(%dma_wait3A_119 : memref<10240x128xf32, #tpu.memory_space<hbm>>) dst(%arg10 : memref<128x128xf32, #tpu.memory_space<vmem>>)
        %sub3A_120 = arith.constant 1 : i32
        %sub3A_121 = arith.subi %mul3A_84, %sub3A_120 : i32
        "tpu.region"() ({
          %run_scoped3A_134 = tpu.sem_alloc : memref<!tpu.dma_semaphore, #tpu.memory_space<semaphore_mem>>
          %dma_start3A_135 = arith.constant 0 : i32
          %dma_start3A_136 = tpu.memref_slice %arg8[%sub3A_121, %dma_start3A_135] : memref<32x128xi32, #tpu.memory_space<vmem>> -> memref<1x128xi32, #tpu.memory_space<vmem>>
          %dma_start3A_137 = tpu.memref_squeeze %dma_start3A_136 : memref<1x128xi32, #tpu.memory_space<vmem>> -> memref<128xi32, #tpu.memory_space<vmem>>
          %dma_start3A_138 = arith.constant 0 : i32
          %dma_start3A_139 = arith.constant 0 : i32
          %dma_start3A_140 = tpu.memref_slice %arg11[%dma_start3A_138, %dma_start3A_139] : memref<10240x128xf32, #tpu.memory_space<vmem_shared>> -> memref<10240x128xf32, #tpu.memory_space<vmem_shared>>
          tpu.enqueue_indirect_dma source(%arg10 : memref<128x128xf32, #tpu.memory_space<vmem>>) target(%dma_start3A_140 : memref<10240x128xf32, #tpu.memory_space<vmem_shared>>) offsets(%dma_start3A_137 : memref<128xi32, #tpu.memory_space<vmem>>) semaphore(%run_scoped3A_134 : memref<!tpu.dma_semaphore, #tpu.memory_space<semaphore_mem>>) {add = true}
          %dma_wait3A_141 = arith.constant 0 : i32
          %dma_wait3A_142 = tpu.memref_slice %arg8[%sub3A_121, %dma_wait3A_141] : memref<32x128xi32, #tpu.memory_space<vmem>> -> memref<1x128xi32, #tpu.memory_space<vmem>>
          %dma_wait3A_143 = tpu.memref_squeeze %dma_wait3A_142 : memref<1x128xi32, #tpu.memory_space<vmem>> -> memref<128xi32, #tpu.memory_space<vmem>>
          %dma_wait3A_144 = arith.constant 0 : i32
          %dma_wait3A_145 = arith.constant 0 : i32
          %dma_wait3A_146 = tpu.memref_slice %arg11[%dma_wait3A_144, %dma_wait3A_145] : memref<10240x128xf32, #tpu.memory_space<vmem_shared>> -> memref<10240x128xf32, #tpu.memory_space<vmem_shared>>
          tpu.wait_indirect_dma semaphore(%run_scoped3A_134 : memref<!tpu.dma_semaphore, #tpu.memory_space<semaphore_mem>>) src(%arg10 : memref<128x128xf32, #tpu.memory_space<vmem>>) dst(%dma_wait3A_146 : memref<10240x128xf32, #tpu.memory_space<vmem_shared>>)
          tpu.yield
        }) : () -> ()
        %add3A_122 = arith.constant 1 : i32
        %add3A_123 = arith.addi %mul3A_84, %add3A_122 : i32
        %dma_start3A_124 = arith.constant 0 : i32
        %dma_start3A_125 = tpu.memref_slice %arg7[%add3A_123, %dma_start3A_124] : memref<32x128xi32, #tpu.memory_space<vmem>> -> memref<1x128xi32, #tpu.memory_space<vmem>>
        %dma_start3A_126 = tpu.memref_squeeze %dma_start3A_125 : memref<1x128xi32, #tpu.memory_space<vmem>> -> memref<128xi32, #tpu.memory_space<vmem>>
        %dma_start3A_127 = arith.constant 0 : i32
        %dma_start3A_128 = arith.constant 0 : i32
        %dma_start3A_129 = tpu.memref_slice %arg2[%add3A_1, %dma_start3A_127, %dma_start3A_128] : memref<4x10240x128xf32, #tpu.memory_space<hbm>> -> memref<1x10240x128xf32, #tpu.memory_space<hbm>>
        %dma_start3A_130 = tpu.memref_squeeze %dma_start3A_129 : memref<1x10240x128xf32, #tpu.memory_space<hbm>> -> memref<10240x128xf32, #tpu.memory_space<hbm>>
        %dma_start3A_131 = arith.constant 0 : i32
        %dma_start3A_132 = arith.constant 0 : i32
        %dma_start3A_133 = tpu.memref_slice %dma_start3A_130[%dma_start3A_131, %dma_start3A_132] : memref<10240x128xf32, #tpu.memory_space<hbm>> -> memref<10240x128xf32, #tpu.memory_space<hbm>>
        tpu.enqueue_indirect_dma source(%dma_start3A_133 : memref<10240x128xf32, #tpu.memory_space<hbm>>) target(%arg10 : memref<128x128xf32, #tpu.memory_space<vmem>>) offsets(%dma_start3A_126 : memref<128xi32, #tpu.memory_space<vmem>>) semaphore(%arg13 : memref<!tpu.dma_semaphore, #tpu.memory_space<semaphore_mem>>)
      }
      %scan3A_59 = arith.constant 15 : i32
      %dma_wait3A = arith.constant 30 : i32
      %dma_wait3A_60 = arith.constant 0 : i32
      %dma_wait3A_61 = tpu.memref_slice %arg7[%dma_wait3A, %dma_wait3A_60] : memref<32x128xi32, #tpu.memory_space<vmem>> -> memref<1x128xi32, #tpu.memory_space<vmem>>
      %dma_wait3A_62 = tpu.memref_squeeze %dma_wait3A_61 : memref<1x128xi32, #tpu.memory_space<vmem>> -> memref<128xi32, #tpu.memory_space<vmem>>
      %dma_wait3A_63 = arith.constant 0 : i32
      %dma_wait3A_64 = arith.constant 0 : i32
      %dma_wait3A_65 = tpu.memref_slice %arg2[%add3A_1, %dma_wait3A_63, %dma_wait3A_64] : memref<4x10240x128xf32, #tpu.memory_space<hbm>> -> memref<1x10240x128xf32, #tpu.memory_space<hbm>>
      %dma_wait3A_66 = tpu.memref_squeeze %dma_wait3A_65 : memref<1x10240x128xf32, #tpu.memory_space<hbm>> -> memref<10240x128xf32, #tpu.memory_space<hbm>>
      %dma_wait3A_67 = arith.constant 0 : i32
      %dma_wait3A_68 = arith.constant 0 : i32
      %dma_wait3A_69 = tpu.memref_slice %dma_wait3A_66[%dma_wait3A_67, %dma_wait3A_68] : memref<10240x128xf32, #tpu.memory_space<hbm>> -> memref<10240x128xf32, #tpu.memory_space<hbm>>
      tpu.wait_indirect_dma semaphore(%arg12 : memref<!tpu.dma_semaphore, #tpu.memory_space<semaphore_mem>>) src(%dma_wait3A_69 : memref<10240x128xf32, #tpu.memory_space<hbm>>) dst(%arg9 : memref<128x128xf32, #tpu.memory_space<vmem>>)
      %run_scoped3A = arith.constant 30 : i32
      "tpu.region"() ({
        %run_scoped3A_82 = tpu.sem_alloc : memref<!tpu.dma_semaphore, #tpu.memory_space<semaphore_mem>>
        %dma_start3A_83 = arith.constant 0 : i32
        %dma_start3A_84 = tpu.memref_slice %arg8[%run_scoped3A, %dma_start3A_83] : memref<32x128xi32, #tpu.memory_space<vmem>> -> memref<1x128xi32, #tpu.memory_space<vmem>>
        %dma_start3A_85 = tpu.memref_squeeze %dma_start3A_84 : memref<1x128xi32, #tpu.memory_space<vmem>> -> memref<128xi32, #tpu.memory_space<vmem>>
        %dma_start3A_86 = arith.constant 0 : i32
        %dma_start3A_87 = arith.constant 0 : i32
        %dma_start3A_88 = tpu.memref_slice %arg11[%dma_start3A_86, %dma_start3A_87] : memref<10240x128xf32, #tpu.memory_space<vmem_shared>> -> memref<10240x128xf32, #tpu.memory_space<vmem_shared>>
        tpu.enqueue_indirect_dma source(%arg9 : memref<128x128xf32, #tpu.memory_space<vmem>>) target(%dma_start3A_88 : memref<10240x128xf32, #tpu.memory_space<vmem_shared>>) offsets(%dma_start3A_85 : memref<128xi32, #tpu.memory_space<vmem>>) semaphore(%run_scoped3A_82 : memref<!tpu.dma_semaphore, #tpu.memory_space<semaphore_mem>>) {add = true}
        %dma_wait3A_89 = arith.constant 0 : i32
        %dma_wait3A_90 = tpu.memref_slice %arg8[%run_scoped3A, %dma_wait3A_89] : memref<32x128xi32, #tpu.memory_space<vmem>> -> memref<1x128xi32, #tpu.memory_space<vmem>>
        %dma_wait3A_91 = tpu.memref_squeeze %dma_wait3A_90 : memref<1x128xi32, #tpu.memory_space<vmem>> -> memref<128xi32, #tpu.memory_space<vmem>>
        %dma_wait3A_92 = arith.constant 0 : i32
        %dma_wait3A_93 = arith.constant 0 : i32
        %dma_wait3A_94 = tpu.memref_slice %arg11[%dma_wait3A_92, %dma_wait3A_93] : memref<10240x128xf32, #tpu.memory_space<vmem_shared>> -> memref<10240x128xf32, #tpu.memory_space<vmem_shared>>
        tpu.wait_indirect_dma semaphore(%run_scoped3A_82 : memref<!tpu.dma_semaphore, #tpu.memory_space<semaphore_mem>>) src(%arg9 : memref<128x128xf32, #tpu.memory_space<vmem>>) dst(%dma_wait3A_94 : memref<10240x128xf32, #tpu.memory_space<vmem_shared>>)
        tpu.yield
      }) : () -> ()
      %dma_wait3A_70 = arith.constant 31 : i32
      %dma_wait3A_71 = arith.constant 0 : i32
      %dma_wait3A_72 = tpu.memref_slice %arg7[%dma_wait3A_70, %dma_wait3A_71] : memref<32x128xi32, #tpu.memory_space<vmem>> -> memref<1x128xi32, #tpu.memory_space<vmem>>
      %dma_wait3A_73 = tpu.memref_squeeze %dma_wait3A_72 : memref<1x128xi32, #tpu.memory_space<vmem>> -> memref<128xi32, #tpu.memory_space<vmem>>
      %dma_wait3A_74 = arith.constant 0 : i32
      %dma_wait3A_75 = arith.constant 0 : i32
      %dma_wait3A_76 = tpu.memref_slice %arg2[%add3A_1, %dma_wait3A_74, %dma_wait3A_75] : memref<4x10240x128xf32, #tpu.memory_space<hbm>> -> memref<1x10240x128xf32, #tpu.memory_space<hbm>>
      %dma_wait3A_77 = tpu.memref_squeeze %dma_wait3A_76 : memref<1x10240x128xf32, #tpu.memory_space<hbm>> -> memref<10240x128xf32, #tpu.memory_space<hbm>>
      %dma_wait3A_78 = arith.constant 0 : i32
      %dma_wait3A_79 = arith.constant 0 : i32
      %dma_wait3A_80 = tpu.memref_slice %dma_wait3A_77[%dma_wait3A_78, %dma_wait3A_79] : memref<10240x128xf32, #tpu.memory_space<hbm>> -> memref<10240x128xf32, #tpu.memory_space<hbm>>
      tpu.wait_indirect_dma semaphore(%arg13 : memref<!tpu.dma_semaphore, #tpu.memory_space<semaphore_mem>>) src(%dma_wait3A_80 : memref<10240x128xf32, #tpu.memory_space<hbm>>) dst(%arg10 : memref<128x128xf32, #tpu.memory_space<vmem>>)
      %run_scoped3A_81 = arith.constant 31 : i32
      "tpu.region"() ({
        %run_scoped3A_82 = tpu.sem_alloc : memref<!tpu.dma_semaphore, #tpu.memory_space<semaphore_mem>>
        %dma_start3A_83 = arith.constant 0 : i32
        %dma_start3A_84 = tpu.memref_slice %arg8[%run_scoped3A_81, %dma_start3A_83] : memref<32x128xi32, #tpu.memory_space<vmem>> -> memref<1x128xi32, #tpu.memory_space<vmem>>
        %dma_start3A_85 = tpu.memref_squeeze %dma_start3A_84 : memref<1x128xi32, #tpu.memory_space<vmem>> -> memref<128xi32, #tpu.memory_space<vmem>>
        %dma_start3A_86 = arith.constant 0 : i32
        %dma_start3A_87 = arith.constant 0 : i32
        %dma_start3A_88 = tpu.memref_slice %arg11[%dma_start3A_86, %dma_start3A_87] : memref<10240x128xf32, #tpu.memory_space<vmem_shared>> -> memref<10240x128xf32, #tpu.memory_space<vmem_shared>>
        tpu.enqueue_indirect_dma source(%arg10 : memref<128x128xf32, #tpu.memory_space<vmem>>) target(%dma_start3A_88 : memref<10240x128xf32, #tpu.memory_space<vmem_shared>>) offsets(%dma_start3A_85 : memref<128xi32, #tpu.memory_space<vmem>>) semaphore(%run_scoped3A_82 : memref<!tpu.dma_semaphore, #tpu.memory_space<semaphore_mem>>) {add = true}
        %dma_wait3A_89 = arith.constant 0 : i32
        %dma_wait3A_90 = tpu.memref_slice %arg8[%run_scoped3A_81, %dma_wait3A_89] : memref<32x128xi32, #tpu.memory_space<vmem>> -> memref<1x128xi32, #tpu.memory_space<vmem>>
        %dma_wait3A_91 = tpu.memref_squeeze %dma_wait3A_90 : memref<1x128xi32, #tpu.memory_space<vmem>> -> memref<128xi32, #tpu.memory_space<vmem>>
        %dma_wait3A_92 = arith.constant 0 : i32
        %dma_wait3A_93 = arith.constant 0 : i32
        %dma_wait3A_94 = tpu.memref_slice %arg11[%dma_wait3A_92, %dma_wait3A_93] : memref<10240x128xf32, #tpu.memory_space<vmem_shared>> -> memref<10240x128xf32, #tpu.memory_space<vmem_shared>>
        tpu.wait_indirect_dma semaphore(%run_scoped3A_82 : memref<!tpu.dma_semaphore, #tpu.memory_space<semaphore_mem>>) src(%arg10 : memref<128x128xf32, #tpu.memory_space<vmem>>) dst(%dma_wait3A_94 : memref<10240x128xf32, #tpu.memory_space<vmem_shared>>)
        tpu.yield
      }) : () -> ()
    }
    %scan3A_8 = arith.constant 5 : i32
    %barrier3A_9 = arith.constant 0 : index
    tpu.barrier barrier_id(%barrier3A_9)
    %mul3A_10 = arith.constant 640 : i32
    %mul3A_11 = arith.muli %arg1, %mul3A_10 : i32
    %mul3A_12 = arith.constant 640 : i32
    %mul3A_13 = arith.muli %arg1, %mul3A_12 : i32
    "tpu.region"() ({
      %run_scoped3A = tpu.sem_alloc : memref<!tpu.dma_semaphore, #tpu.memory_space<semaphore_mem>>
      %dma_start3A = arith.constant 0 : i32
      %dma_start3A_32 = tpu.memref_slice %arg6[%add3A_1, %mul3A_13, %dma_start3A] : memref<4x10240x128xf32, #tpu.memory_space<hbm>> -> memref<1x640x128xf32, #tpu.memory_space<hbm>>
      %dma_start3A_33 = tpu.memref_squeeze %dma_start3A_32 : memref<1x640x128xf32, #tpu.memory_space<hbm>> -> memref<640x128xf32, #tpu.memory_space<hbm>>
      %dma_start3A_34 = arith.constant 0 : i32
      %dma_start3A_35 = tpu.memref_slice %arg11[%mul3A_11, %dma_start3A_34] : memref<10240x128xf32, #tpu.memory_space<vmem_shared>> -> memref<640x128xf32, #tpu.memory_space<vmem_shared>>
      tpu.enqueue_dma source(%dma_start3A_35 : memref<640x128xf32, #tpu.memory_space<vmem_shared>>) target(%dma_start3A_33 : memref<640x128xf32, #tpu.memory_space<hbm>>) target_semaphore(%run_scoped3A : memref<!tpu.dma_semaphore, #tpu.memory_space<semaphore_mem>>)
      %dma_wait3A = arith.constant 0 : i32
      %dma_wait3A_36 = tpu.memref_slice %arg6[%add3A_1, %mul3A_13, %dma_wait3A] : memref<4x10240x128xf32, #tpu.memory_space<hbm>> -> memref<1x640x128xf32, #tpu.memory_space<hbm>>
      %dma_wait3A_37 = tpu.memref_squeeze %dma_wait3A_36 : memref<1x640x128xf32, #tpu.memory_space<hbm>> -> memref<640x128xf32, #tpu.memory_space<hbm>>
      %dma_wait3A_38 = arith.constant 0 : i32
      %dma_wait3A_39 = tpu.memref_slice %arg11[%mul3A_11, %dma_wait3A_38] : memref<10240x128xf32, #tpu.memory_space<vmem_shared>> -> memref<640x128xf32, #tpu.memory_space<vmem_shared>>
      tpu.wait_dma2 semaphore(%run_scoped3A : memref<!tpu.dma_semaphore, #tpu.memory_space<semaphore_mem>>) src(%dma_wait3A_39 : memref<640x128xf32, #tpu.memory_space<vmem_shared>>) dst(%dma_wait3A_37 : memref<640x128xf32, #tpu.memory_space<hbm>>)
      tpu.yield
    }) : () -> ()
    %mul3A_14 = arith.constant 2 : i32
    %mul3A_15 = arith.muli %arg0, %mul3A_14 : i32
    %add3A_16 = arith.constant 1 : i32
    %add3A_17 = arith.addi %mul3A_15, %add3A_16 : i32
    %mul3A_18 = arith.constant 640 : i32
    %mul3A_19 = arith.muli %arg1, %mul3A_18 : i32
    "tpu.region"() ({
      %run_scoped3A = tpu.sem_alloc : memref<!tpu.dma_semaphore, #tpu.memory_space<semaphore_mem>>
      %dma_start3A = arith.constant 0 : i32
      %dma_start3A_32 = tpu.memref_slice %arg11[%mul3A_19, %dma_start3A] : memref<10240x128xf32, #tpu.memory_space<vmem_shared>> -> memref<640x128xf32, #tpu.memory_space<vmem_shared>>
      tpu.enqueue_dma source(%arg5 : memref<640x128xf32, #tpu.memory_space<hbm>>) target(%dma_start3A_32 : memref<640x128xf32, #tpu.memory_space<vmem_shared>>) target_semaphore(%run_scoped3A : memref<!tpu.dma_semaphore, #tpu.memory_space<semaphore_mem>>)
      %dma_wait3A = arith.constant 0 : i32
      %dma_wait3A_33 = tpu.memref_slice %arg11[%mul3A_19, %dma_wait3A] : memref<10240x128xf32, #tpu.memory_space<vmem_shared>> -> memref<640x128xf32, #tpu.memory_space<vmem_shared>>
      tpu.wait_dma2 semaphore(%run_scoped3A : memref<!tpu.dma_semaphore, #tpu.memory_space<semaphore_mem>>) src(%arg5 : memref<640x128xf32, #tpu.memory_space<hbm>>) dst(%dma_wait3A_33 : memref<640x128xf32, #tpu.memory_space<vmem_shared>>)
      tpu.yield
    }) : () -> ()
    %barrier3A_20 = arith.constant 0 : index
    tpu.barrier barrier_id(%barrier3A_20)
    %scan3A_21 = arith.constant 0 : i32
    %scan3A_22 = arith.constant 0 : i32
    %scan3A_23 = arith.constant 5 : i32
    %scan3A_24 = arith.addi %scan3A_22, %scan3A_23 : i32
    %scan3A_25 = arith.constant 1 : i32
    scf.for %scan3A_32 = %scan3A_22 to %scan3A_24 step %scan3A_25  : i32 {
      "tpu.region"() ({
        %run_scoped3A_82 = tpu.sem_alloc : memref<!tpu.dma_semaphore, #tpu.memory_space<semaphore_mem>>
        %dma_start3A_83 = arith.constant 0 : i32
        %dma_start3A_84 = arith.constant 0 : i32
        %dma_start3A_85 = tpu.memref_slice %arg3[%arg1, %scan3A_32, %dma_start3A_83, %dma_start3A_84] : memref<16x5x32x128xi32, #tpu.memory_space<hbm>> -> memref<1x1x32x128xi32, #tpu.memory_space<hbm>>
        %dma_start3A_86 = tpu.memref_squeeze %dma_start3A_85 : memref<1x1x32x128xi32, #tpu.memory_space<hbm>> -> memref<32x128xi32, #tpu.memory_space<hbm>>
        %dma_start3A_87 = arith.constant 0 : i32
        %dma_start3A_88 = arith.constant 0 : i32
        %dma_start3A_89 = tpu.memref_slice %arg3[%arg1, %scan3A_32, %dma_start3A_87, %dma_start3A_88] : memref<16x5x32x128xi32, #tpu.memory_space<hbm>> -> memref<1x1x32x128xi32, #tpu.memory_space<hbm>>
        %dma_start3A_90 = tpu.memref_squeeze %dma_start3A_89 : memref<1x1x32x128xi32, #tpu.memory_space<hbm>> -> memref<32x128xi32, #tpu.memory_space<hbm>>
        tpu.enqueue_dma source(%dma_start3A_90 : memref<32x128xi32, #tpu.memory_space<hbm>>) target(%arg7 : memref<32x128xi32, #tpu.memory_space<vmem>>) target_semaphore(%run_scoped3A_82 : memref<!tpu.dma_semaphore, #tpu.memory_space<semaphore_mem>>)
        %dma_wait3A_91 = arith.constant 0 : i32
        %dma_wait3A_92 = arith.constant 0 : i32
        %dma_wait3A_93 = tpu.memref_slice %arg3[%arg1, %scan3A_32, %dma_wait3A_91, %dma_wait3A_92] : memref<16x5x32x128xi32, #tpu.memory_space<hbm>> -> memref<1x1x32x128xi32, #tpu.memory_space<hbm>>
        %dma_wait3A_94 = tpu.memref_squeeze %dma_wait3A_93 : memref<1x1x32x128xi32, #tpu.memory_space<hbm>> -> memref<32x128xi32, #tpu.memory_space<hbm>>
        %dma_wait3A_95 = arith.constant 0 : i32
        %dma_wait3A_96 = arith.constant 0 : i32
        %dma_wait3A_97 = tpu.memref_slice %arg3[%arg1, %scan3A_32, %dma_wait3A_95, %dma_wait3A_96] : memref<16x5x32x128xi32, #tpu.memory_space<hbm>> -> memref<1x1x32x128xi32, #tpu.memory_space<hbm>>
        %dma_wait3A_98 = tpu.memref_squeeze %dma_wait3A_97 : memref<1x1x32x128xi32, #tpu.memory_space<hbm>> -> memref<32x128xi32, #tpu.memory_space<hbm>>
        tpu.wait_dma2 semaphore(%run_scoped3A_82 : memref<!tpu.dma_semaphore, #tpu.memory_space<semaphore_mem>>) src(%dma_wait3A_98 : memref<32x128xi32, #tpu.memory_space<hbm>>) dst(%arg7 : memref<32x128xi32, #tpu.memory_space<vmem>>)
        tpu.yield
      }) : () -> ()
      "tpu.region"() ({
        %run_scoped3A_82 = tpu.sem_alloc : memref<!tpu.dma_semaphore, #tpu.memory_space<semaphore_mem>>
        %dma_start3A_83 = arith.constant 0 : i32
        %dma_start3A_84 = arith.constant 0 : i32
        %dma_start3A_85 = tpu.memref_slice %arg4[%arg1, %scan3A_32, %dma_start3A_83, %dma_start3A_84] : memref<16x5x32x128xi32, #tpu.memory_space<hbm>> -> memref<1x1x32x128xi32, #tpu.memory_space<hbm>>
        %dma_start3A_86 = tpu.memref_squeeze %dma_start3A_85 : memref<1x1x32x128xi32, #tpu.memory_space<hbm>> -> memref<32x128xi32, #tpu.memory_space<hbm>>
        %dma_start3A_87 = arith.constant 0 : i32
        %dma_start3A_88 = arith.constant 0 : i32
        %dma_start3A_89 = tpu.memref_slice %arg4[%arg1, %scan3A_32, %dma_start3A_87, %dma_start3A_88] : memref<16x5x32x128xi32, #tpu.memory_space<hbm>> -> memref<1x1x32x128xi32, #tpu.memory_space<hbm>>
        %dma_start3A_90 = tpu.memref_squeeze %dma_start3A_89 : memref<1x1x32x128xi32, #tpu.memory_space<hbm>> -> memref<32x128xi32, #tpu.memory_space<hbm>>
        tpu.enqueue_dma source(%dma_start3A_90 : memref<32x128xi32, #tpu.memory_space<hbm>>) target(%arg8 : memref<32x128xi32, #tpu.memory_space<vmem>>) target_semaphore(%run_scoped3A_82 : memref<!tpu.dma_semaphore, #tpu.memory_space<semaphore_mem>>)
        %dma_wait3A_91 = arith.constant 0 : i32
        %dma_wait3A_92 = arith.constant 0 : i32
        %dma_wait3A_93 = tpu.memref_slice %arg4[%arg1, %scan3A_32, %dma_wait3A_91, %dma_wait3A_92] : memref<16x5x32x128xi32, #tpu.memory_space<hbm>> -> memref<1x1x32x128xi32, #tpu.memory_space<hbm>>
        %dma_wait3A_94 = tpu.memref_squeeze %dma_wait3A_93 : memref<1x1x32x128xi32, #tpu.memory_space<hbm>> -> memref<32x128xi32, #tpu.memory_space<hbm>>
        %dma_wait3A_95 = arith.constant 0 : i32
        %dma_wait3A_96 = arith.constant 0 : i32
        %dma_wait3A_97 = tpu.memref_slice %arg4[%arg1, %scan3A_32, %dma_wait3A_95, %dma_wait3A_96] : memref<16x5x32x128xi32, #tpu.memory_space<hbm>> -> memref<1x1x32x128xi32, #tpu.memory_space<hbm>>
        %dma_wait3A_98 = tpu.memref_squeeze %dma_wait3A_97 : memref<1x1x32x128xi32, #tpu.memory_space<hbm>> -> memref<32x128xi32, #tpu.memory_space<hbm>>
        tpu.wait_dma2 semaphore(%run_scoped3A_82 : memref<!tpu.dma_semaphore, #tpu.memory_space<semaphore_mem>>) src(%dma_wait3A_98 : memref<32x128xi32, #tpu.memory_space<hbm>>) dst(%arg8 : memref<32x128xi32, #tpu.memory_space<vmem>>)
        tpu.yield
      }) : () -> ()
      %dma_start3A = arith.constant 0 : i32
      %dma_start3A_33 = arith.constant 0 : i32
      %dma_start3A_34 = tpu.memref_slice %arg7[%dma_start3A, %dma_start3A_33] : memref<32x128xi32, #tpu.memory_space<vmem>> -> memref<1x128xi32, #tpu.memory_space<vmem>>
      %dma_start3A_35 = tpu.memref_squeeze %dma_start3A_34 : memref<1x128xi32, #tpu.memory_space<vmem>> -> memref<128xi32, #tpu.memory_space<vmem>>
      %dma_start3A_36 = arith.constant 0 : i32
      %dma_start3A_37 = arith.constant 0 : i32
      %dma_start3A_38 = tpu.memref_slice %arg2[%add3A_17, %dma_start3A_36, %dma_start3A_37] : memref<4x10240x128xf32, #tpu.memory_space<hbm>> -> memref<1x10240x128xf32, #tpu.memory_space<hbm>>
      %dma_start3A_39 = tpu.memref_squeeze %dma_start3A_38 : memref<1x10240x128xf32, #tpu.memory_space<hbm>> -> memref<10240x128xf32, #tpu.memory_space<hbm>>
      %dma_start3A_40 = arith.constant 0 : i32
      %dma_start3A_41 = arith.constant 0 : i32
      %dma_start3A_42 = tpu.memref_slice %dma_start3A_39[%dma_start3A_40, %dma_start3A_41] : memref<10240x128xf32, #tpu.memory_space<hbm>> -> memref<10240x128xf32, #tpu.memory_space<hbm>>
      tpu.enqueue_indirect_dma source(%dma_start3A_42 : memref<10240x128xf32, #tpu.memory_space<hbm>>) target(%arg9 : memref<128x128xf32, #tpu.memory_space<vmem>>) offsets(%dma_start3A_35 : memref<128xi32, #tpu.memory_space<vmem>>) semaphore(%arg12 : memref<!tpu.dma_semaphore, #tpu.memory_space<semaphore_mem>>)
      %dma_start3A_43 = arith.constant 1 : i32
      %dma_start3A_44 = arith.constant 0 : i32
      %dma_start3A_45 = tpu.memref_slice %arg7[%dma_start3A_43, %dma_start3A_44] : memref<32x128xi32, #tpu.memory_space<vmem>> -> memref<1x128xi32, #tpu.memory_space<vmem>>
      %dma_start3A_46 = tpu.memref_squeeze %dma_start3A_45 : memref<1x128xi32, #tpu.memory_space<vmem>> -> memref<128xi32, #tpu.memory_space<vmem>>
      %dma_start3A_47 = arith.constant 0 : i32
      %dma_start3A_48 = arith.constant 0 : i32
      %dma_start3A_49 = tpu.memref_slice %arg2[%add3A_17, %dma_start3A_47, %dma_start3A_48] : memref<4x10240x128xf32, #tpu.memory_space<hbm>> -> memref<1x10240x128xf32, #tpu.memory_space<hbm>>
      %dma_start3A_50 = tpu.memref_squeeze %dma_start3A_49 : memref<1x10240x128xf32, #tpu.memory_space<hbm>> -> memref<10240x128xf32, #tpu.memory_space<hbm>>
      %dma_start3A_51 = arith.constant 0 : i32
      %dma_start3A_52 = arith.constant 0 : i32
      %dma_start3A_53 = tpu.memref_slice %dma_start3A_50[%dma_start3A_51, %dma_start3A_52] : memref<10240x128xf32, #tpu.memory_space<hbm>> -> memref<10240x128xf32, #tpu.memory_space<hbm>>
      tpu.enqueue_indirect_dma source(%dma_start3A_53 : memref<10240x128xf32, #tpu.memory_space<hbm>>) target(%arg10 : memref<128x128xf32, #tpu.memory_space<vmem>>) offsets(%dma_start3A_46 : memref<128xi32, #tpu.memory_space<vmem>>) semaphore(%arg13 : memref<!tpu.dma_semaphore, #tpu.memory_space<semaphore_mem>>)
      %scan3A_54 = arith.constant 0 : i32
      %scan3A_55 = arith.constant 1 : i32
      %scan3A_56 = arith.constant 15 : i32
      %scan3A_57 = arith.addi %scan3A_55, %scan3A_56 : i32
      %scan3A_58 = arith.constant 1 : i32
      scf.for %scan3A_82 = %scan3A_55 to %scan3A_57 step %scan3A_58  : i32 {
        %mul3A_83 = arith.constant 2 : i32
        %mul3A_84 = arith.muli %mul3A_83, %scan3A_82 : i32
        %sub3A = arith.constant 2 : i32
        %sub3A_85 = arith.subi %mul3A_84, %sub3A : i32
        %dma_wait3A_86 = arith.constant 0 : i32
        %dma_wait3A_87 = tpu.memref_slice %arg7[%sub3A_85, %dma_wait3A_86] : memref<32x128xi32, #tpu.memory_space<vmem>> -> memref<1x128xi32, #tpu.memory_space<vmem>>
        %dma_wait3A_88 = tpu.memref_squeeze %dma_wait3A_87 : memref<1x128xi32, #tpu.memory_space<vmem>> -> memref<128xi32, #tpu.memory_space<vmem>>
        %dma_wait3A_89 = arith.constant 0 : i32
        %dma_wait3A_90 = arith.constant 0 : i32
        %dma_wait3A_91 = tpu.memref_slice %arg2[%add3A_17, %dma_wait3A_89, %dma_wait3A_90] : memref<4x10240x128xf32, #tpu.memory_space<hbm>> -> memref<1x10240x128xf32, #tpu.memory_space<hbm>>
        %dma_wait3A_92 = tpu.memref_squeeze %dma_wait3A_91 : memref<1x10240x128xf32, #tpu.memory_space<hbm>> -> memref<10240x128xf32, #tpu.memory_space<hbm>>
        %dma_wait3A_93 = arith.constant 0 : i32
        %dma_wait3A_94 = arith.constant 0 : i32
        %dma_wait3A_95 = tpu.memref_slice %dma_wait3A_92[%dma_wait3A_93, %dma_wait3A_94] : memref<10240x128xf32, #tpu.memory_space<hbm>> -> memref<10240x128xf32, #tpu.memory_space<hbm>>
        tpu.wait_indirect_dma semaphore(%arg12 : memref<!tpu.dma_semaphore, #tpu.memory_space<semaphore_mem>>) src(%dma_wait3A_95 : memref<10240x128xf32, #tpu.memory_space<hbm>>) dst(%arg9 : memref<128x128xf32, #tpu.memory_space<vmem>>)
        %sub3A_96 = arith.constant 2 : i32
        %sub3A_97 = arith.subi %mul3A_84, %sub3A_96 : i32
        "tpu.region"() ({
          %run_scoped3A_134 = tpu.sem_alloc : memref<!tpu.dma_semaphore, #tpu.memory_space<semaphore_mem>>
          %dma_start3A_135 = arith.constant 0 : i32
          %dma_start3A_136 = tpu.memref_slice %arg8[%sub3A_97, %dma_start3A_135] : memref<32x128xi32, #tpu.memory_space<vmem>> -> memref<1x128xi32, #tpu.memory_space<vmem>>
          %dma_start3A_137 = tpu.memref_squeeze %dma_start3A_136 : memref<1x128xi32, #tpu.memory_space<vmem>> -> memref<128xi32, #tpu.memory_space<vmem>>
          %dma_start3A_138 = arith.constant 0 : i32
          %dma_start3A_139 = arith.constant 0 : i32
          %dma_start3A_140 = tpu.memref_slice %arg11[%dma_start3A_138, %dma_start3A_139] : memref<10240x128xf32, #tpu.memory_space<vmem_shared>> -> memref<10240x128xf32, #tpu.memory_space<vmem_shared>>
          tpu.enqueue_indirect_dma source(%arg9 : memref<128x128xf32, #tpu.memory_space<vmem>>) target(%dma_start3A_140 : memref<10240x128xf32, #tpu.memory_space<vmem_shared>>) offsets(%dma_start3A_137 : memref<128xi32, #tpu.memory_space<vmem>>) semaphore(%run_scoped3A_134 : memref<!tpu.dma_semaphore, #tpu.memory_space<semaphore_mem>>) {add = true}
          %dma_wait3A_141 = arith.constant 0 : i32
          %dma_wait3A_142 = tpu.memref_slice %arg8[%sub3A_97, %dma_wait3A_141] : memref<32x128xi32, #tpu.memory_space<vmem>> -> memref<1x128xi32, #tpu.memory_space<vmem>>
          %dma_wait3A_143 = tpu.memref_squeeze %dma_wait3A_142 : memref<1x128xi32, #tpu.memory_space<vmem>> -> memref<128xi32, #tpu.memory_space<vmem>>
          %dma_wait3A_144 = arith.constant 0 : i32
          %dma_wait3A_145 = arith.constant 0 : i32
          %dma_wait3A_146 = tpu.memref_slice %arg11[%dma_wait3A_144, %dma_wait3A_145] : memref<10240x128xf32, #tpu.memory_space<vmem_shared>> -> memref<10240x128xf32, #tpu.memory_space<vmem_shared>>
          tpu.wait_indirect_dma semaphore(%run_scoped3A_134 : memref<!tpu.dma_semaphore, #tpu.memory_space<semaphore_mem>>) src(%arg9 : memref<128x128xf32, #tpu.memory_space<vmem>>) dst(%dma_wait3A_146 : memref<10240x128xf32, #tpu.memory_space<vmem_shared>>)
          tpu.yield
        }) : () -> ()
        %dma_start3A_98 = arith.constant 0 : i32
        %dma_start3A_99 = tpu.memref_slice %arg7[%mul3A_84, %dma_start3A_98] : memref<32x128xi32, #tpu.memory_space<vmem>> -> memref<1x128xi32, #tpu.memory_space<vmem>>
        %dma_start3A_100 = tpu.memref_squeeze %dma_start3A_99 : memref<1x128xi32, #tpu.memory_space<vmem>> -> memref<128xi32, #tpu.memory_space<vmem>>
        %dma_start3A_101 = arith.constant 0 : i32
        %dma_start3A_102 = arith.constant 0 : i32
        %dma_start3A_103 = tpu.memref_slice %arg2[%add3A_17, %dma_start3A_101, %dma_start3A_102] : memref<4x10240x128xf32, #tpu.memory_space<hbm>> -> memref<1x10240x128xf32, #tpu.memory_space<hbm>>
        %dma_start3A_104 = tpu.memref_squeeze %dma_start3A_103 : memref<1x10240x128xf32, #tpu.memory_space<hbm>> -> memref<10240x128xf32, #tpu.memory_space<hbm>>
        %dma_start3A_105 = arith.constant 0 : i32
        %dma_start3A_106 = arith.constant 0 : i32
        %dma_start3A_107 = tpu.memref_slice %dma_start3A_104[%dma_start3A_105, %dma_start3A_106] : memref<10240x128xf32, #tpu.memory_space<hbm>> -> memref<10240x128xf32, #tpu.memory_space<hbm>>
        tpu.enqueue_indirect_dma source(%dma_start3A_107 : memref<10240x128xf32, #tpu.memory_space<hbm>>) target(%arg9 : memref<128x128xf32, #tpu.memory_space<vmem>>) offsets(%dma_start3A_100 : memref<128xi32, #tpu.memory_space<vmem>>) semaphore(%arg12 : memref<!tpu.dma_semaphore, #tpu.memory_space<semaphore_mem>>)
        %sub3A_108 = arith.constant 1 : i32
        %sub3A_109 = arith.subi %mul3A_84, %sub3A_108 : i32
        %dma_wait3A_110 = arith.constant 0 : i32
        %dma_wait3A_111 = tpu.memref_slice %arg7[%sub3A_109, %dma_wait3A_110] : memref<32x128xi32, #tpu.memory_space<vmem>> -> memref<1x128xi32, #tpu.memory_space<vmem>>
        %dma_wait3A_112 = tpu.memref_squeeze %dma_wait3A_111 : memref<1x128xi32, #tpu.memory_space<vmem>> -> memref<128xi32, #tpu.memory_space<vmem>>
        %dma_wait3A_113 = arith.constant 0 : i32
        %dma_wait3A_114 = arith.constant 0 : i32
        %dma_wait3A_115 = tpu.memref_slice %arg2[%add3A_17, %dma_wait3A_113, %dma_wait3A_114] : memref<4x10240x128xf32, #tpu.memory_space<hbm>> -> memref<1x10240x128xf32, #tpu.memory_space<hbm>>
        %dma_wait3A_116 = tpu.memref_squeeze %dma_wait3A_115 : memref<1x10240x128xf32, #tpu.memory_space<hbm>> -> memref<10240x128xf32, #tpu.memory_space<hbm>>
        %dma_wait3A_117 = arith.constant 0 : i32
        %dma_wait3A_118 = arith.constant 0 : i32
        %dma_wait3A_119 = tpu.memref_slice %dma_wait3A_116[%dma_wait3A_117, %dma_wait3A_118] : memref<10240x128xf32, #tpu.memory_space<hbm>> -> memref<10240x128xf32, #tpu.memory_space<hbm>>
        tpu.wait_indirect_dma semaphore(%arg13 : memref<!tpu.dma_semaphore, #tpu.memory_space<semaphore_mem>>) src(%dma_wait3A_119 : memref<10240x128xf32, #tpu.memory_space<hbm>>) dst(%arg10 : memref<128x128xf32, #tpu.memory_space<vmem>>)
        %sub3A_120 = arith.constant 1 : i32
        %sub3A_121 = arith.subi %mul3A_84, %sub3A_120 : i32
        "tpu.region"() ({
          %run_scoped3A_134 = tpu.sem_alloc : memref<!tpu.dma_semaphore, #tpu.memory_space<semaphore_mem>>
          %dma_start3A_135 = arith.constant 0 : i32
          %dma_start3A_136 = tpu.memref_slice %arg8[%sub3A_121, %dma_start3A_135] : memref<32x128xi32, #tpu.memory_space<vmem>> -> memref<1x128xi32, #tpu.memory_space<vmem>>
          %dma_start3A_137 = tpu.memref_squeeze %dma_start3A_136 : memref<1x128xi32, #tpu.memory_space<vmem>> -> memref<128xi32, #tpu.memory_space<vmem>>
          %dma_start3A_138 = arith.constant 0 : i32
          %dma_start3A_139 = arith.constant 0 : i32
          %dma_start3A_140 = tpu.memref_slice %arg11[%dma_start3A_138, %dma_start3A_139] : memref<10240x128xf32, #tpu.memory_space<vmem_shared>> -> memref<10240x128xf32, #tpu.memory_space<vmem_shared>>
          tpu.enqueue_indirect_dma source(%arg10 : memref<128x128xf32, #tpu.memory_space<vmem>>) target(%dma_start3A_140 : memref<10240x128xf32, #tpu.memory_space<vmem_shared>>) offsets(%dma_start3A_137 : memref<128xi32, #tpu.memory_space<vmem>>) semaphore(%run_scoped3A_134 : memref<!tpu.dma_semaphore, #tpu.memory_space<semaphore_mem>>) {add = true}
          %dma_wait3A_141 = arith.constant 0 : i32
          %dma_wait3A_142 = tpu.memref_slice %arg8[%sub3A_121, %dma_wait3A_141] : memref<32x128xi32, #tpu.memory_space<vmem>> -> memref<1x128xi32, #tpu.memory_space<vmem>>
          %dma_wait3A_143 = tpu.memref_squeeze %dma_wait3A_142 : memref<1x128xi32, #tpu.memory_space<vmem>> -> memref<128xi32, #tpu.memory_space<vmem>>
          %dma_wait3A_144 = arith.constant 0 : i32
          %dma_wait3A_145 = arith.constant 0 : i32
          %dma_wait3A_146 = tpu.memref_slice %arg11[%dma_wait3A_144, %dma_wait3A_145] : memref<10240x128xf32, #tpu.memory_space<vmem_shared>> -> memref<10240x128xf32, #tpu.memory_space<vmem_shared>>
          tpu.wait_indirect_dma semaphore(%run_scoped3A_134 : memref<!tpu.dma_semaphore, #tpu.memory_space<semaphore_mem>>) src(%arg10 : memref<128x128xf32, #tpu.memory_space<vmem>>) dst(%dma_wait3A_146 : memref<10240x128xf32, #tpu.memory_space<vmem_shared>>)
          tpu.yield
        }) : () -> ()
        %add3A_122 = arith.constant 1 : i32
        %add3A_123 = arith.addi %mul3A_84, %add3A_122 : i32
        %dma_start3A_124 = arith.constant 0 : i32
        %dma_start3A_125 = tpu.memref_slice %arg7[%add3A_123, %dma_start3A_124] : memref<32x128xi32, #tpu.memory_space<vmem>> -> memref<1x128xi32, #tpu.memory_space<vmem>>
        %dma_start3A_126 = tpu.memref_squeeze %dma_start3A_125 : memref<1x128xi32, #tpu.memory_space<vmem>> -> memref<128xi32, #tpu.memory_space<vmem>>
        %dma_start3A_127 = arith.constant 0 : i32
        %dma_start3A_128 = arith.constant 0 : i32
        %dma_start3A_129 = tpu.memref_slice %arg2[%add3A_17, %dma_start3A_127, %dma_start3A_128] : memref<4x10240x128xf32, #tpu.memory_space<hbm>> -> memref<1x10240x128xf32, #tpu.memory_space<hbm>>
        %dma_start3A_130 = tpu.memref_squeeze %dma_start3A_129 : memref<1x10240x128xf32, #tpu.memory_space<hbm>> -> memref<10240x128xf32, #tpu.memory_space<hbm>>
        %dma_start3A_131 = arith.constant 0 : i32
        %dma_start3A_132 = arith.constant 0 : i32
        %dma_start3A_133 = tpu.memref_slice %dma_start3A_130[%dma_start3A_131, %dma_start3A_132] : memref<10240x128xf32, #tpu.memory_space<hbm>> -> memref<10240x128xf32, #tpu.memory_space<hbm>>
        tpu.enqueue_indirect_dma source(%dma_start3A_133 : memref<10240x128xf32, #tpu.memory_space<hbm>>) target(%arg10 : memref<128x128xf32, #tpu.memory_space<vmem>>) offsets(%dma_start3A_126 : memref<128xi32, #tpu.memory_space<vmem>>) semaphore(%arg13 : memref<!tpu.dma_semaphore, #tpu.memory_space<semaphore_mem>>)
      }
      %scan3A_59 = arith.constant 15 : i32
      %dma_wait3A = arith.constant 30 : i32
      %dma_wait3A_60 = arith.constant 0 : i32
      %dma_wait3A_61 = tpu.memref_slice %arg7[%dma_wait3A, %dma_wait3A_60] : memref<32x128xi32, #tpu.memory_space<vmem>> -> memref<1x128xi32, #tpu.memory_space<vmem>>
      %dma_wait3A_62 = tpu.memref_squeeze %dma_wait3A_61 : memref<1x128xi32, #tpu.memory_space<vmem>> -> memref<128xi32, #tpu.memory_space<vmem>>
      %dma_wait3A_63 = arith.constant 0 : i32
      %dma_wait3A_64 = arith.constant 0 : i32
      %dma_wait3A_65 = tpu.memref_slice %arg2[%add3A_17, %dma_wait3A_63, %dma_wait3A_64] : memref<4x10240x128xf32, #tpu.memory_space<hbm>> -> memref<1x10240x128xf32, #tpu.memory_space<hbm>>
      %dma_wait3A_66 = tpu.memref_squeeze %dma_wait3A_65 : memref<1x10240x128xf32, #tpu.memory_space<hbm>> -> memref<10240x128xf32, #tpu.memory_space<hbm>>
      %dma_wait3A_67 = arith.constant 0 : i32
      %dma_wait3A_68 = arith.constant 0 : i32
      %dma_wait3A_69 = tpu.memref_slice %dma_wait3A_66[%dma_wait3A_67, %dma_wait3A_68] : memref<10240x128xf32, #tpu.memory_space<hbm>> -> memref<10240x128xf32, #tpu.memory_space<hbm>>
      tpu.wait_indirect_dma semaphore(%arg12 : memref<!tpu.dma_semaphore, #tpu.memory_space<semaphore_mem>>) src(%dma_wait3A_69 : memref<10240x128xf32, #tpu.memory_space<hbm>>) dst(%arg9 : memref<128x128xf32, #tpu.memory_space<vmem>>)
      %run_scoped3A = arith.constant 30 : i32
      "tpu.region"() ({
        %run_scoped3A_82 = tpu.sem_alloc : memref<!tpu.dma_semaphore, #tpu.memory_space<semaphore_mem>>
        %dma_start3A_83 = arith.constant 0 : i32
        %dma_start3A_84 = tpu.memref_slice %arg8[%run_scoped3A, %dma_start3A_83] : memref<32x128xi32, #tpu.memory_space<vmem>> -> memref<1x128xi32, #tpu.memory_space<vmem>>
        %dma_start3A_85 = tpu.memref_squeeze %dma_start3A_84 : memref<1x128xi32, #tpu.memory_space<vmem>> -> memref<128xi32, #tpu.memory_space<vmem>>
        %dma_start3A_86 = arith.constant 0 : i32
        %dma_start3A_87 = arith.constant 0 : i32
        %dma_start3A_88 = tpu.memref_slice %arg11[%dma_start3A_86, %dma_start3A_87] : memref<10240x128xf32, #tpu.memory_space<vmem_shared>> -> memref<10240x128xf32, #tpu.memory_space<vmem_shared>>
        tpu.enqueue_indirect_dma source(%arg9 : memref<128x128xf32, #tpu.memory_space<vmem>>) target(%dma_start3A_88 : memref<10240x128xf32, #tpu.memory_space<vmem_shared>>) offsets(%dma_start3A_85 : memref<128xi32, #tpu.memory_space<vmem>>) semaphore(%run_scoped3A_82 : memref<!tpu.dma_semaphore, #tpu.memory_space<semaphore_mem>>) {add = true}
        %dma_wait3A_89 = arith.constant 0 : i32
        %dma_wait3A_90 = tpu.memref_slice %arg8[%run_scoped3A, %dma_wait3A_89] : memref<32x128xi32, #tpu.memory_space<vmem>> -> memref<1x128xi32, #tpu.memory_space<vmem>>
        %dma_wait3A_91 = tpu.memref_squeeze %dma_wait3A_90 : memref<1x128xi32, #tpu.memory_space<vmem>> -> memref<128xi32, #tpu.memory_space<vmem>>
        %dma_wait3A_92 = arith.constant 0 : i32
        %dma_wait3A_93 = arith.constant 0 : i32
        %dma_wait3A_94 = tpu.memref_slice %arg11[%dma_wait3A_92, %dma_wait3A_93] : memref<10240x128xf32, #tpu.memory_space<vmem_shared>> -> memref<10240x128xf32, #tpu.memory_space<vmem_shared>>
        tpu.wait_indirect_dma semaphore(%run_scoped3A_82 : memref<!tpu.dma_semaphore, #tpu.memory_space<semaphore_mem>>) src(%arg9 : memref<128x128xf32, #tpu.memory_space<vmem>>) dst(%dma_wait3A_94 : memref<10240x128xf32, #tpu.memory_space<vmem_shared>>)
        tpu.yield
      }) : () -> ()
      %dma_wait3A_70 = arith.constant 31 : i32
      %dma_wait3A_71 = arith.constant 0 : i32
      %dma_wait3A_72 = tpu.memref_slice %arg7[%dma_wait3A_70, %dma_wait3A_71] : memref<32x128xi32, #tpu.memory_space<vmem>> -> memref<1x128xi32, #tpu.memory_space<vmem>>
      %dma_wait3A_73 = tpu.memref_squeeze %dma_wait3A_72 : memref<1x128xi32, #tpu.memory_space<vmem>> -> memref<128xi32, #tpu.memory_space<vmem>>
      %dma_wait3A_74 = arith.constant 0 : i32
      %dma_wait3A_75 = arith.constant 0 : i32
      %dma_wait3A_76 = tpu.memref_slice %arg2[%add3A_17, %dma_wait3A_74, %dma_wait3A_75] : memref<4x10240x128xf32, #tpu.memory_space<hbm>> -> memref<1x10240x128xf32, #tpu.memory_space<hbm>>
      %dma_wait3A_77 = tpu.memref_squeeze %dma_wait3A_76 : memref<1x10240x128xf32, #tpu.memory_space<hbm>> -> memref<10240x128xf32, #tpu.memory_space<hbm>>
      %dma_wait3A_78 = arith.constant 0 : i32
      %dma_wait3A_79 = arith.constant 0 : i32
      %dma_wait3A_80 = tpu.memref_slice %dma_wait3A_77[%dma_wait3A_78, %dma_wait3A_79] : memref<10240x128xf32, #tpu.memory_space<hbm>> -> memref<10240x128xf32, #tpu.memory_space<hbm>>
      tpu.wait_indirect_dma semaphore(%arg13 : memref<!tpu.dma_semaphore, #tpu.memory_space<semaphore_mem>>) src(%dma_wait3A_80 : memref<10240x128xf32, #tpu.memory_space<hbm>>) dst(%arg10 : memref<128x128xf32, #tpu.memory_space<vmem>>)
      %run_scoped3A_81 = arith.constant 31 : i32
      "tpu.region"() ({
        %run_scoped3A_82 = tpu.sem_alloc : memref<!tpu.dma_semaphore, #tpu.memory_space<semaphore_mem>>
        %dma_start3A_83 = arith.constant 0 : i32
        %dma_start3A_84 = tpu.memref_slice %arg8[%run_scoped3A_81, %dma_start3A_83] : memref<32x128xi32, #tpu.memory_space<vmem>> -> memref<1x128xi32, #tpu.memory_space<vmem>>
        %dma_start3A_85 = tpu.memref_squeeze %dma_start3A_84 : memref<1x128xi32, #tpu.memory_space<vmem>> -> memref<128xi32, #tpu.memory_space<vmem>>
        %dma_start3A_86 = arith.constant 0 : i32
        %dma_start3A_87 = arith.constant 0 : i32
        %dma_start3A_88 = tpu.memref_slice %arg11[%dma_start3A_86, %dma_start3A_87] : memref<10240x128xf32, #tpu.memory_space<vmem_shared>> -> memref<10240x128xf32, #tpu.memory_space<vmem_shared>>
        tpu.enqueue_indirect_dma source(%arg10 : memref<128x128xf32, #tpu.memory_space<vmem>>) target(%dma_start3A_88 : memref<10240x128xf32, #tpu.memory_space<vmem_shared>>) offsets(%dma_start3A_85 : memref<128xi32, #tpu.memory_space<vmem>>) semaphore(%run_scoped3A_82 : memref<!tpu.dma_semaphore, #tpu.memory_space<semaphore_mem>>) {add = true}
        %dma_wait3A_89 = arith.constant 0 : i32
        %dma_wait3A_90 = tpu.memref_slice %arg8[%run_scoped3A_81, %dma_wait3A_89] : memref<32x128xi32, #tpu.memory_space<vmem>> -> memref<1x128xi32, #tpu.memory_space<vmem>>
        %dma_wait3A_91 = tpu.memref_squeeze %dma_wait3A_90 : memref<1x128xi32, #tpu.memory_space<vmem>> -> memref<128xi32, #tpu.memory_space<vmem>>
        %dma_wait3A_92 = arith.constant 0 : i32
        %dma_wait3A_93 = arith.constant 0 : i32
        %dma_wait3A_94 = tpu.memref_slice %arg11[%dma_wait3A_92, %dma_wait3A_93] : memref<10240x128xf32, #tpu.memory_space<vmem_shared>> -> memref<10240x128xf32, #tpu.memory_space<vmem_shared>>
        tpu.wait_indirect_dma semaphore(%run_scoped3A_82 : memref<!tpu.dma_semaphore, #tpu.memory_space<semaphore_mem>>) src(%arg10 : memref<128x128xf32, #tpu.memory_space<vmem>>) dst(%dma_wait3A_94 : memref<10240x128xf32, #tpu.memory_space<vmem_shared>>)
        tpu.yield
      }) : () -> ()
    }
    %scan3A_26 = arith.constant 5 : i32
    %barrier3A_27 = arith.constant 0 : index
    tpu.barrier barrier_id(%barrier3A_27)
    %mul3A_28 = arith.constant 640 : i32
    %mul3A_29 = arith.muli %arg1, %mul3A_28 : i32
    %mul3A_30 = arith.constant 640 : i32
    %mul3A_31 = arith.muli %arg1, %mul3A_30 : i32
    "tpu.region"() ({
      %run_scoped3A = tpu.sem_alloc : memref<!tpu.dma_semaphore, #tpu.memory_space<semaphore_mem>>
      %dma_start3A = arith.constant 0 : i32
      %dma_start3A_32 = tpu.memref_slice %arg6[%add3A_17, %mul3A_31, %dma_start3A] : memref<4x10240x128xf32, #tpu.memory_space<hbm>> -> memref<1x640x128xf32, #tpu.memory_space<hbm>>
      %dma_start3A_33 = tpu.memref_squeeze %dma_start3A_32 : memref<1x640x128xf32, #tpu.memory_space<hbm>> -> memref<640x128xf32, #tpu.memory_space<hbm>>
      %dma_start3A_34 = arith.constant 0 : i32
      %dma_start3A_35 = tpu.memref_slice %arg11[%mul3A_29, %dma_start3A_34] : memref<10240x128xf32, #tpu.memory_space<vmem_shared>> -> memref<640x128xf32, #tpu.memory_space<vmem_shared>>
      tpu.enqueue_dma source(%dma_start3A_35 : memref<640x128xf32, #tpu.memory_space<vmem_shared>>) target(%dma_start3A_33 : memref<640x128xf32, #tpu.memory_space<hbm>>) target_semaphore(%run_scoped3A : memref<!tpu.dma_semaphore, #tpu.memory_space<semaphore_mem>>)
      %dma_wait3A = arith.constant 0 : i32
      %dma_wait3A_36 = tpu.memref_slice %arg6[%add3A_17, %mul3A_31, %dma_wait3A] : memref<4x10240x128xf32, #tpu.memory_space<hbm>> -> memref<1x640x128xf32, #tpu.memory_space<hbm>>
      %dma_wait3A_37 = tpu.memref_squeeze %dma_wait3A_36 : memref<1x640x128xf32, #tpu.memory_space<hbm>> -> memref<640x128xf32, #tpu.memory_space<hbm>>
      %dma_wait3A_38 = arith.constant 0 : i32
      %dma_wait3A_39 = tpu.memref_slice %arg11[%mul3A_29, %dma_wait3A_38] : memref<10240x128xf32, #tpu.memory_space<vmem_shared>> -> memref<640x128xf32, #tpu.memory_space<vmem_shared>>
      tpu.wait_dma2 semaphore(%run_scoped3A : memref<!tpu.dma_semaphore, #tpu.memory_space<semaphore_mem>>) src(%dma_wait3A_39 : memref<640x128xf32, #tpu.memory_space<vmem_shared>>) dst(%dma_wait3A_37 : memref<640x128xf32, #tpu.memory_space<hbm>>)
      tpu.yield
    }) : () -> ()
    return
  }
}

module attributes {stable_mosaic.version = 14 : i64} {
  func.func @_pre_body(%arg0: i32, %arg1: memref<2048x128xf32, #tpu.memory_space<vmem>>, %arg2: memref<128x64xf32, #tpu.memory_space<vmem>>, %arg3: memref<1x64xf32, #tpu.memory_space<vmem>>, %arg4: memref<64x64xf32, #tpu.memory_space<vmem>>, %arg5: memref<1x64xf32, #tpu.memory_space<vmem>>, %arg6: memref<2x2048x16xf32, #tpu.memory_space<vmem>>, %arg7: memref<2048x64xf32, #tpu.memory_space<vmem>>, %arg8: memref<2048x128xf32, #tpu.memory_space<vmem>>, %arg9: memref<2048x64xf32, #tpu.memory_space<vmem>>) attributes {dimension_semantics = [#tpu.dimension_semantics<arbitrary>], iteration_bounds = array<i64: 5>, scalar_prefetch = 0 : i64, scratch_operands = 0 : i64, tpu.core_type = #tpu.core_type<tc>, window_params = [{transform_indices = @transform_0, window_bounds = array<i64: 2048, 128>}, {pipeline_mode = #tpu.pipeline_mode<synchronous>, transform_indices = @transform_1, window_bounds = array<i64: 128, 64>}, {pipeline_mode = #tpu.pipeline_mode<synchronous>, transform_indices = @transform_2, window_bounds = array<i64: 1, 64>}, {pipeline_mode = #tpu.pipeline_mode<synchronous>, transform_indices = @transform_3, window_bounds = array<i64: 64, 64>}, {pipeline_mode = #tpu.pipeline_mode<synchronous>, transform_indices = @transform_4, window_bounds = array<i64: 1, 64>}, {transform_indices = @transform_5, window_bounds = array<i64: 2, 2048, 16>}, {transform_indices = @transform_6, window_bounds = array<i64: 2048, 64>}, {transform_indices = @transform_7, window_bounds = array<i64: 2048, 128>}, {transform_indices = @transform_8, window_bounds = array<i64: 2048, 64>}]} {
    %get3A = arith.constant 0 : index
    %get3A_0 = arith.constant 0 : index
    %get3A_1 = vector.load %arg1[%get3A, %get3A_0] : memref<2048x128xf32, #tpu.memory_space<vmem>>, vector<2048x128xf32>
    %ne3A = arith.cmpf one, %get3A_1, %get3A_1 : vector<2048x128xf32>
    %jit3A = arith.constant 0.000000e+00 : f32
    %broadcast_in_dim3A = vector.broadcast %jit3A : f32 to vector<2048x128xf32>
    %select_n3A = arith.select %ne3A, %broadcast_in_dim3A, %get3A_1 : vector<2048x128xi1>, vector<2048x128xf32>
    %get3A_2 = arith.constant 0 : index
    %get3A_3 = arith.constant 0 : index
    %get3A_4 = vector.load %arg2[%get3A_2, %get3A_3] : memref<128x64xf32, #tpu.memory_space<vmem>>, vector<128x64xf32>
    %dot_general3A = arith.constant dense<0.000000e+00> : vector<2048x64xf32>
    %dot_general3A_5 = tpu.matmul %select_n3A, %get3A_4, %dot_general3A {dimension_numbers = #tpu.dot_dimension_numbers<[1], [0], [0], [1], [0, 0, 1, 1], [], []>, transpose_lhs_hint = false} : vector<2048x128xf32>, vector<128x64xf32>, vector<2048x64xf32> -> vector<2048x64xf32>
    %get3A_6 = arith.constant 0 : index
    %get3A_7 = arith.constant 0 : index
    %get3A_8 = vector.load %arg3[%get3A_6, %get3A_7] : memref<1x64xf32, #tpu.memory_space<vmem>>, vector<1x64xf32>
    %add3A = vector.broadcast %get3A_8 : vector<1x64xf32> to vector<2048x64xf32>
    %add3A_9 = arith.addf %dot_general3A_5, %add3A : vector<2048x64xf32>
    %ge3A = arith.constant 0.000000e+00 : f32
    %ge3A_10 = vector.broadcast %ge3A : f32 to vector<2048x64xf32>
    %ge3A_11 = arith.cmpf oge, %add3A_9, %ge3A_10 : vector<2048x64xf32>
    %mul3A = arith.constant 2.000000e-01 : f32
    %mul3A_12 = vector.broadcast %mul3A : f32 to vector<2048x64xf32>
    %mul3A_13 = arith.mulf %mul3A_12, %add3A_9 : vector<2048x64xf32>
    %select_n3A_14 = arith.select %ge3A_11, %add3A_9, %mul3A_13 : vector<2048x64xi1>, vector<2048x64xf32>
    %get3A_15 = arith.constant 0 : index
    %get3A_16 = arith.constant 0 : index
    %get3A_17 = vector.load %arg4[%get3A_15, %get3A_16] : memref<64x64xf32, #tpu.memory_space<vmem>>, vector<64x64xf32>
    %dot_general3A_18 = arith.constant dense<0.000000e+00> : vector<2048x64xf32>
    %dot_general3A_19 = tpu.matmul %select_n3A_14, %get3A_17, %dot_general3A_18 {dimension_numbers = #tpu.dot_dimension_numbers<[1], [0], [0], [1], [0, 0, 1, 1], [], []>, transpose_lhs_hint = false} : vector<2048x64xf32>, vector<64x64xf32>, vector<2048x64xf32> -> vector<2048x64xf32>
    %get3A_20 = arith.constant 0 : index
    %get3A_21 = arith.constant 0 : index
    %get3A_22 = vector.load %arg5[%get3A_20, %get3A_21] : memref<1x64xf32, #tpu.memory_space<vmem>>, vector<1x64xf32>
    %add3A_23 = vector.broadcast %get3A_22 : vector<1x64xf32> to vector<2048x64xf32>
    %add3A_24 = arith.addf %dot_general3A_19, %add3A_23 : vector<2048x64xf32>
    %ge3A_25 = arith.constant 0.000000e+00 : f32
    %ge3A_26 = vector.broadcast %ge3A_25 : f32 to vector<2048x64xf32>
    %ge3A_27 = arith.cmpf oge, %add3A_24, %ge3A_26 : vector<2048x64xf32>
    %mul3A_28 = arith.constant 2.000000e-01 : f32
    %mul3A_29 = vector.broadcast %mul3A_28 : f32 to vector<2048x64xf32>
    %mul3A_30 = arith.mulf %mul3A_29, %add3A_24 : vector<2048x64xf32>
    %select_n3A_31 = arith.select %ge3A_27, %add3A_24, %mul3A_30 : vector<2048x64xi1>, vector<2048x64xf32>
    %get3A_32 = arith.constant 0 : index
    %get3A_33 = arith.constant 0 : index
    %get3A_34 = arith.constant 0 : index
    %get3A_35 = vector.load %arg6[%get3A_32, %get3A_33, %get3A_34] : memref<2x2048x16xf32, #tpu.memory_space<vmem>>, vector<1x2048x1xf32>
    %get3A_36 = vector.shape_cast %get3A_35 : vector<1x2048x1xf32> to vector<2048x1xf32>
    %get3A_37 = arith.constant 1 : index
    %get3A_38 = arith.constant 0 : index
    %get3A_39 = arith.constant 0 : index
    %get3A_40 = vector.load %arg6[%get3A_37, %get3A_38, %get3A_39] : memref<2x2048x16xf32, #tpu.memory_space<vmem>>, vector<1x2048x1xf32>
    %get3A_41 = vector.shape_cast %get3A_40 : vector<1x2048x1xf32> to vector<2048x1xf32>
    %add3A_42 = arith.addf %get3A_36, %get3A_41 : vector<2048x1xf32>
    %gt3A = arith.constant 0.000000e+00 : f32
    %gt3A_43 = vector.broadcast %gt3A : f32 to vector<2048x1xf32>
    %gt3A_44 = arith.cmpf ogt, %add3A_42, %gt3A_43 : vector<2048x1xf32>
    %gt3A_45 = arith.constant 0.000000e+00 : f32
    %gt3A_46 = vector.broadcast %gt3A_45 : f32 to vector<2048x1xf32>
    %gt3A_47 = arith.cmpf ogt, %add3A_42, %gt3A_46 : vector<2048x1xf32>
    %jit3A_48 = arith.constant 1.000000e+00 : f32
    %broadcast_in_dim3A_49 = vector.broadcast %jit3A_48 : f32 to vector<2048x1xf32>
    %select_n3A_50 = arith.select %gt3A_47, %add3A_42, %broadcast_in_dim3A_49 : vector<2048x1xi1>, vector<2048x1xf32>
    %rsqrt3A = math.rsqrt %select_n3A_50 : vector<2048x1xf32>
    %jit3A_51 = arith.constant 0.000000e+00 : f32
    %broadcast_in_dim3A_52 = vector.broadcast %jit3A_51 : f32 to vector<2048x1xf32>
    %select_n3A_53 = arith.select %gt3A_44, %rsqrt3A, %broadcast_in_dim3A_52 : vector<2048x1xi1>, vector<2048x1xf32>
    %swap3A = arith.constant 0 : index
    %swap3A_54 = arith.constant 0 : index
    %swap3A_55 = vector.load %arg7[%swap3A, %swap3A_54] : memref<2048x64xf32, #tpu.memory_space<vmem>>, vector<2048x64xf32>
    tpu.vector_store %arg7[%swap3A, %swap3A_54], %select_n3A_31 {strides = array<i32>} : memref<2048x64xf32, #tpu.memory_space<vmem>>, vector<2048x64xf32>,
    %broadcast_in_dim3A_56 = vector.shape_cast %select_n3A_53 : vector<2048x1xf32> to vector<2048x1xf32>
    %broadcast_in_dim3A_57 = vector.broadcast %broadcast_in_dim3A_56 : vector<2048x1xf32> to vector<2048x64xf32>
    %swap3A_58 = arith.constant 0 : index
    %swap3A_59 = arith.constant 0 : index
    %swap3A_60 = vector.load %arg9[%swap3A_58, %swap3A_59] : memref<2048x64xf32, #tpu.memory_space<vmem>>, vector<2048x64xf32>
    tpu.vector_store %arg9[%swap3A_58, %swap3A_59], %broadcast_in_dim3A_57 {strides = array<i32>} : memref<2048x64xf32, #tpu.memory_space<vmem>>, vector<2048x64xf32>,
    %mul3A_61 = vector.broadcast %select_n3A_53 : vector<2048x1xf32> to vector<2048x64xf32>
    %mul3A_62 = arith.mulf %select_n3A_31, %mul3A_61 : vector<2048x64xf32>
    %concatenate3A = tpu.concatenate %mul3A_62, %mul3A_62 in 1 : vector<2048x64xf32>, vector<2048x64xf32> -> vector<2048x128xf32>
    %swap3A_63 = arith.constant 0 : index
    %swap3A_64 = arith.constant 0 : index
    %swap3A_65 = vector.load %arg8[%swap3A_63, %swap3A_64] : memref<2048x128xf32, #tpu.memory_space<vmem>>, vector<2048x128xf32>
    tpu.vector_store %arg8[%swap3A_63, %swap3A_64], %concatenate3A {strides = array<i32>} : memref<2048x128xf32, #tpu.memory_space<vmem>>, vector<2048x128xf32>,
    return
  }
  func.func @transform_0(%arg0: i32) -> (i32, i32) {
    %c0_i32 = arith.constant 0 : i32
    %c0_i32_0 = arith.constant 0 : i32
    return %arg0, %c0_i32 : i32, i32
  }
  func.func @transform_1(%arg0: i32) -> (i32, i32) {
    %c0_i32 = arith.constant 0 : i32
    %c0_i32_0 = arith.constant 0 : i32
    %c0_i32_1 = arith.constant 0 : i32
    return %c0_i32, %c0_i32_0 : i32, i32
  }
  func.func @transform_2(%arg0: i32) -> (i32, i32) {
    %c0_i32 = arith.constant 0 : i32
    %c0_i32_0 = arith.constant 0 : i32
    %c0_i32_1 = arith.constant 0 : i32
    return %c0_i32, %c0_i32_0 : i32, i32
  }
  func.func @transform_3(%arg0: i32) -> (i32, i32) {
    %c0_i32 = arith.constant 0 : i32
    %c0_i32_0 = arith.constant 0 : i32
    %c0_i32_1 = arith.constant 0 : i32
    return %c0_i32, %c0_i32_0 : i32, i32
  }
  func.func @transform_4(%arg0: i32) -> (i32, i32) {
    %c0_i32 = arith.constant 0 : i32
    %c0_i32_0 = arith.constant 0 : i32
    %c0_i32_1 = arith.constant 0 : i32
    return %c0_i32, %c0_i32_0 : i32, i32
  }
  func.func @transform_5(%arg0: i32) -> (i32, i32, i32) {
    %c0_i32 = arith.constant 0 : i32
    %c0_i32_0 = arith.constant 0 : i32
    %c0_i32_1 = arith.constant 0 : i32
    return %c0_i32, %arg0, %c0_i32_0 : i32, i32, i32
  }
  func.func @transform_6(%arg0: i32) -> (i32, i32) {
    %c0_i32 = arith.constant 0 : i32
    %c0_i32_0 = arith.constant 0 : i32
    return %arg0, %c0_i32 : i32, i32
  }
  func.func @transform_7(%arg0: i32) -> (i32, i32) {
    %c0_i32 = arith.constant 0 : i32
    %c0_i32_0 = arith.constant 0 : i32
    return %arg0, %c0_i32 : i32, i32
  }
  func.func @transform_8(%arg0: i32) -> (i32, i32) {
    %c0_i32 = arith.constant 0 : i32
    %c0_i32_0 = arith.constant 0 : i32
    return %arg0, %c0_i32 : i32, i32
  }
}

module attributes {stable_mosaic.version = 14 : i64} {
  func.func @_stage_body(%arg0: i32, %arg1: i32, %arg2: memref<2x2048x128xf32, #tpu.memory_space<vmem>>, %arg3: memref<2048x64xf32, #tpu.memory_space<vmem>>, %arg4: memref<2048x64xf32, #tpu.memory_space<vmem>>, %arg5: memref<2x64x64xf32, #tpu.memory_space<vmem>>, %arg6: memref<2x64x64xf32, #tpu.memory_space<vmem>>, %arg7: memref<2x1x64xf32, #tpu.memory_space<vmem>>, %arg8: memref<1x2048x128xf32, #tpu.memory_space<vmem>>) attributes {dimension_semantics = [#tpu.dimension_semantics<arbitrary>, #tpu.dimension_semantics<arbitrary>], iteration_bounds = array<i64: 4, 5>, scalar_prefetch = 0 : i64, scratch_operands = 0 : i64, tpu.core_type = #tpu.core_type<tc>, window_params = [{transform_indices = @transform_0, window_bounds = array<i64: 2, 2048, 128>}, {transform_indices = @transform_1, window_bounds = array<i64: 2048, 64>}, {transform_indices = @transform_2, window_bounds = array<i64: 2048, 64>}, {transform_indices = @transform_3, window_bounds = array<i64: 2, 64, 64>}, {transform_indices = @transform_4, window_bounds = array<i64: 2, 64, 64>}, {transform_indices = @transform_5, window_bounds = array<i64: 2, 1, 64>}, {transform_indices = @transform_6, window_bounds = array<i64: 1, 2048, 128>}]} {
    %get3A = arith.constant 0 : index
    %get3A_0 = arith.constant 0 : index
    %get3A_1 = vector.load %arg4[%get3A, %get3A_0] : memref<2048x64xf32, #tpu.memory_space<vmem>>, vector<2048x64xf32>
    %get3A_2 = arith.constant 0 : index
    %get3A_3 = arith.constant 0 : index
    %get3A_4 = vector.load %arg3[%get3A_2, %get3A_3] : memref<2048x64xf32, #tpu.memory_space<vmem>>, vector<2048x64xf32>
    %get3A_5 = arith.constant 0 : index
    %get3A_6 = arith.constant 0 : index
    %get3A_7 = arith.constant 0 : index
    %get3A_8 = vector.load %arg2[%get3A_5, %get3A_6, %get3A_7] : memref<2x2048x128xf32, #tpu.memory_space<vmem>>, vector<1x2048x64xf32>
    %get3A_9 = vector.shape_cast %get3A_8 : vector<1x2048x64xf32> to vector<2048x64xf32>
    %get3A_10 = arith.constant 1 : index
    %get3A_11 = arith.constant 0 : index
    %get3A_12 = arith.constant 0 : index
    %get3A_13 = vector.load %arg2[%get3A_10, %get3A_11, %get3A_12] : memref<2x2048x128xf32, #tpu.memory_space<vmem>>, vector<1x2048x64xf32>
    %get3A_14 = vector.shape_cast %get3A_13 : vector<1x2048x64xf32> to vector<2048x64xf32>
    %add3A = arith.addf %get3A_9, %get3A_14 : vector<2048x64xf32>
    %mul3A = arith.mulf %get3A_1, %add3A : vector<2048x64xf32>
    %get3A_15 = arith.constant 0 : index
    %get3A_16 = arith.constant 0 : index
    %get3A_17 = arith.constant 0 : index
    %get3A_18 = vector.load %arg5[%get3A_15, %get3A_16, %get3A_17] : memref<2x64x64xf32, #tpu.memory_space<vmem>>, vector<1x64x64xf32>
    %get3A_19 = vector.shape_cast %get3A_18 : vector<1x64x64xf32> to vector<64x64xf32>
    %dot_general3A = arith.constant dense<0.000000e+00> : vector<2048x64xf32>
    %dot_general3A_20 = tpu.matmul %mul3A, %get3A_19, %dot_general3A {dimension_numbers = #tpu.dot_dimension_numbers<[1], [0], [0], [1], [0, 0, 1, 1], [], []>, transpose_lhs_hint = false} : vector<2048x64xf32>, vector<64x64xf32>, vector<2048x64xf32> -> vector<2048x64xf32>
    %get3A_21 = arith.constant 0 : index
    %get3A_22 = arith.constant 0 : index
    %get3A_23 = arith.constant 0 : index
    %get3A_24 = vector.load %arg6[%get3A_21, %get3A_22, %get3A_23] : memref<2x64x64xf32, #tpu.memory_space<vmem>>, vector<1x64x64xf32>
    %get3A_25 = vector.shape_cast %get3A_24 : vector<1x64x64xf32> to vector<64x64xf32>
    %dot_general3A_26 = arith.constant dense<0.000000e+00> : vector<2048x64xf32>
    %dot_general3A_27 = tpu.matmul %get3A_4, %get3A_25, %dot_general3A_26 {dimension_numbers = #tpu.dot_dimension_numbers<[1], [0], [0], [1], [0, 0, 1, 1], [], []>, transpose_lhs_hint = false} : vector<2048x64xf32>, vector<64x64xf32>, vector<2048x64xf32> -> vector<2048x64xf32>
    %add3A_28 = arith.addf %dot_general3A_20, %dot_general3A_27 : vector<2048x64xf32>
    %get3A_29 = arith.constant 0 : index
    %get3A_30 = arith.constant 0 : index
    %get3A_31 = arith.constant 0 : index
    %get3A_32 = vector.load %arg7[%get3A_29, %get3A_30, %get3A_31] : memref<2x1x64xf32, #tpu.memory_space<vmem>>, vector<1x1x64xf32>
    %get3A_33 = vector.shape_cast %get3A_32 : vector<1x1x64xf32> to vector<64xf32>
    %broadcast_in_dim3A = vector.shape_cast %get3A_33 : vector<64xf32> to vector<1x64xf32>
    %add3A_34 = vector.broadcast %broadcast_in_dim3A : vector<1x64xf32> to vector<2048x64xf32>
    %add3A_35 = arith.addf %add3A_28, %add3A_34 : vector<2048x64xf32>
    %get3A_36 = arith.constant 1 : index
    %get3A_37 = arith.constant 0 : index
    %get3A_38 = arith.constant 0 : index
    %get3A_39 = vector.load %arg5[%get3A_36, %get3A_37, %get3A_38] : memref<2x64x64xf32, #tpu.memory_space<vmem>>, vector<1x64x64xf32>
    %get3A_40 = vector.shape_cast %get3A_39 : vector<1x64x64xf32> to vector<64x64xf32>
    %dot_general3A_41 = arith.constant dense<0.000000e+00> : vector<2048x64xf32>
    %dot_general3A_42 = tpu.matmul %mul3A, %get3A_40, %dot_general3A_41 {dimension_numbers = #tpu.dot_dimension_numbers<[1], [0], [0], [1], [0, 0, 1, 1], [], []>, transpose_lhs_hint = false} : vector<2048x64xf32>, vector<64x64xf32>, vector<2048x64xf32> -> vector<2048x64xf32>
    %get3A_43 = arith.constant 1 : index
    %get3A_44 = arith.constant 0 : index
    %get3A_45 = arith.constant 0 : index
    %get3A_46 = vector.load %arg6[%get3A_43, %get3A_44, %get3A_45] : memref<2x64x64xf32, #tpu.memory_space<vmem>>, vector<1x64x64xf32>
    %get3A_47 = vector.shape_cast %get3A_46 : vector<1x64x64xf32> to vector<64x64xf32>
    %dot_general3A_48 = arith.constant dense<0.000000e+00> : vector<2048x64xf32>
    %dot_general3A_49 = tpu.matmul %get3A_4, %get3A_47, %dot_general3A_48 {dimension_numbers = #tpu.dot_dimension_numbers<[1], [0], [0], [1], [0, 0, 1, 1], [], []>, transpose_lhs_hint = false} : vector<2048x64xf32>, vector<64x64xf32>, vector<2048x64xf32> -> vector<2048x64xf32>
    %add3A_50 = arith.addf %dot_general3A_42, %dot_general3A_49 : vector<2048x64xf32>
    %get3A_51 = arith.constant 1 : index
    %get3A_52 = arith.constant 0 : index
    %get3A_53 = arith.constant 0 : index
    %get3A_54 = vector.load %arg7[%get3A_51, %get3A_52, %get3A_53] : memref<2x1x64xf32, #tpu.memory_space<vmem>>, vector<1x1x64xf32>
    %get3A_55 = vector.shape_cast %get3A_54 : vector<1x1x64xf32> to vector<64xf32>
    %broadcast_in_dim3A_56 = vector.shape_cast %get3A_55 : vector<64xf32> to vector<1x64xf32>
    %add3A_57 = vector.broadcast %broadcast_in_dim3A_56 : vector<1x64xf32> to vector<2048x64xf32>
    %add3A_58 = arith.addf %add3A_50, %add3A_57 : vector<2048x64xf32>
    %ge3A = arith.constant 0.000000e+00 : f32
    %ge3A_59 = vector.broadcast %ge3A : f32 to vector<2048x64xf32>
    %ge3A_60 = arith.cmpf oge, %add3A_35, %ge3A_59 : vector<2048x64xf32>
    %mul3A_61 = arith.constant 2.000000e-01 : f32
    %mul3A_62 = vector.broadcast %mul3A_61 : f32 to vector<2048x64xf32>
    %mul3A_63 = arith.mulf %mul3A_62, %add3A_35 : vector<2048x64xf32>
    %select_n3A = arith.select %ge3A_60, %add3A_35, %mul3A_63 : vector<2048x64xi1>, vector<2048x64xf32>
    %mul3A_64 = arith.mulf %get3A_1, %select_n3A : vector<2048x64xf32>
    %ge3A_65 = arith.constant 0.000000e+00 : f32
    %ge3A_66 = vector.broadcast %ge3A_65 : f32 to vector<2048x64xf32>
    %ge3A_67 = arith.cmpf oge, %add3A_58, %ge3A_66 : vector<2048x64xf32>
    %mul3A_68 = arith.constant 2.000000e-01 : f32
    %mul3A_69 = vector.broadcast %mul3A_68 : f32 to vector<2048x64xf32>
    %mul3A_70 = arith.mulf %mul3A_69, %add3A_58 : vector<2048x64xf32>
    %select_n3A_71 = arith.select %ge3A_67, %add3A_58, %mul3A_70 : vector<2048x64xi1>, vector<2048x64xf32>
    %mul3A_72 = arith.mulf %get3A_1, %select_n3A_71 : vector<2048x64xf32>
    %concatenate3A = tpu.concatenate %mul3A_64, %mul3A_72 in 1 : vector<2048x64xf32>, vector<2048x64xf32> -> vector<2048x128xf32>
    %broadcast_in_dim3A_73 = vector.shape_cast %concatenate3A : vector<2048x128xf32> to vector<1x2048x128xf32>
    %swap3A = arith.constant 0 : index
    %swap3A_74 = arith.constant 0 : index
    %swap3A_75 = arith.constant 0 : index
    %swap3A_76 = vector.load %arg8[%swap3A, %swap3A_74, %swap3A_75] : memref<1x2048x128xf32, #tpu.memory_space<vmem>>, vector<1x2048x128xf32>
    tpu.vector_store %arg8[%swap3A, %swap3A_74, %swap3A_75], %broadcast_in_dim3A_73 {strides = array<i32>} : memref<1x2048x128xf32, #tpu.memory_space<vmem>>, vector<1x2048x128xf32>,
    return
  }
  func.func @transform_0(%arg0: i32, %arg1: i32) -> (i32, i32, i32) {
    %c0_i32 = arith.constant 0 : i32
    %c0_i32_0 = arith.constant 0 : i32
    %c0_i32_1 = arith.constant 0 : i32
    return %c0_i32, %arg1, %c0_i32_0 : i32, i32, i32
  }
  func.func @transform_1(%arg0: i32, %arg1: i32) -> (i32, i32) {
    %c0_i32 = arith.constant 0 : i32
    %c0_i32_0 = arith.constant 0 : i32
    return %arg1, %c0_i32 : i32, i32
  }
  func.func @transform_2(%arg0: i32, %arg1: i32) -> (i32, i32) {
    %c0_i32 = arith.constant 0 : i32
    %c0_i32_0 = arith.constant 0 : i32
    return %arg1, %c0_i32 : i32, i32
  }
  func.func @transform_3(%arg0: i32, %arg1: i32) -> (i32, i32, i32) {
    %c0_i32 = arith.constant 0 : i32
    %c0_i32_0 = arith.constant 0 : i32
    %c0_i32_1 = arith.constant 0 : i32
    return %arg0, %c0_i32, %c0_i32_0 : i32, i32, i32
  }
  func.func @transform_4(%arg0: i32, %arg1: i32) -> (i32, i32, i32) {
    %c0_i32 = arith.constant 0 : i32
    %c0_i32_0 = arith.constant 0 : i32
    %c0_i32_1 = arith.constant 0 : i32
    return %arg0, %c0_i32, %c0_i32_0 : i32, i32, i32
  }
  func.func @transform_5(%arg0: i32, %arg1: i32) -> (i32, i32, i32) {
    %c0_i32 = arith.constant 0 : i32
    %c0_i32_0 = arith.constant 0 : i32
    %c0_i32_1 = arith.constant 0 : i32
    return %arg0, %c0_i32, %c0_i32_0 : i32, i32, i32
  }
  func.func @transform_6(%arg0: i32, %arg1: i32) -> (i32, i32, i32) {
    %c0_i32 = arith.constant 0 : i32
    %c0_i32_0 = arith.constant 0 : i32
    return %arg0, %arg1, %c0_i32 : i32, i32, i32
  }
}

module attributes {stable_mosaic.version = 14 : i64} {
  func.func @_stage_body(%arg0: i32, %arg1: i32, %arg2: memref<1x2048x128xf32, #tpu.memory_space<vmem>>, %arg3: memref<2048x64xf32, #tpu.memory_space<vmem>>, %arg4: memref<2048x64xf32, #tpu.memory_space<vmem>>, %arg5: memref<2x64x64xf32, #tpu.memory_space<vmem>>, %arg6: memref<2x64x64xf32, #tpu.memory_space<vmem>>, %arg7: memref<2x1x64xf32, #tpu.memory_space<vmem>>, %arg8: memref<1x2048x128xf32, #tpu.memory_space<vmem>>) attributes {dimension_semantics = [#tpu.dimension_semantics<arbitrary>, #tpu.dimension_semantics<arbitrary>], iteration_bounds = array<i64: 4, 5>, scalar_prefetch = 0 : i64, scratch_operands = 0 : i64, tpu.core_type = #tpu.core_type<tc>, window_params = [{transform_indices = @transform_0, window_bounds = array<i64: 1, 2048, 128>}, {transform_indices = @transform_1, window_bounds = array<i64: 2048, 64>}, {transform_indices = @transform_2, window_bounds = array<i64: 2048, 64>}, {transform_indices = @transform_3, window_bounds = array<i64: 2, 64, 64>}, {transform_indices = @transform_4, window_bounds = array<i64: 2, 64, 64>}, {transform_indices = @transform_5, window_bounds = array<i64: 2, 1, 64>}, {transform_indices = @transform_6, window_bounds = array<i64: 1, 2048, 128>}]} {
    %get3A = arith.constant 0 : index
    %get3A_0 = arith.constant 0 : index
    %get3A_1 = vector.load %arg4[%get3A, %get3A_0] : memref<2048x64xf32, #tpu.memory_space<vmem>>, vector<2048x64xf32>
    %get3A_2 = arith.constant 0 : index
    %get3A_3 = arith.constant 0 : index
    %get3A_4 = vector.load %arg3[%get3A_2, %get3A_3] : memref<2048x64xf32, #tpu.memory_space<vmem>>, vector<2048x64xf32>
    %get3A_5 = arith.constant 0 : index
    %get3A_6 = arith.constant 0 : index
    %get3A_7 = arith.constant 0 : index
    %get3A_8 = vector.load %arg2[%get3A_5, %get3A_6, %get3A_7] : memref<1x2048x128xf32, #tpu.memory_space<vmem>>, vector<1x2048x64xf32>
    %get3A_9 = vector.shape_cast %get3A_8 : vector<1x2048x64xf32> to vector<2048x64xf32>
    %mul3A = arith.mulf %get3A_1, %get3A_9 : vector<2048x64xf32>
    %get3A_10 = arith.constant 0 : index
    %get3A_11 = arith.constant 0 : index
    %get3A_12 = arith.constant 64 : index
    %get3A_13 = vector.load %arg2[%get3A_10, %get3A_11, %get3A_12] : memref<1x2048x128xf32, #tpu.memory_space<vmem>>, vector<1x2048x64xf32>
    %get3A_14 = vector.shape_cast %get3A_13 : vector<1x2048x64xf32> to vector<2048x64xf32>
    %mul3A_15 = arith.mulf %get3A_1, %get3A_14 : vector<2048x64xf32>
    %get3A_16 = arith.constant 0 : index
    %get3A_17 = arith.constant 0 : index
    %get3A_18 = arith.constant 0 : index
    %get3A_19 = vector.load %arg5[%get3A_16, %get3A_17, %get3A_18] : memref<2x64x64xf32, #tpu.memory_space<vmem>>, vector<1x64x64xf32>
    %get3A_20 = vector.shape_cast %get3A_19 : vector<1x64x64xf32> to vector<64x64xf32>
    %dot_general3A = arith.constant dense<0.000000e+00> : vector<2048x64xf32>
    %dot_general3A_21 = tpu.matmul %mul3A, %get3A_20, %dot_general3A {dimension_numbers = #tpu.dot_dimension_numbers<[1], [0], [0], [1], [0, 0, 1, 1], [], []>, transpose_lhs_hint = false} : vector<2048x64xf32>, vector<64x64xf32>, vector<2048x64xf32> -> vector<2048x64xf32>
    %get3A_22 = arith.constant 0 : index
    %get3A_23 = arith.constant 0 : index
    %get3A_24 = arith.constant 0 : index
    %get3A_25 = vector.load %arg6[%get3A_22, %get3A_23, %get3A_24] : memref<2x64x64xf32, #tpu.memory_space<vmem>>, vector<1x64x64xf32>
    %get3A_26 = vector.shape_cast %get3A_25 : vector<1x64x64xf32> to vector<64x64xf32>
    %dot_general3A_27 = arith.constant dense<0.000000e+00> : vector<2048x64xf32>
    %dot_general3A_28 = tpu.matmul %get3A_4, %get3A_26, %dot_general3A_27 {dimension_numbers = #tpu.dot_dimension_numbers<[1], [0], [0], [1], [0, 0, 1, 1], [], []>, transpose_lhs_hint = false} : vector<2048x64xf32>, vector<64x64xf32>, vector<2048x64xf32> -> vector<2048x64xf32>
    %add3A = arith.addf %dot_general3A_21, %dot_general3A_28 : vector<2048x64xf32>
    %get3A_29 = arith.constant 0 : index
    %get3A_30 = arith.constant 0 : index
    %get3A_31 = arith.constant 0 : index
    %get3A_32 = vector.load %arg7[%get3A_29, %get3A_30, %get3A_31] : memref<2x1x64xf32, #tpu.memory_space<vmem>>, vector<1x1x64xf32>
    %get3A_33 = vector.shape_cast %get3A_32 : vector<1x1x64xf32> to vector<64xf32>
    %broadcast_in_dim3A = vector.shape_cast %get3A_33 : vector<64xf32> to vector<1x64xf32>
    %add3A_34 = vector.broadcast %broadcast_in_dim3A : vector<1x64xf32> to vector<2048x64xf32>
    %add3A_35 = arith.addf %add3A, %add3A_34 : vector<2048x64xf32>
    %get3A_36 = arith.constant 1 : index
    %get3A_37 = arith.constant 0 : index
    %get3A_38 = arith.constant 0 : index
    %get3A_39 = vector.load %arg5[%get3A_36, %get3A_37, %get3A_38] : memref<2x64x64xf32, #tpu.memory_space<vmem>>, vector<1x64x64xf32>
    %get3A_40 = vector.shape_cast %get3A_39 : vector<1x64x64xf32> to vector<64x64xf32>
    %dot_general3A_41 = arith.constant dense<0.000000e+00> : vector<2048x64xf32>
    %dot_general3A_42 = tpu.matmul %mul3A_15, %get3A_40, %dot_general3A_41 {dimension_numbers = #tpu.dot_dimension_numbers<[1], [0], [0], [1], [0, 0, 1, 1], [], []>, transpose_lhs_hint = false} : vector<2048x64xf32>, vector<64x64xf32>, vector<2048x64xf32> -> vector<2048x64xf32>
    %get3A_43 = arith.constant 1 : index
    %get3A_44 = arith.constant 0 : index
    %get3A_45 = arith.constant 0 : index
    %get3A_46 = vector.load %arg6[%get3A_43, %get3A_44, %get3A_45] : memref<2x64x64xf32, #tpu.memory_space<vmem>>, vector<1x64x64xf32>
    %get3A_47 = vector.shape_cast %get3A_46 : vector<1x64x64xf32> to vector<64x64xf32>
    %dot_general3A_48 = arith.constant dense<0.000000e+00> : vector<2048x64xf32>
    %dot_general3A_49 = tpu.matmul %get3A_4, %get3A_47, %dot_general3A_48 {dimension_numbers = #tpu.dot_dimension_numbers<[1], [0], [0], [1], [0, 0, 1, 1], [], []>, transpose_lhs_hint = false} : vector<2048x64xf32>, vector<64x64xf32>, vector<2048x64xf32> -> vector<2048x64xf32>
    %add3A_50 = arith.addf %dot_general3A_42, %dot_general3A_49 : vector<2048x64xf32>
    %get3A_51 = arith.constant 1 : index
    %get3A_52 = arith.constant 0 : index
    %get3A_53 = arith.constant 0 : index
    %get3A_54 = vector.load %arg7[%get3A_51, %get3A_52, %get3A_53] : memref<2x1x64xf32, #tpu.memory_space<vmem>>, vector<1x1x64xf32>
    %get3A_55 = vector.shape_cast %get3A_54 : vector<1x1x64xf32> to vector<64xf32>
    %broadcast_in_dim3A_56 = vector.shape_cast %get3A_55 : vector<64xf32> to vector<1x64xf32>
    %add3A_57 = vector.broadcast %broadcast_in_dim3A_56 : vector<1x64xf32> to vector<2048x64xf32>
    %add3A_58 = arith.addf %add3A_50, %add3A_57 : vector<2048x64xf32>
    %ge3A = arith.constant 0.000000e+00 : f32
    %ge3A_59 = vector.broadcast %ge3A : f32 to vector<2048x64xf32>
    %ge3A_60 = arith.cmpf oge, %add3A_35, %ge3A_59 : vector<2048x64xf32>
    %mul3A_61 = arith.constant 2.000000e-01 : f32
    %mul3A_62 = vector.broadcast %mul3A_61 : f32 to vector<2048x64xf32>
    %mul3A_63 = arith.mulf %mul3A_62, %add3A_35 : vector<2048x64xf32>
    %select_n3A = arith.select %ge3A_60, %add3A_35, %mul3A_63 : vector<2048x64xi1>, vector<2048x64xf32>
    %mul3A_64 = arith.mulf %get3A_1, %select_n3A : vector<2048x64xf32>
    %ge3A_65 = arith.constant 0.000000e+00 : f32
    %ge3A_66 = vector.broadcast %ge3A_65 : f32 to vector<2048x64xf32>
    %ge3A_67 = arith.cmpf oge, %add3A_58, %ge3A_66 : vector<2048x64xf32>
    %mul3A_68 = arith.constant 2.000000e-01 : f32
    %mul3A_69 = vector.broadcast %mul3A_68 : f32 to vector<2048x64xf32>
    %mul3A_70 = arith.mulf %mul3A_69, %add3A_58 : vector<2048x64xf32>
    %select_n3A_71 = arith.select %ge3A_67, %add3A_58, %mul3A_70 : vector<2048x64xi1>, vector<2048x64xf32>
    %mul3A_72 = arith.mulf %get3A_1, %select_n3A_71 : vector<2048x64xf32>
    %concatenate3A = tpu.concatenate %mul3A_64, %mul3A_72 in 1 : vector<2048x64xf32>, vector<2048x64xf32> -> vector<2048x128xf32>
    %broadcast_in_dim3A_73 = vector.shape_cast %concatenate3A : vector<2048x128xf32> to vector<1x2048x128xf32>
    %swap3A = arith.constant 0 : index
    %swap3A_74 = arith.constant 0 : index
    %swap3A_75 = arith.constant 0 : index
    %swap3A_76 = vector.load %arg8[%swap3A, %swap3A_74, %swap3A_75] : memref<1x2048x128xf32, #tpu.memory_space<vmem>>, vector<1x2048x128xf32>
    tpu.vector_store %arg8[%swap3A, %swap3A_74, %swap3A_75], %broadcast_in_dim3A_73 {strides = array<i32>} : memref<1x2048x128xf32, #tpu.memory_space<vmem>>, vector<1x2048x128xf32>,
    return
  }
  func.func @transform_0(%arg0: i32, %arg1: i32) -> (i32, i32, i32) {
    %c0_i32 = arith.constant 0 : i32
    %c0_i32_0 = arith.constant 0 : i32
    return %arg0, %arg1, %c0_i32 : i32, i32, i32
  }
  func.func @transform_1(%arg0: i32, %arg1: i32) -> (i32, i32) {
    %c0_i32 = arith.constant 0 : i32
    %c0_i32_0 = arith.constant 0 : i32
    return %arg1, %c0_i32 : i32, i32
  }
  func.func @transform_2(%arg0: i32, %arg1: i32) -> (i32, i32) {
    %c0_i32 = arith.constant 0 : i32
    %c0_i32_0 = arith.constant 0 : i32
    return %arg1, %c0_i32 : i32, i32
  }
  func.func @transform_3(%arg0: i32, %arg1: i32) -> (i32, i32, i32) {
    %c0_i32 = arith.constant 0 : i32
    %c0_i32_0 = arith.constant 0 : i32
    %c0_i32_1 = arith.constant 0 : i32
    return %arg0, %c0_i32, %c0_i32_0 : i32, i32, i32
  }
  func.func @transform_4(%arg0: i32, %arg1: i32) -> (i32, i32, i32) {
    %c0_i32 = arith.constant 0 : i32
    %c0_i32_0 = arith.constant 0 : i32
    %c0_i32_1 = arith.constant 0 : i32
    return %arg0, %c0_i32, %c0_i32_0 : i32, i32, i32
  }
  func.func @transform_5(%arg0: i32, %arg1: i32) -> (i32, i32, i32) {
    %c0_i32 = arith.constant 0 : i32
    %c0_i32_0 = arith.constant 0 : i32
    %c0_i32_1 = arith.constant 0 : i32
    return %arg0, %c0_i32, %c0_i32_0 : i32, i32, i32
  }
  func.func @transform_6(%arg0: i32, %arg1: i32) -> (i32, i32, i32) {
    %c0_i32 = arith.constant 0 : i32
    %c0_i32_0 = arith.constant 0 : i32
    return %arg0, %arg1, %c0_i32 : i32, i32, i32
  }
}

module attributes {stable_mosaic.version = 14 : i64} {
  func.func @_final_body(%arg0: i32, %arg1: memref<4x2048x128xf32, #tpu.memory_space<vmem>>, %arg2: memref<2048x64xf32, #tpu.memory_space<vmem>>, %arg3: memref<2048x64xf32, #tpu.memory_space<vmem>>, %arg4: memref<8x64x64xf32, #tpu.memory_space<vmem>>, %arg5: memref<8x64x64xf32, #tpu.memory_space<vmem>>, %arg6: memref<8x1x64xf32, #tpu.memory_space<vmem>>, %arg7: memref<64x64xf32, #tpu.memory_space<vmem>>, %arg8: memref<1x64xf32, #tpu.memory_space<vmem>>, %arg9: memref<64x64xf32, #tpu.memory_space<vmem>>, %arg10: memref<1x64xf32, #tpu.memory_space<vmem>>, %arg11: memref<64x4xf32, #tpu.memory_space<vmem>>, %arg12: memref<1x4xf32, #tpu.memory_space<vmem>>, %arg13: memref<2048x4xf32, #tpu.memory_space<vmem>>) attributes {dimension_semantics = [#tpu.dimension_semantics<arbitrary>], iteration_bounds = array<i64: 5>, scalar_prefetch = 0 : i64, scratch_operands = 0 : i64, tpu.core_type = #tpu.core_type<tc>, window_params = [{transform_indices = @transform_0, window_bounds = array<i64: 4, 2048, 128>}, {transform_indices = @transform_1, window_bounds = array<i64: 2048, 64>}, {transform_indices = @transform_2, window_bounds = array<i64: 2048, 64>}, {pipeline_mode = #tpu.pipeline_mode<synchronous>, transform_indices = @transform_3, window_bounds = array<i64: 8, 64, 64>}, {pipeline_mode = #tpu.pipeline_mode<synchronous>, transform_indices = @transform_4, window_bounds = array<i64: 8, 64, 64>}, {pipeline_mode = #tpu.pipeline_mode<synchronous>, transform_indices = @transform_5, window_bounds = array<i64: 8, 1, 64>}, {pipeline_mode = #tpu.pipeline_mode<synchronous>, transform_indices = @transform_6, window_bounds = array<i64: 64, 64>}, {pipeline_mode = #tpu.pipeline_mode<synchronous>, transform_indices = @transform_7, window_bounds = array<i64: 1, 64>}, {pipeline_mode = #tpu.pipeline_mode<synchronous>, transform_indices = @transform_8, window_bounds = array<i64: 64, 64>}, {pipeline_mode = #tpu.pipeline_mode<synchronous>, transform_indices = @transform_9, window_bounds = array<i64: 1, 64>}, {pipeline_mode = #tpu.pipeline_mode<synchronous>, transform_indices = @transform_10, window_bounds = array<i64: 64, 4>}, {pipeline_mode = #tpu.pipeline_mode<synchronous>, transform_indices = @transform_11, window_bounds = array<i64: 1, 4>}, {transform_indices = @transform_12, window_bounds = array<i64: 2048, 4>}]} {
    %get3A = arith.constant 0 : index
    %get3A_0 = arith.constant 0 : index
    %get3A_1 = vector.load %arg3[%get3A, %get3A_0] : memref<2048x64xf32, #tpu.memory_space<vmem>>, vector<2048x64xf32>
    %get3A_2 = arith.constant 0 : index
    %get3A_3 = arith.constant 0 : index
    %get3A_4 = vector.load %arg2[%get3A_2, %get3A_3] : memref<2048x64xf32, #tpu.memory_space<vmem>>, vector<2048x64xf32>
    %broadcast_in_dim3A = arith.constant 0.000000e+00 : f32
    %broadcast_in_dim3A_5 = vector.broadcast %broadcast_in_dim3A : f32 to vector<2048x64xf32>
    %get3A_6 = arith.constant 0 : index
    %get3A_7 = arith.constant 0 : index
    %get3A_8 = arith.constant 0 : index
    %get3A_9 = vector.load %arg1[%get3A_6, %get3A_7, %get3A_8] : memref<4x2048x128xf32, #tpu.memory_space<vmem>>, vector<1x2048x64xf32>
    %get3A_10 = vector.shape_cast %get3A_9 : vector<1x2048x64xf32> to vector<2048x64xf32>
    %mul3A = arith.mulf %get3A_1, %get3A_10 : vector<2048x64xf32>
    %get3A_11 = arith.constant 0 : index
    %get3A_12 = arith.constant 0 : index
    %get3A_13 = arith.constant 0 : index
    %get3A_14 = vector.load %arg4[%get3A_11, %get3A_12, %get3A_13] : memref<8x64x64xf32, #tpu.memory_space<vmem>>, vector<1x64x64xf32>
    %get3A_15 = vector.shape_cast %get3A_14 : vector<1x64x64xf32> to vector<64x64xf32>
    %dot_general3A = arith.constant dense<0.000000e+00> : vector<2048x64xf32>
    %dot_general3A_16 = tpu.matmul %mul3A, %get3A_15, %dot_general3A {dimension_numbers = #tpu.dot_dimension_numbers<[1], [0], [0], [1], [0, 0, 1, 1], [], []>, transpose_lhs_hint = false} : vector<2048x64xf32>, vector<64x64xf32>, vector<2048x64xf32> -> vector<2048x64xf32>
    %get3A_17 = arith.constant 0 : index
    %get3A_18 = arith.constant 0 : index
    %get3A_19 = arith.constant 0 : index
    %get3A_20 = vector.load %arg5[%get3A_17, %get3A_18, %get3A_19] : memref<8x64x64xf32, #tpu.memory_space<vmem>>, vector<1x64x64xf32>
    %get3A_21 = vector.shape_cast %get3A_20 : vector<1x64x64xf32> to vector<64x64xf32>
    %dot_general3A_22 = arith.constant dense<0.000000e+00> : vector<2048x64xf32>
    %dot_general3A_23 = tpu.matmul %get3A_4, %get3A_21, %dot_general3A_22 {dimension_numbers = #tpu.dot_dimension_numbers<[1], [0], [0], [1], [0, 0, 1, 1], [], []>, transpose_lhs_hint = false} : vector<2048x64xf32>, vector<64x64xf32>, vector<2048x64xf32> -> vector<2048x64xf32>
    %add3A = arith.addf %dot_general3A_16, %dot_general3A_23 : vector<2048x64xf32>
    %get3A_24 = arith.constant 0 : index
    %get3A_25 = arith.constant 0 : index
    %get3A_26 = arith.constant 0 : index
    %get3A_27 = vector.load %arg6[%get3A_24, %get3A_25, %get3A_26] : memref<8x1x64xf32, #tpu.memory_space<vmem>>, vector<1x1x64xf32>
    %get3A_28 = vector.shape_cast %get3A_27 : vector<1x1x64xf32> to vector<64xf32>
    %broadcast_in_dim3A_29 = vector.shape_cast %get3A_28 : vector<64xf32> to vector<1x64xf32>
    %add3A_30 = vector.broadcast %broadcast_in_dim3A_29 : vector<1x64xf32> to vector<2048x64xf32>
    %add3A_31 = arith.addf %add3A, %add3A_30 : vector<2048x64xf32>
    %ge3A = arith.constant 0.000000e+00 : f32
    %ge3A_32 = vector.broadcast %ge3A : f32 to vector<2048x64xf32>
    %ge3A_33 = arith.cmpf oge, %add3A_31, %ge3A_32 : vector<2048x64xf32>
    %mul3A_34 = arith.constant 2.000000e-01 : f32
    %mul3A_35 = vector.broadcast %mul3A_34 : f32 to vector<2048x64xf32>
    %mul3A_36 = arith.mulf %mul3A_35, %add3A_31 : vector<2048x64xf32>
    %select_n3A = arith.select %ge3A_33, %add3A_31, %mul3A_36 : vector<2048x64xi1>, vector<2048x64xf32>
    %add3A_37 = arith.addf %broadcast_in_dim3A_5, %select_n3A : vector<2048x64xf32>
    %get3A_38 = arith.constant 0 : index
    %get3A_39 = arith.constant 0 : index
    %get3A_40 = arith.constant 64 : index
    %get3A_41 = vector.load %arg1[%get3A_38, %get3A_39, %get3A_40] : memref<4x2048x128xf32, #tpu.memory_space<vmem>>, vector<1x2048x64xf32>
    %get3A_42 = vector.shape_cast %get3A_41 : vector<1x2048x64xf32> to vector<2048x64xf32>
    %mul3A_43 = arith.mulf %get3A_1, %get3A_42 : vector<2048x64xf32>
    %get3A_44 = arith.constant 1 : index
    %get3A_45 = arith.constant 0 : index
    %get3A_46 = arith.constant 0 : index
    %get3A_47 = vector.load %arg4[%get3A_44, %get3A_45, %get3A_46] : memref<8x64x64xf32, #tpu.memory_space<vmem>>, vector<1x64x64xf32>
    %get3A_48 = vector.shape_cast %get3A_47 : vector<1x64x64xf32> to vector<64x64xf32>
    %dot_general3A_49 = arith.constant dense<0.000000e+00> : vector<2048x64xf32>
    %dot_general3A_50 = tpu.matmul %mul3A_43, %get3A_48, %dot_general3A_49 {dimension_numbers = #tpu.dot_dimension_numbers<[1], [0], [0], [1], [0, 0, 1, 1], [], []>, transpose_lhs_hint = false} : vector<2048x64xf32>, vector<64x64xf32>, vector<2048x64xf32> -> vector<2048x64xf32>
    %get3A_51 = arith.constant 1 : index
    %get3A_52 = arith.constant 0 : index
    %get3A_53 = arith.constant 0 : index
    %get3A_54 = vector.load %arg5[%get3A_51, %get3A_52, %get3A_53] : memref<8x64x64xf32, #tpu.memory_space<vmem>>, vector<1x64x64xf32>
    %get3A_55 = vector.shape_cast %get3A_54 : vector<1x64x64xf32> to vector<64x64xf32>
    %dot_general3A_56 = arith.constant dense<0.000000e+00> : vector<2048x64xf32>
    %dot_general3A_57 = tpu.matmul %get3A_4, %get3A_55, %dot_general3A_56 {dimension_numbers = #tpu.dot_dimension_numbers<[1], [0], [0], [1], [0, 0, 1, 1], [], []>, transpose_lhs_hint = false} : vector<2048x64xf32>, vector<64x64xf32>, vector<2048x64xf32> -> vector<2048x64xf32>
    %add3A_58 = arith.addf %dot_general3A_50, %dot_general3A_57 : vector<2048x64xf32>
    %get3A_59 = arith.constant 1 : index
    %get3A_60 = arith.constant 0 : index
    %get3A_61 = arith.constant 0 : index
    %get3A_62 = vector.load %arg6[%get3A_59, %get3A_60, %get3A_61] : memref<8x1x64xf32, #tpu.memory_space<vmem>>, vector<1x1x64xf32>
    %get3A_63 = vector.shape_cast %get3A_62 : vector<1x1x64xf32> to vector<64xf32>
    %broadcast_in_dim3A_64 = vector.shape_cast %get3A_63 : vector<64xf32> to vector<1x64xf32>
    %add3A_65 = vector.broadcast %broadcast_in_dim3A_64 : vector<1x64xf32> to vector<2048x64xf32>
    %add3A_66 = arith.addf %add3A_58, %add3A_65 : vector<2048x64xf32>
    %ge3A_67 = arith.constant 0.000000e+00 : f32
    %ge3A_68 = vector.broadcast %ge3A_67 : f32 to vector<2048x64xf32>
    %ge3A_69 = arith.cmpf oge, %add3A_66, %ge3A_68 : vector<2048x64xf32>
    %mul3A_70 = arith.constant 2.000000e-01 : f32
    %mul3A_71 = vector.broadcast %mul3A_70 : f32 to vector<2048x64xf32>
    %mul3A_72 = arith.mulf %mul3A_71, %add3A_66 : vector<2048x64xf32>
    %select_n3A_73 = arith.select %ge3A_69, %add3A_66, %mul3A_72 : vector<2048x64xi1>, vector<2048x64xf32>
    %add3A_74 = arith.addf %add3A_37, %select_n3A_73 : vector<2048x64xf32>
    %get3A_75 = arith.constant 1 : index
    %get3A_76 = arith.constant 0 : index
    %get3A_77 = arith.constant 0 : index
    %get3A_78 = vector.load %arg1[%get3A_75, %get3A_76, %get3A_77] : memref<4x2048x128xf32, #tpu.memory_space<vmem>>, vector<1x2048x64xf32>
    %get3A_79 = vector.shape_cast %get3A_78 : vector<1x2048x64xf32> to vector<2048x64xf32>
    %mul3A_80 = arith.mulf %get3A_1, %get3A_79 : vector<2048x64xf32>
    %get3A_81 = arith.constant 2 : index
    %get3A_82 = arith.constant 0 : index
    %get3A_83 = arith.constant 0 : index
    %get3A_84 = vector.load %arg4[%get3A_81, %get3A_82, %get3A_83] : memref<8x64x64xf32, #tpu.memory_space<vmem>>, vector<1x64x64xf32>
    %get3A_85 = vector.shape_cast %get3A_84 : vector<1x64x64xf32> to vector<64x64xf32>
    %dot_general3A_86 = arith.constant dense<0.000000e+00> : vector<2048x64xf32>
    %dot_general3A_87 = tpu.matmul %mul3A_80, %get3A_85, %dot_general3A_86 {dimension_numbers = #tpu.dot_dimension_numbers<[1], [0], [0], [1], [0, 0, 1, 1], [], []>, transpose_lhs_hint = false} : vector<2048x64xf32>, vector<64x64xf32>, vector<2048x64xf32> -> vector<2048x64xf32>
    %get3A_88 = arith.constant 2 : index
    %get3A_89 = arith.constant 0 : index
    %get3A_90 = arith.constant 0 : index
    %get3A_91 = vector.load %arg5[%get3A_88, %get3A_89, %get3A_90] : memref<8x64x64xf32, #tpu.memory_space<vmem>>, vector<1x64x64xf32>
    %get3A_92 = vector.shape_cast %get3A_91 : vector<1x64x64xf32> to vector<64x64xf32>
    %dot_general3A_93 = arith.constant dense<0.000000e+00> : vector<2048x64xf32>
    %dot_general3A_94 = tpu.matmul %get3A_4, %get3A_92, %dot_general3A_93 {dimension_numbers = #tpu.dot_dimension_numbers<[1], [0], [0], [1], [0, 0, 1, 1], [], []>, transpose_lhs_hint = false} : vector<2048x64xf32>, vector<64x64xf32>, vector<2048x64xf32> -> vector<2048x64xf32>
    %add3A_95 = arith.addf %dot_general3A_87, %dot_general3A_94 : vector<2048x64xf32>
    %get3A_96 = arith.constant 2 : index
    %get3A_97 = arith.constant 0 : index
    %get3A_98 = arith.constant 0 : index
    %get3A_99 = vector.load %arg6[%get3A_96, %get3A_97, %get3A_98] : memref<8x1x64xf32, #tpu.memory_space<vmem>>, vector<1x1x64xf32>
    %get3A_100 = vector.shape_cast %get3A_99 : vector<1x1x64xf32> to vector<64xf32>
    %broadcast_in_dim3A_101 = vector.shape_cast %get3A_100 : vector<64xf32> to vector<1x64xf32>
    %add3A_102 = vector.broadcast %broadcast_in_dim3A_101 : vector<1x64xf32> to vector<2048x64xf32>
    %add3A_103 = arith.addf %add3A_95, %add3A_102 : vector<2048x64xf32>
    %ge3A_104 = arith.constant 0.000000e+00 : f32
    %ge3A_105 = vector.broadcast %ge3A_104 : f32 to vector<2048x64xf32>
    %ge3A_106 = arith.cmpf oge, %add3A_103, %ge3A_105 : vector<2048x64xf32>
    %mul3A_107 = arith.constant 2.000000e-01 : f32
    %mul3A_108 = vector.broadcast %mul3A_107 : f32 to vector<2048x64xf32>
    %mul3A_109 = arith.mulf %mul3A_108, %add3A_103 : vector<2048x64xf32>
    %select_n3A_110 = arith.select %ge3A_106, %add3A_103, %mul3A_109 : vector<2048x64xi1>, vector<2048x64xf32>
    %add3A_111 = arith.addf %add3A_74, %select_n3A_110 : vector<2048x64xf32>
    %get3A_112 = arith.constant 1 : index
    %get3A_113 = arith.constant 0 : index
    %get3A_114 = arith.constant 64 : index
    %get3A_115 = vector.load %arg1[%get3A_112, %get3A_113, %get3A_114] : memref<4x2048x128xf32, #tpu.memory_space<vmem>>, vector<1x2048x64xf32>
    %get3A_116 = vector.shape_cast %get3A_115 : vector<1x2048x64xf32> to vector<2048x64xf32>
    %mul3A_117 = arith.mulf %get3A_1, %get3A_116 : vector<2048x64xf32>
    %get3A_118 = arith.constant 3 : index
    %get3A_119 = arith.constant 0 : index
    %get3A_120 = arith.constant 0 : index
    %get3A_121 = vector.load %arg4[%get3A_118, %get3A_119, %get3A_120] : memref<8x64x64xf32, #tpu.memory_space<vmem>>, vector<1x64x64xf32>
    %get3A_122 = vector.shape_cast %get3A_121 : vector<1x64x64xf32> to vector<64x64xf32>
    %dot_general3A_123 = arith.constant dense<0.000000e+00> : vector<2048x64xf32>
    %dot_general3A_124 = tpu.matmul %mul3A_117, %get3A_122, %dot_general3A_123 {dimension_numbers = #tpu.dot_dimension_numbers<[1], [0], [0], [1], [0, 0, 1, 1], [], []>, transpose_lhs_hint = false} : vector<2048x64xf32>, vector<64x64xf32>, vector<2048x64xf32> -> vector<2048x64xf32>
    %get3A_125 = arith.constant 3 : index
    %get3A_126 = arith.constant 0 : index
    %get3A_127 = arith.constant 0 : index
    %get3A_128 = vector.load %arg5[%get3A_125, %get3A_126, %get3A_127] : memref<8x64x64xf32, #tpu.memory_space<vmem>>, vector<1x64x64xf32>
    %get3A_129 = vector.shape_cast %get3A_128 : vector<1x64x64xf32> to vector<64x64xf32>
    %dot_general3A_130 = arith.constant dense<0.000000e+00> : vector<2048x64xf32>
    %dot_general3A_131 = tpu.matmul %get3A_4, %get3A_129, %dot_general3A_130 {dimension_numbers = #tpu.dot_dimension_numbers<[1], [0], [0], [1], [0, 0, 1, 1], [], []>, transpose_lhs_hint = false} : vector<2048x64xf32>, vector<64x64xf32>, vector<2048x64xf32> -> vector<2048x64xf32>
    %add3A_132 = arith.addf %dot_general3A_124, %dot_general3A_131 : vector<2048x64xf32>
    %get3A_133 = arith.constant 3 : index
    %get3A_134 = arith.constant 0 : index
    %get3A_135 = arith.constant 0 : index
    %get3A_136 = vector.load %arg6[%get3A_133, %get3A_134, %get3A_135] : memref<8x1x64xf32, #tpu.memory_space<vmem>>, vector<1x1x64xf32>
    %get3A_137 = vector.shape_cast %get3A_136 : vector<1x1x64xf32> to vector<64xf32>
    %broadcast_in_dim3A_138 = vector.shape_cast %get3A_137 : vector<64xf32> to vector<1x64xf32>
    %add3A_139 = vector.broadcast %broadcast_in_dim3A_138 : vector<1x64xf32> to vector<2048x64xf32>
    %add3A_140 = arith.addf %add3A_132, %add3A_139 : vector<2048x64xf32>
    %ge3A_141 = arith.constant 0.000000e+00 : f32
    %ge3A_142 = vector.broadcast %ge3A_141 : f32 to vector<2048x64xf32>
    %ge3A_143 = arith.cmpf oge, %add3A_140, %ge3A_142 : vector<2048x64xf32>
    %mul3A_144 = arith.constant 2.000000e-01 : f32
    %mul3A_145 = vector.broadcast %mul3A_144 : f32 to vector<2048x64xf32>
    %mul3A_146 = arith.mulf %mul3A_145, %add3A_140 : vector<2048x64xf32>
    %select_n3A_147 = arith.select %ge3A_143, %add3A_140, %mul3A_146 : vector<2048x64xi1>, vector<2048x64xf32>
    %add3A_148 = arith.addf %add3A_111, %select_n3A_147 : vector<2048x64xf32>
    %get3A_149 = arith.constant 2 : index
    %get3A_150 = arith.constant 0 : index
    %get3A_151 = arith.constant 0 : index
    %get3A_152 = vector.load %arg1[%get3A_149, %get3A_150, %get3A_151] : memref<4x2048x128xf32, #tpu.memory_space<vmem>>, vector<1x2048x64xf32>
    %get3A_153 = vector.shape_cast %get3A_152 : vector<1x2048x64xf32> to vector<2048x64xf32>
    %mul3A_154 = arith.mulf %get3A_1, %get3A_153 : vector<2048x64xf32>
    %get3A_155 = arith.constant 4 : index
    %get3A_156 = arith.constant 0 : index
    %get3A_157 = arith.constant 0 : index
    %get3A_158 = vector.load %arg4[%get3A_155, %get3A_156, %get3A_157] : memref<8x64x64xf32, #tpu.memory_space<vmem>>, vector<1x64x64xf32>
    %get3A_159 = vector.shape_cast %get3A_158 : vector<1x64x64xf32> to vector<64x64xf32>
    %dot_general3A_160 = arith.constant dense<0.000000e+00> : vector<2048x64xf32>
    %dot_general3A_161 = tpu.matmul %mul3A_154, %get3A_159, %dot_general3A_160 {dimension_numbers = #tpu.dot_dimension_numbers<[1], [0], [0], [1], [0, 0, 1, 1], [], []>, transpose_lhs_hint = false} : vector<2048x64xf32>, vector<64x64xf32>, vector<2048x64xf32> -> vector<2048x64xf32>
    %get3A_162 = arith.constant 4 : index
    %get3A_163 = arith.constant 0 : index
    %get3A_164 = arith.constant 0 : index
    %get3A_165 = vector.load %arg5[%get3A_162, %get3A_163, %get3A_164] : memref<8x64x64xf32, #tpu.memory_space<vmem>>, vector<1x64x64xf32>
    %get3A_166 = vector.shape_cast %get3A_165 : vector<1x64x64xf32> to vector<64x64xf32>
    %dot_general3A_167 = arith.constant dense<0.000000e+00> : vector<2048x64xf32>
    %dot_general3A_168 = tpu.matmul %get3A_4, %get3A_166, %dot_general3A_167 {dimension_numbers = #tpu.dot_dimension_numbers<[1], [0], [0], [1], [0, 0, 1, 1], [], []>, transpose_lhs_hint = false} : vector<2048x64xf32>, vector<64x64xf32>, vector<2048x64xf32> -> vector<2048x64xf32>
    %add3A_169 = arith.addf %dot_general3A_161, %dot_general3A_168 : vector<2048x64xf32>
    %get3A_170 = arith.constant 4 : index
    %get3A_171 = arith.constant 0 : index
    %get3A_172 = arith.constant 0 : index
    %get3A_173 = vector.load %arg6[%get3A_170, %get3A_171, %get3A_172] : memref<8x1x64xf32, #tpu.memory_space<vmem>>, vector<1x1x64xf32>
    %get3A_174 = vector.shape_cast %get3A_173 : vector<1x1x64xf32> to vector<64xf32>
    %broadcast_in_dim3A_175 = vector.shape_cast %get3A_174 : vector<64xf32> to vector<1x64xf32>
    %add3A_176 = vector.broadcast %broadcast_in_dim3A_175 : vector<1x64xf32> to vector<2048x64xf32>
    %add3A_177 = arith.addf %add3A_169, %add3A_176 : vector<2048x64xf32>
    %ge3A_178 = arith.constant 0.000000e+00 : f32
    %ge3A_179 = vector.broadcast %ge3A_178 : f32 to vector<2048x64xf32>
    %ge3A_180 = arith.cmpf oge, %add3A_177, %ge3A_179 : vector<2048x64xf32>
    %mul3A_181 = arith.constant 2.000000e-01 : f32
    %mul3A_182 = vector.broadcast %mul3A_181 : f32 to vector<2048x64xf32>
    %mul3A_183 = arith.mulf %mul3A_182, %add3A_177 : vector<2048x64xf32>
    %select_n3A_184 = arith.select %ge3A_180, %add3A_177, %mul3A_183 : vector<2048x64xi1>, vector<2048x64xf32>
    %add3A_185 = arith.addf %add3A_148, %select_n3A_184 : vector<2048x64xf32>
    %get3A_186 = arith.constant 2 : index
    %get3A_187 = arith.constant 0 : index
    %get3A_188 = arith.constant 64 : index
    %get3A_189 = vector.load %arg1[%get3A_186, %get3A_187, %get3A_188] : memref<4x2048x128xf32, #tpu.memory_space<vmem>>, vector<1x2048x64xf32>
    %get3A_190 = vector.shape_cast %get3A_189 : vector<1x2048x64xf32> to vector<2048x64xf32>
    %mul3A_191 = arith.mulf %get3A_1, %get3A_190 : vector<2048x64xf32>
    %get3A_192 = arith.constant 5 : index
    %get3A_193 = arith.constant 0 : index
    %get3A_194 = arith.constant 0 : index
    %get3A_195 = vector.load %arg4[%get3A_192, %get3A_193, %get3A_194] : memref<8x64x64xf32, #tpu.memory_space<vmem>>, vector<1x64x64xf32>
    %get3A_196 = vector.shape_cast %get3A_195 : vector<1x64x64xf32> to vector<64x64xf32>
    %dot_general3A_197 = arith.constant dense<0.000000e+00> : vector<2048x64xf32>
    %dot_general3A_198 = tpu.matmul %mul3A_191, %get3A_196, %dot_general3A_197 {dimension_numbers = #tpu.dot_dimension_numbers<[1], [0], [0], [1], [0, 0, 1, 1], [], []>, transpose_lhs_hint = false} : vector<2048x64xf32>, vector<64x64xf32>, vector<2048x64xf32> -> vector<2048x64xf32>
    %get3A_199 = arith.constant 5 : index
    %get3A_200 = arith.constant 0 : index
    %get3A_201 = arith.constant 0 : index
    %get3A_202 = vector.load %arg5[%get3A_199, %get3A_200, %get3A_201] : memref<8x64x64xf32, #tpu.memory_space<vmem>>, vector<1x64x64xf32>
    %get3A_203 = vector.shape_cast %get3A_202 : vector<1x64x64xf32> to vector<64x64xf32>
    %dot_general3A_204 = arith.constant dense<0.000000e+00> : vector<2048x64xf32>
    %dot_general3A_205 = tpu.matmul %get3A_4, %get3A_203, %dot_general3A_204 {dimension_numbers = #tpu.dot_dimension_numbers<[1], [0], [0], [1], [0, 0, 1, 1], [], []>, transpose_lhs_hint = false} : vector<2048x64xf32>, vector<64x64xf32>, vector<2048x64xf32> -> vector<2048x64xf32>
    %add3A_206 = arith.addf %dot_general3A_198, %dot_general3A_205 : vector<2048x64xf32>
    %get3A_207 = arith.constant 5 : index
    %get3A_208 = arith.constant 0 : index
    %get3A_209 = arith.constant 0 : index
    %get3A_210 = vector.load %arg6[%get3A_207, %get3A_208, %get3A_209] : memref<8x1x64xf32, #tpu.memory_space<vmem>>, vector<1x1x64xf32>
    %get3A_211 = vector.shape_cast %get3A_210 : vector<1x1x64xf32> to vector<64xf32>
    %broadcast_in_dim3A_212 = vector.shape_cast %get3A_211 : vector<64xf32> to vector<1x64xf32>
    %add3A_213 = vector.broadcast %broadcast_in_dim3A_212 : vector<1x64xf32> to vector<2048x64xf32>
    %add3A_214 = arith.addf %add3A_206, %add3A_213 : vector<2048x64xf32>
    %ge3A_215 = arith.constant 0.000000e+00 : f32
    %ge3A_216 = vector.broadcast %ge3A_215 : f32 to vector<2048x64xf32>
    %ge3A_217 = arith.cmpf oge, %add3A_214, %ge3A_216 : vector<2048x64xf32>
    %mul3A_218 = arith.constant 2.000000e-01 : f32
    %mul3A_219 = vector.broadcast %mul3A_218 : f32 to vector<2048x64xf32>
    %mul3A_220 = arith.mulf %mul3A_219, %add3A_214 : vector<2048x64xf32>
    %select_n3A_221 = arith.select %ge3A_217, %add3A_214, %mul3A_220 : vector<2048x64xi1>, vector<2048x64xf32>
    %add3A_222 = arith.addf %add3A_185, %select_n3A_221 : vector<2048x64xf32>
    %get3A_223 = arith.constant 3 : index
    %get3A_224 = arith.constant 0 : index
    %get3A_225 = arith.constant 0 : index
    %get3A_226 = vector.load %arg1[%get3A_223, %get3A_224, %get3A_225] : memref<4x2048x128xf32, #tpu.memory_space<vmem>>, vector<1x2048x64xf32>
    %get3A_227 = vector.shape_cast %get3A_226 : vector<1x2048x64xf32> to vector<2048x64xf32>
    %mul3A_228 = arith.mulf %get3A_1, %get3A_227 : vector<2048x64xf32>
    %get3A_229 = arith.constant 6 : index
    %get3A_230 = arith.constant 0 : index
    %get3A_231 = arith.constant 0 : index
    %get3A_232 = vector.load %arg4[%get3A_229, %get3A_230, %get3A_231] : memref<8x64x64xf32, #tpu.memory_space<vmem>>, vector<1x64x64xf32>
    %get3A_233 = vector.shape_cast %get3A_232 : vector<1x64x64xf32> to vector<64x64xf32>
    %dot_general3A_234 = arith.constant dense<0.000000e+00> : vector<2048x64xf32>
    %dot_general3A_235 = tpu.matmul %mul3A_228, %get3A_233, %dot_general3A_234 {dimension_numbers = #tpu.dot_dimension_numbers<[1], [0], [0], [1], [0, 0, 1, 1], [], []>, transpose_lhs_hint = false} : vector<2048x64xf32>, vector<64x64xf32>, vector<2048x64xf32> -> vector<2048x64xf32>
    %get3A_236 = arith.constant 6 : index
    %get3A_237 = arith.constant 0 : index
    %get3A_238 = arith.constant 0 : index
    %get3A_239 = vector.load %arg5[%get3A_236, %get3A_237, %get3A_238] : memref<8x64x64xf32, #tpu.memory_space<vmem>>, vector<1x64x64xf32>
    %get3A_240 = vector.shape_cast %get3A_239 : vector<1x64x64xf32> to vector<64x64xf32>
    %dot_general3A_241 = arith.constant dense<0.000000e+00> : vector<2048x64xf32>
    %dot_general3A_242 = tpu.matmul %get3A_4, %get3A_240, %dot_general3A_241 {dimension_numbers = #tpu.dot_dimension_numbers<[1], [0], [0], [1], [0, 0, 1, 1], [], []>, transpose_lhs_hint = false} : vector<2048x64xf32>, vector<64x64xf32>, vector<2048x64xf32> -> vector<2048x64xf32>
    %add3A_243 = arith.addf %dot_general3A_235, %dot_general3A_242 : vector<2048x64xf32>
    %get3A_244 = arith.constant 6 : index
    %get3A_245 = arith.constant 0 : index
    %get3A_246 = arith.constant 0 : index
    %get3A_247 = vector.load %arg6[%get3A_244, %get3A_245, %get3A_246] : memref<8x1x64xf32, #tpu.memory_space<vmem>>, vector<1x1x64xf32>
    %get3A_248 = vector.shape_cast %get3A_247 : vector<1x1x64xf32> to vector<64xf32>
    %broadcast_in_dim3A_249 = vector.shape_cast %get3A_248 : vector<64xf32> to vector<1x64xf32>
    %add3A_250 = vector.broadcast %broadcast_in_dim3A_249 : vector<1x64xf32> to vector<2048x64xf32>
    %add3A_251 = arith.addf %add3A_243, %add3A_250 : vector<2048x64xf32>
    %ge3A_252 = arith.constant 0.000000e+00 : f32
    %ge3A_253 = vector.broadcast %ge3A_252 : f32 to vector<2048x64xf32>
    %ge3A_254 = arith.cmpf oge, %add3A_251, %ge3A_253 : vector<2048x64xf32>
    %mul3A_255 = arith.constant 2.000000e-01 : f32
    %mul3A_256 = vector.broadcast %mul3A_255 : f32 to vector<2048x64xf32>
    %mul3A_257 = arith.mulf %mul3A_256, %add3A_251 : vector<2048x64xf32>
    %select_n3A_258 = arith.select %ge3A_254, %add3A_251, %mul3A_257 : vector<2048x64xi1>, vector<2048x64xf32>
    %add3A_259 = arith.addf %add3A_222, %select_n3A_258 : vector<2048x64xf32>
    %get3A_260 = arith.constant 3 : index
    %get3A_261 = arith.constant 0 : index
    %get3A_262 = arith.constant 64 : index
    %get3A_263 = vector.load %arg1[%get3A_260, %get3A_261, %get3A_262] : memref<4x2048x128xf32, #tpu.memory_space<vmem>>, vector<1x2048x64xf32>
    %get3A_264 = vector.shape_cast %get3A_263 : vector<1x2048x64xf32> to vector<2048x64xf32>
    %mul3A_265 = arith.mulf %get3A_1, %get3A_264 : vector<2048x64xf32>
    %get3A_266 = arith.constant 7 : index
    %get3A_267 = arith.constant 0 : index
    %get3A_268 = arith.constant 0 : index
    %get3A_269 = vector.load %arg4[%get3A_266, %get3A_267, %get3A_268] : memref<8x64x64xf32, #tpu.memory_space<vmem>>, vector<1x64x64xf32>
    %get3A_270 = vector.shape_cast %get3A_269 : vector<1x64x64xf32> to vector<64x64xf32>
    %dot_general3A_271 = arith.constant dense<0.000000e+00> : vector<2048x64xf32>
    %dot_general3A_272 = tpu.matmul %mul3A_265, %get3A_270, %dot_general3A_271 {dimension_numbers = #tpu.dot_dimension_numbers<[1], [0], [0], [1], [0, 0, 1, 1], [], []>, transpose_lhs_hint = false} : vector<2048x64xf32>, vector<64x64xf32>, vector<2048x64xf32> -> vector<2048x64xf32>
    %get3A_273 = arith.constant 7 : index
    %get3A_274 = arith.constant 0 : index
    %get3A_275 = arith.constant 0 : index
    %get3A_276 = vector.load %arg5[%get3A_273, %get3A_274, %get3A_275] : memref<8x64x64xf32, #tpu.memory_space<vmem>>, vector<1x64x64xf32>
    %get3A_277 = vector.shape_cast %get3A_276 : vector<1x64x64xf32> to vector<64x64xf32>
    %dot_general3A_278 = arith.constant dense<0.000000e+00> : vector<2048x64xf32>
    %dot_general3A_279 = tpu.matmul %get3A_4, %get3A_277, %dot_general3A_278 {dimension_numbers = #tpu.dot_dimension_numbers<[1], [0], [0], [1], [0, 0, 1, 1], [], []>, transpose_lhs_hint = false} : vector<2048x64xf32>, vector<64x64xf32>, vector<2048x64xf32> -> vector<2048x64xf32>
    %add3A_280 = arith.addf %dot_general3A_272, %dot_general3A_279 : vector<2048x64xf32>
    %get3A_281 = arith.constant 7 : index
    %get3A_282 = arith.constant 0 : index
    %get3A_283 = arith.constant 0 : index
    %get3A_284 = vector.load %arg6[%get3A_281, %get3A_282, %get3A_283] : memref<8x1x64xf32, #tpu.memory_space<vmem>>, vector<1x1x64xf32>
    %get3A_285 = vector.shape_cast %get3A_284 : vector<1x1x64xf32> to vector<64xf32>
    %broadcast_in_dim3A_286 = vector.shape_cast %get3A_285 : vector<64xf32> to vector<1x64xf32>
    %add3A_287 = vector.broadcast %broadcast_in_dim3A_286 : vector<1x64xf32> to vector<2048x64xf32>
    %add3A_288 = arith.addf %add3A_280, %add3A_287 : vector<2048x64xf32>
    %ge3A_289 = arith.constant 0.000000e+00 : f32
    %ge3A_290 = vector.broadcast %ge3A_289 : f32 to vector<2048x64xf32>
    %ge3A_291 = arith.cmpf oge, %add3A_288, %ge3A_290 : vector<2048x64xf32>
    %mul3A_292 = arith.constant 2.000000e-01 : f32
    %mul3A_293 = vector.broadcast %mul3A_292 : f32 to vector<2048x64xf32>
    %mul3A_294 = arith.mulf %mul3A_293, %add3A_288 : vector<2048x64xf32>
    %select_n3A_295 = arith.select %ge3A_291, %add3A_288, %mul3A_294 : vector<2048x64xi1>, vector<2048x64xf32>
    %add3A_296 = arith.addf %add3A_259, %select_n3A_295 : vector<2048x64xf32>
    %mul3A_297 = arith.constant 1.250000e-01 : f32
    %mul3A_298 = vector.broadcast %mul3A_297 : f32 to vector<2048x64xf32>
    %mul3A_299 = arith.mulf %add3A_296, %mul3A_298 : vector<2048x64xf32>
    %get3A_300 = arith.constant 0 : index
    %get3A_301 = arith.constant 0 : index
    %get3A_302 = vector.load %arg7[%get3A_300, %get3A_301] : memref<64x64xf32, #tpu.memory_space<vmem>>, vector<64x64xf32>
    %dot_general3A_303 = arith.constant dense<0.000000e+00> : vector<2048x64xf32>
    %dot_general3A_304 = tpu.matmul %mul3A_299, %get3A_302, %dot_general3A_303 {dimension_numbers = #tpu.dot_dimension_numbers<[1], [0], [0], [1], [0, 0, 1, 1], [], []>, transpose_lhs_hint = false} : vector<2048x64xf32>, vector<64x64xf32>, vector<2048x64xf32> -> vector<2048x64xf32>
    %get3A_305 = arith.constant 0 : index
    %get3A_306 = arith.constant 0 : index
    %get3A_307 = vector.load %arg8[%get3A_305, %get3A_306] : memref<1x64xf32, #tpu.memory_space<vmem>>, vector<1x64xf32>
    %add3A_308 = vector.broadcast %get3A_307 : vector<1x64xf32> to vector<2048x64xf32>
    %add3A_309 = arith.addf %dot_general3A_304, %add3A_308 : vector<2048x64xf32>
    %ge3A_310 = arith.constant 0.000000e+00 : f32
    %ge3A_311 = vector.broadcast %ge3A_310 : f32 to vector<2048x64xf32>
    %ge3A_312 = arith.cmpf oge, %add3A_309, %ge3A_311 : vector<2048x64xf32>
    %mul3A_313 = arith.constant 2.000000e-01 : f32
    %mul3A_314 = vector.broadcast %mul3A_313 : f32 to vector<2048x64xf32>
    %mul3A_315 = arith.mulf %mul3A_314, %add3A_309 : vector<2048x64xf32>
    %select_n3A_316 = arith.select %ge3A_312, %add3A_309, %mul3A_315 : vector<2048x64xi1>, vector<2048x64xf32>
    %get3A_317 = arith.constant 0 : index
    %get3A_318 = arith.constant 0 : index
    %get3A_319 = vector.load %arg9[%get3A_317, %get3A_318] : memref<64x64xf32, #tpu.memory_space<vmem>>, vector<64x64xf32>
    %dot_general3A_320 = arith.constant dense<0.000000e+00> : vector<2048x64xf32>
    %dot_general3A_321 = tpu.matmul %select_n3A_316, %get3A_319, %dot_general3A_320 {dimension_numbers = #tpu.dot_dimension_numbers<[1], [0], [0], [1], [0, 0, 1, 1], [], []>, transpose_lhs_hint = false} : vector<2048x64xf32>, vector<64x64xf32>, vector<2048x64xf32> -> vector<2048x64xf32>
    %get3A_322 = arith.constant 0 : index
    %get3A_323 = arith.constant 0 : index
    %get3A_324 = vector.load %arg10[%get3A_322, %get3A_323] : memref<1x64xf32, #tpu.memory_space<vmem>>, vector<1x64xf32>
    %add3A_325 = vector.broadcast %get3A_324 : vector<1x64xf32> to vector<2048x64xf32>
    %add3A_326 = arith.addf %dot_general3A_321, %add3A_325 : vector<2048x64xf32>
    %ge3A_327 = arith.constant 0.000000e+00 : f32
    %ge3A_328 = vector.broadcast %ge3A_327 : f32 to vector<2048x64xf32>
    %ge3A_329 = arith.cmpf oge, %add3A_326, %ge3A_328 : vector<2048x64xf32>
    %mul3A_330 = arith.constant 2.000000e-01 : f32
    %mul3A_331 = vector.broadcast %mul3A_330 : f32 to vector<2048x64xf32>
    %mul3A_332 = arith.mulf %mul3A_331, %add3A_326 : vector<2048x64xf32>
    %select_n3A_333 = arith.select %ge3A_329, %add3A_326, %mul3A_332 : vector<2048x64xi1>, vector<2048x64xf32>
    %get3A_334 = arith.constant 0 : index
    %get3A_335 = arith.constant 0 : index
    %get3A_336 = vector.load %arg11[%get3A_334, %get3A_335] : memref<64x4xf32, #tpu.memory_space<vmem>>, vector<64x4xf32>
    %dot_general3A_337 = arith.constant dense<0.000000e+00> : vector<2048x4xf32>
    %dot_general3A_338 = tpu.matmul %select_n3A_333, %get3A_336, %dot_general3A_337 {dimension_numbers = #tpu.dot_dimension_numbers<[1], [0], [0], [1], [0, 0, 1, 1], [], []>, transpose_lhs_hint = false} : vector<2048x64xf32>, vector<64x4xf32>, vector<2048x4xf32> -> vector<2048x4xf32>
    %get3A_339 = arith.constant 0 : index
    %get3A_340 = arith.constant 0 : index
    %get3A_341 = vector.load %arg12[%get3A_339, %get3A_340] : memref<1x4xf32, #tpu.memory_space<vmem>>, vector<1x4xf32>
    %add3A_342 = vector.broadcast %get3A_341 : vector<1x4xf32> to vector<2048x4xf32>
    %add3A_343 = arith.addf %dot_general3A_338, %add3A_342 : vector<2048x4xf32>
    %swap3A = arith.constant 0 : index
    %swap3A_344 = arith.constant 0 : index
    %swap3A_345 = vector.load %arg13[%swap3A, %swap3A_344] : memref<2048x4xf32, #tpu.memory_space<vmem>>, vector<2048x4xf32>
    tpu.vector_store %arg13[%swap3A, %swap3A_344], %add3A_343 {strides = array<i32>} : memref<2048x4xf32, #tpu.memory_space<vmem>>, vector<2048x4xf32>,
    return
  }
  func.func @transform_0(%arg0: i32) -> (i32, i32, i32) {
    %c0_i32 = arith.constant 0 : i32
    %c0_i32_0 = arith.constant 0 : i32
    %c0_i32_1 = arith.constant 0 : i32
    return %c0_i32, %arg0, %c0_i32_0 : i32, i32, i32
  }
  func.func @transform_1(%arg0: i32) -> (i32, i32) {
    %c0_i32 = arith.constant 0 : i32
    %c0_i32_0 = arith.constant 0 : i32
    return %arg0, %c0_i32 : i32, i32
  }
  func.func @transform_2(%arg0: i32) -> (i32, i32) {
    %c0_i32 = arith.constant 0 : i32
    %c0_i32_0 = arith.constant 0 : i32
    return %arg0, %c0_i32 : i32, i32
  }
  func.func @transform_3(%arg0: i32) -> (i32, i32, i32) {
    %c0_i32 = arith.constant 0 : i32
    %c0_i32_0 = arith.constant 0 : i32
    %c0_i32_1 = arith.constant 0 : i32
    %c0_i32_2 = arith.constant 0 : i32
    return %c0_i32, %c0_i32_0, %c0_i32_1 : i32, i32, i32
  }
  func.func @transform_4(%arg0: i32) -> (i32, i32, i32) {
    %c0_i32 = arith.constant 0 : i32
    %c0_i32_0 = arith.constant 0 : i32
    %c0_i32_1 = arith.constant 0 : i32
    %c0_i32_2 = arith.constant 0 : i32
    return %c0_i32, %c0_i32_0, %c0_i32_1 : i32, i32, i32
  }
  func.func @transform_5(%arg0: i32) -> (i32, i32, i32) {
    %c0_i32 = arith.constant 0 : i32
    %c0_i32_0 = arith.constant 0 : i32
    %c0_i32_1 = arith.constant 0 : i32
    %c0_i32_2 = arith.constant 0 : i32
    return %c0_i32, %c0_i32_0, %c0_i32_1 : i32, i32, i32
  }
  func.func @transform_6(%arg0: i32) -> (i32, i32) {
    %c0_i32 = arith.constant 0 : i32
    %c0_i32_0 = arith.constant 0 : i32
    %c0_i32_1 = arith.constant 0 : i32
    return %c0_i32, %c0_i32_0 : i32, i32
  }
  func.func @transform_7(%arg0: i32) -> (i32, i32) {
    %c0_i32 = arith.constant 0 : i32
    %c0_i32_0 = arith.constant 0 : i32
    %c0_i32_1 = arith.constant 0 : i32
    return %c0_i32, %c0_i32_0 : i32, i32
  }
  func.func @transform_8(%arg0: i32) -> (i32, i32) {
    %c0_i32 = arith.constant 0 : i32
    %c0_i32_0 = arith.constant 0 : i32
    %c0_i32_1 = arith.constant 0 : i32
    return %c0_i32, %c0_i32_0 : i32, i32
  }
  func.func @transform_9(%arg0: i32) -> (i32, i32) {
    %c0_i32 = arith.constant 0 : i32
    %c0_i32_0 = arith.constant 0 : i32
    %c0_i32_1 = arith.constant 0 : i32
    return %c0_i32, %c0_i32_0 : i32, i32
  }
  func.func @transform_10(%arg0: i32) -> (i32, i32) {
    %c0_i32 = arith.constant 0 : i32
    %c0_i32_0 = arith.constant 0 : i32
    %c0_i32_1 = arith.constant 0 : i32
    return %c0_i32, %c0_i32_0 : i32, i32
  }
  func.func @transform_11(%arg0: i32) -> (i32, i32) {
    %c0_i32 = arith.constant 0 : i32
    %c0_i32_0 = arith.constant 0 : i32
    %c0_i32_1 = arith.constant 0 : i32
    return %c0_i32, %c0_i32_0 : i32, i32
  }
  func.func @transform_12(%arg0: i32) -> (i32, i32) {
    %c0_i32 = arith.constant 0 : i32
    %c0_i32_0 = arith.constant 0 : i32
    return %arg0, %c0_i32 : i32, i32
  }
}

</mosaic_0001>

<sc_bundles>
// kernel: kernel.12.cloned.1.call-start
scs
__scs_entry_jumppad:
0x0: {  	(pc) =	sbr.rel $0x88, $3  }
0x1: {  	(tag) =	ssettag $0x0;
	lr =	simm.s32 $0x1  }
0x2: {  	[smem:$0x3F91] =	sst lr;
	_ =	strace $0xD0000000  }
0x3: {  	_ = 	snop  }
0x4: {  	_ = 	snop  }
0x5: {  	_ = 	snop  }
0x6: {  	_ = 	snop  }
0x7: {  	_ = 	snop  }
__scs_overlays_trampoline_lowered:
0x8: {  	[smem:$0x3FA0] =	sst s0  }
0x9: {  	[smem:$0x3FA1] =	sst s1  }
0xa: {  	[smem:$0x3FA2] =	sst s2  }
0xb: {  	[smem:$0x3FA3] =	sst s3  }
0xc: {  	[smem:$0x3FA4] =	sst s4  }
0xd: {  	[smem:$0x3FA5] =	sst s5  }
0xe: {  	[smem:$0x3FA6] =	sst s6  }
0xf: {  	[smem:$0x3FA7] =	sst s7  }
0x10: {  	[smem:$0x3FA8] =	sst s8  }
0x11: {  	[smem:$0x3FA9] =	sst s9;
	s0 =	simm.s32 @!p0 $0x0  }
0x12: {  	s1 =	sld [smem:$0x3F8F];
	s0 =	simm.s32 @p0 $0x1  }
0x13: {  	[smem:$0x3FAA] =	sst s0;
	s0 =	simm.s32 @!p1 $0x0  }
0x14: {  	s2 =	sld [smem:$0x3F8E];
	s0 =	simm.s32 @p1 $0x1  }
0x15: {  	[smem:$0x3FAB] =	sst s0;
	s0 =	simm.s32 @!p2 $0x0  }
0x16: {  	s3 =	sld [smem:$0x3FDB];
	s0 =	simm.s32 @p2 $0x1  }
0x17: {  	s4 =	simm.s32 $0x1BF5;
	[smem:$0x3FAD] =	sst s0  }
0x18: {  	s0 =	sld [smem:$0x3F90];
	_ =	swait.ge [sflag:s4], $0x0  }
0x19: {  	s7 =	sld [smem:$0x3F91]  }
0x1a: {  	s8 =	sadd.s32 $0xFFFFE003, lr  }
0x1b: {  	s9 =	sadd.s32 $0xFFFFFEF7, lr;
	s5 =	simm.s32 $0xFFFFFFFF;
	p2 =	slt.u32 s8, $0xFFFFF086  }
0x1c: {  	p1 =	slt.u32 s9, $0xF7A;
	s5 =	simm.s32 @!p2 $0x0  }
0x1d: {  	s5 =	simm.s32 @p1 $0x1;
	p0 =	seq.s32 s7, s2  }
0x1e: {  	s7 =	smul.u32 @!p0 $0xF7A, s2;
	p2 =	seq.s32 @!p0 s5, $0x0  }
0x1f: {  	s9 =	smul.u32 $0xF7A, s1;
	s8 =	simm.s32 @!p0 $0x1BF5;
	p2 =	por !p2, p0  }
0x20: {  	[sflag:s8] =	ssyncset.s32 @!p0 $0xFFFFF086;
	s6 =	sadd.s32 @!p0 s3, s7;
	s7 =	simm.s32 @!p0 $0x108  }
0x21: {  	s3 =	sadd.s32 s3, s9;
	s6 =	sadd.s32 @!p0 $0x88, s6;
	s7 =	simm.s32 @p2 $0x1082  }
0x22: {  	[simem:s7], [sflag:s8] =	dma.local @!p0 [hbm:s6], $0xF7A  }
0x23: {  	s9 =	sor.u32 $0xD0000000, s2;
	s6 =	simm.s32 $0x108;
	_ =	swait.ge @!p0 [sflag:s8], $0x0  }
0x24: {  	s3 =	sadd.s32 $0x88, s3;
	s6 =	simm.s32 @!p1 $0x1082;
	[sflag:s4] =	ssyncset.s32 $0xFFFFF086  }
0x25: {  	[simem:s6], [sflag:s4] =	dma.local [hbm:s3], $0xF7A  }
0x26: {  	[smem:$0x3F91] =	sst s1;
	(tag) =	ssettag s2;
	_ =	strace s9  }
0x27: {  	s1 =	sld [smem:$0x3FA1]  }
0x28: {  	s2 =	sld [smem:$0x3FA2]  }
0x29: {  	s4 =	sld [smem:$0x3FA4]  }
0x2a: {  	p0 =	seq.s32 s5, $0x0;
	s5 =	sld [smem:$0x3FA5]  }
0x2b: {  	s6 =	sld [smem:$0x3FA6]  }
0x2c: {  	s7 =	sld [smem:$0x3FA7]  }
0x2d: {  	s3 =	simm.s32 $0x108;
	s8 =	sld [smem:$0x3FA8]  }
0x2e: {  	s3 =	simm.s32 @!p0 $0x1082;
	s9 =	sld [smem:$0x3FA9]  }
0x2f: {  	lr =	sadd.s32 s0, s3;
	s0 =	sld [smem:$0x3FA0]  }
0x30: {  	s3 =	sld [smem:$0x3FA3]  }
0x31: {  	[smem:$0x3FAC] =	sst s10  }
0x32: {  	s10 =	sld [smem:$0x3FAA];
	_ =	sdelay $0x3  }
0x33: {  	p0 =	seq.s32 s10, $0x1;
	s10 =	sld [smem:$0x3FAC];
	_ =	sdelay $0x3  }
0x34: {  	[smem:$0x3FAC] =	sst s10  }
0x35: {  	s10 =	sld [smem:$0x3FAB];
	_ =	sdelay $0x3  }
0x36: {  	p1 =	seq.s32 s10, $0x1;
	s10 =	sld [smem:$0x3FAC];
	_ =	sdelay $0x3  }
0x37: {  	[smem:$0x3FAC] =	sst s10  }
0x38: {  	s10 =	sld [smem:$0x3FAD]  }
0x39: {  	_ = 	snop;
	(pc) =	sbr.ind lr, $3  }
0x3a: {  	_ = 	snop  }
0x3b: {  	_ = 	snop  }
0x3c: {  	p2 =	seq.s32 s10, $0x1;
	s10 =	sld [smem:$0x3FAC]  }
0x3d: {  	_ =	shalt  }
0x3e: {  	_ =	shalt  }
0x3f: {  	_ =	shalt  }
0x40: {  	_ =	shalt  }
0x41: {  	_ =	shalt  }
0x42: {  	_ =	shalt  }
0x43: {  	_ =	shalt  }
0x44: {  	_ =	shalt  }
0x45: {  	_ =	shalt  }
0x46: {  	_ =	shalt  }
0x47: {  	_ =	shalt  }
0x48: {  	_ =	shalt  }
0x49: {  	_ =	shalt  }
0x4a: {  	_ =	shalt  }
0x4b: {  	_ =	shalt  }
0x4c: {  	_ =	shalt  }
0x4d: {  	_ =	shalt  }
0x4e: {  	_ =	shalt  }
0x4f: {  	_ =	shalt  }
0x50: {  	_ =	shalt  }
0x51: {  	_ =	shalt  }
0x52: {  	_ =	shalt  }
0x53: {  	_ =	shalt  }
0x54: {  	_ =	shalt  }
0x55: {  	_ =	shalt  }
0x56: {  	_ =	shalt  }
0x57: {  	_ =	shalt  }
0x58: {  	_ =	shalt  }
0x59: {  	_ =	shalt  }
0x5a: {  	_ =	shalt  }
0x5b: {  	_ =	shalt  }
0x5c: {  	_ =	shalt  }
0x5d: {  	_ =	shalt  }
0x5e: {  	_ =	shalt  }
0x5f: {  	_ =	shalt  }
0x60: {  	_ =	shalt  }
0x61: {  	_ =	shalt  }
0x62: {  	_ =	shalt  }
0x63: {  	_ =	shalt  }
0x64: {  	_ =	shalt  }
0x65: {  	_ =	shalt  }
0x66: {  	_ =	shalt  }
0x67: {  	_ =	shalt  }
0x68: {  	_ =	shalt  }
0x69: {  	_ =	shalt  }
0x6a: {  	_ =	shalt  }
0x6b: {  	_ =	shalt  }
0x6c: {  	_ =	shalt  }
0x6d: {  	_ =	shalt  }
0x6e: {  	_ =	shalt  }
0x6f: {  	_ =	shalt  }
0x70: {  	_ =	shalt  }
0x71: {  	_ =	shalt  }
0x72: {  	_ =	shalt  }
0x73: {  	_ =	shalt  }
0x74: {  	_ =	shalt  }
0x75: {  	_ =	shalt  }
0x76: {  	_ =	shalt  }
0x77: {  	_ =	shalt  }
0x78: {  	_ =	shalt  }
0x79: {  	_ =	shalt  }
0x7a: {  	_ =	shalt  }
0x7b: {  	_ =	shalt  }
0x7c: {  	_ =	shalt  }
0x7d: {  	_ =	shalt  }
0x7e: {  	_ =	shalt  }
0x7f: {  	_ =	shalt  }
0x80: {  	_ =	shalt  }
0x81: {  	_ =	shalt  }
0x82: {  	_ =	shalt  }
0x83: {  	_ =	shalt  }
0x84: {  	_ =	shalt  }
0x85: {  	_ =	shalt  }
0x86: {  	_ =	shalt  }
0x87: {  	_ =	shalt  }
.Lfunc_end0:
.L_simem_size_0:
called_computation_lowered:
.L_overlay_start_0:
0x88: {  	s2 =	sld [smem:$0x3FD9]  }
0x89: {  	s3 =	sld [smem:$0x3FFE];
	_ =	sdelay $0x1  }
0x8a: {  	s1 =	srdreg.scid  }
0x8b: {  	s0 =	sand.u32 $0x1, s1  }
0x8c: {  	s17 =	sshll.u32 s0, $0xA;
	s2 =	sadd.s32 s3, s2  }
0x8d: {  	s2 =	sadd.s32 s2, s17  }
0x8e: {  	[smem:$0x3FB8] =	sst s2  }
0x8f: {  	_ = 	snop  }
0x90: {  	s2 =	sld [smem:$0x3FD0];
	(tm) =	ssettm $0x1  }
0x91: {  	s18 =	sld [smem:$0x3FFB];
	_ =	sdelay $0x3  }
0x92: {  	_ =	strace s18  }
0x93: {  	s3 =	sld [smem:$0x3FFC];
	_ =	sdelay $0x3  }
0x94: {  	_ =	strace s3  }
0x95: {  	s3 =	sld [smem:$0x3FFD];
	_ =	sdelay $0x3  }
0x96: {  	_ =	strace s3  }
0x97: {  	_ =	strace $0x8FFFFFFF  }
0x98: {  	s19 =	sld [smem:$0x3FDB];
	_ =	sdelay $0x1  }
0x99: {  	s4 =	simm.s32 $_scs_section_size  }
0x9a: {  	s5 =	simm.s32 $_size__tile_overlayer_lowered;
	s6 =	simm.s32 $_tile_overlayer_lowered  }
0x9b: {  	s22 =	simm.s32 $0x1BFF;
	s21 =	sshll.u32 s6, $0x1;
	s3 =	sadd.s32 s4, s19  }
0x9c: {  	s7 =	simm.s32 $0x0;
	s20 =	sshll.u32 s5, $0x1;
	s5 =	sadd.s32 s21, s3  }
0x9d: {  	[timem:s7], [sflag:s22] =	dma.local [hbm:s5], s20  }
0x9e: {  	_ =	swait.ge [sflag:s22], s20  }
0x9f: {  	s4 =	ssub.s32 $0x0, s20;
	[sflag:s22] =	ssyncset.done $0x0  }
0xa0: {  	[sflag:s22] =	ssyncadd.s32 s4;
	_ =	sdelay $0x1  }
0xa1: {  	s23 =	simm.s32 $0x1B8B  }
0xa2: {  	_ =	swait.ge [sflag:s23], $0x1  }
0xa3: {  	[sflag:s23] =	ssyncset.done $0x0  }
0xa4: {  	s25 =	simm.s32 $0x1B8E;
	s24 =	sld [smem:$0x3FFE];
	[sflag:s23] =	ssyncadd.s32 $0xFFFFFFFF  }
0xa5: {  	s26 =	simm.s32 $execute0_lowered;
	[smem:$0x3FD2] =	sst s25  }
0xa6: {  	s5 =	sshll.u32 s26, $0x1;
	_ =	strace $0x80000046;
	[dreg:$0x1] =	wrdreg $0xFFFFFFFF  }
0xa7: {  	s28 =	simm.s32 $_size_execute0_lowered;
	s3 =	sadd.s32 s3, s5;
	[dreg:$0x0] =	wrdreg $0x0  }
0xa8: {  	s5 =	sshll.u32 s28, $0x1;
	[dreg:$0x2] =	wrdreg s3  }
0xa9: {  	[dreg:$0x3] =	wrdreg s5  }
0xaa: {  	[dreg:$0x4] =	wrdreg $0xC0  }
0xab: {  	_ =	task [dreg:s7], $0x5FFFF  }
0xac: {  	[dreg:$0x1] =	wrdreg $0xFFFFFFFF  }
0xad: {  	[dreg:$0x0] =	wrdreg $0x60  }
0xae: {  	[dreg:$0x2] =	wrdreg s24  }
0xaf: {  	[dreg:$0x3] =	wrdreg s2  }
0xb0: {  	[dreg:$0x4] =	wrdreg $0x68000  }
0xb1: {  	[dreg:$0x5] =	wrdreg $0x9  }
0xb2: {  	_ =	task.clear_ibuf [dreg:s7], $0x6FFFF;
	_ =	strace $0x90000046  }
0xb3: {  	s29 =	simm.s32 $0x9;
	_ =	strace $0x80000048  }
0xb4: {  	_ =	swait.ge [sflag:s29], $0x1  }
0xb5: {  	[sflag:s29] =	ssyncadd.s32 $0xFFFFFFFF  }
0xb6: {  	_ =	strace $0x90000048  }
0xb7: {  	_ =	sfence  }
0xb8: {  	s30 =	sld [smem:$0x0];
	_ =	sdelay $0x2  }
0xb9: {  	s31 =	sshll.u32 s1, $0xD;
	s1 =	sshrl.u32 s1, $0x2  }
0xba: {  	s3 =	sand.u32 $0x4000, s31;
	s1 =	sadd.s32 s1, s30  }
0xbb: {  	s0 =	sor.u32 s3, s0;
	s1 =	sshll.u32 s1, $0x11  }
0xbc: {  	s0 =	sor.u32 s1, s0  }
0xbd: {  	s0 =	sadd.s32 $0x8F2B, s0  }
0xbe: {  	[sflag:s0] =	ssyncadd.remote.s32 $0x1  }
0xbf: {  	_ =	sfence.sel $0xFFFF  }
0xc0: {  	[dreg:$0x0] =	wrdreg $0xFFFFFFFF;
	(pc) =	sbr.abs _section_cstart, $3  }
0xc1: {  	[dreg:$0x1] =	wrdreg $0xFFFFFFFF  }
0xc2: {  	_ =	task.clear_ibuf [dreg:s7], $0x2FFFF;
	_ =	strace $0x9FFFFFFF  }
0xc3: {  	(tm) =	ssettm $0x7FFFFFFF  }
tec
execute0_lowered:
.L_overlay_start_1:
0x0: {  	(tag) =	ssettag $0x1  }
0x1: {  	s7 =	rddreg [dreg:$0x0]  }
0x2: {  	s0 =	srdreg.scid;
	s2 =	rddreg [dreg:$0x1]  }
0x3: {  	s3 =	rddreg [dreg:$0x2];
	s4 =	simm.s32 $0x0;
	s6 =	sand.u32 $0x1, s0  }
0x4: {  	s13 =	simm.s32 $0x80;
	s0 =	stileid.u32;
	s8 =	smul.u32 $0x140000, s6  }
0x5: {  	s14 =	simm.s32 $0x0;
	[smem:$0x7FF] =	sst s4;
	s9 =	smul.u32 $0x14000, s0  }
0x6: {  	s1 =	sshll.u32 s6, $0x4;
	s30 =	smul.u32 $0x50000, s0;
	s6 =	ssub.s32 $0x2, s6  }
0x7: {  	s11 =	sshll.u32 s0, $0x6;
	s1 =	sor.u32 s0, s1;
	s31 =	sshrl.u32 s6, $0x1  }
0x8: {  	s11 =	sor.u32 $0x1C01, s11;
	s5 =	smul.u32 $0x500, s1;
	s1 =	rddreg [dreg:$0x3]  }
0x9: {  	_ =	strace $0x80000047;
	s8 =	sadd.s32 s9, s8;
	s9 =	sshrl.u32 s30, $0x2  }
0xa: {  	s8 =	sshrl.u32 s8, $0x3;
	s12 =	sadd.s32 s9, s3;
	s9 =	simm.s32 $0x1  }
0xb: {  	s10 =	sadd.s32 s5, s7;
	s5 =	sadd.s32 $0xE000, s7;
	s7 =	sadd.s32 s8, s7  }
0xc: {  	s8 =	ssub.s32 s6, s31;
	s12 =	sshrl.u32 s12, $0x3;
	s6 =	sadd.s32 $0x4000, s10  }
0xd: {  	s7 =	sadd.s32 $0x10800, s7;
	s8 =	smax.u32 s8, $0x1;
	s10 =	simm.s32 $0x2800  }
.LBB2_1:
0xe: {  	[tilespmem:s4], [sflag:$0x1] =	stream.linear.gather [hbm4b:s6+s4], $0x2800, $0x38;
	[tilespmem:$0x9000] =	vst v63  }
0xf: {  	_ =	swait.ge [sflag:s9], $0x2800  }
0x10: {  	[sflag:s9] =	ssyncset.done $0x0  }
0x11: {  	[sflag:s9] =	ssyncadd.s32 $0xFFFFD800  }
0x12: {  	[tilespmem:s10], [sflag:$0x1] =	stream.linear.gather [hbm4b:s2+s4], $0x4000, $0x38;
	[tilespmem:$0x9000] =	vst v63  }
0x13: {  	_ =	swait.ge [sflag:s9], $0x4000  }
0x14: {  	[sflag:s9] =	ssyncset.done $0x0  }
0x15: {  	[sflag:s9] =	ssyncadd.s32 $0xFFFFC000  }
0x16: {  	[spmem:s12], [sflag:s11] =	dma.local [hbm:s5], $0x2800  }
0x17: {  	_ =	swait.ge [sflag:s9], $0x2800  }
0x18: {  	[sflag:s9] =	ssyncset.done $0x0  }
0x19: {  	[sflag:s9] =	ssyncadd.s32 $0xFFFFD800  }
0x1a: {  	s15 =	simm.s32 $0x0;
	[bflag:$0x0] =	sbarrier.arrive $0xFFFF  }
0x1b: {  	[spmem:s3] =	stream.indirect.scatter.add.f32 [tilespmem:s10], [sflag:$0x1], $0x10, s15, s13, $0xb8;
	[tilespmem:$0x9000] =	vst v63  }
0x1c: {  	_ =	swait.ge [sflag:s9], $0x800  }
0x1d: {  	[sflag:s9] =	ssyncset.done $0x0  }
0x1e: {  	s16 =	simm.s32 $0x80;
	[sflag:s9] =	ssyncadd.s32 $0xFFFFF800  }
0x1f: {  	[spmem:s3] =	stream.indirect.scatter.add.f32 [tilespmem:s10], [sflag:$0x1], $0x10, s16, s13, $0xb8;
	[tilespmem:$0x9000] =	vst v63  }
0x20: {  	_ =	swait.ge [sflag:s9], $0x800  }
0x21: {  	[sflag:s9] =	ssyncset.done $0x0  }
0x22: {  	s17 =	simm.s32 $0x100;
	[sflag:s9] =	ssyncadd.s32 $0xFFFFF800  }
0x23: {  	[spmem:s3] =	stream.indirect.scatter.add.f32 [tilespmem:s10], [sflag:$0x1], $0x10, s17, s13, $0xb8;
	[tilespmem:$0x9000] =	vst v63  }
0x24: {  	_ =	swait.ge [sflag:s9], $0x800  }
0x25: {  	[sflag:s9] =	ssyncset.done $0x0  }
0x26: {  	s18 =	simm.s32 $0x180;
	[sflag:s9] =	ssyncadd.s32 $0xFFFFF800  }
0x27: {  	[spmem:s3] =	stream.indirect.scatter.add.f32 [tilespmem:s10], [sflag:$0x1], $0x10, s18, s13, $0xb8;
	[tilespmem:$0x9000] =	vst v63  }
0x28: {  	_ =	swait.ge [sflag:s9], $0x800  }
0x29: {  	[sflag:s9] =	ssyncset.done $0x0  }
0x2a: {  	s19 =	simm.s32 $0x200;
	[sflag:s9] =	ssyncadd.s32 $0xFFFFF800  }
0x2b: {  	[spmem:s3] =	stream.indirect.scatter.add.f32 [tilespmem:s10], [sflag:$0x1], $0x10, s19, s13, $0xb8;
	[tilespmem:$0x9000] =	vst v63  }
0x2c: {  	_ =	swait.ge [sflag:s9], $0x800  }
0x2d: {  	[sflag:s9] =	ssyncset.done $0x0  }
0x2e: {  	s20 =	simm.s32 $0x280;
	[sflag:s9] =	ssyncadd.s32 $0xFFFFF800  }
0x2f: {  	[spmem:s3] =	stream.indirect.scatter.add.f32 [tilespmem:s10], [sflag:$0x1], $0x10, s20, s13, $0xb8;
	[tilespmem:$0x9000] =	vst v63  }
0x30: {  	_ =	swait.ge [sflag:s9], $0x800  }
0x31: {  	[sflag:s9] =	ssyncset.done $0x0  }
0x32: {  	s21 =	simm.s32 $0x300;
	[sflag:s9] =	ssyncadd.s32 $0xFFFFF800  }
0x33: {  	[spmem:s3] =	stream.indirect.scatter.add.f32 [tilespmem:s10], [sflag:$0x1], $0x10, s21, s13, $0xb8;
	[tilespmem:$0x9000] =	vst v63  }
0x34: {  	_ =	swait.ge [sflag:s9], $0x800  }
0x35: {  	[sflag:s9] =	ssyncset.done $0x0  }
0x36: {  	s22 =	simm.s32 $0x380;
	[sflag:s9] =	ssyncadd.s32 $0xFFFFF800  }
0x37: {  	[spmem:s3] =	stream.indirect.scatter.add.f32 [tilespmem:s10], [sflag:$0x1], $0x10, s22, s13, $0xb8;
	[tilespmem:$0x9000] =	vst v63  }
0x38: {  	_ =	swait.ge [sflag:s9], $0x800  }
0x39: {  	[sflag:s9] =	ssyncset.done $0x0  }
0x3a: {  	s23 =	simm.s32 $0x400;
	[sflag:s9] =	ssyncadd.s32 $0xFFFFF800  }
0x3b: {  	[spmem:s3] =	stream.indirect.scatter.add.f32 [tilespmem:s10], [sflag:$0x1], $0x10, s23, s13, $0xb8;
	[tilespmem:$0x9000] =	vst v63  }
0x3c: {  	_ =	swait.ge [sflag:s9], $0x800  }
0x3d: {  	[sflag:s9] =	ssyncset.done $0x0  }
0x3e: {  	s24 =	simm.s32 $0x480;
	[sflag:s9] =	ssyncadd.s32 $0xFFFFF800  }
0x3f: {  	[spmem:s3] =	stream.indirect.scatter.add.f32 [tilespmem:s10], [sflag:$0x1], $0x10, s24, s13, $0xb8;
	[tilespmem:$0x9000] =	vst v63  }
0x40: {  	_ =	swait.ge [sflag:s9], $0x800  }
0x41: {  	[sflag:s9] =	ssyncset.done $0x0  }
0x42: {  	s25 =	simm.s32 $0x500;
	[sflag:s9] =	ssyncadd.s32 $0xFFFFF800  }
0x43: {  	[spmem:s3] =	stream.indirect.scatter.add.f32 [tilespmem:s10], [sflag:$0x1], $0x10, s25, s13, $0xb8;
	[tilespmem:$0x9000] =	vst v63  }
0x44: {  	_ =	swait.ge [sflag:s9], $0x800  }
0x45: {  	[sflag:s9] =	ssyncset.done $0x0  }
0x46: {  	s26 =	simm.s32 $0x580;
	[sflag:s9] =	ssyncadd.s32 $0xFFFFF800  }
0x47: {  	[spmem:s3] =	stream.indirect.scatter.add.f32 [tilespmem:s10], [sflag:$0x1], $0x10, s26, s13, $0xb8;
	[tilespmem:$0x9000] =	vst v63  }
0x48: {  	_ =	swait.ge [sflag:s9], $0x800  }
0x49: {  	[sflag:s9] =	ssyncset.done $0x0  }
0x4a: {  	s28 =	simm.s32 $0x600;
	[sflag:s9] =	ssyncadd.s32 $0xFFFFF800  }
0x4b: {  	[spmem:s3] =	stream.indirect.scatter.add.f32 [tilespmem:s10], [sflag:$0x1], $0x10, s28, s13, $0xb8;
	[tilespmem:$0x9000] =	vst v63  }
0x4c: {  	_ =	swait.ge [sflag:s9], $0x800  }
0x4d: {  	[sflag:s9] =	ssyncset.done $0x0  }
0x4e: {  	s29 =	simm.s32 $0x680;
	[sflag:s9] =	ssyncadd.s32 $0xFFFFF800  }
0x4f: {  	[spmem:s3] =	stream.indirect.scatter.add.f32 [tilespmem:s10], [sflag:$0x1], $0x10, s29, s13, $0xb8;
	[tilespmem:$0x9000] =	vst v63  }
0x50: {  	_ =	swait.ge [sflag:s9], $0x800  }
0x51: {  	[sflag:s9] =	ssyncset.done $0x0  }
0x52: {  	s30 =	simm.s32 $0x700;
	[sflag:s9] =	ssyncadd.s32 $0xFFFFF800  }
0x53: {  	[spmem:s3] =	stream.indirect.scatter.add.f32 [tilespmem:s10], [sflag:$0x1], $0x10, s30, s13, $0xb8;
	[tilespmem:$0x9000] =	vst v63  }
0x54: {  	_ =	swait.ge [sflag:s9], $0x800  }
0x55: {  	[sflag:s9] =	ssyncset.done $0x0  }
0x56: {  	s31 =	simm.s32 $0x780;
	[sflag:s9] =	ssyncadd.s32 $0xFFFFF800  }
0x57: {  	[spmem:s3] =	stream.indirect.scatter.add.f32 [tilespmem:s10], [sflag:$0x1], $0x10, s31, s13, $0xb8;
	[tilespmem:$0x9000] =	vst v63  }
0x58: {  	_ =	swait.ge [sflag:s9], $0x800  }
0x59: {  	s15 =	simm.s32 $0x2000;
	s18 =	simm.s32 $0x4000;
	[sflag:s9] =	ssyncset.done $0x0  }
.LBB2_2:
0x5a: {  	s17 =	sshra.s32 s15, $0x2  }
0x5b: {  	[sflag:s9] =	ssyncadd.s32 $0xFFFFF800;
	s15 =	smov.u32 s18;
	s16 =	sadd.s32 $0x2000, s18  }
0x5c: {  	[spmem:s3] =	stream.indirect.scatter.add.f32 [tilespmem:s10], [sflag:$0x1], $0x10, s17, s13, $0xb8;
	[tilespmem:$0x9000] =	vst v63  }
0x5d: {  	p0 =	sne.s32 s18, $0x8000;
	_ =	swait.ge [sflag:s9], $0x800  }
0x5e: {  	[sflag:s9] =	ssyncset.done $0x0  }
0x5f: {  	s18 =	sadd.s32 $0x80, s17;
	[sflag:s9] =	ssyncadd.s32 $0xFFFFF800  }
0x60: {  	[spmem:s3] =	stream.indirect.scatter.add.f32 [tilespmem:s10], [sflag:$0x1], $0x10, s18, s13, $0xb8;
	[tilespmem:$0x9000] =	vst v63  }
0x61: {  	_ =	swait.ge [sflag:s9], $0x800  }
0x62: {  	[sflag:s9] =	ssyncset.done $0x0  }
0x63: {  	s18 =	sadd.s32 $0x100, s17;
	[sflag:s9] =	ssyncadd.s32 $0xFFFFF800  }
0x64: {  	[spmem:s3] =	stream.indirect.scatter.add.f32 [tilespmem:s10], [sflag:$0x1], $0x10, s18, s13, $0xb8;
	[tilespmem:$0x9000] =	vst v63  }
0x65: {  	_ =	swait.ge [sflag:s9], $0x800  }
0x66: {  	[sflag:s9] =	ssyncset.done $0x0  }
0x67: {  	s18 =	sadd.s32 $0x180, s17;
	[sflag:s9] =	ssyncadd.s32 $0xFFFFF800  }
0x68: {  	[spmem:s3] =	stream.indirect.scatter.add.f32 [tilespmem:s10], [sflag:$0x1], $0x10, s18, s13, $0xb8;
	[tilespmem:$0x9000] =	vst v63  }
0x69: {  	_ =	swait.ge [sflag:s9], $0x800  }
0x6a: {  	[sflag:s9] =	ssyncset.done $0x0  }
0x6b: {  	s18 =	sadd.s32 $0x200, s17;
	[sflag:s9] =	ssyncadd.s32 $0xFFFFF800  }
0x6c: {  	[spmem:s3] =	stream.indirect.scatter.add.f32 [tilespmem:s10], [sflag:$0x1], $0x10, s18, s13, $0xb8;
	[tilespmem:$0x9000] =	vst v63  }
0x6d: {  	_ =	swait.ge [sflag:s9], $0x800  }
0x6e: {  	[sflag:s9] =	ssyncset.done $0x0  }
0x6f: {  	s18 =	sadd.s32 $0x280, s17;
	[sflag:s9] =	ssyncadd.s32 $0xFFFFF800  }
0x70: {  	[spmem:s3] =	stream.indirect.scatter.add.f32 [tilespmem:s10], [sflag:$0x1], $0x10, s18, s13, $0xb8;
	[tilespmem:$0x9000] =	vst v63  }
0x71: {  	_ =	swait.ge [sflag:s9], $0x800  }
0x72: {  	[sflag:s9] =	ssyncset.done $0x0  }
0x73: {  	s18 =	sadd.s32 $0x300, s17;
	[sflag:s9] =	ssyncadd.s32 $0xFFFFF800  }
0x74: {  	[spmem:s3] =	stream.indirect.scatter.add.f32 [tilespmem:s10], [sflag:$0x1], $0x10, s18, s13, $0xb8;
	[tilespmem:$0x9000] =	vst v63  }
0x75: {  	_ =	swait.ge [sflag:s9], $0x800  }
0x76: {  	[sflag:s9] =	ssyncset.done $0x0  }
0x77: {  	s18 =	sadd.s32 $0x380, s17;
	[sflag:s9] =	ssyncadd.s32 $0xFFFFF800  }
0x78: {  	[spmem:s3] =	stream.indirect.scatter.add.f32 [tilespmem:s10], [sflag:$0x1], $0x10, s18, s13, $0xb8;
	[tilespmem:$0x9000] =	vst v63  }
0x79: {  	_ =	swait.ge [sflag:s9], $0x800  }
0x7a: {  	[sflag:s9] =	ssyncset.done $0x0  }
0x7b: {  	s18 =	sadd.s32 $0x400, s17;
	[sflag:s9] =	ssyncadd.s32 $0xFFFFF800  }
0x7c: {  	[spmem:s3] =	stream.indirect.scatter.add.f32 [tilespmem:s10], [sflag:$0x1], $0x10, s18, s13, $0xb8;
	[tilespmem:$0x9000] =	vst v63  }
0x7d: {  	_ =	swait.ge [sflag:s9], $0x800  }
0x7e: {  	[sflag:s9] =	ssyncset.done $0x0  }
0x7f: {  	s18 =	sadd.s32 $0x480, s17;
	[sflag:s9] =	ssyncadd.s32 $0xFFFFF800  }
0x80: {  	[spmem:s3] =	stream.indirect.scatter.add.f32 [tilespmem:s10], [sflag:$0x1], $0x10, s18, s13, $0xb8;
	[tilespmem:$0x9000] =	vst v63  }
0x81: {  	_ =	swait.ge [sflag:s9], $0x800  }
0x82: {  	[sflag:s9] =	ssyncset.done $0x0  }
0x83: {  	s18 =	sadd.s32 $0x500, s17;
	[sflag:s9] =	ssyncadd.s32 $0xFFFFF800  }
0x84: {  	[spmem:s3] =	stream.indirect.scatter.add.f32 [tilespmem:s10], [sflag:$0x1], $0x10, s18, s13, $0xb8;
	[tilespmem:$0x9000] =	vst v63  }
0x85: {  	_ =	swait.ge [sflag:s9], $0x800  }
0x86: {  	[sflag:s9] =	ssyncset.done $0x0  }
0x87: {  	s18 =	sadd.s32 $0x580, s17;
	[sflag:s9] =	ssyncadd.s32 $0xFFFFF800  }
0x88: {  	[spmem:s3] =	stream.indirect.scatter.add.f32 [tilespmem:s10], [sflag:$0x1], $0x10, s18, s13, $0xb8;
	[tilespmem:$0x9000] =	vst v63  }
0x89: {  	_ =	swait.ge [sflag:s9], $0x800  }
0x8a: {  	[sflag:s9] =	ssyncset.done $0x0  }
0x8b: {  	s18 =	sadd.s32 $0x600, s17;
	[sflag:s9] =	ssyncadd.s32 $0xFFFFF800  }
0x8c: {  	[spmem:s3] =	stream.indirect.scatter.add.f32 [tilespmem:s10], [sflag:$0x1], $0x10, s18, s13, $0xb8;
	[tilespmem:$0x9000] =	vst v63  }
0x8d: {  	_ =	swait.ge [sflag:s9], $0x800  }
0x8e: {  	[sflag:s9] =	ssyncset.done $0x0  }
0x8f: {  	s18 =	sadd.s32 $0x680, s17;
	[sflag:s9] =	ssyncadd.s32 $0xFFFFF800  }
0x90: {  	[spmem:s3] =	stream.indirect.scatter.add.f32 [tilespmem:s10], [sflag:$0x1], $0x10, s18, s13, $0xb8;
	[tilespmem:$0x9000] =	vst v63  }
0x91: {  	_ =	swait.ge [sflag:s9], $0x800  }
0x92: {  	[sflag:s9] =	ssyncset.done $0x0  }
0x93: {  	s18 =	sadd.s32 $0x700, s17;
	[sflag:s9] =	ssyncadd.s32 $0xFFFFF800  }
0x94: {  	[spmem:s3] =	stream.indirect.scatter.add.f32 [tilespmem:s10], [sflag:$0x1], $0x10, s18, s13, $0xb8;
	[tilespmem:$0x9000] =	vst v63  }
0x95: {  	_ =	swait.ge [sflag:s9], $0x800  }
.Ltmp0:
0x96: {  	[sflag:s9] =	ssyncset.done $0x0;
	(pc) =	sbr.rel @p0 .LBB2_2-.Ltmp0, $4  }
0x97: {  	s17 =	sadd.s32 $0x780, s17;
	[sflag:s9] =	ssyncadd.s32 $0xFFFFF800  }
0x98: {  	[spmem:s3] =	stream.indirect.scatter.add.f32 [tilespmem:s10], [sflag:$0x1], $0x10, s17, s13, $0xb8;
	[tilespmem:$0x9000] =	vst v63  }
0x99: {  	_ =	swait.ge [sflag:s9], $0x800  }
0x9a: {  	s18 =	smov.u32 s16;
	[sflag:s9] =	ssyncset.done $0x0  }
0x9b: {  	s15 =	sshra.s32 s15, $0x2;
	[sflag:s9] =	ssyncadd.s32 $0xFFFFF800  }
0x9c: {  	[spmem:s3] =	stream.indirect.scatter.add.f32 [tilespmem:s10], [sflag:$0x1], $0x10, s15, s13, $0xb8;
	[tilespmem:$0x9000] =	vst v63  }
0x9d: {  	_ =	swait.ge [sflag:s9], $0x800  }
0x9e: {  	[sflag:s9] =	ssyncset.done $0x0  }
0x9f: {  	s16 =	sadd.s32 $0x80, s15;
	[sflag:s9] =	ssyncadd.s32 $0xFFFFF800  }
0xa0: {  	[spmem:s3] =	stream.indirect.scatter.add.f32 [tilespmem:s10], [sflag:$0x1], $0x10, s16, s13, $0xb8;
	[tilespmem:$0x9000] =	vst v63  }
0xa1: {  	_ =	swait.ge [sflag:s9], $0x800  }
0xa2: {  	[sflag:s9] =	ssyncset.done $0x0  }
0xa3: {  	s18 =	sadd.s32 $0x100, s15;
	[sflag:s9] =	ssyncadd.s32 $0xFFFFF800  }
0xa4: {  	[spmem:s3] =	stream.indirect.scatter.add.f32 [tilespmem:s10], [sflag:$0x1], $0x10, s18, s13, $0xb8;
	[tilespmem:$0x9000] =	vst v63  }
0xa5: {  	_ =	swait.ge [sflag:s9], $0x800  }
0xa6: {  	[sflag:s9] =	ssyncset.done $0x0  }
0xa7: {  	s19 =	sadd.s32 $0x180, s15;
	[sflag:s9] =	ssyncadd.s32 $0xFFFFF800  }
0xa8: {  	[spmem:s3] =	stream.indirect.scatter.add.f32 [tilespmem:s10], [sflag:$0x1], $0x10, s19, s13, $0xb8;
	[tilespmem:$0x9000] =	vst v63  }
0xa9: {  	_ =	swait.ge [sflag:s9], $0x800  }
0xaa: {  	[sflag:s9] =	ssyncset.done $0x0  }
0xab: {  	s20 =	sadd.s32 $0x200, s15;
	[sflag:s9] =	ssyncadd.s32 $0xFFFFF800  }
0xac: {  	[spmem:s3] =	stream.indirect.scatter.add.f32 [tilespmem:s10], [sflag:$0x1], $0x10, s20, s13, $0xb8;
	[tilespmem:$0x9000] =	vst v63  }
0xad: {  	_ =	swait.ge [sflag:s9], $0x800  }
0xae: {  	[sflag:s9] =	ssyncset.done $0x0  }
0xaf: {  	s21 =	sadd.s32 $0x280, s15;
	[sflag:s9] =	ssyncadd.s32 $0xFFFFF800  }
0xb0: {  	[spmem:s3] =	stream.indirect.scatter.add.f32 [tilespmem:s10], [sflag:$0x1], $0x10, s21, s13, $0xb8;
	[tilespmem:$0x9000] =	vst v63  }
0xb1: {  	_ =	swait.ge [sflag:s9], $0x800  }
0xb2: {  	[sflag:s9] =	ssyncset.done $0x0  }
0xb3: {  	s22 =	sadd.s32 $0x300, s15;
	[sflag:s9] =	ssyncadd.s32 $0xFFFFF800  }
0xb4: {  	[spmem:s3] =	stream.indirect.scatter.add.f32 [tilespmem:s10], [sflag:$0x1], $0x10, s22, s13, $0xb8;
	[tilespmem:$0x9000] =	vst v63  }
0xb5: {  	_ =	swait.ge [sflag:s9], $0x800  }
0xb6: {  	[sflag:s9] =	ssyncset.done $0x0  }
0xb7: {  	s23 =	sadd.s32 $0x380, s15;
	[sflag:s9] =	ssyncadd.s32 $0xFFFFF800  }
0xb8: {  	[spmem:s3] =	stream.indirect.scatter.add.f32 [tilespmem:s10], [sflag:$0x1], $0x10, s23, s13, $0xb8;
	[tilespmem:$0x9000] =	vst v63  }
0xb9: {  	_ =	swait.ge [sflag:s9], $0x800  }
0xba: {  	[sflag:s9] =	ssyncset.done $0x0  }
0xbb: {  	s24 =	sadd.s32 $0x400, s15;
	[sflag:s9] =	ssyncadd.s32 $0xFFFFF800  }
0xbc: {  	[spmem:s3] =	stream.indirect.scatter.add.f32 [tilespmem:s10], [sflag:$0x1], $0x10, s24, s13, $0xb8;
	[tilespmem:$0x9000] =	vst v63  }
0xbd: {  	_ =	swait.ge [sflag:s9], $0x800  }
0xbe: {  	[sflag:s9] =	ssyncset.done $0x0  }
0xbf: {  	s25 =	sadd.s32 $0x480, s15;
	[sflag:s9] =	ssyncadd.s32 $0xFFFFF800  }
0xc0: {  	[spmem:s3] =	stream.indirect.scatter.add.f32 [tilespmem:s10], [sflag:$0x1], $0x10, s25, s13, $0xb8;
	[tilespmem:$0x9000] =	vst v63  }
0xc1: {  	_ =	swait.ge [sflag:s9], $0x800  }
0xc2: {  	[sflag:s9] =	ssyncset.done $0x0  }
0xc3: {  	s26 =	sadd.s32 $0x500, s15;
	[sflag:s9] =	ssyncadd.s32 $0xFFFFF800  }
0xc4: {  	[spmem:s3] =	stream.indirect.scatter.add.f32 [tilespmem:s10], [sflag:$0x1], $0x10, s26, s13, $0xb8;
	[tilespmem:$0x9000] =	vst v63  }
0xc5: {  	_ =	swait.ge [sflag:s9], $0x800  }
0xc6: {  	[sflag:s9] =	ssyncset.done $0x0  }
0xc7: {  	s28 =	sadd.s32 $0x580, s15;
	[sflag:s9] =	ssyncadd.s32 $0xFFFFF800  }
0xc8: {  	[spmem:s3] =	stream.indirect.scatter.add.f32 [tilespmem:s10], [sflag:$0x1], $0x10, s28, s13, $0xb8;
	[tilespmem:$0x9000] =	vst v63  }
0xc9: {  	_ =	swait.ge [sflag:s9], $0x800  }
0xca: {  	[sflag:s9] =	ssyncset.done $0x0  }
0xcb: {  	s29 =	sadd.s32 $0x600, s15;
	[sflag:s9] =	ssyncadd.s32 $0xFFFFF800  }
0xcc: {  	[spmem:s3] =	stream.indirect.scatter.add.f32 [tilespmem:s10], [sflag:$0x1], $0x10, s29, s13, $0xb8;
	[tilespmem:$0x9000] =	vst v63  }
0xcd: {  	_ =	swait.ge [sflag:s9], $0x800  }
0xce: {  	[sflag:s9] =	ssyncset.done $0x0  }
0xcf: {  	s30 =	sadd.s32 $0x680, s15;
	[sflag:s9] =	ssyncadd.s32 $0xFFFFF800  }
0xd0: {  	[spmem:s3] =	stream.indirect.scatter.add.f32 [tilespmem:s10], [sflag:$0x1], $0x10, s30, s13, $0xb8;
	[tilespmem:$0x9000] =	vst v63  }
0xd1: {  	_ =	swait.ge [sflag:s9], $0x800  }
0xd2: {  	[sflag:s9] =	ssyncset.done $0x0  }
0xd3: {  	s31 =	sadd.s32 $0x700, s15;
	[sflag:s9] =	ssyncadd.s32 $0xFFFFF800  }
0xd4: {  	[spmem:s3] =	stream.indirect.scatter.add.f32 [tilespmem:s10], [sflag:$0x1], $0x10, s31, s13, $0xb8;
	[tilespmem:$0x9000] =	vst v63  }
0xd5: {  	_ =	swait.ge [sflag:s9], $0x800  }
0xd6: {  	[sflag:s9] =	ssyncset.done $0x0  }
0xd7: {  	s15 =	sadd.s32 $0x780, s15;
	[sflag:s9] =	ssyncadd.s32 $0xFFFFF800  }
0xd8: {  	[spmem:s3] =	stream.indirect.scatter.add.f32 [tilespmem:s10], [sflag:$0x1], $0x10, s15, s13, $0xb8;
	[tilespmem:$0x9000] =	vst v63  }
0xd9: {  	_ =	swait.ge [sflag:s9], $0x800  }
0xda: {  	s14 =	sadd.s32 $0x1, s14;
	[sflag:s9] =	ssyncset.done $0x0  }
0xdb: {  	p0 =	sne.s32 s14, s8;
	[sflag:s9] =	ssyncadd.s32 $0xFFFFF800  }
.Ltmp1:
0xdc: {  	[bflag:$0x0] =	sbarrier.arrive $0xFFFF;
	(pc) =	sbr.rel @p0 .LBB2_1-.Ltmp1, $4  }
0xdd: {  	[hbm:s7], [sflag:s11] =	dma.local [spmem:s12], $0x2800  }
0xde: {  	_ =	swait.ge [sflag:s9], $0x2800  }
0xdf: {  	[sflag:s9] =	ssyncset.done $0x0  }
0xe0: {  	[sflag:s9] =	ssyncadd.s32 $0xFFFFD800  }
0xe1: {  	_ =	sfence.sel $0x180000  }
0xe2: {  	[bflag:$0x0] =	sbarrier.arrive $0xFFFF  }
0xe3: {  	p0 =	sne.s32 s0, $0x0;
	_ =	strace $0x90000047  }
0xe4: {  	s0 =	sadd.s32 @!p0 $0x100000, s1;
	[bflag:$0x2] =	sbarrier.arrive $0xFFFF  }
0xe5: {  	[sflag:s0] =	ssyncadd.tile.s32 @!p0 $0x1;
	_ =	shalt  }
.Lfunc_end2:
_tile_overlayer_lowered:
.L_overlay_start_2:
0xe6: {  	(tag) =	ssettag $0x2  }
0xe7: {  	s0 =	rddreg [dreg:$0x0];
	s2 =	stileid.u32  }
0xe8: {  	s1 =	rddreg [dreg:$0x1];
	p0 =	sne.s32 s2, $0x0  }
0xe9: {  	s3 =	rddreg [dreg:$0x2];
	[bflag:$0x3] =	sbarrier.arrive $0xFFFF;
	s2 =	simm.s32 @!p0 $0x1C01  }
0xea: {  	[timem:s3], [sflag:s2] =	dma.local @!p0 [hbm:s0], s1  }
0xeb: {  	s0 =	simm.s32 @!p0 $0x1  }
0xec: {  	_ =	swait.ge @!p0 [sflag:s0], s1  }
0xed: {  	s1 =	ssub.s32 @!p0 $0x0, s1;
	[sflag:s0] =	ssyncset.done @!p0 $0x0  }
0xee: {  	[sflag:s0] =	ssyncadd.s32 @!p0 s1  }
0xef: {  	[bflag:$0x3] =	sbarrier.arrive $0xFFFF  }
0xf0: {  	_ =	shalt  }

// kernel: kernel.15.cloned.1.call-start
scs
__scs_entry_jumppad:
0x0: {  	(pc) =	sbr.rel $0x88, $3  }
0x1: {  	(tag) =	ssettag $0x0;
	lr =	simm.s32 $0x1  }
0x2: {  	[smem:$0x3F91] =	sst lr;
	_ =	strace $0xD0000000  }
0x3: {  	_ = 	snop  }
0x4: {  	_ = 	snop  }
0x5: {  	_ = 	snop  }
0x6: {  	_ = 	snop  }
0x7: {  	_ = 	snop  }
__scs_overlays_trampoline_lowered:
0x8: {  	[smem:$0x3FA0] =	sst s0  }
0x9: {  	[smem:$0x3FA1] =	sst s1  }
0xa: {  	[smem:$0x3FA2] =	sst s2  }
0xb: {  	[smem:$0x3FA3] =	sst s3  }
0xc: {  	[smem:$0x3FA4] =	sst s4  }
0xd: {  	[smem:$0x3FA5] =	sst s5  }
0xe: {  	[smem:$0x3FA6] =	sst s6  }
0xf: {  	[smem:$0x3FA7] =	sst s7  }
0x10: {  	[smem:$0x3FA8] =	sst s8  }
0x11: {  	[smem:$0x3FA9] =	sst s9;
	s0 =	simm.s32 @!p0 $0x0  }
0x12: {  	s1 =	sld [smem:$0x3F8F];
	s0 =	simm.s32 @p0 $0x1  }
0x13: {  	[smem:$0x3FAA] =	sst s0;
	s0 =	simm.s32 @!p1 $0x0  }
0x14: {  	s2 =	sld [smem:$0x3F8E];
	s0 =	simm.s32 @p1 $0x1  }
0x15: {  	[smem:$0x3FAB] =	sst s0;
	s0 =	simm.s32 @!p2 $0x0  }
0x16: {  	s3 =	sld [smem:$0x3FDB];
	s0 =	simm.s32 @p2 $0x1  }
0x17: {  	s4 =	simm.s32 $0x1BF5;
	[smem:$0x3FAD] =	sst s0  }
0x18: {  	s0 =	sld [smem:$0x3F90];
	_ =	swait.ge [sflag:s4], $0x0  }
0x19: {  	s7 =	sld [smem:$0x3F91]  }
0x1a: {  	s8 =	sadd.s32 $0xFFFFE003, lr  }
0x1b: {  	s9 =	sadd.s32 $0xFFFFFEF7, lr;
	s5 =	simm.s32 $0xFFFFFFFF;
	p2 =	slt.u32 s8, $0xFFFFF086  }
0x1c: {  	p1 =	slt.u32 s9, $0xF7A;
	s5 =	simm.s32 @!p2 $0x0  }
0x1d: {  	s5 =	simm.s32 @p1 $0x1;
	p0 =	seq.s32 s7, s2  }
0x1e: {  	s7 =	smul.u32 @!p0 $0xF7A, s2;
	p2 =	seq.s32 @!p0 s5, $0x0  }
0x1f: {  	s9 =	smul.u32 $0xF7A, s1;
	s8 =	simm.s32 @!p0 $0x1BF5;
	p2 =	por !p2, p0  }
0x20: {  	[sflag:s8] =	ssyncset.s32 @!p0 $0xFFFFF086;
	s6 =	sadd.s32 @!p0 s3, s7;
	s7 =	simm.s32 @!p0 $0x108  }
0x21: {  	s3 =	sadd.s32 s3, s9;
	s6 =	sadd.s32 @!p0 $0x88, s6;
	s7 =	simm.s32 @p2 $0x1082  }
0x22: {  	[simem:s7], [sflag:s8] =	dma.local @!p0 [hbm:s6], $0xF7A  }
0x23: {  	s9 =	sor.u32 $0xD0000000, s2;
	s6 =	simm.s32 $0x108;
	_ =	swait.ge @!p0 [sflag:s8], $0x0  }
0x24: {  	s3 =	sadd.s32 $0x88, s3;
	s6 =	simm.s32 @!p1 $0x1082;
	[sflag:s4] =	ssyncset.s32 $0xFFFFF086  }
0x25: {  	[simem:s6], [sflag:s4] =	dma.local [hbm:s3], $0xF7A  }
0x26: {  	[smem:$0x3F91] =	sst s1;
	(tag) =	ssettag s2;
	_ =	strace s9  }
0x27: {  	s1 =	sld [smem:$0x3FA1]  }
0x28: {  	s2 =	sld [smem:$0x3FA2]  }
0x29: {  	s4 =	sld [smem:$0x3FA4]  }
0x2a: {  	p0 =	seq.s32 s5, $0x0;
	s5 =	sld [smem:$0x3FA5]  }
0x2b: {  	s6 =	sld [smem:$0x3FA6]  }
0x2c: {  	s7 =	sld [smem:$0x3FA7]  }
0x2d: {  	s3 =	simm.s32 $0x108;
	s8 =	sld [smem:$0x3FA8]  }
0x2e: {  	s3 =	simm.s32 @!p0 $0x1082;
	s9 =	sld [smem:$0x3FA9]  }
0x2f: {  	lr =	sadd.s32 s0, s3;
	s0 =	sld [smem:$0x3FA0]  }
0x30: {  	s3 =	sld [smem:$0x3FA3]  }
0x31: {  	[smem:$0x3FAC] =	sst s10  }
0x32: {  	s10 =	sld [smem:$0x3FAA];
	_ =	sdelay $0x3  }
0x33: {  	p0 =	seq.s32 s10, $0x1;
	s10 =	sld [smem:$0x3FAC];
	_ =	sdelay $0x3  }
0x34: {  	[smem:$0x3FAC] =	sst s10  }
0x35: {  	s10 =	sld [smem:$0x3FAB];
	_ =	sdelay $0x3  }
0x36: {  	p1 =	seq.s32 s10, $0x1;
	s10 =	sld [smem:$0x3FAC];
	_ =	sdelay $0x3  }
0x37: {  	[smem:$0x3FAC] =	sst s10  }
0x38: {  	s10 =	sld [smem:$0x3FAD]  }
0x39: {  	_ = 	snop;
	(pc) =	sbr.ind lr, $3  }
0x3a: {  	_ = 	snop  }
0x3b: {  	_ = 	snop  }
0x3c: {  	p2 =	seq.s32 s10, $0x1;
	s10 =	sld [smem:$0x3FAC]  }
0x3d: {  	_ =	shalt  }
0x3e: {  	_ =	shalt  }
0x3f: {  	_ =	shalt  }
0x40: {  	_ =	shalt  }
0x41: {  	_ =	shalt  }
0x42: {  	_ =	shalt  }
0x43: {  	_ =	shalt  }
0x44: {  	_ =	shalt  }
0x45: {  	_ =	shalt  }
0x46: {  	_ =	shalt  }
0x47: {  	_ =	shalt  }
0x48: {  	_ =	shalt  }
0x49: {  	_ =	shalt  }
0x4a: {  	_ =	shalt  }
0x4b: {  	_ =	shalt  }
0x4c: {  	_ =	shalt  }
0x4d: {  	_ =	shalt  }
0x4e: {  	_ =	shalt  }
0x4f: {  	_ =	shalt  }
0x50: {  	_ =	shalt  }
0x51: {  	_ =	shalt  }
0x52: {  	_ =	shalt  }
0x53: {  	_ =	shalt  }
0x54: {  	_ =	shalt  }
0x55: {  	_ =	shalt  }
0x56: {  	_ =	shalt  }
0x57: {  	_ =	shalt  }
0x58: {  	_ =	shalt  }
0x59: {  	_ =	shalt  }
0x5a: {  	_ =	shalt  }
0x5b: {  	_ =	shalt  }
0x5c: {  	_ =	shalt  }
0x5d: {  	_ =	shalt  }
0x5e: {  	_ =	shalt  }
0x5f: {  	_ =	shalt  }
0x60: {  	_ =	shalt  }
0x61: {  	_ =	shalt  }
0x62: {  	_ =	shalt  }
0x63: {  	_ =	shalt  }
0x64: {  	_ =	shalt  }
0x65: {  	_ =	shalt  }
0x66: {  	_ =	shalt  }
0x67: {  	_ =	shalt  }
0x68: {  	_ =	shalt  }
0x69: {  	_ =	shalt  }
0x6a: {  	_ =	shalt  }
0x6b: {  	_ =	shalt  }
0x6c: {  	_ =	shalt  }
0x6d: {  	_ =	shalt  }
0x6e: {  	_ =	shalt  }
0x6f: {  	_ =	shalt  }
0x70: {  	_ =	shalt  }
0x71: {  	_ =	shalt  }
0x72: {  	_ =	shalt  }
0x73: {  	_ =	shalt  }
0x74: {  	_ =	shalt  }
0x75: {  	_ =	shalt  }
0x76: {  	_ =	shalt  }
0x77: {  	_ =	shalt  }
0x78: {  	_ =	shalt  }
0x79: {  	_ =	shalt  }
0x7a: {  	_ =	shalt  }
0x7b: {  	_ =	shalt  }
0x7c: {  	_ =	shalt  }
0x7d: {  	_ =	shalt  }
0x7e: {  	_ =	shalt  }
0x7f: {  	_ =	shalt  }
0x80: {  	_ =	shalt  }
0x81: {  	_ =	shalt  }
0x82: {  	_ =	shalt  }
0x83: {  	_ =	shalt  }
0x84: {  	_ =	shalt  }
0x85: {  	_ =	shalt  }
0x86: {  	_ =	shalt  }
0x87: {  	_ =	shalt  }
.Lfunc_end0:
.L_simem_size_0:
called_computation.1_lowered:
.L_overlay_start_0:
0x88: {  	s2 =	sld [smem:$0x3FD9]  }
0x89: {  	s3 =	sld [smem:$0x3FFE];
	_ =	sdelay $0x1  }
0x8a: {  	s1 =	srdreg.scid  }
0x8b: {  	s0 =	sand.u32 $0x1, s1  }
0x8c: {  	s16 =	sshll.u32 s0, $0xA;
	s2 =	sadd.s32 s3, s2  }
0x8d: {  	s2 =	sadd.s32 s2, s16  }
0x8e: {  	[smem:$0x3FB8] =	sst s2  }
0x8f: {  	_ = 	snop  }
0x90: {  	(tm) =	ssettm $0x1  }
0x91: {  	s17 =	sld [smem:$0x3FFB];
	_ =	sdelay $0x3  }
0x92: {  	_ =	strace s17  }
0x93: {  	s2 =	sld [smem:$0x3FFC];
	_ =	sdelay $0x3  }
0x94: {  	_ =	strace s2  }
0x95: {  	s2 =	sld [smem:$0x3FFD];
	_ =	sdelay $0x3  }
0x96: {  	_ =	strace s2  }
0x97: {  	_ =	strace $0x8FFFFFFF  }
0x98: {  	s18 =	sld [smem:$0x3FDB];
	_ =	sdelay $0x1  }
0x99: {  	s19 =	simm.s32 $_scs_section_size  }
0x9a: {  	s4 =	simm.s32 $_size__tile_overlayer_lowered;
	s5 =	simm.s32 $_tile_overlayer_lowered  }
0x9b: {  	s22 =	simm.s32 $0x1BFF;
	s21 =	sshll.u32 s5, $0x1;
	s2 =	sadd.s32 s19, s18  }
0x9c: {  	s6 =	simm.s32 $0x0;
	s20 =	sshll.u32 s4, $0x1;
	s4 =	sadd.s32 s21, s2  }
0x9d: {  	[timem:s6], [sflag:s22] =	dma.local [hbm:s4], s20  }
0x9e: {  	_ =	swait.ge [sflag:s22], s20  }
0x9f: {  	s3 =	ssub.s32 $0x0, s20;
	[sflag:s22] =	ssyncset.done $0x0  }
0xa0: {  	[sflag:s22] =	ssyncadd.s32 s3;
	_ =	sdelay $0x1  }
0xa1: {  	s23 =	simm.s32 $0x1B8B  }
0xa2: {  	_ =	swait.ge [sflag:s23], $0x1  }
0xa3: {  	[sflag:s23] =	ssyncset.done $0x0  }
0xa4: {  	s25 =	simm.s32 $0x1B8E;
	s24 =	sld [smem:$0x3FFE];
	[sflag:s23] =	ssyncadd.s32 $0xFFFFFFFF  }
0xa5: {  	s26 =	simm.s32 $execute0_lowered;
	[smem:$0x3FD2] =	sst s25  }
0xa6: {  	s4 =	sshll.u32 s26, $0x1;
	_ =	strace $0x80000049;
	[dreg:$0x1] =	wrdreg $0xFFFFFFFF  }
0xa7: {  	s28 =	simm.s32 $_size_execute0_lowered;
	s2 =	sadd.s32 s2, s4;
	[dreg:$0x0] =	wrdreg $0x0  }
0xa8: {  	s4 =	sshll.u32 s28, $0x1;
	[dreg:$0x2] =	wrdreg s2  }
0xa9: {  	[dreg:$0x3] =	wrdreg s4  }
0xaa: {  	[dreg:$0x4] =	wrdreg $0xC0  }
0xab: {  	_ =	task [dreg:s6], $0x5FFFF  }
0xac: {  	[dreg:$0x1] =	wrdreg $0xFFFFFFFF  }
0xad: {  	[dreg:$0x0] =	wrdreg $0x60  }
0xae: {  	[dreg:$0x2] =	wrdreg s24  }
0xaf: {  	[dreg:$0x3] =	wrdreg $0x90000  }
0xb0: {  	[dreg:$0x4] =	wrdreg $0x9  }
0xb1: {  	_ =	task.clear_ibuf [dreg:s6], $0x5FFFF;
	_ =	strace $0x90000049  }
0xb2: {  	s29 =	simm.s32 $0x9;
	_ =	strace $0x8000004B  }
0xb3: {  	_ =	swait.ge [sflag:s29], $0x1  }
0xb4: {  	[sflag:s29] =	ssyncadd.s32 $0xFFFFFFFF  }
0xb5: {  	_ =	strace $0x9000004B  }
0xb6: {  	_ =	sfence  }
0xb7: {  	s30 =	sld [smem:$0x0];
	_ =	sdelay $0x2  }
0xb8: {  	s31 =	sshll.u32 s1, $0xD;
	s1 =	sshrl.u32 s1, $0x2  }
0xb9: {  	s3 =	sand.u32 $0x4000, s31;
	s1 =	sadd.s32 s1, s30  }
0xba: {  	s0 =	sor.u32 s3, s0;
	s1 =	sshll.u32 s1, $0x11  }
0xbb: {  	s0 =	sor.u32 s1, s0  }
0xbc: {  	s0 =	sadd.s32 $0x8F2B, s0  }
0xbd: {  	[sflag:s0] =	ssyncadd.remote.s32 $0x1  }
0xbe: {  	_ =	sfence.sel $0xFFFF  }
0xbf: {  	[dreg:$0x0] =	wrdreg $0xFFFFFFFF;
	(pc) =	sbr.abs _section_cstart, $3  }
0xc0: {  	[dreg:$0x1] =	wrdreg $0xFFFFFFFF  }
0xc1: {  	_ =	task.clear_ibuf [dreg:s6], $0x2FFFF;
	_ =	strace $0x9FFFFFFF  }
0xc2: {  	(tm) =	ssettm $0x7FFFFFFF  }
0xc3: {  	_ =	shalt  }
tec
execute0_lowered:
.L_overlay_start_1:
0x0: {  	(tag) =	ssettag $0x1  }
0x1: {  	s0 =	srdreg.scid;
	s5 =	rddreg [dreg:$0x0]  }
0x2: {  	s9 =	stileid.u32;
	s2 =	rddreg [dreg:$0x1];
	s3 =	simm.s32 $0x0  }
0x3: {  	s14 =	simm.s32 $0x100;
	s15 =	simm.s32 $0x880;
	s17 =	simm.s32 $0x180  }
0x4: {  	s18 =	simm.s32 $0x900;
	[smem:$0x7FF] =	sst s3;
	s10 =	sadd.s32 $0x36000, s5  }
0x5: {  	s19 =	simm.s32 $0x200;
	_ =	strace $0x8000004A;
	[dreg:$0x11] =	wrdreg s10  }
0x6: {  	s20 =	simm.s32 $0x980;
	s21 =	simm.s32 $0x280;
	[dreg:$0x5] =	wrdreg s14  }
0x7: {  	s22 =	simm.s32 $0xA00;
	s23 =	simm.s32 $0x300;
	[dreg:$0x6] =	wrdreg s15  }
0x8: {  	s24 =	simm.s32 $0xA80;
	s25 =	simm.s32 $0x380;
	[dreg:$0x7] =	wrdreg s17  }
0x9: {  	s26 =	simm.s32 $0xB00;
	s28 =	simm.s32 $0x680;
	[dreg:$0x8] =	wrdreg s18  }
0xa: {  	s29 =	simm.s32 $0xE00;
	s30 =	simm.s32 $0x700;
	[dreg:$0x9] =	wrdreg s19  }
0xb: {  	s31 =	simm.s32 $0xE80;
	s4 =	smul.u32 $0x2800, s9;
	[dreg:$0xa] =	wrdreg s20  }
0xc: {  	s0 =	sand.u32 $0x1, s0;
	s7 =	smul.u32 $0x14000, s9;
	[dreg:$0xb] =	wrdreg s21  }
0xd: {  	s12 =	smul.u32 $0x50000, s9;
	s16 =	sshll.u32 s9, $0x6;
	[dreg:$0xc] =	wrdreg s22  }
0xe: {  	s9 =	simm.s32 $0x0;
	s1 =	smul.u32 $0x28000, s0;
	[dreg:$0xd] =	wrdreg s23  }
0xf: {  	s6 =	smul.u32 $0x140000, s0;
	s0 =	ssub.s32 $0x2, s0;
	[dreg:$0xe] =	wrdreg s24  }
0x10: {  	s10 =	simm.s32 $0x3;
	s14 =	simm.s32 $0x5000;
	[dreg:$0xf] =	wrdreg s25  }
0x11: {  	s15 =	simm.s32 $0x1;
	[dreg:$0x10] =	wrdreg s26;
	s17 =	simm.s32 $0x400  }
0x12: {  	s18 =	simm.s32 $0xB80;
	s19 =	simm.s32 $0x480;
	s20 =	simm.s32 $0xC00  }
0x13: {  	s21 =	simm.s32 $0x500;
	s22 =	simm.s32 $0xC80;
	s23 =	simm.s32 $0x580  }
0x14: {  	s24 =	simm.s32 $0xD00;
	s25 =	simm.s32 $0x600;
	s26 =	simm.s32 $0xD80  }
0x15: {  	s11 =	sshrl.u32 s0, $0x1;
	s13 =	sshrl.u32 s12, $0x2;
	s12 =	simm.s32 $0x80  }
0x16: {  	s1 =	sadd.s32 s4, s1;
	s6 =	sadd.s32 s7, s6;
	s4 =	sadd.s32 $0xE000, s5  }
0x17: {  	s0 =	ssub.s32 s0, s11;
	s7 =	sor.u32 $0x1C03, s16;
	s11 =	simm.s32 $0x800  }
0x18: {  	s16 =	simm.s32 $0x2;
	s1 =	sshrl.u32 s1, $0x3;
	s6 =	sshrl.u32 s6, $0x3  }
0x19: {  	s0 =	smax.u32 s0, $0x1;
	[dreg:$0x12] =	wrdreg s7;
	s1 =	sadd.s32 s1, s5  }
0x1a: {  	s5 =	sadd.s32 s6, s5;
	[dreg:$0x14] =	wrdreg s0;
	s8 =	sadd.s32 $0x4000, s1  }
0x1b: {  	s6 =	sadd.s32 s13, s2;
	s1 =	sadd.s32 $0x60800, s1;
	[dreg:$0x3] =	wrdreg s8  }
0x1c: {  	s13 =	simm.s32 $0x1000;
	s5 =	sadd.s32 $0x6A800, s5;
	[dreg:$0x4] =	wrdreg s1  }
0x1d: {  	s0 =	simm.s32 $0xF00;
	[dreg:$0x13] =	wrdreg s5;
	s8 =	sshrl.u32 s6, $0x3  }
0x1e: {  	s1 =	simm.s32 $0x780;
	s5 =	simm.s32 $0xF80;
	[dreg:$0x15] =	wrdreg s8  }
.LBB2_1:
0x1f: {  	[dreg:$0x16] =	wrdreg s9  }
0x20: {  	s6 =	rddreg [dreg:$0x11]  }
0x21: {  	[spmem:s8], [sflag:s7] =	dma.local [hbm:s6], $0x2800  }
0x22: {  	_ =	swait.ge [sflag:s10], $0x2800  }
0x23: {  	[sflag:s10] =	ssyncset.done $0x0  }
0x24: {  	[sflag:s10] =	ssyncadd.s32 $0xFFFFD800  }
0x25: {  	[bflag:$0x0] =	sbarrier.arrive $0xFFFF  }
0x26: {  	s8 =	rddreg [dreg:$0x4]  }
0x27: {  	s6 =	sadd.s32 $0x0, s8  }
0x28: {  	[tilespmem:s3], [sflag:$0x3] =	stream.linear.gather [hbm4b:s6+s3], $0x800, $0x38;
	[tilespmem:$0x1D000] =	vst v63  }
0x29: {  	_ =	swait.ge [sflag:s10], $0x800  }
0x2a: {  	s9 =	rddreg [dreg:$0x3];
	[sflag:s10] =	ssyncset.done $0x0  }
0x2b: {  	[sflag:s10] =	ssyncadd.s32 $0xFFFFF800;
	s6 =	sadd.s32 $0x0, s9  }
0x2c: {  	[tilespmem:s11], [sflag:$0x3] =	stream.linear.gather [hbm4b:s6+s3], $0x800, $0x38;
	[tilespmem:$0x1D000] =	vst v63  }
0x2d: {  	_ =	swait.ge [sflag:s10], $0x800  }
0x2e: {  	[sflag:s10] =	ssyncset.done $0x0  }
0x2f: {  	[sflag:s10] =	ssyncadd.s32 $0xFFFFF800  }
0x30: {  	[tilespmem:s13], [sflag:$0x1] =	stream.indirect.gather [hbm4b:s4+s12], $0x80, s3, s12, $0xb8;
	[tilespmem:$0x1D000] =	vst v63  }
0x31: {  	_ = 	snop  }
0x32: {  	[tilespmem:s14], [sflag:$0x2] =	stream.indirect.gather [hbm4b:s4+s12], $0x80, s12, s12, $0xb8;
	[tilespmem:$0x1D000] =	vst v63  }
0x33: {  	_ =	swait.ge [sflag:s15], $0x4000  }
0x34: {  	[sflag:s15] =	ssyncset.done $0x0  }
0x35: {  	[sflag:s15] =	ssyncadd.s32 $0xFFFFC000  }
0x36: {  	[spmem:s2] =	stream.indirect.scatter.add.f32 [tilespmem:s13], [sflag:$0x3], $0x80, s11, s12, $0xb8;
	[tilespmem:$0x1D000] =	vst v63  }
0x37: {  	_ =	swait.ge [sflag:s10], $0x4000  }
0x38: {  	[sflag:s10] =	ssyncset.done $0x0  }
0x39: {  	s7 =	rddreg [dreg:$0x5];
	[sflag:s10] =	ssyncadd.s32 $0xFFFFC000  }
0x3a: {  	[tilespmem:s13], [sflag:$0x1] =	stream.indirect.gather [hbm4b:s4+s12], $0x80, s7, s12, $0xb8;
	[tilespmem:$0x1D000] =	vst v63  }
0x3b: {  	_ =	swait.ge [sflag:s16], $0x4000  }
0x3c: {  	[sflag:s16] =	ssyncset.done $0x0  }
0x3d: {  	s8 =	rddreg [dreg:$0x6];
	[sflag:s16] =	ssyncadd.s32 $0xFFFFC000  }
0x3e: {  	[spmem:s2] =	stream.indirect.scatter.add.f32 [tilespmem:s14], [sflag:$0x3], $0x80, s8, s12, $0xb8;
	[tilespmem:$0x1D000] =	vst v63  }
0x3f: {  	_ =	swait.ge [sflag:s10], $0x4000  }
0x40: {  	[sflag:s10] =	ssyncset.done $0x0  }
0x41: {  	s9 =	rddreg [dreg:$0x7];
	[sflag:s10] =	ssyncadd.s32 $0xFFFFC000  }
0x42: {  	[tilespmem:s14], [sflag:$0x2] =	stream.indirect.gather [hbm4b:s4+s12], $0x80, s9, s12, $0xb8;
	[tilespmem:$0x1D000] =	vst v63  }
0x43: {  	_ =	swait.ge [sflag:s15], $0x4000  }
0x44: {  	[sflag:s15] =	ssyncset.done $0x0  }
0x45: {  	s7 =	rddreg [dreg:$0x8];
	[sflag:s15] =	ssyncadd.s32 $0xFFFFC000  }
0x46: {  	[spmem:s2] =	stream.indirect.scatter.add.f32 [tilespmem:s13], [sflag:$0x3], $0x80, s7, s12, $0xb8;
	[tilespmem:$0x1D000] =	vst v63  }
0x47: {  	_ =	swait.ge [sflag:s10], $0x4000  }
0x48: {  	[sflag:s10] =	ssyncset.done $0x0  }
0x49: {  	s8 =	rddreg [dreg:$0x9];
	[sflag:s10] =	ssyncadd.s32 $0xFFFFC000  }
0x4a: {  	[tilespmem:s13], [sflag:$0x1] =	stream.indirect.gather [hbm4b:s4+s12], $0x80, s8, s12, $0xb8;
	[tilespmem:$0x1D000] =	vst v63  }
0x4b: {  	_ =	swait.ge [sflag:s16], $0x4000  }
0x4c: {  	[sflag:s16] =	ssyncset.done $0x0  }
0x4d: {  	s9 =	rddreg [dreg:$0xa];
	[sflag:s16] =	ssyncadd.s32 $0xFFFFC000  }
0x4e: {  	[spmem:s2] =	stream.indirect.scatter.add.f32 [tilespmem:s14], [sflag:$0x3], $0x80, s9, s12, $0xb8;
	[tilespmem:$0x1D000] =	vst v63  }
0x4f: {  	_ =	swait.ge [sflag:s10], $0x4000  }
0x50: {  	[sflag:s10] =	ssyncset.done $0x0  }
0x51: {  	s7 =	rddreg [dreg:$0xb];
	[sflag:s10] =	ssyncadd.s32 $0xFFFFC000  }
0x52: {  	[tilespmem:s14], [sflag:$0x2] =	stream.indirect.gather [hbm4b:s4+s12], $0x80, s7, s12, $0xb8;
	[tilespmem:$0x1D000] =	vst v63  }
0x53: {  	_ =	swait.ge [sflag:s15], $0x4000  }
0x54: {  	[sflag:s15] =	ssyncset.done $0x0  }
0x55: {  	s8 =	rddreg [dreg:$0xc];
	[sflag:s15] =	ssyncadd.s32 $0xFFFFC000  }
0x56: {  	[spmem:s2] =	stream.indirect.scatter.add.f32 [tilespmem:s13], [sflag:$0x3], $0x80, s8, s12, $0xb8;
	[tilespmem:$0x1D000] =	vst v63  }
0x57: {  	_ =	swait.ge [sflag:s10], $0x4000  }
0x58: {  	[sflag:s10] =	ssyncset.done $0x0  }
0x59: {  	s9 =	rddreg [dreg:$0xd];
	[sflag:s10] =	ssyncadd.s32 $0xFFFFC000  }
0x5a: {  	[tilespmem:s13], [sflag:$0x1] =	stream.indirect.gather [hbm4b:s4+s12], $0x80, s9, s12, $0xb8;
	[tilespmem:$0x1D000] =	vst v63  }
0x5b: {  	_ =	swait.ge [sflag:s16], $0x4000  }
0x5c: {  	[sflag:s16] =	ssyncset.done $0x0  }
0x5d: {  	s7 =	rddreg [dreg:$0xe];
	[sflag:s16] =	ssyncadd.s32 $0xFFFFC000  }
0x5e: {  	[spmem:s2] =	stream.indirect.scatter.add.f32 [tilespmem:s14], [sflag:$0x3], $0x80, s7, s12, $0xb8;
	[tilespmem:$0x1D000] =	vst v63  }
0x5f: {  	_ =	swait.ge [sflag:s10], $0x4000  }
0x60: {  	[sflag:s10] =	ssyncset.done $0x0  }
0x61: {  	s8 =	rddreg [dreg:$0xf];
	[sflag:s10] =	ssyncadd.s32 $0xFFFFC000  }
0x62: {  	[tilespmem:s14], [sflag:$0x2] =	stream.indirect.gather [hbm4b:s4+s12], $0x80, s8, s12, $0xb8;
	[tilespmem:$0x1D000] =	vst v63  }
0x63: {  	_ =	swait.ge [sflag:s15], $0x4000  }
0x64: {  	[sflag:s15] =	ssyncset.done $0x0  }
0x65: {  	s9 =	rddreg [dreg:$0x10];
	[sflag:s15] =	ssyncadd.s32 $0xFFFFC000  }
0x66: {  	[spmem:s2] =	stream.indirect.scatter.add.f32 [tilespmem:s13], [sflag:$0x3], $0x80, s9, s12, $0xb8;
	[tilespmem:$0x1D000] =	vst v63  }
0x67: {  	_ =	swait.ge [sflag:s10], $0x4000  }
0x68: {  	[sflag:s10] =	ssyncset.done $0x0  }
0x69: {  	[sflag:s10] =	ssyncadd.s32 $0xFFFFC000  }
0x6a: {  	[tilespmem:s13], [sflag:$0x1] =	stream.indirect.gather [hbm4b:s4+s12], $0x80, s17, s12, $0xb8;
	[tilespmem:$0x1D000] =	vst v63  }
0x6b: {  	_ =	swait.ge [sflag:s16], $0x4000  }
0x6c: {  	[sflag:s16] =	ssyncset.done $0x0  }
0x6d: {  	[sflag:s16] =	ssyncadd.s32 $0xFFFFC000  }
0x6e: {  	[spmem:s2] =	stream.indirect.scatter.add.f32 [tilespmem:s14], [sflag:$0x3], $0x80, s18, s12, $0xb8;
	[tilespmem:$0x1D000] =	vst v63  }
0x6f: {  	_ =	swait.ge [sflag:s10], $0x4000  }
0x70: {  	[sflag:s10] =	ssyncset.done $0x0  }
0x71: {  	[sflag:s10] =	ssyncadd.s32 $0xFFFFC000  }
0x72: {  	[tilespmem:s14], [sflag:$0x2] =	stream.indirect.gather [hbm4b:s4+s12], $0x80, s19, s12, $0xb8;
	[tilespmem:$0x1D000] =	vst v63  }
0x73: {  	_ =	swait.ge [sflag:s15], $0x4000  }
0x74: {  	[sflag:s15] =	ssyncset.done $0x0  }
0x75: {  	[sflag:s15] =	ssyncadd.s32 $0xFFFFC000  }
0x76: {  	[spmem:s2] =	stream.indirect.scatter.add.f32 [tilespmem:s13], [sflag:$0x3], $0x80, s20, s12, $0xb8;
	[tilespmem:$0x1D000] =	vst v63  }
0x77: {  	_ =	swait.ge [sflag:s10], $0x4000  }
0x78: {  	[sflag:s10] =	ssyncset.done $0x0  }
0x79: {  	[sflag:s10] =	ssyncadd.s32 $0xFFFFC000  }
0x7a: {  	[tilespmem:s13], [sflag:$0x1] =	stream.indirect.gather [hbm4b:s4+s12], $0x80, s21, s12, $0xb8;
	[tilespmem:$0x1D000] =	vst v63  }
0x7b: {  	_ =	swait.ge [sflag:s16], $0x4000  }
0x7c: {  	[sflag:s16] =	ssyncset.done $0x0  }
0x7d: {  	[sflag:s16] =	ssyncadd.s32 $0xFFFFC000  }
0x7e: {  	[spmem:s2] =	stream.indirect.scatter.add.f32 [tilespmem:s14], [sflag:$0x3], $0x80, s22, s12, $0xb8;
	[tilespmem:$0x1D000] =	vst v63  }
0x7f: {  	_ =	swait.ge [sflag:s10], $0x4000  }
0x80: {  	[sflag:s10] =	ssyncset.done $0x0  }
0x81: {  	[sflag:s10] =	ssyncadd.s32 $0xFFFFC000  }
0x82: {  	[tilespmem:s14], [sflag:$0x2] =	stream.indirect.gather [hbm4b:s4+s12], $0x80, s23, s12, $0xb8;
	[tilespmem:$0x1D000] =	vst v63  }
0x83: {  	_ =	swait.ge [sflag:s15], $0x4000  }
0x84: {  	[sflag:s15] =	ssyncset.done $0x0  }
0x85: {  	[sflag:s15] =	ssyncadd.s32 $0xFFFFC000  }
0x86: {  	[spmem:s2] =	stream.indirect.scatter.add.f32 [tilespmem:s13], [sflag:$0x3], $0x80, s24, s12, $0xb8;
	[tilespmem:$0x1D000] =	vst v63  }
0x87: {  	_ =	swait.ge [sflag:s10], $0x4000  }
0x88: {  	[sflag:s10] =	ssyncset.done $0x0  }
0x89: {  	[sflag:s10] =	ssyncadd.s32 $0xFFFFC000  }
0x8a: {  	[tilespmem:s13], [sflag:$0x1] =	stream.indirect.gather [hbm4b:s4+s12], $0x80, s25, s12, $0xb8;
	[tilespmem:$0x1D000] =	vst v63  }
0x8b: {  	_ =	swait.ge [sflag:s16], $0x4000  }
0x8c: {  	[sflag:s16] =	ssyncset.done $0x0  }
0x8d: {  	[sflag:s16] =	ssyncadd.s32 $0xFFFFC000  }
0x8e: {  	[spmem:s2] =	stream.indirect.scatter.add.f32 [tilespmem:s14], [sflag:$0x3], $0x80, s26, s12, $0xb8;
	[tilespmem:$0x1D000] =	vst v63  }
0x8f: {  	_ =	swait.ge [sflag:s10], $0x4000  }
0x90: {  	[sflag:s10] =	ssyncset.done $0x0  }
0x91: {  	[sflag:s10] =	ssyncadd.s32 $0xFFFFC000  }
0x92: {  	[tilespmem:s14], [sflag:$0x2] =	stream.indirect.gather [hbm4b:s4+s12], $0x80, s28, s12, $0xb8;
	[tilespmem:$0x1D000] =	vst v63  }
0x93: {  	_ =	swait.ge [sflag:s15], $0x4000  }
0x94: {  	[sflag:s15] =	ssyncset.done $0x0  }
0x95: {  	[sflag:s15] =	ssyncadd.s32 $0xFFFFC000  }
0x96: {  	[spmem:s2] =	stream.indirect.scatter.add.f32 [tilespmem:s13], [sflag:$0x3], $0x80, s29, s12, $0xb8;
	[tilespmem:$0x1D000] =	vst v63  }
0x97: {  	_ =	swait.ge [sflag:s10], $0x4000  }
0x98: {  	[sflag:s10] =	ssyncset.done $0x0  }
0x99: {  	[sflag:s10] =	ssyncadd.s32 $0xFFFFC000  }
0x9a: {  	[tilespmem:s13], [sflag:$0x1] =	stream.indirect.gather [hbm4b:s4+s12], $0x80, s30, s12, $0xb8;
	[tilespmem:$0x1D000] =	vst v63  }
0x9b: {  	_ =	swait.ge [sflag:s16], $0x4000  }
0x9c: {  	[sflag:s16] =	ssyncset.done $0x0  }
0x9d: {  	[sflag:s16] =	ssyncadd.s32 $0xFFFFC000  }
0x9e: {  	[spmem:s2] =	stream.indirect.scatter.add.f32 [tilespmem:s14], [sflag:$0x3], $0x80, s31, s12, $0xb8;
	[tilespmem:$0x1D000] =	vst v63  }
0x9f: {  	_ =	swait.ge [sflag:s10], $0x4000  }
0xa0: {  	[sflag:s10] =	ssyncset.done $0x0  }
0xa1: {  	[sflag:s10] =	ssyncadd.s32 $0xFFFFC000  }
0xa2: {  	[tilespmem:s14], [sflag:$0x2] =	stream.indirect.gather [hbm4b:s4+s12], $0x80, s1, s12, $0xb8;
	[tilespmem:$0x1D000] =	vst v63  }
0xa3: {  	_ =	swait.ge [sflag:s15], $0x4000  }
0xa4: {  	[sflag:s15] =	ssyncset.done $0x0  }
0xa5: {  	[sflag:s15] =	ssyncadd.s32 $0xFFFFC000  }
0xa6: {  	[spmem:s2] =	stream.indirect.scatter.add.f32 [tilespmem:s13], [sflag:$0x3], $0x80, s0, s12, $0xb8;
	[tilespmem:$0x1D000] =	vst v63  }
0xa7: {  	_ =	swait.ge [sflag:s10], $0x4000  }
0xa8: {  	[sflag:s10] =	ssyncset.done $0x0  }
0xa9: {  	[sflag:s10] =	ssyncadd.s32 $0xFFFFC000  }
0xaa: {  	_ =	swait.ge [sflag:s16], $0x4000  }
0xab: {  	[sflag:s16] =	ssyncset.done $0x0  }
0xac: {  	[sflag:s16] =	ssyncadd.s32 $0xFFFFC000  }
0xad: {  	[spmem:s2] =	stream.indirect.scatter.add.f32 [tilespmem:s14], [sflag:$0x3], $0x80, s5, s12, $0xb8;
	[tilespmem:$0x1D000] =	vst v63  }
0xae: {  	s6 =	simm.s32 $0x200;
	_ =	swait.ge [sflag:s10], $0x4000  }
0xaf: {  	s8 =	simm.s32 $0x100;
	s9 =	rddreg [dreg:$0x4];
	[sflag:s10] =	ssyncset.done $0x0  }
.LBB2_2:
0xb0: {  	[sflag:s10] =	ssyncadd.s32 $0xFFFFC000;
	s9 =	sadd.s32 s8, s9  }
0xb1: {  	[tilespmem:s3], [sflag:$0x3] =	stream.linear.gather [hbm4b:s9+s3], $0x800, $0x38;
	[tilespmem:$0x1D000] =	vst v63  }
0xb2: {  	_ =	swait.ge [sflag:s10], $0x800  }
0xb3: {  	s9 =	rddreg [dreg:$0x3];
	[sflag:s10] =	ssyncset.done $0x0  }
0xb4: {  	[sflag:s10] =	ssyncadd.s32 $0xFFFFF800;
	s9 =	sadd.s32 s8, s9  }
0xb5: {  	[tilespmem:s11], [sflag:$0x3] =	stream.linear.gather [hbm4b:s9+s3], $0x800, $0x38;
	[tilespmem:$0x1D000] =	vst v63  }
0xb6: {  	_ =	swait.ge [sflag:s10], $0x800  }
0xb7: {  	[sflag:s10] =	ssyncset.done $0x0  }
0xb8: {  	[sflag:s10] =	ssyncadd.s32 $0xFFFFF800  }
0xb9: {  	[tilespmem:s13], [sflag:$0x1] =	stream.indirect.gather [hbm4b:s4+s12], $0x80, s3, s12, $0xb8;
	[tilespmem:$0x1D000] =	vst v63  }
0xba: {  	_ = 	snop  }
0xbb: {  	[tilespmem:s14], [sflag:$0x2] =	stream.indirect.gather [hbm4b:s4+s12], $0x80, s12, s12, $0xb8;
	[tilespmem:$0x1D000] =	vst v63  }
0xbc: {  	_ =	swait.ge [sflag:s15], $0x4000  }
0xbd: {  	[sflag:s15] =	ssyncset.done $0x0  }
0xbe: {  	[sflag:s15] =	ssyncadd.s32 $0xFFFFC000  }
0xbf: {  	[spmem:s2] =	stream.indirect.scatter.add.f32 [tilespmem:s13], [sflag:$0x3], $0x80, s11, s12, $0xb8;
	[tilespmem:$0x1D000] =	vst v63  }
0xc0: {  	_ =	swait.ge [sflag:s10], $0x4000  }
0xc1: {  	[sflag:s10] =	ssyncset.done $0x0  }
0xc2: {  	s9 =	rddreg [dreg:$0x5];
	[sflag:s10] =	ssyncadd.s32 $0xFFFFC000  }
0xc3: {  	[tilespmem:s13], [sflag:$0x1] =	stream.indirect.gather [hbm4b:s4+s12], $0x80, s9, s12, $0xb8;
	[tilespmem:$0x1D000] =	vst v63  }
0xc4: {  	_ =	swait.ge [sflag:s16], $0x4000  }
0xc5: {  	[sflag:s16] =	ssyncset.done $0x0  }
0xc6: {  	s9 =	rddreg [dreg:$0x6];
	[sflag:s16] =	ssyncadd.s32 $0xFFFFC000  }
0xc7: {  	[spmem:s2] =	stream.indirect.scatter.add.f32 [tilespmem:s14], [sflag:$0x3], $0x80, s9, s12, $0xb8;
	[tilespmem:$0x1D000] =	vst v63  }
0xc8: {  	_ =	swait.ge [sflag:s10], $0x4000  }
0xc9: {  	[sflag:s10] =	ssyncset.done $0x0  }
0xca: {  	s9 =	rddreg [dreg:$0x7];
	[sflag:s10] =	ssyncadd.s32 $0xFFFFC000  }
0xcb: {  	[tilespmem:s14], [sflag:$0x2] =	stream.indirect.gather [hbm4b:s4+s12], $0x80, s9, s12, $0xb8;
	[tilespmem:$0x1D000] =	vst v63  }
0xcc: {  	_ =	swait.ge [sflag:s15], $0x4000  }
0xcd: {  	[sflag:s15] =	ssyncset.done $0x0  }
0xce: {  	s9 =	rddreg [dreg:$0x8];
	[sflag:s15] =	ssyncadd.s32 $0xFFFFC000  }
0xcf: {  	[spmem:s2] =	stream.indirect.scatter.add.f32 [tilespmem:s13], [sflag:$0x3], $0x80, s9, s12, $0xb8;
	[tilespmem:$0x1D000] =	vst v63  }
0xd0: {  	_ =	swait.ge [sflag:s10], $0x4000  }
0xd1: {  	[sflag:s10] =	ssyncset.done $0x0  }
0xd2: {  	s9 =	rddreg [dreg:$0x9];
	[sflag:s10] =	ssyncadd.s32 $0xFFFFC000  }
0xd3: {  	[tilespmem:s13], [sflag:$0x1] =	stream.indirect.gather [hbm4b:s4+s12], $0x80, s9, s12, $0xb8;
	[tilespmem:$0x1D000] =	vst v63  }
0xd4: {  	_ =	swait.ge [sflag:s16], $0x4000  }
0xd5: {  	[sflag:s16] =	ssyncset.done $0x0  }
0xd6: {  	s9 =	rddreg [dreg:$0xa];
	[sflag:s16] =	ssyncadd.s32 $0xFFFFC000  }
0xd7: {  	[spmem:s2] =	stream.indirect.scatter.add.f32 [tilespmem:s14], [sflag:$0x3], $0x80, s9, s12, $0xb8;
	[tilespmem:$0x1D000] =	vst v63  }
0xd8: {  	_ =	swait.ge [sflag:s10], $0x4000  }
0xd9: {  	[sflag:s10] =	ssyncset.done $0x0  }
0xda: {  	s9 =	rddreg [dreg:$0xb];
	[sflag:s10] =	ssyncadd.s32 $0xFFFFC000  }
0xdb: {  	[tilespmem:s14], [sflag:$0x2] =	stream.indirect.gather [hbm4b:s4+s12], $0x80, s9, s12, $0xb8;
	[tilespmem:$0x1D000] =	vst v63  }
0xdc: {  	_ =	swait.ge [sflag:s15], $0x4000  }
0xdd: {  	[sflag:s15] =	ssyncset.done $0x0  }
0xde: {  	s9 =	rddreg [dreg:$0xc];
	[sflag:s15] =	ssyncadd.s32 $0xFFFFC000  }
0xdf: {  	[spmem:s2] =	stream.indirect.scatter.add.f32 [tilespmem:s13], [sflag:$0x3], $0x80, s9, s12, $0xb8;
	[tilespmem:$0x1D000] =	vst v63  }
0xe0: {  	_ =	swait.ge [sflag:s10], $0x4000  }
0xe1: {  	[sflag:s10] =	ssyncset.done $0x0  }
0xe2: {  	s9 =	rddreg [dreg:$0xd];
	[sflag:s10] =	ssyncadd.s32 $0xFFFFC000  }
0xe3: {  	[tilespmem:s13], [sflag:$0x1] =	stream.indirect.gather [hbm4b:s4+s12], $0x80, s9, s12, $0xb8;
	[tilespmem:$0x1D000] =	vst v63  }
0xe4: {  	_ =	swait.ge [sflag:s16], $0x4000  }
0xe5: {  	[sflag:s16] =	ssyncset.done $0x0  }
0xe6: {  	s9 =	rddreg [dreg:$0xe];
	[sflag:s16] =	ssyncadd.s32 $0xFFFFC000  }
0xe7: {  	[spmem:s2] =	stream.indirect.scatter.add.f32 [tilespmem:s14], [sflag:$0x3], $0x80, s9, s12, $0xb8;
	[tilespmem:$0x1D000] =	vst v63  }
0xe8: {  	_ =	swait.ge [sflag:s10], $0x4000  }
0xe9: {  	[sflag:s10] =	ssyncset.done $0x0  }
0xea: {  	s9 =	rddreg [dreg:$0xf];
	[sflag:s10] =	ssyncadd.s32 $0xFFFFC000  }
0xeb: {  	[tilespmem:s14], [sflag:$0x2] =	stream.indirect.gather [hbm4b:s4+s12], $0x80, s9, s12, $0xb8;
	[tilespmem:$0x1D000] =	vst v63  }
0xec: {  	_ =	swait.ge [sflag:s15], $0x4000  }
0xed: {  	[sflag:s15] =	ssyncset.done $0x0  }
0xee: {  	s9 =	rddreg [dreg:$0x10];
	[sflag:s15] =	ssyncadd.s32 $0xFFFFC000  }
0xef: {  	[spmem:s2] =	stream.indirect.scatter.add.f32 [tilespmem:s13], [sflag:$0x3], $0x80, s9, s12, $0xb8;
	[tilespmem:$0x1D000] =	vst v63  }
0xf0: {  	_ =	swait.ge [sflag:s10], $0x4000  }
0xf1: {  	[sflag:s10] =	ssyncset.done $0x0  }
0xf2: {  	[sflag:s10] =	ssyncadd.s32 $0xFFFFC000  }
0xf3: {  	[tilespmem:s13], [sflag:$0x1] =	stream.indirect.gather [hbm4b:s4+s12], $0x80, s17, s12, $0xb8;
	[tilespmem:$0x1D000] =	vst v63  }
0xf4: {  	_ =	swait.ge [sflag:s16], $0x4000  }
0xf5: {  	[sflag:s16] =	ssyncset.done $0x0  }
0xf6: {  	[sflag:s16] =	ssyncadd.s32 $0xFFFFC000  }
0xf7: {  	[spmem:s2] =	stream.indirect.scatter.add.f32 [tilespmem:s14], [sflag:$0x3], $0x80, s18, s12, $0xb8;
	[tilespmem:$0x1D000] =	vst v63  }
0xf8: {  	_ =	swait.ge [sflag:s10], $0x4000  }
0xf9: {  	[sflag:s10] =	ssyncset.done $0x0  }
0xfa: {  	[sflag:s10] =	ssyncadd.s32 $0xFFFFC000  }
0xfb: {  	[tilespmem:s14], [sflag:$0x2] =	stream.indirect.gather [hbm4b:s4+s12], $0x80, s19, s12, $0xb8;
	[tilespmem:$0x1D000] =	vst v63  }
0xfc: {  	_ =	swait.ge [sflag:s15], $0x4000  }
0xfd: {  	[sflag:s15] =	ssyncset.done $0x0  }
0xfe: {  	[sflag:s15] =	ssyncadd.s32 $0xFFFFC000  }
0xff: {  	[spmem:s2] =	stream.indirect.scatter.add.f32 [tilespmem:s13], [sflag:$0x3], $0x80, s20, s12, $0xb8;
	[tilespmem:$0x1D000] =	vst v63  }
0x100: {  	_ =	swait.ge [sflag:s10], $0x4000  }
0x101: {  	[sflag:s10] =	ssyncset.done $0x0  }
0x102: {  	[sflag:s10] =	ssyncadd.s32 $0xFFFFC000  }
0x103: {  	[tilespmem:s13], [sflag:$0x1] =	stream.indirect.gather [hbm4b:s4+s12], $0x80, s21, s12, $0xb8;
	[tilespmem:$0x1D000] =	vst v63  }
0x104: {  	_ =	swait.ge [sflag:s16], $0x4000  }
0x105: {  	[sflag:s16] =	ssyncset.done $0x0  }
0x106: {  	[sflag:s16] =	ssyncadd.s32 $0xFFFFC000  }
0x107: {  	[spmem:s2] =	stream.indirect.scatter.add.f32 [tilespmem:s14], [sflag:$0x3], $0x80, s22, s12, $0xb8;
	[tilespmem:$0x1D000] =	vst v63  }
0x108: {  	_ =	swait.ge [sflag:s10], $0x4000  }
0x109: {  	[sflag:s10] =	ssyncset.done $0x0  }
0x10a: {  	[sflag:s10] =	ssyncadd.s32 $0xFFFFC000  }
0x10b: {  	[tilespmem:s14], [sflag:$0x2] =	stream.indirect.gather [hbm4b:s4+s12], $0x80, s23, s12, $0xb8;
	[tilespmem:$0x1D000] =	vst v63  }
0x10c: {  	_ =	swait.ge [sflag:s15], $0x4000  }
0x10d: {  	[sflag:s15] =	ssyncset.done $0x0  }
0x10e: {  	[sflag:s15] =	ssyncadd.s32 $0xFFFFC000  }
0x10f: {  	[spmem:s2] =	stream.indirect.scatter.add.f32 [tilespmem:s13], [sflag:$0x3], $0x80, s24, s12, $0xb8;
	[tilespmem:$0x1D000] =	vst v63  }
0x110: {  	_ =	swait.ge [sflag:s10], $0x4000  }
0x111: {  	[sflag:s10] =	ssyncset.done $0x0  }
0x112: {  	[sflag:s10] =	ssyncadd.s32 $0xFFFFC000  }
0x113: {  	[tilespmem:s13], [sflag:$0x1] =	stream.indirect.gather [hbm4b:s4+s12], $0x80, s25, s12, $0xb8;
	[tilespmem:$0x1D000] =	vst v63  }
0x114: {  	_ =	swait.ge [sflag:s16], $0x4000  }
0x115: {  	[sflag:s16] =	ssyncset.done $0x0  }
0x116: {  	[sflag:s16] =	ssyncadd.s32 $0xFFFFC000  }
0x117: {  	[spmem:s2] =	stream.indirect.scatter.add.f32 [tilespmem:s14], [sflag:$0x3], $0x80, s26, s12, $0xb8;
	[tilespmem:$0x1D000] =	vst v63  }
0x118: {  	_ =	swait.ge [sflag:s10], $0x4000  }
0x119: {  	[sflag:s10] =	ssyncset.done $0x0  }
0x11a: {  	[sflag:s10] =	ssyncadd.s32 $0xFFFFC000  }
0x11b: {  	[tilespmem:s14], [sflag:$0x2] =	stream.indirect.gather [hbm4b:s4+s12], $0x80, s28, s12, $0xb8;
	[tilespmem:$0x1D000] =	vst v63  }
0x11c: {  	_ =	swait.ge [sflag:s15], $0x4000  }
0x11d: {  	[sflag:s15] =	ssyncset.done $0x0  }
0x11e: {  	[sflag:s15] =	ssyncadd.s32 $0xFFFFC000  }
0x11f: {  	[spmem:s2] =	stream.indirect.scatter.add.f32 [tilespmem:s13], [sflag:$0x3], $0x80, s29, s12, $0xb8;
	[tilespmem:$0x1D000] =	vst v63  }
0x120: {  	_ =	swait.ge [sflag:s10], $0x4000  }
0x121: {  	[sflag:s10] =	ssyncset.done $0x0  }
0x122: {  	[sflag:s10] =	ssyncadd.s32 $0xFFFFC000  }
0x123: {  	[tilespmem:s13], [sflag:$0x1] =	stream.indirect.gather [hbm4b:s4+s12], $0x80, s30, s12, $0xb8;
	[tilespmem:$0x1D000] =	vst v63  }
0x124: {  	_ =	swait.ge [sflag:s16], $0x4000  }
0x125: {  	[sflag:s16] =	ssyncset.done $0x0  }
0x126: {  	[sflag:s16] =	ssyncadd.s32 $0xFFFFC000  }
0x127: {  	[spmem:s2] =	stream.indirect.scatter.add.f32 [tilespmem:s14], [sflag:$0x3], $0x80, s31, s12, $0xb8;
	[tilespmem:$0x1D000] =	vst v63  }
0x128: {  	_ =	swait.ge [sflag:s10], $0x4000  }
0x129: {  	[sflag:s10] =	ssyncset.done $0x0  }
0x12a: {  	[sflag:s10] =	ssyncadd.s32 $0xFFFFC000  }
0x12b: {  	[tilespmem:s14], [sflag:$0x2] =	stream.indirect.gather [hbm4b:s4+s12], $0x80, s1, s12, $0xb8;
	[tilespmem:$0x1D000] =	vst v63  }
0x12c: {  	_ =	swait.ge [sflag:s15], $0x4000  }
0x12d: {  	[sflag:s15] =	ssyncset.done $0x0  }
0x12e: {  	[sflag:s15] =	ssyncadd.s32 $0xFFFFC000  }
0x12f: {  	[spmem:s2] =	stream.indirect.scatter.add.f32 [tilespmem:s13], [sflag:$0x3], $0x80, s0, s12, $0xb8;
	[tilespmem:$0x1D000] =	vst v63  }
0x130: {  	_ =	swait.ge [sflag:s10], $0x4000  }
0x131: {  	[sflag:s10] =	ssyncset.done $0x0  }
0x132: {  	[sflag:s10] =	ssyncadd.s32 $0xFFFFC000  }
0x133: {  	p0 =	sne.s32 s6, $0x400;
	_ =	swait.ge [sflag:s16], $0x4000  }
.Ltmp0:
0x134: {  	[sflag:s16] =	ssyncset.done $0x0;
	(pc) =	sbr.rel @p0 .LBB2_2-.Ltmp0, $4  }
0x135: {  	[sflag:s16] =	ssyncadd.s32 $0xFFFFC000  }
0x136: {  	[spmem:s2] =	stream.indirect.scatter.add.f32 [tilespmem:s14], [sflag:$0x3], $0x80, s5, s12, $0xb8;
	[tilespmem:$0x1D000] =	vst v63  }
0x137: {  	s7 =	smov.u32 s6;
	s6 =	sadd.s32 $0x100, s6;
	_ =	swait.ge [sflag:s10], $0x4000  }
0x138: {  	s8 =	smov.u32 s7;
	s9 =	rddreg [dreg:$0x4];
	[sflag:s10] =	ssyncset.done $0x0  }
0x139: {  	[sflag:s10] =	ssyncadd.s32 $0xFFFFC000;
	s6 =	sadd.s32 s8, s9  }
0x13a: {  	[tilespmem:s3], [sflag:$0x3] =	stream.linear.gather [hbm4b:s6+s3], $0x800, $0x38;
	[tilespmem:$0x1D000] =	vst v63  }
0x13b: {  	_ =	swait.ge [sflag:s10], $0x800  }
0x13c: {  	s7 =	rddreg [dreg:$0x3];
	[sflag:s10] =	ssyncset.done $0x0  }
0x13d: {  	s6 =	sadd.s32 s8, s7;
	[sflag:s10] =	ssyncadd.s32 $0xFFFFF800  }
0x13e: {  	[tilespmem:s11], [sflag:$0x3] =	stream.linear.gather [hbm4b:s6+s3], $0x800, $0x38;
	[tilespmem:$0x1D000] =	vst v63  }
0x13f: {  	_ =	swait.ge [sflag:s10], $0x800  }
0x140: {  	[sflag:s10] =	ssyncset.done $0x0  }
0x141: {  	[sflag:s10] =	ssyncadd.s32 $0xFFFFF800  }
0x142: {  	[tilespmem:s13], [sflag:$0x1] =	stream.indirect.gather [hbm4b:s4+s12], $0x80, s3, s12, $0xb8;
	[tilespmem:$0x1D000] =	vst v63  }
0x143: {  	_ = 	snop  }
0x144: {  	[tilespmem:s14], [sflag:$0x2] =	stream.indirect.gather [hbm4b:s4+s12], $0x80, s12, s12, $0xb8;
	[tilespmem:$0x1D000] =	vst v63  }
0x145: {  	_ =	swait.ge [sflag:s15], $0x4000  }
0x146: {  	[sflag:s15] =	ssyncset.done $0x0  }
0x147: {  	[sflag:s15] =	ssyncadd.s32 $0xFFFFC000  }
0x148: {  	[spmem:s2] =	stream.indirect.scatter.add.f32 [tilespmem:s13], [sflag:$0x3], $0x80, s11, s12, $0xb8;
	[tilespmem:$0x1D000] =	vst v63  }
0x149: {  	_ =	swait.ge [sflag:s10], $0x4000  }
0x14a: {  	[sflag:s10] =	ssyncset.done $0x0  }
0x14b: {  	s9 =	rddreg [dreg:$0x5];
	[sflag:s10] =	ssyncadd.s32 $0xFFFFC000  }
0x14c: {  	[tilespmem:s13], [sflag:$0x1] =	stream.indirect.gather [hbm4b:s4+s12], $0x80, s9, s12, $0xb8;
	[tilespmem:$0x1D000] =	vst v63  }
0x14d: {  	_ =	swait.ge [sflag:s16], $0x4000  }
0x14e: {  	[sflag:s16] =	ssyncset.done $0x0  }
0x14f: {  	s7 =	rddreg [dreg:$0x6];
	[sflag:s16] =	ssyncadd.s32 $0xFFFFC000  }
0x150: {  	[spmem:s2] =	stream.indirect.scatter.add.f32 [tilespmem:s14], [sflag:$0x3], $0x80, s7, s12, $0xb8;
	[tilespmem:$0x1D000] =	vst v63  }
0x151: {  	_ =	swait.ge [sflag:s10], $0x4000  }
0x152: {  	[sflag:s10] =	ssyncset.done $0x0  }
0x153: {  	s8 =	rddreg [dreg:$0x7];
	[sflag:s10] =	ssyncadd.s32 $0xFFFFC000  }
0x154: {  	[tilespmem:s14], [sflag:$0x2] =	stream.indirect.gather [hbm4b:s4+s12], $0x80, s8, s12, $0xb8;
	[tilespmem:$0x1D000] =	vst v63  }
0x155: {  	_ =	swait.ge [sflag:s15], $0x4000  }
0x156: {  	[sflag:s15] =	ssyncset.done $0x0  }
0x157: {  	s9 =	rddreg [dreg:$0x8];
	[sflag:s15] =	ssyncadd.s32 $0xFFFFC000  }
0x158: {  	[spmem:s2] =	stream.indirect.scatter.add.f32 [tilespmem:s13], [sflag:$0x3], $0x80, s9, s12, $0xb8;
	[tilespmem:$0x1D000] =	vst v63  }
0x159: {  	_ =	swait.ge [sflag:s10], $0x4000  }
0x15a: {  	[sflag:s10] =	ssyncset.done $0x0  }
0x15b: {  	s7 =	rddreg [dreg:$0x9];
	[sflag:s10] =	ssyncadd.s32 $0xFFFFC000  }
0x15c: {  	[tilespmem:s13], [sflag:$0x1] =	stream.indirect.gather [hbm4b:s4+s12], $0x80, s7, s12, $0xb8;
	[tilespmem:$0x1D000] =	vst v63  }
0x15d: {  	_ =	swait.ge [sflag:s16], $0x4000  }
0x15e: {  	[sflag:s16] =	ssyncset.done $0x0  }
0x15f: {  	s8 =	rddreg [dreg:$0xa];
	[sflag:s16] =	ssyncadd.s32 $0xFFFFC000  }
0x160: {  	[spmem:s2] =	stream.indirect.scatter.add.f32 [tilespmem:s14], [sflag:$0x3], $0x80, s8, s12, $0xb8;
	[tilespmem:$0x1D000] =	vst v63  }
0x161: {  	_ =	swait.ge [sflag:s10], $0x4000  }
0x162: {  	[sflag:s10] =	ssyncset.done $0x0  }
0x163: {  	s9 =	rddreg [dreg:$0xb];
	[sflag:s10] =	ssyncadd.s32 $0xFFFFC000  }
0x164: {  	[tilespmem:s14], [sflag:$0x2] =	stream.indirect.gather [hbm4b:s4+s12], $0x80, s9, s12, $0xb8;
	[tilespmem:$0x1D000] =	vst v63  }
0x165: {  	_ =	swait.ge [sflag:s15], $0x4000  }
0x166: {  	[sflag:s15] =	ssyncset.done $0x0  }
0x167: {  	s7 =	rddreg [dreg:$0xc];
	[sflag:s15] =	ssyncadd.s32 $0xFFFFC000  }
0x168: {  	[spmem:s2] =	stream.indirect.scatter.add.f32 [tilespmem:s13], [sflag:$0x3], $0x80, s7, s12, $0xb8;
	[tilespmem:$0x1D000] =	vst v63  }
0x169: {  	_ =	swait.ge [sflag:s10], $0x4000  }
0x16a: {  	[sflag:s10] =	ssyncset.done $0x0  }
0x16b: {  	s8 =	rddreg [dreg:$0xd];
	[sflag:s10] =	ssyncadd.s32 $0xFFFFC000  }
0x16c: {  	[tilespmem:s13], [sflag:$0x1] =	stream.indirect.gather [hbm4b:s4+s12], $0x80, s8, s12, $0xb8;
	[tilespmem:$0x1D000] =	vst v63  }
0x16d: {  	_ =	swait.ge [sflag:s16], $0x4000  }
0x16e: {  	[sflag:s16] =	ssyncset.done $0x0  }
0x16f: {  	s9 =	rddreg [dreg:$0xe];
	[sflag:s16] =	ssyncadd.s32 $0xFFFFC000  }
0x170: {  	[spmem:s2] =	stream.indirect.scatter.add.f32 [tilespmem:s14], [sflag:$0x3], $0x80, s9, s12, $0xb8;
	[tilespmem:$0x1D000] =	vst v63  }
0x171: {  	_ =	swait.ge [sflag:s10], $0x4000  }
0x172: {  	[sflag:s10] =	ssyncset.done $0x0  }
0x173: {  	s7 =	rddreg [dreg:$0xf];
	[sflag:s10] =	ssyncadd.s32 $0xFFFFC000  }
0x174: {  	[tilespmem:s14], [sflag:$0x2] =	stream.indirect.gather [hbm4b:s4+s12], $0x80, s7, s12, $0xb8;
	[tilespmem:$0x1D000] =	vst v63  }
0x175: {  	_ =	swait.ge [sflag:s15], $0x4000  }
0x176: {  	[sflag:s15] =	ssyncset.done $0x0  }
0x177: {  	s8 =	rddreg [dreg:$0x10];
	[sflag:s15] =	ssyncadd.s32 $0xFFFFC000  }
0x178: {  	[spmem:s2] =	stream.indirect.scatter.add.f32 [tilespmem:s13], [sflag:$0x3], $0x80, s8, s12, $0xb8;
	[tilespmem:$0x1D000] =	vst v63  }
0x179: {  	_ =	swait.ge [sflag:s10], $0x4000  }
0x17a: {  	[sflag:s10] =	ssyncset.done $0x0  }
0x17b: {  	[sflag:s10] =	ssyncadd.s32 $0xFFFFC000  }
0x17c: {  	[tilespmem:s13], [sflag:$0x1] =	stream.indirect.gather [hbm4b:s4+s12], $0x80, s17, s12, $0xb8;
	[tilespmem:$0x1D000] =	vst v63  }
0x17d: {  	_ =	swait.ge [sflag:s16], $0x4000  }
0x17e: {  	[sflag:s16] =	ssyncset.done $0x0  }
0x17f: {  	[sflag:s16] =	ssyncadd.s32 $0xFFFFC000  }
0x180: {  	[spmem:s2] =	stream.indirect.scatter.add.f32 [tilespmem:s14], [sflag:$0x3], $0x80, s18, s12, $0xb8;
	[tilespmem:$0x1D000] =	vst v63  }
0x181: {  	_ =	swait.ge [sflag:s10], $0x4000  }
0x182: {  	[sflag:s10] =	ssyncset.done $0x0  }
0x183: {  	[sflag:s10] =	ssyncadd.s32 $0xFFFFC000  }
0x184: {  	[tilespmem:s14], [sflag:$0x2] =	stream.indirect.gather [hbm4b:s4+s12], $0x80, s19, s12, $0xb8;
	[tilespmem:$0x1D000] =	vst v63  }
0x185: {  	_ =	swait.ge [sflag:s15], $0x4000  }
0x186: {  	[sflag:s15] =	ssyncset.done $0x0  }
0x187: {  	[sflag:s15] =	ssyncadd.s32 $0xFFFFC000  }
0x188: {  	[spmem:s2] =	stream.indirect.scatter.add.f32 [tilespmem:s13], [sflag:$0x3], $0x80, s20, s12, $0xb8;
	[tilespmem:$0x1D000] =	vst v63  }
0x189: {  	_ =	swait.ge [sflag:s10], $0x4000  }
0x18a: {  	[sflag:s10] =	ssyncset.done $0x0  }
0x18b: {  	[sflag:s10] =	ssyncadd.s32 $0xFFFFC000  }
0x18c: {  	[tilespmem:s13], [sflag:$0x1] =	stream.indirect.gather [hbm4b:s4+s12], $0x80, s21, s12, $0xb8;
	[tilespmem:$0x1D000] =	vst v63  }
0x18d: {  	_ =	swait.ge [sflag:s16], $0x4000  }
0x18e: {  	[sflag:s16] =	ssyncset.done $0x0  }
0x18f: {  	[sflag:s16] =	ssyncadd.s32 $0xFFFFC000  }
0x190: {  	[spmem:s2] =	stream.indirect.scatter.add.f32 [tilespmem:s14], [sflag:$0x3], $0x80, s22, s12, $0xb8;
	[tilespmem:$0x1D000] =	vst v63  }
0x191: {  	_ =	swait.ge [sflag:s10], $0x4000  }
0x192: {  	[sflag:s10] =	ssyncset.done $0x0  }
0x193: {  	[sflag:s10] =	ssyncadd.s32 $0xFFFFC000  }
0x194: {  	[tilespmem:s14], [sflag:$0x2] =	stream.indirect.gather [hbm4b:s4+s12], $0x80, s23, s12, $0xb8;
	[tilespmem:$0x1D000] =	vst v63  }
0x195: {  	_ =	swait.ge [sflag:s15], $0x4000  }
0x196: {  	[sflag:s15] =	ssyncset.done $0x0  }
0x197: {  	[sflag:s15] =	ssyncadd.s32 $0xFFFFC000  }
0x198: {  	[spmem:s2] =	stream.indirect.scatter.add.f32 [tilespmem:s13], [sflag:$0x3], $0x80, s24, s12, $0xb8;
	[tilespmem:$0x1D000] =	vst v63  }
0x199: {  	_ =	swait.ge [sflag:s10], $0x4000  }
0x19a: {  	[sflag:s10] =	ssyncset.done $0x0  }
0x19b: {  	[sflag:s10] =	ssyncadd.s32 $0xFFFFC000  }
0x19c: {  	[tilespmem:s13], [sflag:$0x1] =	stream.indirect.gather [hbm4b:s4+s12], $0x80, s25, s12, $0xb8;
	[tilespmem:$0x1D000] =	vst v63  }
0x19d: {  	_ =	swait.ge [sflag:s16], $0x4000  }
0x19e: {  	[sflag:s16] =	ssyncset.done $0x0  }
0x19f: {  	[sflag:s16] =	ssyncadd.s32 $0xFFFFC000  }
0x1a0: {  	[spmem:s2] =	stream.indirect.scatter.add.f32 [tilespmem:s14], [sflag:$0x3], $0x80, s26, s12, $0xb8;
	[tilespmem:$0x1D000] =	vst v63  }
0x1a1: {  	_ =	swait.ge [sflag:s10], $0x4000  }
0x1a2: {  	[sflag:s10] =	ssyncset.done $0x0  }
0x1a3: {  	[sflag:s10] =	ssyncadd.s32 $0xFFFFC000  }
0x1a4: {  	[tilespmem:s14], [sflag:$0x2] =	stream.indirect.gather [hbm4b:s4+s12], $0x80, s28, s12, $0xb8;
	[tilespmem:$0x1D000] =	vst v63  }
0x1a5: {  	_ =	swait.ge [sflag:s15], $0x4000  }
0x1a6: {  	[sflag:s15] =	ssyncset.done $0x0  }
0x1a7: {  	[sflag:s15] =	ssyncadd.s32 $0xFFFFC000  }
0x1a8: {  	[spmem:s2] =	stream.indirect.scatter.add.f32 [tilespmem:s13], [sflag:$0x3], $0x80, s29, s12, $0xb8;
	[tilespmem:$0x1D000] =	vst v63  }
0x1a9: {  	_ =	swait.ge [sflag:s10], $0x4000  }
0x1aa: {  	[sflag:s10] =	ssyncset.done $0x0  }
0x1ab: {  	[sflag:s10] =	ssyncadd.s32 $0xFFFFC000  }
0x1ac: {  	[tilespmem:s13], [sflag:$0x1] =	stream.indirect.gather [hbm4b:s4+s12], $0x80, s30, s12, $0xb8;
	[tilespmem:$0x1D000] =	vst v63  }
0x1ad: {  	_ =	swait.ge [sflag:s16], $0x4000  }
0x1ae: {  	[sflag:s16] =	ssyncset.done $0x0  }
0x1af: {  	[sflag:s16] =	ssyncadd.s32 $0xFFFFC000  }
0x1b0: {  	[spmem:s2] =	stream.indirect.scatter.add.f32 [tilespmem:s14], [sflag:$0x3], $0x80, s31, s12, $0xb8;
	[tilespmem:$0x1D000] =	vst v63  }
0x1b1: {  	_ =	swait.ge [sflag:s10], $0x4000  }
0x1b2: {  	[sflag:s10] =	ssyncset.done $0x0  }
0x1b3: {  	[sflag:s10] =	ssyncadd.s32 $0xFFFFC000  }
0x1b4: {  	[tilespmem:s14], [sflag:$0x2] =	stream.indirect.gather [hbm4b:s4+s12], $0x80, s1, s12, $0xb8;
	[tilespmem:$0x1D000] =	vst v63  }
0x1b5: {  	_ =	swait.ge [sflag:s15], $0x4000  }
0x1b6: {  	[sflag:s15] =	ssyncset.done $0x0  }
0x1b7: {  	[sflag:s15] =	ssyncadd.s32 $0xFFFFC000  }
0x1b8: {  	[spmem:s2] =	stream.indirect.scatter.add.f32 [tilespmem:s13], [sflag:$0x3], $0x80, s0, s12, $0xb8;
	[tilespmem:$0x1D000] =	vst v63  }
0x1b9: {  	_ =	swait.ge [sflag:s10], $0x4000  }
0x1ba: {  	[sflag:s10] =	ssyncset.done $0x0  }
0x1bb: {  	[sflag:s10] =	ssyncadd.s32 $0xFFFFC000  }
0x1bc: {  	_ =	swait.ge [sflag:s16], $0x4000  }
0x1bd: {  	[sflag:s16] =	ssyncset.done $0x0  }
0x1be: {  	[sflag:s16] =	ssyncadd.s32 $0xFFFFC000  }
0x1bf: {  	[spmem:s2] =	stream.indirect.scatter.add.f32 [tilespmem:s14], [sflag:$0x3], $0x80, s5, s12, $0xb8;
	[tilespmem:$0x1D000] =	vst v63  }
0x1c0: {  	_ =	swait.ge [sflag:s10], $0x4000  }
0x1c1: {  	[sflag:s10] =	ssyncset.done $0x0  }
0x1c2: {  	[sflag:s10] =	ssyncadd.s32 $0xFFFFC000  }
0x1c3: {  	[bflag:$0x0] =	sbarrier.arrive $0xFFFF  }
0x1c4: {  	s7 =	rddreg [dreg:$0x12]  }
0x1c5: {  	s9 =	rddreg [dreg:$0x13]  }
0x1c6: {  	s8 =	rddreg [dreg:$0x15]  }
0x1c7: {  	[hbm:s9], [sflag:s7] =	dma.local [spmem:s8], $0x2800  }
0x1c8: {  	_ =	swait.ge [sflag:s10], $0x2800  }
0x1c9: {  	s6 =	rddreg [dreg:$0x16]  }
0x1ca: {  	s9 =	sadd.s32 $0x1, s6;
	s6 =	rddreg [dreg:$0x14]  }
0x1cb: {  	p0 =	sne.s32 s9, s6  }
.Ltmp1:
0x1cc: {  	_ = 	snop;
	(pc) =	sbr.rel @p0 .LBB2_1-.Ltmp1, $3  }
0x1cd: {  	_ =	sdelay $0x1  }
0x1ce: {  	[sflag:s10] =	ssyncset.done $0x0  }
0x1cf: {  	[sflag:s10] =	ssyncadd.s32 $0xFFFFD800  }
0x1d0: {  	_ =	sfence.sel $0x180000  }
0x1d1: {  	[bflag:$0x0] =	sbarrier.arrive $0xFFFF  }
0x1d2: {  	_ =	strace $0x9000004A  }
0x1d3: {  	s0 =	stileid.u32;
	[bflag:$0x2] =	sbarrier.arrive $0xFFFF  }
0x1d4: {  	p0 =	sne.s32 s0, $0x0;
	s0 =	rddreg [dreg:$0x2]  }
0x1d5: {  	s0 =	sadd.s32 @!p0 $0x100000, s0  }
0x1d6: {  	[sflag:s0] =	ssyncadd.tile.s32 @!p0 $0x1;
	_ =	shalt  }
.Lfunc_end2:
_tile_overlayer_lowered:
.L_overlay_start_2:
0x1d7: {  	(tag) =	ssettag $0x2  }
0x1d8: {  	s0 =	rddreg [dreg:$0x0];
	s2 =	stileid.u32  }
0x1d9: {  	s1 =	rddreg [dreg:$0x1];
	p0 =	sne.s32 s2, $0x0  }
0x1da: {  	s3 =	rddreg [dreg:$0x2];
	[bflag:$0x3] =	sbarrier.arrive $0xFFFF;
	s2 =	simm.s32 @!p0 $0x1C03  }
0x1db: {  	[timem:s3], [sflag:s2] =	dma.local @!p0 [hbm:s0], s1  }
0x1dc: {  	s0 =	simm.s32 @!p0 $0x3  }
0x1dd: {  	_ =	swait.ge @!p0 [sflag:s0], s1  }
0x1de: {  	s1 =	ssub.s32 @!p0 $0x0, s1;
	[sflag:s0] =	ssyncset.done @!p0 $0x0  }
0x1df: {  	[sflag:s0] =	ssyncadd.s32 @!p0 s1  }
0x1e0: {  	[bflag:$0x3] =	sbarrier.arrive $0xFFFF  }
0x1e1: {  	_ =	shalt  }

// kernel: kernel.18.cloned.1.call-start
scs
__scs_entry_jumppad:
0x0: {  	(pc) =	sbr.rel $0x88, $3  }
0x1: {  	(tag) =	ssettag $0x0;
	lr =	simm.s32 $0x1  }
0x2: {  	[smem:$0x3F91] =	sst lr;
	_ =	strace $0xD0000000  }
0x3: {  	_ = 	snop  }
0x4: {  	_ = 	snop  }
0x5: {  	_ = 	snop  }
0x6: {  	_ = 	snop  }
0x7: {  	_ = 	snop  }
__scs_overlays_trampoline_lowered:
0x8: {  	[smem:$0x3FA0] =	sst s0  }
0x9: {  	[smem:$0x3FA1] =	sst s1  }
0xa: {  	[smem:$0x3FA2] =	sst s2  }
0xb: {  	[smem:$0x3FA3] =	sst s3  }
0xc: {  	[smem:$0x3FA4] =	sst s4  }
0xd: {  	[smem:$0x3FA5] =	sst s5  }
0xe: {  	[smem:$0x3FA6] =	sst s6  }
0xf: {  	[smem:$0x3FA7] =	sst s7  }
0x10: {  	[smem:$0x3FA8] =	sst s8  }
0x11: {  	[smem:$0x3FA9] =	sst s9;
	s0 =	simm.s32 @!p0 $0x0  }
0x12: {  	s1 =	sld [smem:$0x3F8F];
	s0 =	simm.s32 @p0 $0x1  }
0x13: {  	[smem:$0x3FAA] =	sst s0;
	s0 =	simm.s32 @!p1 $0x0  }
0x14: {  	s2 =	sld [smem:$0x3F8E];
	s0 =	simm.s32 @p1 $0x1  }
0x15: {  	[smem:$0x3FAB] =	sst s0;
	s0 =	simm.s32 @!p2 $0x0  }
0x16: {  	s3 =	sld [smem:$0x3FDB];
	s0 =	simm.s32 @p2 $0x1  }
0x17: {  	s4 =	simm.s32 $0x1BF5;
	[smem:$0x3FAD] =	sst s0  }
0x18: {  	s0 =	sld [smem:$0x3F90];
	_ =	swait.ge [sflag:s4], $0x0  }
0x19: {  	s7 =	sld [smem:$0x3F91]  }
0x1a: {  	s8 =	sadd.s32 $0xFFFFE003, lr  }
0x1b: {  	s9 =	sadd.s32 $0xFFFFFEF7, lr;
	s5 =	simm.s32 $0xFFFFFFFF;
	p2 =	slt.u32 s8, $0xFFFFF086  }
0x1c: {  	p1 =	slt.u32 s9, $0xF7A;
	s5 =	simm.s32 @!p2 $0x0  }
0x1d: {  	s5 =	simm.s32 @p1 $0x1;
	p0 =	seq.s32 s7, s2  }
0x1e: {  	s7 =	smul.u32 @!p0 $0xF7A, s2;
	p2 =	seq.s32 @!p0 s5, $0x0  }
0x1f: {  	s9 =	smul.u32 $0xF7A, s1;
	s8 =	simm.s32 @!p0 $0x1BF5;
	p2 =	por !p2, p0  }
0x20: {  	[sflag:s8] =	ssyncset.s32 @!p0 $0xFFFFF086;
	s6 =	sadd.s32 @!p0 s3, s7;
	s7 =	simm.s32 @!p0 $0x108  }
0x21: {  	s3 =	sadd.s32 s3, s9;
	s6 =	sadd.s32 @!p0 $0x88, s6;
	s7 =	simm.s32 @p2 $0x1082  }
0x22: {  	[simem:s7], [sflag:s8] =	dma.local @!p0 [hbm:s6], $0xF7A  }
0x23: {  	s9 =	sor.u32 $0xD0000000, s2;
	s6 =	simm.s32 $0x108;
	_ =	swait.ge @!p0 [sflag:s8], $0x0  }
0x24: {  	s3 =	sadd.s32 $0x88, s3;
	s6 =	simm.s32 @!p1 $0x1082;
	[sflag:s4] =	ssyncset.s32 $0xFFFFF086  }
0x25: {  	[simem:s6], [sflag:s4] =	dma.local [hbm:s3], $0xF7A  }
0x26: {  	[smem:$0x3F91] =	sst s1;
	(tag) =	ssettag s2;
	_ =	strace s9  }
0x27: {  	s1 =	sld [smem:$0x3FA1]  }
0x28: {  	s2 =	sld [smem:$0x3FA2]  }
0x29: {  	s4 =	sld [smem:$0x3FA4]  }
0x2a: {  	p0 =	seq.s32 s5, $0x0;
	s5 =	sld [smem:$0x3FA5]  }
0x2b: {  	s6 =	sld [smem:$0x3FA6]  }
0x2c: {  	s7 =	sld [smem:$0x3FA7]  }
0x2d: {  	s3 =	simm.s32 $0x108;
	s8 =	sld [smem:$0x3FA8]  }
0x2e: {  	s3 =	simm.s32 @!p0 $0x1082;
	s9 =	sld [smem:$0x3FA9]  }
0x2f: {  	lr =	sadd.s32 s0, s3;
	s0 =	sld [smem:$0x3FA0]  }
0x30: {  	s3 =	sld [smem:$0x3FA3]  }
0x31: {  	[smem:$0x3FAC] =	sst s10  }
0x32: {  	s10 =	sld [smem:$0x3FAA];
	_ =	sdelay $0x3  }
0x33: {  	p0 =	seq.s32 s10, $0x1;
	s10 =	sld [smem:$0x3FAC];
	_ =	sdelay $0x3  }
0x34: {  	[smem:$0x3FAC] =	sst s10  }
0x35: {  	s10 =	sld [smem:$0x3FAB];
	_ =	sdelay $0x3  }
0x36: {  	p1 =	seq.s32 s10, $0x1;
	s10 =	sld [smem:$0x3FAC];
	_ =	sdelay $0x3  }
0x37: {  	[smem:$0x3FAC] =	sst s10  }
0x38: {  	s10 =	sld [smem:$0x3FAD]  }
0x39: {  	_ = 	snop;
	(pc) =	sbr.ind lr, $3  }
0x3a: {  	_ = 	snop  }
0x3b: {  	_ = 	snop  }
0x3c: {  	p2 =	seq.s32 s10, $0x1;
	s10 =	sld [smem:$0x3FAC]  }
0x3d: {  	_ =	shalt  }
0x3e: {  	_ =	shalt  }
0x3f: {  	_ =	shalt  }
0x40: {  	_ =	shalt  }
0x41: {  	_ =	shalt  }
0x42: {  	_ =	shalt  }
0x43: {  	_ =	shalt  }
0x44: {  	_ =	shalt  }
0x45: {  	_ =	shalt  }
0x46: {  	_ =	shalt  }
0x47: {  	_ =	shalt  }
0x48: {  	_ =	shalt  }
0x49: {  	_ =	shalt  }
0x4a: {  	_ =	shalt  }
0x4b: {  	_ =	shalt  }
0x4c: {  	_ =	shalt  }
0x4d: {  	_ =	shalt  }
0x4e: {  	_ =	shalt  }
0x4f: {  	_ =	shalt  }
0x50: {  	_ =	shalt  }
0x51: {  	_ =	shalt  }
0x52: {  	_ =	shalt  }
0x53: {  	_ =	shalt  }
0x54: {  	_ =	shalt  }
0x55: {  	_ =	shalt  }
0x56: {  	_ =	shalt  }
0x57: {  	_ =	shalt  }
0x58: {  	_ =	shalt  }
0x59: {  	_ =	shalt  }
0x5a: {  	_ =	shalt  }
0x5b: {  	_ =	shalt  }
0x5c: {  	_ =	shalt  }
0x5d: {  	_ =	shalt  }
0x5e: {  	_ =	shalt  }
0x5f: {  	_ =	shalt  }
0x60: {  	_ =	shalt  }
0x61: {  	_ =	shalt  }
0x62: {  	_ =	shalt  }
0x63: {  	_ =	shalt  }
0x64: {  	_ =	shalt  }
0x65: {  	_ =	shalt  }
0x66: {  	_ =	shalt  }
0x67: {  	_ =	shalt  }
0x68: {  	_ =	shalt  }
0x69: {  	_ =	shalt  }
0x6a: {  	_ =	shalt  }
0x6b: {  	_ =	shalt  }
0x6c: {  	_ =	shalt  }
0x6d: {  	_ =	shalt  }
0x6e: {  	_ =	shalt  }
0x6f: {  	_ =	shalt  }
0x70: {  	_ =	shalt  }
0x71: {  	_ =	shalt  }
0x72: {  	_ =	shalt  }
0x73: {  	_ =	shalt  }
0x74: {  	_ =	shalt  }
0x75: {  	_ =	shalt  }
0x76: {  	_ =	shalt  }
0x77: {  	_ =	shalt  }
0x78: {  	_ =	shalt  }
0x79: {  	_ =	shalt  }
0x7a: {  	_ =	shalt  }
0x7b: {  	_ =	shalt  }
0x7c: {  	_ =	shalt  }
0x7d: {  	_ =	shalt  }
0x7e: {  	_ =	shalt  }
0x7f: {  	_ =	shalt  }
0x80: {  	_ =	shalt  }
0x81: {  	_ =	shalt  }
0x82: {  	_ =	shalt  }
0x83: {  	_ =	shalt  }
0x84: {  	_ =	shalt  }
0x85: {  	_ =	shalt  }
0x86: {  	_ =	shalt  }
0x87: {  	_ =	shalt  }
.Lfunc_end0:
.L_simem_size_0:
called_computation.2_lowered:
.L_overlay_start_0:
0x88: {  	s2 =	sld [smem:$0x3FD9]  }
0x89: {  	s3 =	sld [smem:$0x3FFE];
	_ =	sdelay $0x1  }
0x8a: {  	s1 =	srdreg.scid  }
0x8b: {  	s0 =	sand.u32 $0x1, s1  }
0x8c: {  	s16 =	sshll.u32 s0, $0xA;
	s2 =	sadd.s32 s3, s2  }
0x8d: {  	s2 =	sadd.s32 s2, s16  }
0x8e: {  	[smem:$0x3FB8] =	sst s2  }
0x8f: {  	_ = 	snop  }
0x90: {  	(tm) =	ssettm $0x1  }
0x91: {  	s17 =	sld [smem:$0x3FFB];
	_ =	sdelay $0x3  }
0x92: {  	_ =	strace s17  }
0x93: {  	s2 =	sld [smem:$0x3FFC];
	_ =	sdelay $0x3  }
0x94: {  	_ =	strace s2  }
0x95: {  	s2 =	sld [smem:$0x3FFD];
	_ =	sdelay $0x3  }
0x96: {  	_ =	strace s2  }
0x97: {  	_ =	strace $0x8FFFFFFF  }
0x98: {  	s18 =	sld [smem:$0x3FDB];
	_ =	sdelay $0x1  }
0x99: {  	s19 =	simm.s32 $_scs_section_size  }
0x9a: {  	s4 =	simm.s32 $_size__tile_overlayer_lowered;
	s5 =	simm.s32 $_tile_overlayer_lowered  }
0x9b: {  	s22 =	simm.s32 $0x1BFF;
	s21 =	sshll.u32 s5, $0x1;
	s2 =	sadd.s32 s19, s18  }
0x9c: {  	s6 =	simm.s32 $0x0;
	s20 =	sshll.u32 s4, $0x1;
	s4 =	sadd.s32 s21, s2  }
0x9d: {  	[timem:s6], [sflag:s22] =	dma.local [hbm:s4], s20  }
0x9e: {  	_ =	swait.ge [sflag:s22], s20  }
0x9f: {  	s3 =	ssub.s32 $0x0, s20;
	[sflag:s22] =	ssyncset.done $0x0  }
0xa0: {  	[sflag:s22] =	ssyncadd.s32 s3;
	_ =	sdelay $0x1  }
0xa1: {  	s23 =	simm.s32 $0x1B8B  }
0xa2: {  	_ =	swait.ge [sflag:s23], $0x1  }
0xa3: {  	[sflag:s23] =	ssyncset.done $0x0  }
0xa4: {  	s25 =	simm.s32 $0x1B8E;
	s24 =	sld [smem:$0x3FFE];
	[sflag:s23] =	ssyncadd.s32 $0xFFFFFFFF  }
0xa5: {  	s26 =	simm.s32 $execute0_lowered;
	[smem:$0x3FD2] =	sst s25  }
0xa6: {  	s4 =	sshll.u32 s26, $0x1;
	_ =	strace $0x8000004C;
	[dreg:$0x1] =	wrdreg $0xFFFFFFFF  }
0xa7: {  	s28 =	simm.s32 $_size_execute0_lowered;
	s2 =	sadd.s32 s2, s4;
	[dreg:$0x0] =	wrdreg $0x0  }
0xa8: {  	s4 =	sshll.u32 s28, $0x1;
	[dreg:$0x2] =	wrdreg s2  }
0xa9: {  	[dreg:$0x3] =	wrdreg s4  }
0xaa: {  	[dreg:$0x4] =	wrdreg $0xC0  }
0xab: {  	_ =	task [dreg:s6], $0x5FFFF  }
0xac: {  	[dreg:$0x1] =	wrdreg $0xFFFFFFFF  }
0xad: {  	[dreg:$0x0] =	wrdreg $0x60  }
0xae: {  	[dreg:$0x2] =	wrdreg s24  }
0xaf: {  	[dreg:$0x3] =	wrdreg $0xA0000  }
0xb0: {  	[dreg:$0x4] =	wrdreg $0x9  }
0xb1: {  	_ =	task.clear_ibuf [dreg:s6], $0x5FFFF;
	_ =	strace $0x9000004C  }
0xb2: {  	s29 =	simm.s32 $0x9;
	_ =	strace $0x8000004E  }
0xb3: {  	_ =	swait.ge [sflag:s29], $0x1  }
0xb4: {  	[sflag:s29] =	ssyncadd.s32 $0xFFFFFFFF  }
0xb5: {  	_ =	strace $0x9000004E  }
0xb6: {  	_ =	sfence  }
0xb7: {  	s30 =	sld [smem:$0x0];
	_ =	sdelay $0x2  }
0xb8: {  	s31 =	sshll.u32 s1, $0xD;
	s1 =	sshrl.u32 s1, $0x2  }
0xb9: {  	s3 =	sand.u32 $0x4000, s31;
	s1 =	sadd.s32 s1, s30  }
0xba: {  	s0 =	sor.u32 s3, s0;
	s1 =	sshll.u32 s1, $0x11  }
0xbb: {  	s0 =	sor.u32 s1, s0  }
0xbc: {  	s0 =	sadd.s32 $0x8F2B, s0  }
0xbd: {  	[sflag:s0] =	ssyncadd.remote.s32 $0x1  }
0xbe: {  	_ =	sfence.sel $0xFFFF  }
0xbf: {  	[dreg:$0x0] =	wrdreg $0xFFFFFFFF;
	(pc) =	sbr.abs _section_cstart, $3  }
0xc0: {  	[dreg:$0x1] =	wrdreg $0xFFFFFFFF  }
0xc1: {  	_ =	task.clear_ibuf [dreg:s6], $0x2FFFF;
	_ =	strace $0x9FFFFFFF  }
0xc2: {  	(tm) =	ssettm $0x7FFFFFFF  }
0xc3: {  	_ =	shalt  }
tec
execute0_lowered:
.L_overlay_start_1:
0x0: {  	(tag) =	ssettag $0x1  }
0x1: {  	s8 =	rddreg [dreg:$0x0]  }
0x2: {  	s1 =	rddreg [dreg:$0x1]  }
0x3: {  	s0 =	rddreg [dreg:$0x2]  }
0x4: {  	s2 =	simm.s32 $0x0;
	s5 =	srdreg.scid;
	s3 =	stileid.u32  }
0x5: {  	s19 =	simm.s32 $0x6000;
	s20 =	simm.s32 $0x1;
	s21 =	simm.s32 $0x2  }
0x6: {  	s22 =	simm.s32 $0x1F00;
	s23 =	simm.s32 $0x1F80;
	[smem:$0x7FF] =	sst s2  }
0x7: {  	s11 =	sadd.s32 $0x50800, s8;
	s4 =	sadd.s32 $0x38800, s8;
	s10 =	smul.u32 $0x50000, s3  }
0x8: {  	s9 =	sand.u32 $0x1, s5;
	s5 =	sadd.s32 $0x42800, s8;
	s6 =	smul.u32 $0x5000, s3  }
0x9: {  	s7 =	sadd.s32 $0x36000, s8;
	s15 =	sadd.s32 $0xF0800, s8;
	s28 =	smul.u32 $0x14000, s3  }
0xa: {  	s31 =	sshll.u32 s3, $0x6;
	_ =	strace $0x8000004D;
	s14 =	smul.u32 $0x50000, s9  }
0xb: {  	s12 =	ssub.s32 $0x2, s9;
	s30 =	smul.u32 $0x280000, s9;
	s9 =	sshllo.u32 s9, $0x1  }
0xc: {  	s8 =	sor.u32 $0x1C03, s31;
	s13 =	sshrl.u32 s12, $0x1;
	s17 =	smul.u32 $0x140000, s9  }
0xd: {  	s29 =	sshrl.u32 s10, $0x2;
	s18 =	smul.u32 $0x28000, s9;
	s13 =	ssub.s32 s12, s13  }
0xe: {  	s16 =	sadd.s32 s29, s1;
	s10 =	sadd.s32 s28, s30;
	s9 =	sadd.s32 s11, s14  }
0xf: {  	s10 =	sshrl.u32 s10, $0x3;
	s12 =	sadd.s32 s28, s17;
	s11 =	sadd.s32 s11, s18  }
0x10: {  	s13 =	smax.u32 s13, $0x1;
	s14 =	sshrl.u32 s16, $0x3;
	s16 =	simm.s32 $0x1000  }
0x11: {  	s17 =	simm.s32 $0x80;
	s18 =	simm.s32 $0x2000;
	s12 =	sshrl.u32 s12, $0x3  }
0x12: {  	s10 =	sadd.s32 s15, s10;
	s12 =	sadd.s32 s15, s12;
	s15 =	simm.s32 $0x3  }
.LBB2_1:
0x13: {  	[spmem:s14], [sflag:s8] =	dma.local [hbm:s7], $0x2800  }
0x14: {  	_ =	swait.ge [sflag:s15], $0x2800  }
0x15: {  	[sflag:s15] =	ssyncset.done $0x0  }
0x16: {  	[sflag:s15] =	ssyncadd.s32 $0xFFFFD800  }
0x17: {  	s24 =	simm.s32 $0x0;
	[bflag:$0x0] =	sbarrier.arrive $0xFFFF  }
.LBB2_2:
0x18: {  	s25 =	sshll.u32 s24, $0xC  }
0x19: {  	s25 =	sadd.s32 s6, s25  }
0x1a: {  	s25 =	sshrl.u32 s25, $0x3  }
0x1b: {  	s28 =	simm.s32 $0x0;
	s26 =	sadd.s32 s4, s25  }
0x1c: {  	[tilespmem:s28], [sflag:$0x3] =	stream.linear.gather [hbm4b:s26+s28], $0x1000, $0x38;
	[tilespmem:$0x1E000] =	vst v63  }
0x1d: {  	_ =	swait.ge [sflag:s15], $0x1000  }
0x1e: {  	[sflag:s15] =	ssyncset.done $0x0  }
0x1f: {  	s25 =	sadd.s32 s5, s25;
	[sflag:s15] =	ssyncadd.s32 $0xFFFFF000  }
0x20: {  	[tilespmem:s16], [sflag:$0x3] =	stream.linear.gather [hbm4b:s25+s28], $0x1000, $0x38;
	[tilespmem:$0x1E000] =	vst v63  }
0x21: {  	_ =	swait.ge [sflag:s15], $0x1000  }
0x22: {  	[sflag:s15] =	ssyncset.done $0x0  }
0x23: {  	[sflag:s15] =	ssyncadd.s32 $0xFFFFF000  }
0x24: {  	[tilespmem:s18], [sflag:$0x1] =	stream.indirect.gather [hbm4b:s9+s17], $0x80, s28, s17, $0xb8;
	[tilespmem:$0x1E000] =	vst v63  }
0x25: {  	_ = 	snop  }
0x26: {  	[tilespmem:s19], [sflag:$0x2] =	stream.indirect.gather [hbm4b:s9+s17], $0x80, s17, s17, $0xb8;
	[tilespmem:$0x1E000] =	vst v63  }
0x27: {  	_ =	swait.ge [sflag:s20], $0x4000  }
0x28: {  	[sflag:s20] =	ssyncset.done $0x0  }
0x29: {  	s29 =	simm.s32 $0x1000;
	[sflag:s20] =	ssyncadd.s32 $0xFFFFC000  }
0x2a: {  	[spmem:s1] =	stream.indirect.scatter.add.f32 [tilespmem:s18], [sflag:$0x3], $0x80, s29, s17, $0xb8;
	[tilespmem:$0x1E000] =	vst v63  }
0x2b: {  	_ =	swait.ge [sflag:s15], $0x4000  }
0x2c: {  	[sflag:s15] =	ssyncset.done $0x0  }
0x2d: {  	s30 =	simm.s32 $0x100;
	[sflag:s15] =	ssyncadd.s32 $0xFFFFC000  }
0x2e: {  	[tilespmem:s18], [sflag:$0x1] =	stream.indirect.gather [hbm4b:s9+s17], $0x80, s30, s17, $0xb8;
	[tilespmem:$0x1E000] =	vst v63  }
0x2f: {  	_ =	swait.ge [sflag:s21], $0x4000  }
0x30: {  	[sflag:s21] =	ssyncset.done $0x0  }
0x31: {  	s31 =	simm.s32 $0x1080;
	[sflag:s21] =	ssyncadd.s32 $0xFFFFC000  }
0x32: {  	[spmem:s1] =	stream.indirect.scatter.add.f32 [tilespmem:s19], [sflag:$0x3], $0x80, s31, s17, $0xb8;
	[tilespmem:$0x1E000] =	vst v63  }
0x33: {  	_ =	swait.ge [sflag:s15], $0x4000  }
0x34: {  	[sflag:s15] =	ssyncset.done $0x0  }
0x35: {  	s26 =	simm.s32 $0x180;
	s25 =	simm.s32 $0x400;
	[sflag:s15] =	ssyncadd.s32 $0xFFFFC000  }
.LBB2_3:
0x36: {  	[tilespmem:s19], [sflag:$0x2] =	stream.indirect.gather [hbm4b:s9+s17], $0x80, s26, s17, $0xb8;
	[tilespmem:$0x1E000] =	vst v63  }
0x37: {  	s26 =	smov.u32 s25  }
0x38: {  	p0 =	sne.s32 s25, $0x3800;
	s25 =	sadd.s32 $0x400, s25;
	_ =	swait.ge [sflag:s20], $0x4000  }
0x39: {  	s26 =	sshra.s32 s26, $0x2;
	[sflag:s20] =	ssyncset.done $0x0  }
0x3a: {  	s28 =	sadd.s32 $0x1000, s26;
	[sflag:s20] =	ssyncadd.s32 $0xFFFFC000  }
0x3b: {  	[spmem:s1] =	stream.indirect.scatter.add.f32 [tilespmem:s18], [sflag:$0x3], $0x80, s28, s17, $0xb8;
	[tilespmem:$0x1E000] =	vst v63  }
0x3c: {  	_ =	swait.ge [sflag:s15], $0x4000  }
0x3d: {  	[sflag:s15] =	ssyncset.done $0x0  }
0x3e: {  	s28 =	sadd.s32 $0x100, s26;
	[sflag:s15] =	ssyncadd.s32 $0xFFFFC000  }
0x3f: {  	[tilespmem:s18], [sflag:$0x1] =	stream.indirect.gather [hbm4b:s9+s17], $0x80, s28, s17, $0xb8;
	[tilespmem:$0x1E000] =	vst v63  }
0x40: {  	_ =	swait.ge [sflag:s21], $0x4000  }
0x41: {  	[sflag:s21] =	ssyncset.done $0x0  }
.Ltmp0:
0x42: {  	s28 =	sadd.s32 $0x1080, s26;
	[sflag:s21] =	ssyncadd.s32 $0xFFFFC000;
	(pc) =	sbr.rel @p0 .LBB2_3-.Ltmp0, $4  }
0x43: {  	[spmem:s1] =	stream.indirect.scatter.add.f32 [tilespmem:s19], [sflag:$0x3], $0x80, s28, s17, $0xb8;
	[tilespmem:$0x1E000] =	vst v63  }
0x44: {  	_ =	swait.ge [sflag:s15], $0x4000  }
0x45: {  	[sflag:s15] =	ssyncset.done $0x0  }
0x46: {  	s26 =	sadd.s32 $0x180, s26;
	[sflag:s15] =	ssyncadd.s32 $0xFFFFC000  }
0x47: {  	[tilespmem:s19], [sflag:$0x2] =	stream.indirect.gather [hbm4b:s9+s17], $0x80, s26, s17, $0xb8;
	[tilespmem:$0x1E000] =	vst v63  }
0x48: {  	_ =	swait.ge [sflag:s20], $0x4000  }
0x49: {  	[sflag:s20] =	ssyncset.done $0x0  }
0x4a: {  	[sflag:s20] =	ssyncadd.s32 $0xFFFFC000  }
0x4b: {  	[spmem:s1] =	stream.indirect.scatter.add.f32 [tilespmem:s18], [sflag:$0x3], $0x80, s22, s17, $0xb8;
	[tilespmem:$0x1E000] =	vst v63  }
0x4c: {  	_ =	swait.ge [sflag:s15], $0x4000  }
0x4d: {  	[sflag:s15] =	ssyncset.done $0x0  }
0x4e: {  	[sflag:s15] =	ssyncadd.s32 $0xFFFFC000  }
0x4f: {  	s24 =	sadd.s32 $0x1, s24;
	_ =	swait.ge [sflag:s21], $0x4000  }
0x50: {  	p0 =	sne.s32 s24, $0x5;
	[sflag:s21] =	ssyncset.done $0x0  }
.Ltmp1:
0x51: {  	[sflag:s21] =	ssyncadd.s32 $0xFFFFC000;
	(pc) =	sbr.rel @p0 .LBB2_2-.Ltmp1, $4  }
0x52: {  	[spmem:s1] =	stream.indirect.scatter.add.f32 [tilespmem:s19], [sflag:$0x3], $0x80, s23, s17, $0xb8;
	[tilespmem:$0x1E000] =	vst v63  }
0x53: {  	_ =	swait.ge [sflag:s15], $0x4000  }
0x54: {  	[sflag:s15] =	ssyncset.done $0x0  }
0x55: {  	[sflag:s15] =	ssyncadd.s32 $0xFFFFC000  }
0x56: {  	[bflag:$0x0] =	sbarrier.arrive $0xFFFF  }
0x57: {  	[hbm:s10], [sflag:s8] =	dma.local [spmem:s14], $0x2800  }
0x58: {  	_ =	swait.ge [sflag:s15], $0x2800  }
0x59: {  	[sflag:s15] =	ssyncset.done $0x0  }
0x5a: {  	[sflag:s15] =	ssyncadd.s32 $0xFFFFD800  }
0x5b: {  	[spmem:s14], [sflag:s8] =	dma.local [hbm:s7], $0x2800  }
0x5c: {  	_ =	swait.ge [sflag:s15], $0x2800  }
0x5d: {  	[sflag:s15] =	ssyncset.done $0x0  }
0x5e: {  	[sflag:s15] =	ssyncadd.s32 $0xFFFFD800  }
0x5f: {  	s24 =	simm.s32 $0x0;
	s25 =	simm.s32 $0x0;
	[bflag:$0x0] =	sbarrier.arrive $0xFFFF  }
.LBB2_6:
0x60: {  	s26 =	sshll.u32 s25, $0xC  }
0x61: {  	s26 =	sadd.s32 s6, s26  }
0x62: {  	s26 =	sshrl.u32 s26, $0x3  }
0x63: {  	s28 =	sadd.s32 s4, s26  }
0x64: {  	[tilespmem:s24], [sflag:$0x3] =	stream.linear.gather [hbm4b:s28+s24], $0x1000, $0x38;
	[tilespmem:$0x1E000] =	vst v63  }
0x65: {  	_ =	swait.ge [sflag:s15], $0x1000  }
0x66: {  	[sflag:s15] =	ssyncset.done $0x0  }
0x67: {  	s26 =	sadd.s32 s5, s26;
	[sflag:s15] =	ssyncadd.s32 $0xFFFFF000  }
0x68: {  	[tilespmem:s16], [sflag:$0x3] =	stream.linear.gather [hbm4b:s26+s24], $0x1000, $0x38;
	[tilespmem:$0x1E000] =	vst v63  }
0x69: {  	_ =	swait.ge [sflag:s15], $0x1000  }
0x6a: {  	[sflag:s15] =	ssyncset.done $0x0  }
0x6b: {  	[sflag:s15] =	ssyncadd.s32 $0xFFFFF000  }
0x6c: {  	[tilespmem:s18], [sflag:$0x1] =	stream.indirect.gather [hbm4b:s11+s17], $0x80, s24, s17, $0xb8;
	[tilespmem:$0x1E000] =	vst v63  }
0x6d: {  	_ = 	snop  }
0x6e: {  	[tilespmem:s19], [sflag:$0x2] =	stream.indirect.gather [hbm4b:s11+s17], $0x80, s17, s17, $0xb8;
	[tilespmem:$0x1E000] =	vst v63  }
0x6f: {  	_ =	swait.ge [sflag:s20], $0x4000  }
0x70: {  	[sflag:s20] =	ssyncset.done $0x0  }
0x71: {  	s29 =	simm.s32 $0x1000;
	[sflag:s20] =	ssyncadd.s32 $0xFFFFC000  }
0x72: {  	[spmem:s1] =	stream.indirect.scatter.add.f32 [tilespmem:s18], [sflag:$0x3], $0x80, s29, s17, $0xb8;
	[tilespmem:$0x1E000] =	vst v63  }
0x73: {  	_ =	swait.ge [sflag:s15], $0x4000  }
0x74: {  	[sflag:s15] =	ssyncset.done $0x0  }
0x75: {  	s30 =	simm.s32 $0x100;
	[sflag:s15] =	ssyncadd.s32 $0xFFFFC000  }
0x76: {  	[tilespmem:s18], [sflag:$0x1] =	stream.indirect.gather [hbm4b:s11+s17], $0x80, s30, s17, $0xb8;
	[tilespmem:$0x1E000] =	vst v63  }
0x77: {  	_ =	swait.ge [sflag:s21], $0x4000  }
0x78: {  	[sflag:s21] =	ssyncset.done $0x0  }
0x79: {  	s31 =	simm.s32 $0x1080;
	[sflag:s21] =	ssyncadd.s32 $0xFFFFC000  }
0x7a: {  	[spmem:s1] =	stream.indirect.scatter.add.f32 [tilespmem:s19], [sflag:$0x3], $0x80, s31, s17, $0xb8;
	[tilespmem:$0x1E000] =	vst v63  }
0x7b: {  	_ =	swait.ge [sflag:s15], $0x4000  }
0x7c: {  	[sflag:s15] =	ssyncset.done $0x0  }
0x7d: {  	s28 =	simm.s32 $0x180;
	s26 =	simm.s32 $0x400;
	[sflag:s15] =	ssyncadd.s32 $0xFFFFC000  }
.LBB2_7:
0x7e: {  	[tilespmem:s19], [sflag:$0x2] =	stream.indirect.gather [hbm4b:s11+s17], $0x80, s28, s17, $0xb8;
	[tilespmem:$0x1E000] =	vst v63  }
0x7f: {  	s28 =	smov.u32 s26  }
0x80: {  	p0 =	sne.s32 s26, $0x3800;
	s26 =	sadd.s32 $0x400, s26;
	_ =	swait.ge [sflag:s20], $0x4000  }
0x81: {  	s28 =	sshra.s32 s28, $0x2;
	[sflag:s20] =	ssyncset.done $0x0  }
0x82: {  	s29 =	sadd.s32 $0x1000, s28;
	[sflag:s20] =	ssyncadd.s32 $0xFFFFC000  }
0x83: {  	[spmem:s1] =	stream.indirect.scatter.add.f32 [tilespmem:s18], [sflag:$0x3], $0x80, s29, s17, $0xb8;
	[tilespmem:$0x1E000] =	vst v63  }
0x84: {  	_ =	swait.ge [sflag:s15], $0x4000  }
0x85: {  	[sflag:s15] =	ssyncset.done $0x0  }
0x86: {  	s29 =	sadd.s32 $0x100, s28;
	[sflag:s15] =	ssyncadd.s32 $0xFFFFC000  }
0x87: {  	[tilespmem:s18], [sflag:$0x1] =	stream.indirect.gather [hbm4b:s11+s17], $0x80, s29, s17, $0xb8;
	[tilespmem:$0x1E000] =	vst v63  }
0x88: {  	_ =	swait.ge [sflag:s21], $0x4000  }
0x89: {  	[sflag:s21] =	ssyncset.done $0x0  }
.Ltmp2:
0x8a: {  	s29 =	sadd.s32 $0x1080, s28;
	[sflag:s21] =	ssyncadd.s32 $0xFFFFC000;
	(pc) =	sbr.rel @p0 .LBB2_7-.Ltmp2, $4  }
0x8b: {  	[spmem:s1] =	stream.indirect.scatter.add.f32 [tilespmem:s19], [sflag:$0x3], $0x80, s29, s17, $0xb8;
	[tilespmem:$0x1E000] =	vst v63  }
0x8c: {  	_ =	swait.ge [sflag:s15], $0x4000  }
0x8d: {  	[sflag:s15] =	ssyncset.done $0x0  }
0x8e: {  	s28 =	sadd.s32 $0x180, s28;
	[sflag:s15] =	ssyncadd.s32 $0xFFFFC000  }
0x8f: {  	[tilespmem:s19], [sflag:$0x2] =	stream.indirect.gather [hbm4b:s11+s17], $0x80, s28, s17, $0xb8;
	[tilespmem:$0x1E000] =	vst v63  }
0x90: {  	_ =	swait.ge [sflag:s20], $0x4000  }
0x91: {  	[sflag:s20] =	ssyncset.done $0x0  }
0x92: {  	[sflag:s20] =	ssyncadd.s32 $0xFFFFC000  }
0x93: {  	[spmem:s1] =	stream.indirect.scatter.add.f32 [tilespmem:s18], [sflag:$0x3], $0x80, s22, s17, $0xb8;
	[tilespmem:$0x1E000] =	vst v63  }
0x94: {  	_ =	swait.ge [sflag:s15], $0x4000  }
0x95: {  	[sflag:s15] =	ssyncset.done $0x0  }
0x96: {  	[sflag:s15] =	ssyncadd.s32 $0xFFFFC000  }
0x97: {  	s25 =	sadd.s32 $0x1, s25;
	_ =	swait.ge [sflag:s21], $0x4000  }
0x98: {  	p0 =	sne.s32 s25, $0x5;
	[sflag:s21] =	ssyncset.done $0x0  }
.Ltmp3:
0x99: {  	[sflag:s21] =	ssyncadd.s32 $0xFFFFC000;
	(pc) =	sbr.rel @p0 .LBB2_6-.Ltmp3, $4  }
0x9a: {  	[spmem:s1] =	stream.indirect.scatter.add.f32 [tilespmem:s19], [sflag:$0x3], $0x80, s23, s17, $0xb8;
	[tilespmem:$0x1E000] =	vst v63  }
0x9b: {  	_ =	swait.ge [sflag:s15], $0x4000  }
0x9c: {  	[sflag:s15] =	ssyncset.done $0x0  }
0x9d: {  	[sflag:s15] =	ssyncadd.s32 $0xFFFFC000  }
0x9e: {  	s2 =	sadd.s32 $0x1, s2  }
0x9f: {  	p0 =	sne.s32 s2, s13  }
.Ltmp4:
0xa0: {  	[bflag:$0x0] =	sbarrier.arrive $0xFFFF;
	(pc) =	sbr.rel @p0 .LBB2_1-.Ltmp4, $4  }
0xa1: {  	[hbm:s12], [sflag:s8] =	dma.local [spmem:s14], $0x2800  }
0xa2: {  	_ =	swait.ge [sflag:s15], $0x2800  }
0xa3: {  	[sflag:s15] =	ssyncset.done $0x0  }
0xa4: {  	[sflag:s15] =	ssyncadd.s32 $0xFFFFD800  }
0xa5: {  	_ =	sfence.sel $0x180000  }
0xa6: {  	[bflag:$0x0] =	sbarrier.arrive $0xFFFF  }
0xa7: {  	p0 =	sne.s32 s3, $0x0;
	_ =	strace $0x9000004D  }
0xa8: {  	s0 =	sadd.s32 @!p0 $0x100000, s0;
	[bflag:$0x2] =	sbarrier.arrive $0xFFFF  }
0xa9: {  	[sflag:s0] =	ssyncadd.tile.s32 @!p0 $0x1;
	_ =	shalt  }
.Lfunc_end2:
_tile_overlayer_lowered:
.L_overlay_start_2:
0xaa: {  	(tag) =	ssettag $0x2  }
0xab: {  	s0 =	rddreg [dreg:$0x0];
	s2 =	stileid.u32  }
0xac: {  	s1 =	rddreg [dreg:$0x1];
	p0 =	sne.s32 s2, $0x0  }
0xad: {  	s3 =	rddreg [dreg:$0x2];
	[bflag:$0x3] =	sbarrier.arrive $0xFFFF;
	s2 =	simm.s32 @!p0 $0x1C03  }
0xae: {  	[timem:s3], [sflag:s2] =	dma.local @!p0 [hbm:s0], s1  }
0xaf: {  	s0 =	simm.s32 @!p0 $0x3  }
0xb0: {  	_ =	swait.ge @!p0 [sflag:s0], s1  }
0xb1: {  	s1 =	ssub.s32 @!p0 $0x0, s1;
	[sflag:s0] =	ssyncset.done @!p0 $0x0  }
0xb2: {  	[sflag:s0] =	ssyncadd.s32 @!p0 s1  }
0xb3: {  	[bflag:$0x3] =	sbarrier.arrive $0xFFFF  }
0xb4: {  	_ =	shalt  }

// kernel: kernel.21.cloned.1.call-start
scs
__scs_entry_jumppad:
0x0: {  	(pc) =	sbr.rel $0x88, $3  }
0x1: {  	(tag) =	ssettag $0x0;
	lr =	simm.s32 $0x1  }
0x2: {  	[smem:$0x3F91] =	sst lr;
	_ =	strace $0xD0000000  }
0x3: {  	_ = 	snop  }
0x4: {  	_ = 	snop  }
0x5: {  	_ = 	snop  }
0x6: {  	_ = 	snop  }
0x7: {  	_ = 	snop  }
__scs_overlays_trampoline_lowered:
0x8: {  	[smem:$0x3FA0] =	sst s0  }
0x9: {  	[smem:$0x3FA1] =	sst s1  }
0xa: {  	[smem:$0x3FA2] =	sst s2  }
0xb: {  	[smem:$0x3FA3] =	sst s3  }
0xc: {  	[smem:$0x3FA4] =	sst s4  }
0xd: {  	[smem:$0x3FA5] =	sst s5  }
0xe: {  	[smem:$0x3FA6] =	sst s6  }
0xf: {  	[smem:$0x3FA7] =	sst s7  }
0x10: {  	[smem:$0x3FA8] =	sst s8  }
0x11: {  	[smem:$0x3FA9] =	sst s9;
	s0 =	simm.s32 @!p0 $0x0  }
0x12: {  	s1 =	sld [smem:$0x3F8F];
	s0 =	simm.s32 @p0 $0x1  }
0x13: {  	[smem:$0x3FAA] =	sst s0;
	s0 =	simm.s32 @!p1 $0x0  }
0x14: {  	s2 =	sld [smem:$0x3F8E];
	s0 =	simm.s32 @p1 $0x1  }
0x15: {  	[smem:$0x3FAB] =	sst s0;
	s0 =	simm.s32 @!p2 $0x0  }
0x16: {  	s3 =	sld [smem:$0x3FDB];
	s0 =	simm.s32 @p2 $0x1  }
0x17: {  	s4 =	simm.s32 $0x1BF5;
	[smem:$0x3FAD] =	sst s0  }
0x18: {  	s0 =	sld [smem:$0x3F90];
	_ =	swait.ge [sflag:s4], $0x0  }
0x19: {  	s7 =	sld [smem:$0x3F91]  }
0x1a: {  	s8 =	sadd.s32 $0xFFFFE003, lr  }
0x1b: {  	s9 =	sadd.s32 $0xFFFFFEF7, lr;
	s5 =	simm.s32 $0xFFFFFFFF;
	p2 =	slt.u32 s8, $0xFFFFF086  }
0x1c: {  	p1 =	slt.u32 s9, $0xF7A;
	s5 =	simm.s32 @!p2 $0x0  }
0x1d: {  	s5 =	simm.s32 @p1 $0x1;
	p0 =	seq.s32 s7, s2  }
0x1e: {  	s7 =	smul.u32 @!p0 $0xF7A, s2;
	p2 =	seq.s32 @!p0 s5, $0x0  }
0x1f: {  	s9 =	smul.u32 $0xF7A, s1;
	s8 =	simm.s32 @!p0 $0x1BF5;
	p2 =	por !p2, p0  }
0x20: {  	[sflag:s8] =	ssyncset.s32 @!p0 $0xFFFFF086;
	s6 =	sadd.s32 @!p0 s3, s7;
	s7 =	simm.s32 @!p0 $0x108  }
0x21: {  	s3 =	sadd.s32 s3, s9;
	s6 =	sadd.s32 @!p0 $0x88, s6;
	s7 =	simm.s32 @p2 $0x1082  }
0x22: {  	[simem:s7], [sflag:s8] =	dma.local @!p0 [hbm:s6], $0xF7A  }
0x23: {  	s9 =	sor.u32 $0xD0000000, s2;
	s6 =	simm.s32 $0x108;
	_ =	swait.ge @!p0 [sflag:s8], $0x0  }
0x24: {  	s3 =	sadd.s32 $0x88, s3;
	s6 =	simm.s32 @!p1 $0x1082;
	[sflag:s4] =	ssyncset.s32 $0xFFFFF086  }
0x25: {  	[simem:s6], [sflag:s4] =	dma.local [hbm:s3], $0xF7A  }
0x26: {  	[smem:$0x3F91] =	sst s1;
	(tag) =	ssettag s2;
	_ =	strace s9  }
0x27: {  	s1 =	sld [smem:$0x3FA1]  }
0x28: {  	s2 =	sld [smem:$0x3FA2]  }
0x29: {  	s4 =	sld [smem:$0x3FA4]  }
0x2a: {  	p0 =	seq.s32 s5, $0x0;
	s5 =	sld [smem:$0x3FA5]  }
0x2b: {  	s6 =	sld [smem:$0x3FA6]  }
0x2c: {  	s7 =	sld [smem:$0x3FA7]  }
0x2d: {  	s3 =	simm.s32 $0x108;
	s8 =	sld [smem:$0x3FA8]  }
0x2e: {  	s3 =	simm.s32 @!p0 $0x1082;
	s9 =	sld [smem:$0x3FA9]  }
0x2f: {  	lr =	sadd.s32 s0, s3;
	s0 =	sld [smem:$0x3FA0]  }
0x30: {  	s3 =	sld [smem:$0x3FA3]  }
0x31: {  	[smem:$0x3FAC] =	sst s10  }
0x32: {  	s10 =	sld [smem:$0x3FAA];
	_ =	sdelay $0x3  }
0x33: {  	p0 =	seq.s32 s10, $0x1;
	s10 =	sld [smem:$0x3FAC];
	_ =	sdelay $0x3  }
0x34: {  	[smem:$0x3FAC] =	sst s10  }
0x35: {  	s10 =	sld [smem:$0x3FAB];
	_ =	sdelay $0x3  }
0x36: {  	p1 =	seq.s32 s10, $0x1;
	s10 =	sld [smem:$0x3FAC];
	_ =	sdelay $0x3  }
0x37: {  	[smem:$0x3FAC] =	sst s10  }
0x38: {  	s10 =	sld [smem:$0x3FAD]  }
0x39: {  	_ = 	snop;
	(pc) =	sbr.ind lr, $3  }
0x3a: {  	_ = 	snop  }
0x3b: {  	_ = 	snop  }
0x3c: {  	p2 =	seq.s32 s10, $0x1;
	s10 =	sld [smem:$0x3FAC]  }
0x3d: {  	_ =	shalt  }
0x3e: {  	_ =	shalt  }
0x3f: {  	_ =	shalt  }
0x40: {  	_ =	shalt  }
0x41: {  	_ =	shalt  }
0x42: {  	_ =	shalt  }
0x43: {  	_ =	shalt  }
0x44: {  	_ =	shalt  }
0x45: {  	_ =	shalt  }
0x46: {  	_ =	shalt  }
0x47: {  	_ =	shalt  }
0x48: {  	_ =	shalt  }
0x49: {  	_ =	shalt  }
0x4a: {  	_ =	shalt  }
0x4b: {  	_ =	shalt  }
0x4c: {  	_ =	shalt  }
0x4d: {  	_ =	shalt  }
0x4e: {  	_ =	shalt  }
0x4f: {  	_ =	shalt  }
0x50: {  	_ =	shalt  }
0x51: {  	_ =	shalt  }
0x52: {  	_ =	shalt  }
0x53: {  	_ =	shalt  }
0x54: {  	_ =	shalt  }
0x55: {  	_ =	shalt  }
0x56: {  	_ =	shalt  }
0x57: {  	_ =	shalt  }
0x58: {  	_ =	shalt  }
0x59: {  	_ =	shalt  }
0x5a: {  	_ =	shalt  }
0x5b: {  	_ =	shalt  }
0x5c: {  	_ =	shalt  }
0x5d: {  	_ =	shalt  }
0x5e: {  	_ =	shalt  }
0x5f: {  	_ =	shalt  }
0x60: {  	_ =	shalt  }
0x61: {  	_ =	shalt  }
0x62: {  	_ =	shalt  }
0x63: {  	_ =	shalt  }
0x64: {  	_ =	shalt  }
0x65: {  	_ =	shalt  }
0x66: {  	_ =	shalt  }
0x67: {  	_ =	shalt  }
0x68: {  	_ =	shalt  }
0x69: {  	_ =	shalt  }
0x6a: {  	_ =	shalt  }
0x6b: {  	_ =	shalt  }
0x6c: {  	_ =	shalt  }
0x6d: {  	_ =	shalt  }
0x6e: {  	_ =	shalt  }
0x6f: {  	_ =	shalt  }
0x70: {  	_ =	shalt  }
0x71: {  	_ =	shalt  }
0x72: {  	_ =	shalt  }
0x73: {  	_ =	shalt  }
0x74: {  	_ =	shalt  }
0x75: {  	_ =	shalt  }
0x76: {  	_ =	shalt  }
0x77: {  	_ =	shalt  }
0x78: {  	_ =	shalt  }
0x79: {  	_ =	shalt  }
0x7a: {  	_ =	shalt  }
0x7b: {  	_ =	shalt  }
0x7c: {  	_ =	shalt  }
0x7d: {  	_ =	shalt  }
0x7e: {  	_ =	shalt  }
0x7f: {  	_ =	shalt  }
0x80: {  	_ =	shalt  }
0x81: {  	_ =	shalt  }
0x82: {  	_ =	shalt  }
0x83: {  	_ =	shalt  }
0x84: {  	_ =	shalt  }
0x85: {  	_ =	shalt  }
0x86: {  	_ =	shalt  }
0x87: {  	_ =	shalt  }
.Lfunc_end0:
.L_simem_size_0:
called_computation.3_lowered:
.L_overlay_start_0:
0x88: {  	s2 =	sld [smem:$0x3FD9]  }
0x89: {  	s3 =	sld [smem:$0x3FFE];
	_ =	sdelay $0x1  }
0x8a: {  	s1 =	srdreg.scid  }
0x8b: {  	s0 =	sand.u32 $0x1, s1  }
0x8c: {  	s16 =	sshll.u32 s0, $0xA;
	s2 =	sadd.s32 s3, s2  }
0x8d: {  	s2 =	sadd.s32 s2, s16  }
0x8e: {  	[smem:$0x3FB8] =	sst s2  }
0x8f: {  	_ = 	snop  }
0x90: {  	(tm) =	ssettm $0x1  }
0x91: {  	s17 =	sld [smem:$0x3FFB];
	_ =	sdelay $0x3  }
0x92: {  	_ =	strace s17  }
0x93: {  	s2 =	sld [smem:$0x3FFC];
	_ =	sdelay $0x3  }
0x94: {  	_ =	strace s2  }
0x95: {  	s2 =	sld [smem:$0x3FFD];
	_ =	sdelay $0x3  }
0x96: {  	_ =	strace s2  }
0x97: {  	_ =	strace $0x8FFFFFFF  }
0x98: {  	s18 =	sld [smem:$0x3FDB];
	_ =	sdelay $0x1  }
0x99: {  	s19 =	simm.s32 $_scs_section_size  }
0x9a: {  	s4 =	simm.s32 $_size__tile_overlayer_lowered;
	s5 =	simm.s32 $_tile_overlayer_lowered  }
0x9b: {  	s22 =	simm.s32 $0x1BFF;
	s21 =	sshll.u32 s5, $0x1;
	s2 =	sadd.s32 s19, s18  }
0x9c: {  	s6 =	simm.s32 $0x0;
	s20 =	sshll.u32 s4, $0x1;
	s4 =	sadd.s32 s21, s2  }
0x9d: {  	[timem:s6], [sflag:s22] =	dma.local [hbm:s4], s20  }
0x9e: {  	_ =	swait.ge [sflag:s22], s20  }
0x9f: {  	s3 =	ssub.s32 $0x0, s20;
	[sflag:s22] =	ssyncset.done $0x0  }
0xa0: {  	[sflag:s22] =	ssyncadd.s32 s3;
	_ =	sdelay $0x1  }
0xa1: {  	s23 =	simm.s32 $0x1B8B  }
0xa2: {  	_ =	swait.ge [sflag:s23], $0x1  }
0xa3: {  	[sflag:s23] =	ssyncset.done $0x0  }
0xa4: {  	s25 =	simm.s32 $0x1B8E;
	s24 =	sld [smem:$0x3FFE];
	[sflag:s23] =	ssyncadd.s32 $0xFFFFFFFF  }
0xa5: {  	s26 =	simm.s32 $execute0_lowered;
	[smem:$0x3FD2] =	sst s25  }
0xa6: {  	s4 =	sshll.u32 s26, $0x1;
	_ =	strace $0x8000004F;
	[dreg:$0x1] =	wrdreg $0xFFFFFFFF  }
0xa7: {  	s28 =	simm.s32 $_size_execute0_lowered;
	s2 =	sadd.s32 s2, s4;
	[dreg:$0x0] =	wrdreg $0x0  }
0xa8: {  	s4 =	sshll.u32 s28, $0x1;
	[dreg:$0x2] =	wrdreg s2  }
0xa9: {  	[dreg:$0x3] =	wrdreg s4  }
0xaa: {  	[dreg:$0x4] =	wrdreg $0xC0  }
0xab: {  	_ =	task [dreg:s6], $0x5FFFF  }
0xac: {  	[dreg:$0x1] =	wrdreg $0xFFFFFFFF  }
0xad: {  	[dreg:$0x0] =	wrdreg $0x60  }
0xae: {  	[dreg:$0x2] =	wrdreg s24  }
0xaf: {  	[dreg:$0x3] =	wrdreg $0xA0000  }
0xb0: {  	[dreg:$0x4] =	wrdreg $0x9  }
0xb1: {  	_ =	task.clear_ibuf [dreg:s6], $0x5FFFF;
	_ =	strace $0x9000004F  }
0xb2: {  	s29 =	simm.s32 $0x9;
	_ =	strace $0x80000051  }
0xb3: {  	_ =	swait.ge [sflag:s29], $0x1  }
0xb4: {  	[sflag:s29] =	ssyncadd.s32 $0xFFFFFFFF  }
0xb5: {  	_ =	strace $0x90000051  }
0xb6: {  	_ =	sfence  }
0xb7: {  	s30 =	sld [smem:$0x0];
	_ =	sdelay $0x2  }
0xb8: {  	s31 =	sshll.u32 s1, $0xD;
	s1 =	sshrl.u32 s1, $0x2  }
0xb9: {  	s3 =	sand.u32 $0x4000, s31;
	s1 =	sadd.s32 s1, s30  }
0xba: {  	s0 =	sor.u32 s3, s0;
	s1 =	sshll.u32 s1, $0x11  }
0xbb: {  	s0 =	sor.u32 s1, s0  }
0xbc: {  	s0 =	sadd.s32 $0x8F2B, s0  }
0xbd: {  	[sflag:s0] =	ssyncadd.remote.s32 $0x1  }
0xbe: {  	_ =	sfence.sel $0xFFFF  }
0xbf: {  	[dreg:$0x0] =	wrdreg $0xFFFFFFFF;
	(pc) =	sbr.abs _section_cstart, $3  }
0xc0: {  	[dreg:$0x1] =	wrdreg $0xFFFFFFFF  }
0xc1: {  	_ =	task.clear_ibuf [dreg:s6], $0x2FFFF;
	_ =	strace $0x9FFFFFFF  }
0xc2: {  	(tm) =	ssettm $0x7FFFFFFF  }
0xc3: {  	_ =	shalt  }
tec
execute0_lowered:
.L_overlay_start_1:
0x0: {  	(tag) =	ssettag $0x1  }
0x1: {  	s8 =	rddreg [dreg:$0x0]  }
0x2: {  	s1 =	rddreg [dreg:$0x1]  }
0x3: {  	s0 =	rddreg [dreg:$0x2]  }
0x4: {  	s2 =	simm.s32 $0x0;
	s5 =	srdreg.scid;
	s3 =	stileid.u32  }
0x5: {  	s19 =	simm.s32 $0x6000;
	s20 =	simm.s32 $0x1;
	s21 =	simm.s32 $0x2  }
0x6: {  	s22 =	simm.s32 $0x1F00;
	s23 =	simm.s32 $0x1F80;
	[smem:$0x7FF] =	sst s2  }
0x7: {  	s11 =	sadd.s32 $0x50800, s8;
	s4 =	sadd.s32 $0x38800, s8;
	s10 =	smul.u32 $0x50000, s3  }
0x8: {  	s9 =	sand.u32 $0x1, s5;
	s5 =	sadd.s32 $0x42800, s8;
	s6 =	smul.u32 $0x5000, s3  }
0x9: {  	s7 =	sadd.s32 $0x36000, s8;
	s15 =	sadd.s32 $0xF0800, s8;
	s28 =	smul.u32 $0x14000, s3  }
0xa: {  	s31 =	sshll.u32 s3, $0x6;
	_ =	strace $0x80000050;
	s14 =	smul.u32 $0x50000, s9  }
0xb: {  	s12 =	ssub.s32 $0x2, s9;
	s30 =	smul.u32 $0x280000, s9;
	s9 =	sshllo.u32 s9, $0x1  }
0xc: {  	s8 =	sor.u32 $0x1C03, s31;
	s13 =	sshrl.u32 s12, $0x1;
	s17 =	smul.u32 $0x140000, s9  }
0xd: {  	s29 =	sshrl.u32 s10, $0x2;
	s18 =	smul.u32 $0x28000, s9;
	s13 =	ssub.s32 s12, s13  }
0xe: {  	s16 =	sadd.s32 s29, s1;
	s10 =	sadd.s32 s28, s30;
	s9 =	sadd.s32 s11, s14  }
0xf: {  	s10 =	sshrl.u32 s10, $0x3;
	s12 =	sadd.s32 s28, s17;
	s11 =	sadd.s32 s11, s18  }
0x10: {  	s13 =	smax.u32 s13, $0x1;
	s14 =	sshrl.u32 s16, $0x3;
	s16 =	simm.s32 $0x1000  }
0x11: {  	s17 =	simm.s32 $0x80;
	s18 =	simm.s32 $0x2000;
	s12 =	sshrl.u32 s12, $0x3  }
0x12: {  	s10 =	sadd.s32 s15, s10;
	s12 =	sadd.s32 s15, s12;
	s15 =	simm.s32 $0x3  }
.LBB2_1:
0x13: {  	[spmem:s14], [sflag:s8] =	dma.local [hbm:s7], $0x2800  }
0x14: {  	_ =	swait.ge [sflag:s15], $0x2800  }
0x15: {  	[sflag:s15] =	ssyncset.done $0x0  }
0x16: {  	[sflag:s15] =	ssyncadd.s32 $0xFFFFD800  }
0x17: {  	s24 =	simm.s32 $0x0;
	[bflag:$0x0] =	sbarrier.arrive $0xFFFF  }
.LBB2_2:
0x18: {  	s25 =	sshll.u32 s24, $0xC  }
0x19: {  	s25 =	sadd.s32 s6, s25  }
0x1a: {  	s25 =	sshrl.u32 s25, $0x3  }
0x1b: {  	s28 =	simm.s32 $0x0;
	s26 =	sadd.s32 s4, s25  }
0x1c: {  	[tilespmem:s28], [sflag:$0x3] =	stream.linear.gather [hbm4b:s26+s28], $0x1000, $0x38;
	[tilespmem:$0x1E000] =	vst v63  }
0x1d: {  	_ =	swait.ge [sflag:s15], $0x1000  }
0x1e: {  	[sflag:s15] =	ssyncset.done $0x0  }
0x1f: {  	s25 =	sadd.s32 s5, s25;
	[sflag:s15] =	ssyncadd.s32 $0xFFFFF000  }
0x20: {  	[tilespmem:s16], [sflag:$0x3] =	stream.linear.gather [hbm4b:s25+s28], $0x1000, $0x38;
	[tilespmem:$0x1E000] =	vst v63  }
0x21: {  	_ =	swait.ge [sflag:s15], $0x1000  }
0x22: {  	[sflag:s15] =	ssyncset.done $0x0  }
0x23: {  	[sflag:s15] =	ssyncadd.s32 $0xFFFFF000  }
0x24: {  	[tilespmem:s18], [sflag:$0x1] =	stream.indirect.gather [hbm4b:s9+s17], $0x80, s28, s17, $0xb8;
	[tilespmem:$0x1E000] =	vst v63  }
0x25: {  	_ = 	snop  }
0x26: {  	[tilespmem:s19], [sflag:$0x2] =	stream.indirect.gather [hbm4b:s9+s17], $0x80, s17, s17, $0xb8;
	[tilespmem:$0x1E000] =	vst v63  }
0x27: {  	_ =	swait.ge [sflag:s20], $0x4000  }
0x28: {  	[sflag:s20] =	ssyncset.done $0x0  }
0x29: {  	s29 =	simm.s32 $0x1000;
	[sflag:s20] =	ssyncadd.s32 $0xFFFFC000  }
0x2a: {  	[spmem:s1] =	stream.indirect.scatter.add.f32 [tilespmem:s18], [sflag:$0x3], $0x80, s29, s17, $0xb8;
	[tilespmem:$0x1E000] =	vst v63  }
0x2b: {  	_ =	swait.ge [sflag:s15], $0x4000  }
0x2c: {  	[sflag:s15] =	ssyncset.done $0x0  }
0x2d: {  	s30 =	simm.s32 $0x100;
	[sflag:s15] =	ssyncadd.s32 $0xFFFFC000  }
0x2e: {  	[tilespmem:s18], [sflag:$0x1] =	stream.indirect.gather [hbm4b:s9+s17], $0x80, s30, s17, $0xb8;
	[tilespmem:$0x1E000] =	vst v63  }
0x2f: {  	_ =	swait.ge [sflag:s21], $0x4000  }
0x30: {  	[sflag:s21] =	ssyncset.done $0x0  }
0x31: {  	s31 =	simm.s32 $0x1080;
	[sflag:s21] =	ssyncadd.s32 $0xFFFFC000  }
0x32: {  	[spmem:s1] =	stream.indirect.scatter.add.f32 [tilespmem:s19], [sflag:$0x3], $0x80, s31, s17, $0xb8;
	[tilespmem:$0x1E000] =	vst v63  }
0x33: {  	_ =	swait.ge [sflag:s15], $0x4000  }
0x34: {  	[sflag:s15] =	ssyncset.done $0x0  }
0x35: {  	s26 =	simm.s32 $0x180;
	s25 =	simm.s32 $0x400;
	[sflag:s15] =	ssyncadd.s32 $0xFFFFC000  }
.LBB2_3:
0x36: {  	[tilespmem:s19], [sflag:$0x2] =	stream.indirect.gather [hbm4b:s9+s17], $0x80, s26, s17, $0xb8;
	[tilespmem:$0x1E000] =	vst v63  }
0x37: {  	s26 =	smov.u32 s25  }
0x38: {  	p0 =	sne.s32 s25, $0x3800;
	s25 =	sadd.s32 $0x400, s25;
	_ =	swait.ge [sflag:s20], $0x4000  }
0x39: {  	s26 =	sshra.s32 s26, $0x2;
	[sflag:s20] =	ssyncset.done $0x0  }
0x3a: {  	s28 =	sadd.s32 $0x1000, s26;
	[sflag:s20] =	ssyncadd.s32 $0xFFFFC000  }
0x3b: {  	[spmem:s1] =	stream.indirect.scatter.add.f32 [tilespmem:s18], [sflag:$0x3], $0x80, s28, s17, $0xb8;
	[tilespmem:$0x1E000] =	vst v63  }
0x3c: {  	_ =	swait.ge [sflag:s15], $0x4000  }
0x3d: {  	[sflag:s15] =	ssyncset.done $0x0  }
0x3e: {  	s28 =	sadd.s32 $0x100, s26;
	[sflag:s15] =	ssyncadd.s32 $0xFFFFC000  }
0x3f: {  	[tilespmem:s18], [sflag:$0x1] =	stream.indirect.gather [hbm4b:s9+s17], $0x80, s28, s17, $0xb8;
	[tilespmem:$0x1E000] =	vst v63  }
0x40: {  	_ =	swait.ge [sflag:s21], $0x4000  }
0x41: {  	[sflag:s21] =	ssyncset.done $0x0  }
.Ltmp0:
0x42: {  	s28 =	sadd.s32 $0x1080, s26;
	[sflag:s21] =	ssyncadd.s32 $0xFFFFC000;
	(pc) =	sbr.rel @p0 .LBB2_3-.Ltmp0, $4  }
0x43: {  	[spmem:s1] =	stream.indirect.scatter.add.f32 [tilespmem:s19], [sflag:$0x3], $0x80, s28, s17, $0xb8;
	[tilespmem:$0x1E000] =	vst v63  }
0x44: {  	_ =	swait.ge [sflag:s15], $0x4000  }
0x45: {  	[sflag:s15] =	ssyncset.done $0x0  }
0x46: {  	s26 =	sadd.s32 $0x180, s26;
	[sflag:s15] =	ssyncadd.s32 $0xFFFFC000  }
0x47: {  	[tilespmem:s19], [sflag:$0x2] =	stream.indirect.gather [hbm4b:s9+s17], $0x80, s26, s17, $0xb8;
	[tilespmem:$0x1E000] =	vst v63  }
0x48: {  	_ =	swait.ge [sflag:s20], $0x4000  }
0x49: {  	[sflag:s20] =	ssyncset.done $0x0  }
0x4a: {  	[sflag:s20] =	ssyncadd.s32 $0xFFFFC000  }
0x4b: {  	[spmem:s1] =	stream.indirect.scatter.add.f32 [tilespmem:s18], [sflag:$0x3], $0x80, s22, s17, $0xb8;
	[tilespmem:$0x1E000] =	vst v63  }
0x4c: {  	_ =	swait.ge [sflag:s15], $0x4000  }
0x4d: {  	[sflag:s15] =	ssyncset.done $0x0  }
0x4e: {  	[sflag:s15] =	ssyncadd.s32 $0xFFFFC000  }
0x4f: {  	s24 =	sadd.s32 $0x1, s24;
	_ =	swait.ge [sflag:s21], $0x4000  }
0x50: {  	p0 =	sne.s32 s24, $0x5;
	[sflag:s21] =	ssyncset.done $0x0  }
.Ltmp1:
0x51: {  	[sflag:s21] =	ssyncadd.s32 $0xFFFFC000;
	(pc) =	sbr.rel @p0 .LBB2_2-.Ltmp1, $4  }
0x52: {  	[spmem:s1] =	stream.indirect.scatter.add.f32 [tilespmem:s19], [sflag:$0x3], $0x80, s23, s17, $0xb8;
	[tilespmem:$0x1E000] =	vst v63  }
0x53: {  	_ =	swait.ge [sflag:s15], $0x4000  }
0x54: {  	[sflag:s15] =	ssyncset.done $0x0  }
0x55: {  	[sflag:s15] =	ssyncadd.s32 $0xFFFFC000  }
0x56: {  	[bflag:$0x0] =	sbarrier.arrive $0xFFFF  }
0x57: {  	[hbm:s10], [sflag:s8] =	dma.local [spmem:s14], $0x2800  }
0x58: {  	_ =	swait.ge [sflag:s15], $0x2800  }
0x59: {  	[sflag:s15] =	ssyncset.done $0x0  }
0x5a: {  	[sflag:s15] =	ssyncadd.s32 $0xFFFFD800  }
0x5b: {  	[spmem:s14], [sflag:s8] =	dma.local [hbm:s7], $0x2800  }
0x5c: {  	_ =	swait.ge [sflag:s15], $0x2800  }
0x5d: {  	[sflag:s15] =	ssyncset.done $0x0  }
0x5e: {  	[sflag:s15] =	ssyncadd.s32 $0xFFFFD800  }
0x5f: {  	s24 =	simm.s32 $0x0;
	s25 =	simm.s32 $0x0;
	[bflag:$0x0] =	sbarrier.arrive $0xFFFF  }
.LBB2_6:
0x60: {  	s26 =	sshll.u32 s25, $0xC  }
0x61: {  	s26 =	sadd.s32 s6, s26  }
0x62: {  	s26 =	sshrl.u32 s26, $0x3  }
0x63: {  	s28 =	sadd.s32 s4, s26  }
0x64: {  	[tilespmem:s24], [sflag:$0x3] =	stream.linear.gather [hbm4b:s28+s24], $0x1000, $0x38;
	[tilespmem:$0x1E000] =	vst v63  }
0x65: {  	_ =	swait.ge [sflag:s15], $0x1000  }
0x66: {  	[sflag:s15] =	ssyncset.done $0x0  }
0x67: {  	s26 =	sadd.s32 s5, s26;
	[sflag:s15] =	ssyncadd.s32 $0xFFFFF000  }
0x68: {  	[tilespmem:s16], [sflag:$0x3] =	stream.linear.gather [hbm4b:s26+s24], $0x1000, $0x38;
	[tilespmem:$0x1E000] =	vst v63  }
0x69: {  	_ =	swait.ge [sflag:s15], $0x1000  }
0x6a: {  	[sflag:s15] =	ssyncset.done $0x0  }
0x6b: {  	[sflag:s15] =	ssyncadd.s32 $0xFFFFF000  }
0x6c: {  	[tilespmem:s18], [sflag:$0x1] =	stream.indirect.gather [hbm4b:s11+s17], $0x80, s24, s17, $0xb8;
	[tilespmem:$0x1E000] =	vst v63  }
0x6d: {  	_ = 	snop  }
0x6e: {  	[tilespmem:s19], [sflag:$0x2] =	stream.indirect.gather [hbm4b:s11+s17], $0x80, s17, s17, $0xb8;
	[tilespmem:$0x1E000] =	vst v63  }
0x6f: {  	_ =	swait.ge [sflag:s20], $0x4000  }
0x70: {  	[sflag:s20] =	ssyncset.done $0x0  }
0x71: {  	s29 =	simm.s32 $0x1000;
	[sflag:s20] =	ssyncadd.s32 $0xFFFFC000  }
0x72: {  	[spmem:s1] =	stream.indirect.scatter.add.f32 [tilespmem:s18], [sflag:$0x3], $0x80, s29, s17, $0xb8;
	[tilespmem:$0x1E000] =	vst v63  }
0x73: {  	_ =	swait.ge [sflag:s15], $0x4000  }
0x74: {  	[sflag:s15] =	ssyncset.done $0x0  }
0x75: {  	s30 =	simm.s32 $0x100;
	[sflag:s15] =	ssyncadd.s32 $0xFFFFC000  }
0x76: {  	[tilespmem:s18], [sflag:$0x1] =	stream.indirect.gather [hbm4b:s11+s17], $0x80, s30, s17, $0xb8;
	[tilespmem:$0x1E000] =	vst v63  }
0x77: {  	_ =	swait.ge [sflag:s21], $0x4000  }
0x78: {  	[sflag:s21] =	ssyncset.done $0x0  }
0x79: {  	s31 =	simm.s32 $0x1080;
	[sflag:s21] =	ssyncadd.s32 $0xFFFFC000  }
0x7a: {  	[spmem:s1] =	stream.indirect.scatter.add.f32 [tilespmem:s19], [sflag:$0x3], $0x80, s31, s17, $0xb8;
	[tilespmem:$0x1E000] =	vst v63  }
0x7b: {  	_ =	swait.ge [sflag:s15], $0x4000  }
0x7c: {  	[sflag:s15] =	ssyncset.done $0x0  }
0x7d: {  	s28 =	simm.s32 $0x180;
	s26 =	simm.s32 $0x400;
	[sflag:s15] =	ssyncadd.s32 $0xFFFFC000  }
.LBB2_7:
0x7e: {  	[tilespmem:s19], [sflag:$0x2] =	stream.indirect.gather [hbm4b:s11+s17], $0x80, s28, s17, $0xb8;
	[tilespmem:$0x1E000] =	vst v63  }
0x7f: {  	s28 =	smov.u32 s26  }
0x80: {  	p0 =	sne.s32 s26, $0x3800;
	s26 =	sadd.s32 $0x400, s26;
	_ =	swait.ge [sflag:s20], $0x4000  }
0x81: {  	s28 =	sshra.s32 s28, $0x2;
	[sflag:s20] =	ssyncset.done $0x0  }
0x82: {  	s29 =	sadd.s32 $0x1000, s28;
	[sflag:s20] =	ssyncadd.s32 $0xFFFFC000  }
0x83: {  	[spmem:s1] =	stream.indirect.scatter.add.f32 [tilespmem:s18], [sflag:$0x3], $0x80, s29, s17, $0xb8;
	[tilespmem:$0x1E000] =	vst v63  }
0x84: {  	_ =	swait.ge [sflag:s15], $0x4000  }
0x85: {  	[sflag:s15] =	ssyncset.done $0x0  }
0x86: {  	s29 =	sadd.s32 $0x100, s28;
	[sflag:s15] =	ssyncadd.s32 $0xFFFFC000  }
0x87: {  	[tilespmem:s18], [sflag:$0x1] =	stream.indirect.gather [hbm4b:s11+s17], $0x80, s29, s17, $0xb8;
	[tilespmem:$0x1E000] =	vst v63  }
0x88: {  	_ =	swait.ge [sflag:s21], $0x4000  }
0x89: {  	[sflag:s21] =	ssyncset.done $0x0  }
.Ltmp2:
0x8a: {  	s29 =	sadd.s32 $0x1080, s28;
	[sflag:s21] =	ssyncadd.s32 $0xFFFFC000;
	(pc) =	sbr.rel @p0 .LBB2_7-.Ltmp2, $4  }
0x8b: {  	[spmem:s1] =	stream.indirect.scatter.add.f32 [tilespmem:s19], [sflag:$0x3], $0x80, s29, s17, $0xb8;
	[tilespmem:$0x1E000] =	vst v63  }
0x8c: {  	_ =	swait.ge [sflag:s15], $0x4000  }
0x8d: {  	[sflag:s15] =	ssyncset.done $0x0  }
0x8e: {  	s28 =	sadd.s32 $0x180, s28;
	[sflag:s15] =	ssyncadd.s32 $0xFFFFC000  }
0x8f: {  	[tilespmem:s19], [sflag:$0x2] =	stream.indirect.gather [hbm4b:s11+s17], $0x80, s28, s17, $0xb8;
	[tilespmem:$0x1E000] =	vst v63  }
0x90: {  	_ =	swait.ge [sflag:s20], $0x4000  }
0x91: {  	[sflag:s20] =	ssyncset.done $0x0  }
0x92: {  	[sflag:s20] =	ssyncadd.s32 $0xFFFFC000  }
0x93: {  	[spmem:s1] =	stream.indirect.scatter.add.f32 [tilespmem:s18], [sflag:$0x3], $0x80, s22, s17, $0xb8;
	[tilespmem:$0x1E000] =	vst v63  }
0x94: {  	_ =	swait.ge [sflag:s15], $0x4000  }
0x95: {  	[sflag:s15] =	ssyncset.done $0x0  }
0x96: {  	[sflag:s15] =	ssyncadd.s32 $0xFFFFC000  }
0x97: {  	s25 =	sadd.s32 $0x1, s25;
	_ =	swait.ge [sflag:s21], $0x4000  }
0x98: {  	p0 =	sne.s32 s25, $0x5;
	[sflag:s21] =	ssyncset.done $0x0  }
.Ltmp3:
0x99: {  	[sflag:s21] =	ssyncadd.s32 $0xFFFFC000;
	(pc) =	sbr.rel @p0 .LBB2_6-.Ltmp3, $4  }
0x9a: {  	[spmem:s1] =	stream.indirect.scatter.add.f32 [tilespmem:s19], [sflag:$0x3], $0x80, s23, s17, $0xb8;
	[tilespmem:$0x1E000] =	vst v63  }
0x9b: {  	_ =	swait.ge [sflag:s15], $0x4000  }
0x9c: {  	[sflag:s15] =	ssyncset.done $0x0  }
0x9d: {  	[sflag:s15] =	ssyncadd.s32 $0xFFFFC000  }
0x9e: {  	s2 =	sadd.s32 $0x1, s2  }
0x9f: {  	p0 =	sne.s32 s2, s13  }
.Ltmp4:
0xa0: {  	[bflag:$0x0] =	sbarrier.arrive $0xFFFF;
	(pc) =	sbr.rel @p0 .LBB2_1-.Ltmp4, $4  }
0xa1: {  	[hbm:s12], [sflag:s8] =	dma.local [spmem:s14], $0x2800  }
0xa2: {  	_ =	swait.ge [sflag:s15], $0x2800  }
0xa3: {  	[sflag:s15] =	ssyncset.done $0x0  }
0xa4: {  	[sflag:s15] =	ssyncadd.s32 $0xFFFFD800  }
0xa5: {  	_ =	sfence.sel $0x180000  }
0xa6: {  	[bflag:$0x0] =	sbarrier.arrive $0xFFFF  }
0xa7: {  	p0 =	sne.s32 s3, $0x0;
	_ =	strace $0x90000050  }
0xa8: {  	s0 =	sadd.s32 @!p0 $0x100000, s0;
	[bflag:$0x2] =	sbarrier.arrive $0xFFFF  }
0xa9: {  	[sflag:s0] =	ssyncadd.tile.s32 @!p0 $0x1;
	_ =	shalt  }
.Lfunc_end2:
_tile_overlayer_lowered:
.L_overlay_start_2:
0xaa: {  	(tag) =	ssettag $0x2  }
0xab: {  	s0 =	rddreg [dreg:$0x0];
	s2 =	stileid.u32  }
0xac: {  	s1 =	rddreg [dreg:$0x1];
	p0 =	sne.s32 s2, $0x0  }
0xad: {  	s3 =	rddreg [dreg:$0x2];
	[bflag:$0x3] =	sbarrier.arrive $0xFFFF;
	s2 =	simm.s32 @!p0 $0x1C03  }
0xae: {  	[timem:s3], [sflag:s2] =	dma.local @!p0 [hbm:s0], s1  }
0xaf: {  	s0 =	simm.s32 @!p0 $0x3  }
0xb0: {  	_ =	swait.ge @!p0 [sflag:s0], s1  }
0xb1: {  	s1 =	ssub.s32 @!p0 $0x0, s1;
	[sflag:s0] =	ssyncset.done @!p0 $0x0  }
0xb2: {  	[sflag:s0] =	ssyncadd.s32 @!p0 s1  }
0xb3: {  	[bflag:$0x3] =	sbarrier.arrive $0xFFFF  }
0xb4: {  	_ =	shalt  }

// kernel: kernel.24.cloned.1.call-start
scs
__scs_entry_jumppad:
0x0: {  	(pc) =	sbr.rel $0x88, $3  }
0x1: {  	(tag) =	ssettag $0x0;
	lr =	simm.s32 $0x1  }
0x2: {  	[smem:$0x3F91] =	sst lr;
	_ =	strace $0xD0000000  }
0x3: {  	_ = 	snop  }
0x4: {  	_ = 	snop  }
0x5: {  	_ = 	snop  }
0x6: {  	_ = 	snop  }
0x7: {  	_ = 	snop  }
__scs_overlays_trampoline_lowered:
0x8: {  	[smem:$0x3FA0] =	sst s0  }
0x9: {  	[smem:$0x3FA1] =	sst s1  }
0xa: {  	[smem:$0x3FA2] =	sst s2  }
0xb: {  	[smem:$0x3FA3] =	sst s3  }
0xc: {  	[smem:$0x3FA4] =	sst s4  }
0xd: {  	[smem:$0x3FA5] =	sst s5  }
0xe: {  	[smem:$0x3FA6] =	sst s6  }
0xf: {  	[smem:$0x3FA7] =	sst s7  }
0x10: {  	[smem:$0x3FA8] =	sst s8  }
0x11: {  	[smem:$0x3FA9] =	sst s9;
	s0 =	simm.s32 @!p0 $0x0  }
0x12: {  	s1 =	sld [smem:$0x3F8F];
	s0 =	simm.s32 @p0 $0x1  }
0x13: {  	[smem:$0x3FAA] =	sst s0;
	s0 =	simm.s32 @!p1 $0x0  }
0x14: {  	s2 =	sld [smem:$0x3F8E];
	s0 =	simm.s32 @p1 $0x1  }
0x15: {  	[smem:$0x3FAB] =	sst s0;
	s0 =	simm.s32 @!p2 $0x0  }
0x16: {  	s3 =	sld [smem:$0x3FDB];
	s0 =	simm.s32 @p2 $0x1  }
0x17: {  	s4 =	simm.s32 $0x1BF5;
	[smem:$0x3FAD] =	sst s0  }
0x18: {  	s0 =	sld [smem:$0x3F90];
	_ =	swait.ge [sflag:s4], $0x0  }
0x19: {  	s7 =	sld [smem:$0x3F91]  }
0x1a: {  	s8 =	sadd.s32 $0xFFFFE003, lr  }
0x1b: {  	s9 =	sadd.s32 $0xFFFFFEF7, lr;
	s5 =	simm.s32 $0xFFFFFFFF;
	p2 =	slt.u32 s8, $0xFFFFF086  }
0x1c: {  	p1 =	slt.u32 s9, $0xF7A;
	s5 =	simm.s32 @!p2 $0x0  }
0x1d: {  	s5 =	simm.s32 @p1 $0x1;
	p0 =	seq.s32 s7, s2  }
0x1e: {  	s7 =	smul.u32 @!p0 $0xF7A, s2;
	p2 =	seq.s32 @!p0 s5, $0x0  }
0x1f: {  	s9 =	smul.u32 $0xF7A, s1;
	s8 =	simm.s32 @!p0 $0x1BF5;
	p2 =	por !p2, p0  }
0x20: {  	[sflag:s8] =	ssyncset.s32 @!p0 $0xFFFFF086;
	s6 =	sadd.s32 @!p0 s3, s7;
	s7 =	simm.s32 @!p0 $0x108  }
0x21: {  	s3 =	sadd.s32 s3, s9;
	s6 =	sadd.s32 @!p0 $0x88, s6;
	s7 =	simm.s32 @p2 $0x1082  }
0x22: {  	[simem:s7], [sflag:s8] =	dma.local @!p0 [hbm:s6], $0xF7A  }
0x23: {  	s9 =	sor.u32 $0xD0000000, s2;
	s6 =	simm.s32 $0x108;
	_ =	swait.ge @!p0 [sflag:s8], $0x0  }
0x24: {  	s3 =	sadd.s32 $0x88, s3;
	s6 =	simm.s32 @!p1 $0x1082;
	[sflag:s4] =	ssyncset.s32 $0xFFFFF086  }
0x25: {  	[simem:s6], [sflag:s4] =	dma.local [hbm:s3], $0xF7A  }
0x26: {  	[smem:$0x3F91] =	sst s1;
	(tag) =	ssettag s2;
	_ =	strace s9  }
0x27: {  	s1 =	sld [smem:$0x3FA1]  }
0x28: {  	s2 =	sld [smem:$0x3FA2]  }
0x29: {  	s4 =	sld [smem:$0x3FA4]  }
0x2a: {  	p0 =	seq.s32 s5, $0x0;
	s5 =	sld [smem:$0x3FA5]  }
0x2b: {  	s6 =	sld [smem:$0x3FA6]  }
0x2c: {  	s7 =	sld [smem:$0x3FA7]  }
0x2d: {  	s3 =	simm.s32 $0x108;
	s8 =	sld [smem:$0x3FA8]  }
0x2e: {  	s3 =	simm.s32 @!p0 $0x1082;
	s9 =	sld [smem:$0x3FA9]  }
0x2f: {  	lr =	sadd.s32 s0, s3;
	s0 =	sld [smem:$0x3FA0]  }
0x30: {  	s3 =	sld [smem:$0x3FA3]  }
0x31: {  	[smem:$0x3FAC] =	sst s10  }
0x32: {  	s10 =	sld [smem:$0x3FAA];
	_ =	sdelay $0x3  }
0x33: {  	p0 =	seq.s32 s10, $0x1;
	s10 =	sld [smem:$0x3FAC];
	_ =	sdelay $0x3  }
0x34: {  	[smem:$0x3FAC] =	sst s10  }
0x35: {  	s10 =	sld [smem:$0x3FAB];
	_ =	sdelay $0x3  }
0x36: {  	p1 =	seq.s32 s10, $0x1;
	s10 =	sld [smem:$0x3FAC];
	_ =	sdelay $0x3  }
0x37: {  	[smem:$0x3FAC] =	sst s10  }
0x38: {  	s10 =	sld [smem:$0x3FAD]  }
0x39: {  	_ = 	snop;
	(pc) =	sbr.ind lr, $3  }
0x3a: {  	_ = 	snop  }
0x3b: {  	_ = 	snop  }
0x3c: {  	p2 =	seq.s32 s10, $0x1;
	s10 =	sld [smem:$0x3FAC]  }
0x3d: {  	_ =	shalt  }
0x3e: {  	_ =	shalt  }
0x3f: {  	_ =	shalt  }
0x40: {  	_ =	shalt  }
0x41: {  	_ =	shalt  }
0x42: {  	_ =	shalt  }
0x43: {  	_ =	shalt  }
0x44: {  	_ =	shalt  }
0x45: {  	_ =	shalt  }
0x46: {  	_ =	shalt  }
0x47: {  	_ =	shalt  }
0x48: {  	_ =	shalt  }
0x49: {  	_ =	shalt  }
0x4a: {  	_ =	shalt  }
0x4b: {  	_ =	shalt  }
0x4c: {  	_ =	shalt  }
0x4d: {  	_ =	shalt  }
0x4e: {  	_ =	shalt  }
0x4f: {  	_ =	shalt  }
0x50: {  	_ =	shalt  }
0x51: {  	_ =	shalt  }
0x52: {  	_ =	shalt  }
0x53: {  	_ =	shalt  }
0x54: {  	_ =	shalt  }
0x55: {  	_ =	shalt  }
0x56: {  	_ =	shalt  }
0x57: {  	_ =	shalt  }
0x58: {  	_ =	shalt  }
0x59: {  	_ =	shalt  }
0x5a: {  	_ =	shalt  }
0x5b: {  	_ =	shalt  }
0x5c: {  	_ =	shalt  }
0x5d: {  	_ =	shalt  }
0x5e: {  	_ =	shalt  }
0x5f: {  	_ =	shalt  }
0x60: {  	_ =	shalt  }
0x61: {  	_ =	shalt  }
0x62: {  	_ =	shalt  }
0x63: {  	_ =	shalt  }
0x64: {  	_ =	shalt  }
0x65: {  	_ =	shalt  }
0x66: {  	_ =	shalt  }
0x67: {  	_ =	shalt  }
0x68: {  	_ =	shalt  }
0x69: {  	_ =	shalt  }
0x6a: {  	_ =	shalt  }
0x6b: {  	_ =	shalt  }
0x6c: {  	_ =	shalt  }
0x6d: {  	_ =	shalt  }
0x6e: {  	_ =	shalt  }
0x6f: {  	_ =	shalt  }
0x70: {  	_ =	shalt  }
0x71: {  	_ =	shalt  }
0x72: {  	_ =	shalt  }
0x73: {  	_ =	shalt  }
0x74: {  	_ =	shalt  }
0x75: {  	_ =	shalt  }
0x76: {  	_ =	shalt  }
0x77: {  	_ =	shalt  }
0x78: {  	_ =	shalt  }
0x79: {  	_ =	shalt  }
0x7a: {  	_ =	shalt  }
0x7b: {  	_ =	shalt  }
0x7c: {  	_ =	shalt  }
0x7d: {  	_ =	shalt  }
0x7e: {  	_ =	shalt  }
0x7f: {  	_ =	shalt  }
0x80: {  	_ =	shalt  }
0x81: {  	_ =	shalt  }
0x82: {  	_ =	shalt  }
0x83: {  	_ =	shalt  }
0x84: {  	_ =	shalt  }
0x85: {  	_ =	shalt  }
0x86: {  	_ =	shalt  }
0x87: {  	_ =	shalt  }
.Lfunc_end0:
.L_simem_size_0:
called_computation.4_lowered:
.L_overlay_start_0:
0x88: {  	s2 =	sld [smem:$0x3FD9]  }
0x89: {  	s3 =	sld [smem:$0x3FFE];
	_ =	sdelay $0x1  }
0x8a: {  	s1 =	srdreg.scid  }
0x8b: {  	s0 =	sand.u32 $0x1, s1  }
0x8c: {  	s16 =	sshll.u32 s0, $0xA;
	s2 =	sadd.s32 s3, s2  }
0x8d: {  	s2 =	sadd.s32 s2, s16  }
0x8e: {  	[smem:$0x3FB8] =	sst s2  }
0x8f: {  	_ = 	snop  }
0x90: {  	(tm) =	ssettm $0x1  }
0x91: {  	s17 =	sld [smem:$0x3FFB];
	_ =	sdelay $0x3  }
0x92: {  	_ =	strace s17  }
0x93: {  	s2 =	sld [smem:$0x3FFC];
	_ =	sdelay $0x3  }
0x94: {  	_ =	strace s2  }
0x95: {  	s2 =	sld [smem:$0x3FFD];
	_ =	sdelay $0x3  }
0x96: {  	_ =	strace s2  }
0x97: {  	_ =	strace $0x8FFFFFFF  }
0x98: {  	s18 =	sld [smem:$0x3FDB];
	_ =	sdelay $0x1  }
0x99: {  	s19 =	simm.s32 $_scs_section_size  }
0x9a: {  	s4 =	simm.s32 $_size__tile_overlayer_lowered;
	s5 =	simm.s32 $_tile_overlayer_lowered  }
0x9b: {  	s22 =	simm.s32 $0x1BFF;
	s21 =	sshll.u32 s5, $0x1;
	s2 =	sadd.s32 s19, s18  }
0x9c: {  	s6 =	simm.s32 $0x0;
	s20 =	sshll.u32 s4, $0x1;
	s4 =	sadd.s32 s21, s2  }
0x9d: {  	[timem:s6], [sflag:s22] =	dma.local [hbm:s4], s20  }
0x9e: {  	_ =	swait.ge [sflag:s22], s20  }
0x9f: {  	s3 =	ssub.s32 $0x0, s20;
	[sflag:s22] =	ssyncset.done $0x0  }
0xa0: {  	[sflag:s22] =	ssyncadd.s32 s3;
	_ =	sdelay $0x1  }
0xa1: {  	s23 =	simm.s32 $0x1B8B  }
0xa2: {  	_ =	swait.ge [sflag:s23], $0x1  }
0xa3: {  	[sflag:s23] =	ssyncset.done $0x0  }
0xa4: {  	s25 =	simm.s32 $0x1B8E;
	s24 =	sld [smem:$0x3FFE];
	[sflag:s23] =	ssyncadd.s32 $0xFFFFFFFF  }
0xa5: {  	s26 =	simm.s32 $execute0_lowered;
	[smem:$0x3FD2] =	sst s25  }
0xa6: {  	s4 =	sshll.u32 s26, $0x1;
	_ =	strace $0x80000052;
	[dreg:$0x1] =	wrdreg $0xFFFFFFFF  }
0xa7: {  	s28 =	simm.s32 $_size_execute0_lowered;
	s2 =	sadd.s32 s2, s4;
	[dreg:$0x0] =	wrdreg $0x0  }
0xa8: {  	s4 =	sshll.u32 s28, $0x1;
	[dreg:$0x2] =	wrdreg s2  }
0xa9: {  	[dreg:$0x3] =	wrdreg s4  }
0xaa: {  	[dreg:$0x4] =	wrdreg $0xC0  }
0xab: {  	_ =	task [dreg:s6], $0x5FFFF  }
0xac: {  	[dreg:$0x1] =	wrdreg $0xFFFFFFFF  }
0xad: {  	[dreg:$0x0] =	wrdreg $0x60  }
0xae: {  	[dreg:$0x2] =	wrdreg s24  }
0xaf: {  	[dreg:$0x3] =	wrdreg $0xA0000  }
0xb0: {  	[dreg:$0x4] =	wrdreg $0x9  }
0xb1: {  	_ =	task.clear_ibuf [dreg:s6], $0x5FFFF;
	_ =	strace $0x90000052  }
0xb2: {  	s29 =	simm.s32 $0x9;
	_ =	strace $0x80000054  }
0xb3: {  	_ =	swait.ge [sflag:s29], $0x1  }
0xb4: {  	[sflag:s29] =	ssyncadd.s32 $0xFFFFFFFF  }
0xb5: {  	_ =	strace $0x90000054  }
0xb6: {  	_ =	sfence  }
0xb7: {  	s30 =	sld [smem:$0x0];
	_ =	sdelay $0x2  }
0xb8: {  	s31 =	sshll.u32 s1, $0xD;
	s1 =	sshrl.u32 s1, $0x2  }
0xb9: {  	s3 =	sand.u32 $0x4000, s31;
	s1 =	sadd.s32 s1, s30  }
0xba: {  	s0 =	sor.u32 s3, s0;
	s1 =	sshll.u32 s1, $0x11  }
0xbb: {  	s0 =	sor.u32 s1, s0  }
0xbc: {  	s0 =	sadd.s32 $0x8F2B, s0  }
0xbd: {  	[sflag:s0] =	ssyncadd.remote.s32 $0x1  }
0xbe: {  	_ =	sfence.sel $0xFFFF  }
0xbf: {  	[dreg:$0x0] =	wrdreg $0xFFFFFFFF;
	(pc) =	sbr.abs _section_cstart, $3  }
0xc0: {  	[dreg:$0x1] =	wrdreg $0xFFFFFFFF  }
0xc1: {  	_ =	task.clear_ibuf [dreg:s6], $0x2FFFF;
	_ =	strace $0x9FFFFFFF  }
0xc2: {  	(tm) =	ssettm $0x7FFFFFFF  }
0xc3: {  	_ =	shalt  }
tec
execute0_lowered:
.L_overlay_start_1:
0x0: {  	(tag) =	ssettag $0x1  }
0x1: {  	s8 =	rddreg [dreg:$0x0]  }
0x2: {  	s1 =	rddreg [dreg:$0x1]  }
0x3: {  	s0 =	rddreg [dreg:$0x2]  }
0x4: {  	s2 =	simm.s32 $0x0;
	s5 =	srdreg.scid;
	s3 =	stileid.u32  }
0x5: {  	s19 =	simm.s32 $0x6000;
	s20 =	simm.s32 $0x1;
	s21 =	simm.s32 $0x2  }
0x6: {  	s22 =	simm.s32 $0x1F00;
	s23 =	simm.s32 $0x1F80;
	[smem:$0x7FF] =	sst s2  }
0x7: {  	s11 =	sadd.s32 $0x50800, s8;
	s4 =	sadd.s32 $0x38800, s8;
	s10 =	smul.u32 $0x50000, s3  }
0x8: {  	s9 =	sand.u32 $0x1, s5;
	s5 =	sadd.s32 $0x42800, s8;
	s6 =	smul.u32 $0x5000, s3  }
0x9: {  	s7 =	sadd.s32 $0x36000, s8;
	s15 =	sadd.s32 $0xF0800, s8;
	s28 =	smul.u32 $0x14000, s3  }
0xa: {  	s31 =	sshll.u32 s3, $0x6;
	_ =	strace $0x80000053;
	s14 =	smul.u32 $0x50000, s9  }
0xb: {  	s12 =	ssub.s32 $0x2, s9;
	s30 =	smul.u32 $0x280000, s9;
	s9 =	sshllo.u32 s9, $0x1  }
0xc: {  	s8 =	sor.u32 $0x1C03, s31;
	s13 =	sshrl.u32 s12, $0x1;
	s17 =	smul.u32 $0x140000, s9  }
0xd: {  	s29 =	sshrl.u32 s10, $0x2;
	s18 =	smul.u32 $0x28000, s9;
	s13 =	ssub.s32 s12, s13  }
0xe: {  	s16 =	sadd.s32 s29, s1;
	s10 =	sadd.s32 s28, s30;
	s9 =	sadd.s32 s11, s14  }
0xf: {  	s10 =	sshrl.u32 s10, $0x3;
	s12 =	sadd.s32 s28, s17;
	s11 =	sadd.s32 s11, s18  }
0x10: {  	s13 =	smax.u32 s13, $0x1;
	s14 =	sshrl.u32 s16, $0x3;
	s16 =	simm.s32 $0x1000  }
0x11: {  	s17 =	simm.s32 $0x80;
	s18 =	simm.s32 $0x2000;
	s12 =	sshrl.u32 s12, $0x3  }
0x12: {  	s10 =	sadd.s32 s15, s10;
	s12 =	sadd.s32 s15, s12;
	s15 =	simm.s32 $0x3  }
.LBB2_1:
0x13: {  	[spmem:s14], [sflag:s8] =	dma.local [hbm:s7], $0x2800  }
0x14: {  	_ =	swait.ge [sflag:s15], $0x2800  }
0x15: {  	[sflag:s15] =	ssyncset.done $0x0  }
0x16: {  	[sflag:s15] =	ssyncadd.s32 $0xFFFFD800  }
0x17: {  	s24 =	simm.s32 $0x0;
	[bflag:$0x0] =	sbarrier.arrive $0xFFFF  }
.LBB2_2:
0x18: {  	s25 =	sshll.u32 s24, $0xC  }
0x19: {  	s25 =	sadd.s32 s6, s25  }
0x1a: {  	s25 =	sshrl.u32 s25, $0x3  }
0x1b: {  	s28 =	simm.s32 $0x0;
	s26 =	sadd.s32 s4, s25  }
0x1c: {  	[tilespmem:s28], [sflag:$0x3] =	stream.linear.gather [hbm4b:s26+s28], $0x1000, $0x38;
	[tilespmem:$0x1E000] =	vst v63  }
0x1d: {  	_ =	swait.ge [sflag:s15], $0x1000  }
0x1e: {  	[sflag:s15] =	ssyncset.done $0x0  }
0x1f: {  	s25 =	sadd.s32 s5, s25;
	[sflag:s15] =	ssyncadd.s32 $0xFFFFF000  }
0x20: {  	[tilespmem:s16], [sflag:$0x3] =	stream.linear.gather [hbm4b:s25+s28], $0x1000, $0x38;
	[tilespmem:$0x1E000] =	vst v63  }
0x21: {  	_ =	swait.ge [sflag:s15], $0x1000  }
0x22: {  	[sflag:s15] =	ssyncset.done $0x0  }
0x23: {  	[sflag:s15] =	ssyncadd.s32 $0xFFFFF000  }
0x24: {  	[tilespmem:s18], [sflag:$0x1] =	stream.indirect.gather [hbm4b:s9+s17], $0x80, s28, s17, $0xb8;
	[tilespmem:$0x1E000] =	vst v63  }
0x25: {  	_ = 	snop  }
0x26: {  	[tilespmem:s19], [sflag:$0x2] =	stream.indirect.gather [hbm4b:s9+s17], $0x80, s17, s17, $0xb8;
	[tilespmem:$0x1E000] =	vst v63  }
0x27: {  	_ =	swait.ge [sflag:s20], $0x4000  }
0x28: {  	[sflag:s20] =	ssyncset.done $0x0  }
0x29: {  	s29 =	simm.s32 $0x1000;
	[sflag:s20] =	ssyncadd.s32 $0xFFFFC000  }
0x2a: {  	[spmem:s1] =	stream.indirect.scatter.add.f32 [tilespmem:s18], [sflag:$0x3], $0x80, s29, s17, $0xb8;
	[tilespmem:$0x1E000] =	vst v63  }
0x2b: {  	_ =	swait.ge [sflag:s15], $0x4000  }
0x2c: {  	[sflag:s15] =	ssyncset.done $0x0  }
0x2d: {  	s30 =	simm.s32 $0x100;
	[sflag:s15] =	ssyncadd.s32 $0xFFFFC000  }
0x2e: {  	[tilespmem:s18], [sflag:$0x1] =	stream.indirect.gather [hbm4b:s9+s17], $0x80, s30, s17, $0xb8;
	[tilespmem:$0x1E000] =	vst v63  }
0x2f: {  	_ =	swait.ge [sflag:s21], $0x4000  }
0x30: {  	[sflag:s21] =	ssyncset.done $0x0  }
0x31: {  	s31 =	simm.s32 $0x1080;
	[sflag:s21] =	ssyncadd.s32 $0xFFFFC000  }
0x32: {  	[spmem:s1] =	stream.indirect.scatter.add.f32 [tilespmem:s19], [sflag:$0x3], $0x80, s31, s17, $0xb8;
	[tilespmem:$0x1E000] =	vst v63  }
0x33: {  	_ =	swait.ge [sflag:s15], $0x4000  }
0x34: {  	[sflag:s15] =	ssyncset.done $0x0  }
0x35: {  	s26 =	simm.s32 $0x180;
	s25 =	simm.s32 $0x400;
	[sflag:s15] =	ssyncadd.s32 $0xFFFFC000  }
.LBB2_3:
0x36: {  	[tilespmem:s19], [sflag:$0x2] =	stream.indirect.gather [hbm4b:s9+s17], $0x80, s26, s17, $0xb8;
	[tilespmem:$0x1E000] =	vst v63  }
0x37: {  	s26 =	smov.u32 s25  }
0x38: {  	p0 =	sne.s32 s25, $0x3800;
	s25 =	sadd.s32 $0x400, s25;
	_ =	swait.ge [sflag:s20], $0x4000  }
0x39: {  	s26 =	sshra.s32 s26, $0x2;
	[sflag:s20] =	ssyncset.done $0x0  }
0x3a: {  	s28 =	sadd.s32 $0x1000, s26;
	[sflag:s20] =	ssyncadd.s32 $0xFFFFC000  }
0x3b: {  	[spmem:s1] =	stream.indirect.scatter.add.f32 [tilespmem:s18], [sflag:$0x3], $0x80, s28, s17, $0xb8;
	[tilespmem:$0x1E000] =	vst v63  }
0x3c: {  	_ =	swait.ge [sflag:s15], $0x4000  }
0x3d: {  	[sflag:s15] =	ssyncset.done $0x0  }
0x3e: {  	s28 =	sadd.s32 $0x100, s26;
	[sflag:s15] =	ssyncadd.s32 $0xFFFFC000  }
0x3f: {  	[tilespmem:s18], [sflag:$0x1] =	stream.indirect.gather [hbm4b:s9+s17], $0x80, s28, s17, $0xb8;
	[tilespmem:$0x1E000] =	vst v63  }
0x40: {  	_ =	swait.ge [sflag:s21], $0x4000  }
0x41: {  	[sflag:s21] =	ssyncset.done $0x0  }
.Ltmp0:
0x42: {  	s28 =	sadd.s32 $0x1080, s26;
	[sflag:s21] =	ssyncadd.s32 $0xFFFFC000;
	(pc) =	sbr.rel @p0 .LBB2_3-.Ltmp0, $4  }
0x43: {  	[spmem:s1] =	stream.indirect.scatter.add.f32 [tilespmem:s19], [sflag:$0x3], $0x80, s28, s17, $0xb8;
	[tilespmem:$0x1E000] =	vst v63  }
0x44: {  	_ =	swait.ge [sflag:s15], $0x4000  }
0x45: {  	[sflag:s15] =	ssyncset.done $0x0  }
0x46: {  	s26 =	sadd.s32 $0x180, s26;
	[sflag:s15] =	ssyncadd.s32 $0xFFFFC000  }
0x47: {  	[tilespmem:s19], [sflag:$0x2] =	stream.indirect.gather [hbm4b:s9+s17], $0x80, s26, s17, $0xb8;
	[tilespmem:$0x1E000] =	vst v63  }
0x48: {  	_ =	swait.ge [sflag:s20], $0x4000  }
0x49: {  	[sflag:s20] =	ssyncset.done $0x0  }
0x4a: {  	[sflag:s20] =	ssyncadd.s32 $0xFFFFC000  }
0x4b: {  	[spmem:s1] =	stream.indirect.scatter.add.f32 [tilespmem:s18], [sflag:$0x3], $0x80, s22, s17, $0xb8;
	[tilespmem:$0x1E000] =	vst v63  }
0x4c: {  	_ =	swait.ge [sflag:s15], $0x4000  }
0x4d: {  	[sflag:s15] =	ssyncset.done $0x0  }
0x4e: {  	[sflag:s15] =	ssyncadd.s32 $0xFFFFC000  }
0x4f: {  	s24 =	sadd.s32 $0x1, s24;
	_ =	swait.ge [sflag:s21], $0x4000  }
0x50: {  	p0 =	sne.s32 s24, $0x5;
	[sflag:s21] =	ssyncset.done $0x0  }
.Ltmp1:
0x51: {  	[sflag:s21] =	ssyncadd.s32 $0xFFFFC000;
	(pc) =	sbr.rel @p0 .LBB2_2-.Ltmp1, $4  }
0x52: {  	[spmem:s1] =	stream.indirect.scatter.add.f32 [tilespmem:s19], [sflag:$0x3], $0x80, s23, s17, $0xb8;
	[tilespmem:$0x1E000] =	vst v63  }
0x53: {  	_ =	swait.ge [sflag:s15], $0x4000  }
0x54: {  	[sflag:s15] =	ssyncset.done $0x0  }
0x55: {  	[sflag:s15] =	ssyncadd.s32 $0xFFFFC000  }
0x56: {  	[bflag:$0x0] =	sbarrier.arrive $0xFFFF  }
0x57: {  	[hbm:s10], [sflag:s8] =	dma.local [spmem:s14], $0x2800  }
0x58: {  	_ =	swait.ge [sflag:s15], $0x2800  }
0x59: {  	[sflag:s15] =	ssyncset.done $0x0  }
0x5a: {  	[sflag:s15] =	ssyncadd.s32 $0xFFFFD800  }
0x5b: {  	[spmem:s14], [sflag:s8] =	dma.local [hbm:s7], $0x2800  }
0x5c: {  	_ =	swait.ge [sflag:s15], $0x2800  }
0x5d: {  	[sflag:s15] =	ssyncset.done $0x0  }
0x5e: {  	[sflag:s15] =	ssyncadd.s32 $0xFFFFD800  }
0x5f: {  	s24 =	simm.s32 $0x0;
	s25 =	simm.s32 $0x0;
	[bflag:$0x0] =	sbarrier.arrive $0xFFFF  }
.LBB2_6:
0x60: {  	s26 =	sshll.u32 s25, $0xC  }
0x61: {  	s26 =	sadd.s32 s6, s26  }
0x62: {  	s26 =	sshrl.u32 s26, $0x3  }
0x63: {  	s28 =	sadd.s32 s4, s26  }
0x64: {  	[tilespmem:s24], [sflag:$0x3] =	stream.linear.gather [hbm4b:s28+s24], $0x1000, $0x38;
	[tilespmem:$0x1E000] =	vst v63  }
0x65: {  	_ =	swait.ge [sflag:s15], $0x1000  }
0x66: {  	[sflag:s15] =	ssyncset.done $0x0  }
0x67: {  	s26 =	sadd.s32 s5, s26;
	[sflag:s15] =	ssyncadd.s32 $0xFFFFF000  }
0x68: {  	[tilespmem:s16], [sflag:$0x3] =	stream.linear.gather [hbm4b:s26+s24], $0x1000, $0x38;
	[tilespmem:$0x1E000] =	vst v63  }
0x69: {  	_ =	swait.ge [sflag:s15], $0x1000  }
0x6a: {  	[sflag:s15] =	ssyncset.done $0x0  }
0x6b: {  	[sflag:s15] =	ssyncadd.s32 $0xFFFFF000  }
0x6c: {  	[tilespmem:s18], [sflag:$0x1] =	stream.indirect.gather [hbm4b:s11+s17], $0x80, s24, s17, $0xb8;
	[tilespmem:$0x1E000] =	vst v63  }
0x6d: {  	_ = 	snop  }
0x6e: {  	[tilespmem:s19], [sflag:$0x2] =	stream.indirect.gather [hbm4b:s11+s17], $0x80, s17, s17, $0xb8;
	[tilespmem:$0x1E000] =	vst v63  }
0x6f: {  	_ =	swait.ge [sflag:s20], $0x4000  }
0x70: {  	[sflag:s20] =	ssyncset.done $0x0  }
0x71: {  	s29 =	simm.s32 $0x1000;
	[sflag:s20] =	ssyncadd.s32 $0xFFFFC000  }
0x72: {  	[spmem:s1] =	stream.indirect.scatter.add.f32 [tilespmem:s18], [sflag:$0x3], $0x80, s29, s17, $0xb8;
	[tilespmem:$0x1E000] =	vst v63  }
0x73: {  	_ =	swait.ge [sflag:s15], $0x4000  }
0x74: {  	[sflag:s15] =	ssyncset.done $0x0  }
0x75: {  	s30 =	simm.s32 $0x100;
	[sflag:s15] =	ssyncadd.s32 $0xFFFFC000  }
0x76: {  	[tilespmem:s18], [sflag:$0x1] =	stream.indirect.gather [hbm4b:s11+s17], $0x80, s30, s17, $0xb8;
	[tilespmem:$0x1E000] =	vst v63  }
0x77: {  	_ =	swait.ge [sflag:s21], $0x4000  }
0x78: {  	[sflag:s21] =	ssyncset.done $0x0  }
0x79: {  	s31 =	simm.s32 $0x1080;
	[sflag:s21] =	ssyncadd.s32 $0xFFFFC000  }
0x7a: {  	[spmem:s1] =	stream.indirect.scatter.add.f32 [tilespmem:s19], [sflag:$0x3], $0x80, s31, s17, $0xb8;
	[tilespmem:$0x1E000] =	vst v63  }
0x7b: {  	_ =	swait.ge [sflag:s15], $0x4000  }
0x7c: {  	[sflag:s15] =	ssyncset.done $0x0  }
0x7d: {  	s28 =	simm.s32 $0x180;
	s26 =	simm.s32 $0x400;
	[sflag:s15] =	ssyncadd.s32 $0xFFFFC000  }
.LBB2_7:
0x7e: {  	[tilespmem:s19], [sflag:$0x2] =	stream.indirect.gather [hbm4b:s11+s17], $0x80, s28, s17, $0xb8;
	[tilespmem:$0x1E000] =	vst v63  }
0x7f: {  	s28 =	smov.u32 s26  }
0x80: {  	p0 =	sne.s32 s26, $0x3800;
	s26 =	sadd.s32 $0x400, s26;
	_ =	swait.ge [sflag:s20], $0x4000  }
0x81: {  	s28 =	sshra.s32 s28, $0x2;
	[sflag:s20] =	ssyncset.done $0x0  }
0x82: {  	s29 =	sadd.s32 $0x1000, s28;
	[sflag:s20] =	ssyncadd.s32 $0xFFFFC000  }
0x83: {  	[spmem:s1] =	stream.indirect.scatter.add.f32 [tilespmem:s18], [sflag:$0x3], $0x80, s29, s17, $0xb8;
	[tilespmem:$0x1E000] =	vst v63  }
0x84: {  	_ =	swait.ge [sflag:s15], $0x4000  }
0x85: {  	[sflag:s15] =	ssyncset.done $0x0  }
0x86: {  	s29 =	sadd.s32 $0x100, s28;
	[sflag:s15] =	ssyncadd.s32 $0xFFFFC000  }
0x87: {  	[tilespmem:s18], [sflag:$0x1] =	stream.indirect.gather [hbm4b:s11+s17], $0x80, s29, s17, $0xb8;
	[tilespmem:$0x1E000] =	vst v63  }
0x88: {  	_ =	swait.ge [sflag:s21], $0x4000  }
0x89: {  	[sflag:s21] =	ssyncset.done $0x0  }
.Ltmp2:
0x8a: {  	s29 =	sadd.s32 $0x1080, s28;
	[sflag:s21] =	ssyncadd.s32 $0xFFFFC000;
	(pc) =	sbr.rel @p0 .LBB2_7-.Ltmp2, $4  }
0x8b: {  	[spmem:s1] =	stream.indirect.scatter.add.f32 [tilespmem:s19], [sflag:$0x3], $0x80, s29, s17, $0xb8;
	[tilespmem:$0x1E000] =	vst v63  }
0x8c: {  	_ =	swait.ge [sflag:s15], $0x4000  }
0x8d: {  	[sflag:s15] =	ssyncset.done $0x0  }
0x8e: {  	s28 =	sadd.s32 $0x180, s28;
	[sflag:s15] =	ssyncadd.s32 $0xFFFFC000  }
0x8f: {  	[tilespmem:s19], [sflag:$0x2] =	stream.indirect.gather [hbm4b:s11+s17], $0x80, s28, s17, $0xb8;
	[tilespmem:$0x1E000] =	vst v63  }
0x90: {  	_ =	swait.ge [sflag:s20], $0x4000  }
0x91: {  	[sflag:s20] =	ssyncset.done $0x0  }
0x92: {  	[sflag:s20] =	ssyncadd.s32 $0xFFFFC000  }
0x93: {  	[spmem:s1] =	stream.indirect.scatter.add.f32 [tilespmem:s18], [sflag:$0x3], $0x80, s22, s17, $0xb8;
	[tilespmem:$0x1E000] =	vst v63  }
0x94: {  	_ =	swait.ge [sflag:s15], $0x4000  }
0x95: {  	[sflag:s15] =	ssyncset.done $0x0  }
0x96: {  	[sflag:s15] =	ssyncadd.s32 $0xFFFFC000  }
0x97: {  	s25 =	sadd.s32 $0x1, s25;
	_ =	swait.ge [sflag:s21], $0x4000  }
0x98: {  	p0 =	sne.s32 s25, $0x5;
	[sflag:s21] =	ssyncset.done $0x0  }
.Ltmp3:
0x99: {  	[sflag:s21] =	ssyncadd.s32 $0xFFFFC000;
	(pc) =	sbr.rel @p0 .LBB2_6-.Ltmp3, $4  }
0x9a: {  	[spmem:s1] =	stream.indirect.scatter.add.f32 [tilespmem:s19], [sflag:$0x3], $0x80, s23, s17, $0xb8;
	[tilespmem:$0x1E000] =	vst v63  }
0x9b: {  	_ =	swait.ge [sflag:s15], $0x4000  }
0x9c: {  	[sflag:s15] =	ssyncset.done $0x0  }
0x9d: {  	[sflag:s15] =	ssyncadd.s32 $0xFFFFC000  }
0x9e: {  	s2 =	sadd.s32 $0x1, s2  }
0x9f: {  	p0 =	sne.s32 s2, s13  }
.Ltmp4:
0xa0: {  	[bflag:$0x0] =	sbarrier.arrive $0xFFFF;
	(pc) =	sbr.rel @p0 .LBB2_1-.Ltmp4, $4  }
0xa1: {  	[hbm:s12], [sflag:s8] =	dma.local [spmem:s14], $0x2800  }
0xa2: {  	_ =	swait.ge [sflag:s15], $0x2800  }
0xa3: {  	[sflag:s15] =	ssyncset.done $0x0  }
0xa4: {  	[sflag:s15] =	ssyncadd.s32 $0xFFFFD800  }
0xa5: {  	_ =	sfence.sel $0x180000  }
0xa6: {  	[bflag:$0x0] =	sbarrier.arrive $0xFFFF  }
0xa7: {  	p0 =	sne.s32 s3, $0x0;
	_ =	strace $0x90000053  }
0xa8: {  	s0 =	sadd.s32 @!p0 $0x100000, s0;
	[bflag:$0x2] =	sbarrier.arrive $0xFFFF  }
0xa9: {  	[sflag:s0] =	ssyncadd.tile.s32 @!p0 $0x1;
	_ =	shalt  }
.Lfunc_end2:
_tile_overlayer_lowered:
.L_overlay_start_2:
0xaa: {  	(tag) =	ssettag $0x2  }
0xab: {  	s0 =	rddreg [dreg:$0x0];
	s2 =	stileid.u32  }
0xac: {  	s1 =	rddreg [dreg:$0x1];
	p0 =	sne.s32 s2, $0x0  }
0xad: {  	s3 =	rddreg [dreg:$0x2];
	[bflag:$0x3] =	sbarrier.arrive $0xFFFF;
	s2 =	simm.s32 @!p0 $0x1C03  }
0xae: {  	[timem:s3], [sflag:s2] =	dma.local @!p0 [hbm:s0], s1  }
0xaf: {  	s0 =	simm.s32 @!p0 $0x3  }
0xb0: {  	_ =	swait.ge @!p0 [sflag:s0], s1  }
0xb1: {  	s1 =	ssub.s32 @!p0 $0x0, s1;
	[sflag:s0] =	ssyncset.done @!p0 $0x0  }
0xb2: {  	[sflag:s0] =	ssyncadd.s32 @!p0 s1  }
0xb3: {  	[bflag:$0x3] =	sbarrier.arrive $0xFFFF  }
0xb4: {  	_ =	shalt  }

</sc_bundles>
